<compile_context>
chip_gen: v7x
topology: tpu7x:2x2x1
jax: 0.10.2.dev20260603
libtpu: 0.0.44.dev20260713+nightly
codegen_flags: <defaults>
</compile_context>

<pallas_src>
import functools

import jax
import jax.numpy as jnp
from jax import lax
from jax.experimental import pallas as pl
from jax.experimental.pallas import tpu as pltpu
from jax.experimental.pallas import tpu_sc as plsc

N = 10000
E = 320000
DN = 128
DE = 16
H = 128

NC = 2
NS = 16
L = 16
NW = NC * NS

_MESH = plsc.VectorSubcoreMesh(
    core_axis_name="c", subcore_axis_name="s", num_cores=NC, num_subcores=NS
)
_SC_PARAMS = pltpu.CompilerParams(use_tc_tiling_on_sc=False)
_SC_PARAMS_NL = pltpu.CompilerParams(
    use_tc_tiling_on_sc=False, needs_layout_passes=False
)

CH = 128
KD = 160
DEPTH = 4
NP = 10112
DNP = 20096
DROWS = DNP // NS
AROWS = NP // NS
ZR = 104
EPT = E // NW


def _worker_id():
    return lax.axis_index("s") * NC + lax.axis_index("c")


def _deg_body(idx2_hbm, out_hbm, deg_sh, ones_v, idxw_v, zrow_v, ssem):
    cid = lax.axis_index("c")
    sid = lax.axis_index("s")
    wid = _worker_id()

    @pl.loop(0, CH)
    def _(i):
        ones_v[i, :] = jnp.full((L,), 1.0, jnp.float32)

    @pl.loop(0, DROWS)
    def _(i):
        zrow_v[i, :] = jnp.zeros((L,), jnp.float32)

    pltpu.sync_copy(zrow_v, deg_sh.at[pl.ds(sid * DROWS, DROWS)])
    pltpu.sync_copy(idx2_hbm.at[wid], idxw_v)
    plsc.subcore_barrier()

    @pl.loop(0, KD // DEPTH)
    def _(j):
        for b in range(DEPTH):
            k = j * DEPTH + b

            @pl.when(j >= 1)
            def _():
                pltpu.make_async_copy(
                    ones_v, deg_sh.at[idxw_v.at[0]], ssem.at[b]
                ).wait()

            pltpu.async_copy(ones_v, deg_sh.at[idxw_v.at[k]], ssem.at[b], add=True)

    for b in range(DEPTH):
        pltpu.make_async_copy(ones_v, deg_sh.at[idxw_v.at[0]], ssem.at[b]).wait()

    plsc.subcore_barrier()
    pltpu.sync_copy(
        deg_sh.at[pl.ds(sid * DROWS, DROWS)],
        out_hbm.at[cid, pl.ds(sid * DROWS, DROWS)],
    )


_deg_call = pl.kernel(
    _deg_body,
    out_type=jax.ShapeDtypeStruct((NC, DNP, L), jnp.float32),
    mesh=_MESH,
    scratch_types=[
        pltpu.VMEM_SHARED((DNP, L), jnp.float32),
        pltpu.VMEM((CH, L), jnp.float32),
        pltpu.VMEM((KD, CH), jnp.int32),
        pltpu.VMEM((DROWS, L), jnp.float32),
        pltpu.SemaphoreType.DMA((DEPTH,)),
    ],
    compiler_params=_SC_PARAMS,
)


AGG_CHUNKS = E // CH
AGG_KMAX = -(-AGG_CHUNKS // NW)


def _agg_body(hs_hbm, src_hbm, dst_hbm, out_hbm, agg_sh, rows_v, sidx_v,
              didx_v, zbuf_v, gsem, ssem, isem):
    cid = lax.axis_index("c")
    sid = lax.axis_index("s")
    wid = _worker_id()

    @pl.loop(0, ZR)
    def _(i):
        @pl.loop(0, H // L)
        def _(j):
            zbuf_v[i, pl.ds(j * L, L)] = jnp.zeros((L,), jnp.float32)

    @pl.loop(0, AROWS // ZR)
    def _(r):
        pltpu.sync_copy(zbuf_v, agg_sh.at[pl.ds(sid * AROWS + r * ZR, ZR)])

    pltpu.sync_copy(
        zbuf_v.at[pl.ds(0, AROWS % ZR)],
        agg_sh.at[pl.ds(sid * AROWS + (AROWS // ZR) * ZR, AROWS % ZR)],
    )

    for k0 in (0, 1):
        c0 = wid + k0 * NW

        @pl.when(c0 < AGG_CHUNKS)
        def _():
            pltpu.async_copy(src_hbm.at[pl.ds(c0 * CH, CH)], sidx_v.at[k0],
                             isem.at[k0])
            pltpu.async_copy(dst_hbm.at[pl.ds(c0 * CH, CH)], didx_v.at[k0],
                             isem.at[k0])

    plsc.subcore_barrier()

    @pl.loop(0, (AGG_KMAX + 4) // 4)
    def _(j):
        for u in range(4):
            k = 4 * j + u
            c = wid + k * NW
            half = u % 2
            rows_h = rows_v.at[half]
            sidx_u = sidx_v.at[u]
            didx_u = didx_v.at[u]

            @pl.when(c < AGG_CHUNKS)
            def _():
                @pl.when(k >= 2)
                def _():
                    pltpu.make_async_copy(
                        rows_h, agg_sh.at[didx_u], ssem.at[half]
                    ).wait()

                pltpu.make_async_copy(src_hbm.at[pl.ds(c * CH, CH)], sidx_u,
                                      isem.at[u]).wait()
                pltpu.make_async_copy(dst_hbm.at[pl.ds(c * CH, CH)], didx_u,
                                      isem.at[u]).wait()
                pltpu.async_copy(hs_hbm.at[sidx_u], rows_h, gsem.at[half])

                @pl.when(c + 2 * NW < AGG_CHUNKS)
                def _():
                    c2 = c + 2 * NW
                    u2 = (u + 2) % 4
                    pltpu.async_copy(src_hbm.at[pl.ds(c2 * CH, CH)],
                                     sidx_v.at[u2], isem.at[u2])
                    pltpu.async_copy(dst_hbm.at[pl.ds(c2 * CH, CH)],
                                     didx_v.at[u2], isem.at[u2])

            @pl.when((k >= 1) & (c - NW < AGG_CHUNKS))
            def _():
                km = (k - 1) % 4
                rows_m = rows_v.at[1 - half]
                pltpu.make_async_copy(
                    hs_hbm.at[sidx_v.at[km]], rows_m, gsem.at[1 - half]
                ).wait()
                pltpu.async_copy(rows_m, agg_sh.at[didx_v.at[km]],
                                 ssem.at[1 - half], add=True)

    for half in (0, 1):
        pltpu.make_async_copy(
            rows_v.at[half], agg_sh.at[didx_v.at[half]], ssem.at[half]
        ).wait()

    plsc.subcore_barrier()
    pltpu.sync_copy(
        agg_sh.at[pl.ds(sid * AROWS, AROWS)],
        out_hbm.at[cid, pl.ds(sid * AROWS, AROWS)],
    )


_agg_call = pl.kernel(
    _agg_body,
    out_type=jax.ShapeDtypeStruct((NC, NP, H), jnp.float32),
    mesh=_MESH,
    scratch_types=[
        pltpu.VMEM_SHARED((NP, H), jnp.float32),
        pltpu.VMEM((2, CH, H), jnp.float32),
        pltpu.VMEM((4, CH), jnp.int32),
        pltpu.VMEM((4, CH), jnp.int32),
        pltpu.VMEM((ZR, H), jnp.float32),
        pltpu.SemaphoreType.DMA((2,)),
        pltpu.SemaphoreType.DMA((2,)),
        pltpu.SemaphoreType.DMA((4,)),
    ],
    compiler_params=_SC_PARAMS,
)


def _score_body(ps_hbm, pd_hbm, src_hbm, dst_hbm, pe_hbm, out_hbm,
                ps_v, pd_v, sidx_v, didx_v, pe_v, out_v):
    wid = _worker_id()
    base = wid * EPT
    pltpu.sync_copy(ps_hbm, ps_v)
    pltpu.sync_copy(pd_hbm, pd_v)
    pltpu.sync_copy(src_hbm.at[pl.ds(base, EPT)], sidx_v)
    pltpu.sync_copy(dst_hbm.at[pl.ds(base, EPT)], didx_v)
    pltpu.sync_copy(pe_hbm.at[pl.ds(base, EPT)], pe_v)

    @pl.loop(0, EPT // L)
    def _(i):
        si = sidx_v[pl.ds(i * L, L)]
        di = didx_v[pl.ds(i * L, L)]
        vs = plsc.load_gather(ps_v, [si])
        vd = plsc.load_gather(pd_v, [di])
        out_v[pl.ds(i * L, L)] = vs + vd + pe_v[pl.ds(i * L, L)]

    pltpu.sync_copy(out_v, out_hbm.at[pl.ds(base, EPT)])


_score_call = pl.kernel(
    _score_body,
    out_type=jax.ShapeDtypeStruct((E,), jnp.float32),
    mesh=_MESH,
    scratch_types=[
        pltpu.VMEM((N,), jnp.float32),
        pltpu.VMEM((N,), jnp.float32),
        pltpu.VMEM((EPT,), jnp.int32),
        pltpu.VMEM((EPT,), jnp.int32),
        pltpu.VMEM((EPT,), jnp.float32),
        pltpu.VMEM((EPT,), jnp.float32),
    ],
    compiler_params=_SC_PARAMS_NL,
)


_NBLK = 1000
_NGRID = N // _NBLK


def _node_embed_tc(x_ref, w_ref, b_ref, out_ref):
    out_ref[...] = (
        jnp.dot(x_ref[...], w_ref[...], preferred_element_type=jnp.float32)
        + b_ref[...]
    )


def _pe_tc(e8_ref, wedge_ref, wpred_ref, bedge_ref, bpred_ref, out_ref):
    wpe = wpred_ref[...][2 * H:3 * H, :]
    wsmall = jnp.dot(wedge_ref[...], wpe, preferred_element_type=jnp.float32)
    c = jnp.dot(bedge_ref[...], wpe, preferred_element_type=jnp.float32)
    wrep = jnp.concatenate([wsmall] * 8, axis=0)
    row = lax.broadcasted_iota(jnp.int32, (8 * DE, 8), 0)
    col = lax.broadcasted_iota(jnp.int32, (8 * DE, 8), 1)
    w8 = jnp.where(row // DE == col, wrep, 0.0)
    out_ref[...] = (
        jnp.dot(e8_ref[...], w8, preferred_element_type=jnp.float32)
        + c + bpred_ref[...]
    )


def _norm_tc(dps_ref, dpd_ref, h0_ref, hs_ref, rso_ref, rsi_ref):
    ds_ = dps_ref[...]
    dd_ = dpd_ref[...]
    deg_s = ds_[0, :, 0:1] + ds_[1, :, 0:1]
    deg_d = dd_[0, :, 0:1] + dd_[1, :, 0:1]
    rso = lax.rsqrt(jnp.maximum(deg_s, 1.0))
    rsi = lax.rsqrt(jnp.maximum(deg_d, 1.0))
    hs_ref[...] = h0_ref[...] * rso
    rso_ref[...] = rso
    rsi_ref[...] = rsi


def _layer_tc(aggp_ref, rsi_ref, rso_ref, w_ref, b_ref, out_ref):
    a = aggp_ref[...]
    agg = (a[0] + a[1]) * rsi_ref[...]
    h = jnp.maximum(
        jnp.dot(agg, w_ref[...], preferred_element_type=jnp.float32) + b_ref[...],
        0.0,
    )
    out_ref[...] = h * rso_ref[...]


def _final_tc(aggp_ref, rsi_ref, w_ref, b_ref, wpred_ref, ps_ref, pd_ref):
    a = aggp_ref[...]
    agg = (a[0] + a[1]) * rsi_ref[...]
    h = jnp.maximum(
        jnp.dot(agg, w_ref[...], preferred_element_type=jnp.float32) + b_ref[...],
        0.0,
    )
    wp = wpred_ref[...]
    ps_ref[...] = jnp.dot(h, wp[0:H, :], preferred_element_type=jnp.float32)
    pd_ref[...] = jnp.dot(h, wp[H:2 * H, :], preferred_element_type=jnp.float32)


def _full(shape):
    return pl.BlockSpec(shape, lambda i: (0,) * len(shape))


_node_embed_call = pl.pallas_call(
    _node_embed_tc,
    grid=(_NGRID,),
    in_specs=[
        pl.BlockSpec((_NBLK, DN), lambda i: (i, 0)),
        _full((DN, H)),
        _full((1, H)),
    ],
    out_specs=pl.BlockSpec((_NBLK, H), lambda i: (i, 0)),
    out_shape=jax.ShapeDtypeStruct((N, H), jnp.float32),
)

_E8 = E // 8
_E8BLK = 4000

_pe_call = pl.pallas_call(
    _pe_tc,
    grid=(_E8 // _E8BLK,),
    in_specs=[
        pl.BlockSpec((_E8BLK, 8 * DE), lambda i: (i, 0)),
        _full((DE, H)),
        _full((3 * H, 1)),
        _full((1, H)),
        _full((1, 1)),
    ],
    out_specs=pl.BlockSpec((_E8BLK, 8), lambda i: (i, 0)),
    out_shape=jax.ShapeDtypeStruct((_E8, 8), jnp.float32),
)

_norm_call = pl.pallas_call(
    _norm_tc,
    grid=(_NGRID,),
    in_specs=[
        pl.BlockSpec((NC, _NBLK, L), lambda i: (0, i, 0)),
        pl.BlockSpec((NC, _NBLK, L), lambda i: (0, i + _NGRID, 0)),
        pl.BlockSpec((_NBLK, H), lambda i: (i, 0)),
    ],
    out_specs=[
        pl.BlockSpec((_NBLK, H), lambda i: (i, 0)),
        pl.BlockSpec((_NBLK, 1), lambda i: (i, 0)),
        pl.BlockSpec((_NBLK, 1), lambda i: (i, 0)),
    ],
    out_shape=[
        jax.ShapeDtypeStruct((N, H), jnp.float32),
        jax.ShapeDtypeStruct((N, 1), jnp.float32),
        jax.ShapeDtypeStruct((N, 1), jnp.float32),
    ],
)

_layer_call = pl.pallas_call(
    _layer_tc,
    grid=(_NGRID,),
    in_specs=[
        pl.BlockSpec((NC, _NBLK, H), lambda i: (0, i, 0)),
        pl.BlockSpec((_NBLK, 1), lambda i: (i, 0)),
        pl.BlockSpec((_NBLK, 1), lambda i: (i, 0)),
        _full((H, H)),
        _full((1, H)),
    ],
    out_specs=pl.BlockSpec((_NBLK, H), lambda i: (i, 0)),
    out_shape=jax.ShapeDtypeStruct((N, H), jnp.float32),
)

_final_call = pl.pallas_call(
    _final_tc,
    grid=(_NGRID,),
    in_specs=[
        pl.BlockSpec((NC, _NBLK, H), lambda i: (0, i, 0)),
        pl.BlockSpec((_NBLK, 1), lambda i: (i, 0)),
        _full((H, H)),
        _full((1, H)),
        _full((3 * H, 1)),
    ],
    out_specs=[
        pl.BlockSpec((_NBLK, 1), lambda i: (i, 0)),
        pl.BlockSpec((_NBLK, 1), lambda i: (i, 0)),
    ],
    out_shape=[
        jax.ShapeDtypeStruct((N, 1), jnp.float32),
        jax.ShapeDtypeStruct((N, 1), jnp.float32),
    ],
)


def kernel(x, e, edge_index, W_node, b_node, W_edge, b_edge, Wg0, bg0, Wg1, bg1,
           W_pred, b_pred):
    src = edge_index[0].astype(jnp.int32)
    dst = edge_index[1].astype(jnp.int32)
    idx2 = jnp.concatenate([src, dst + N])

    npad_d = KD * CH - 2 * E // NW
    pad_d = (2 * N + jnp.arange(NW * npad_d, dtype=jnp.int32) % (DNP - 2 * N)
             ).reshape(NW, npad_d)
    idx2p = jnp.concatenate(
        [idx2.reshape(NW, 2 * E // NW), pad_d], axis=1
    ).reshape(NW, KD, CH)

    h0 = _node_embed_call(x, W_node, b_node.reshape(1, H))
    pe = _pe_call(e.reshape(_E8, 8 * DE), W_edge, W_pred,
                  b_edge.reshape(1, H), b_pred.reshape(1, 1))
    degp = _deg_call(idx2p)

    hs1, rso, rsi = _norm_call(degp, degp, h0)
    aggp1 = _agg_call(hs1, src, dst)
    hs2 = _layer_call(aggp1, rsi, rso, Wg0, bg0.reshape(1, H))
    aggp2 = _agg_call(hs2, src, dst)
    ps, pd = _final_call(aggp2, rsi, Wg1, bg1.reshape(1, H), W_pred)

    scores = _score_call(ps.reshape(N), pd.reshape(N), src, dst, pe.reshape(E))
    return scores.reshape(E, 1)

# --- scband reference (transcript-rebuilt; emitter-appended) ---
"""Pipeline reference for scband-graph-model-2267742732807 (READ-ONLY COPY).

The authoritative reference and input builder live on the scoring server;
editing this copy changes nothing except your own understanding.
"""

import jax, jax.numpy as jnp
import numpy as np

N = 10000
E = 320000
DN = 128
DE = 16
H = 128


def setup_inputs(seed: int = 0) -> dict:
    key = jax.random.key(seed)
    ks = jax.random.split(key, 13)
    x = jax.random.normal(ks[0], (N, DN), dtype=jnp.float32)
    e = jax.random.normal(ks[1], (E, DE), dtype=jnp.float32)
    edge_index = jax.random.randint(ks[2], (2, E), 0, N)
    # parameters
    W_node = jax.random.normal(ks[3], (DN, H), dtype=jnp.float32) / np.sqrt(DN)
    b_node = jnp.zeros((H,), dtype=jnp.float32)
    W_edge = jax.random.normal(ks[4], (DE, H), dtype=jnp.float32) / np.sqrt(DE)
    b_edge = jnp.zeros((H,), dtype=jnp.float32)
    Wg0 = jax.random.normal(ks[5], (H, H), dtype=jnp.float32) / np.sqrt(H)
    bg0 = jnp.zeros((H,), dtype=jnp.float32)
    Wg1 = jax.random.normal(ks[6], (H, H), dtype=jnp.float32) / np.sqrt(H)
    bg1 = jnp.zeros((H,), dtype=jnp.float32)
    W_pred = jax.random.normal(ks[7], (3 * H, 1), dtype=jnp.float32) / np.sqrt(3 * H)
    b_pred = jnp.zeros((1,), dtype=jnp.float32)
    return {"x": x, "e": e, "edge_index": edge_index,
            "W_node": W_node, "b_node": b_node,
            "W_edge": W_edge, "b_edge": b_edge,
            "Wg0": Wg0, "bg0": bg0, "Wg1": Wg1, "bg1": bg1,
            "W_pred": W_pred, "b_pred": b_pred}


def _gcn_layer(h, W, b, src, dst):
    # DGL GraphConv with norm='both': D_out^{-1/2} on src, sum-aggregate, D_in^{-1/2} on dst,
    # then linear (in_feats == out_feats -> aggregate first, then matmul), plus bias.
    ones = jnp.ones((src.shape[0],), dtype=h.dtype)
    deg_out = jnp.clip(jax.ops.segment_sum(ones, src, num_segments=N), 1.0)
    deg_in = jnp.clip(jax.ops.segment_sum(ones, dst, num_segments=N), 1.0)
    hs = h * jax.lax.rsqrt(deg_out)[:, None]
    agg = jax.ops.segment_sum(hs[src], dst, num_segments=N)
    agg = agg * jax.lax.rsqrt(deg_in)[:, None]
    return agg @ W + b


def reference(x, e, edge_index, W_node, b_node, W_edge, b_edge, Wg0, bg0, Wg1, bg1, W_pred, b_pred):
    src = edge_index[0]
    dst = edge_index[1]
    h = x @ W_node + b_node
    ee = e @ W_edge + b_edge
    h = jax.nn.relu(_gcn_layer(h, Wg0, bg0, src, dst))
    h = jax.nn.relu(_gcn_layer(h, Wg1, bg1, src, dst))
    data = jnp.concatenate([h[src], h[dst], ee], axis=1)
    scores = data @ W_pred + b_pred
    return scores

if __name__ == "__main__":
    import jax
    _d = setup_inputs()
    print(jax.jit(kernel)(*tuple(_d.values())))

</pallas_src>

<mosaic_0001>
#map = affine_map<(d0, d1) -> (0, 0)>
#map1 = affine_map<(d0, d1) -> (0)>
#map2 = affine_map<(d0, d1) -> (0, 0, 0)>
module attributes {stable_mosaic.version = 14 : i64} {
  func.func @_agg_body(%arg0: i32, %arg1: i32, %arg2: memref<10000x128xf32, #tpu.memory_space<hbm>>, %arg3: memref<320000xi32, #tpu.memory_space<hbm>>, %arg4: memref<320000xi32, #tpu.memory_space<hbm>>, %arg5: memref<2x10112x128xf32, #tpu.memory_space<hbm>>, %arg6: memref<10112x128xf32, #tpu.memory_space<vmem_shared>>, %arg7: memref<2x128x128xf32, #tpu.memory_space<vmem>>, %arg8: memref<4x128xi32, #tpu.memory_space<vmem>>, %arg9: memref<4x128xi32, #tpu.memory_space<vmem>>, %arg10: memref<104x128xf32, #tpu.memory_space<vmem>>, %arg11: memref<2x!tpu.dma_semaphore, #tpu.memory_space<semaphore_mem>>, %arg12: memref<2x!tpu.dma_semaphore, #tpu.memory_space<semaphore_mem>>, %arg13: memref<4x!tpu.dma_semaphore, #tpu.memory_space<semaphore_mem>>) attributes {dimension_semantics = [#tpu.dimension_semantics<core_parallel>, #tpu.dimension_semantics<subcore_parallel>], iteration_bounds = array<i64: 2, 16>, scalar_prefetch = 0 : i64, scratch_operands = 8 : i64, tpu.core_type = #tpu.core_type<sc_vector_subcore>, window_params = [{transform_indices = #map}, {transform_indices = #map1}, {transform_indices = #map1}, {transform_indices = #map2}]} {
    %mul3A = arith.constant 2 : i32
    %mul3A_0 = arith.muli %arg1, %mul3A : i32
    %add3A = arith.addi %mul3A_0, %arg0 : i32
    %scan3A = arith.constant 0 : i32
    %scan3A_1 = arith.constant 104 : i32
    %scan3A_2 = arith.addi %scan3A, %scan3A_1 : i32
    %scan3A_3 = arith.constant 1 : i32
    scf.for %scan3A_64 = %scan3A to %scan3A_2 step %scan3A_3  : i32 {
      %mul3A_65 = arith.constant 1 : i32
      %mul3A_66 = arith.muli %scan3A_64, %mul3A_65 : i32
      %add3A_67 = arith.constant 0 : i32
      %add3A_68 = arith.addi %add3A_67, %mul3A_66 : i32
      %scan3A_69 = arith.constant 0 : i32
      %scan3A_70 = arith.constant 8 : i32
      %scan3A_71 = arith.addi %scan3A_69, %scan3A_70 : i32
      %scan3A_72 = arith.constant 1 : i32
      scf.for %scan3A_74 = %scan3A_69 to %scan3A_71 step %scan3A_72  : i32 {
        %mul3A_75 = arith.constant 1 : i32
        %mul3A_76 = arith.muli %scan3A_74, %mul3A_75 : i32
        %add3A_77 = arith.constant 0 : i32
        %add3A_78 = arith.addi %add3A_77, %mul3A_76 : i32
        %broadcast_in_dim3A = arith.constant 0.000000e+00 : f32
        %broadcast_in_dim3A_79 = vector.broadcast %broadcast_in_dim3A : f32 to vector<16xf32>
        %mul3A_80 = arith.constant 16 : i32
        %mul3A_81 = arith.muli %add3A_78, %mul3A_80 : i32
        %swap3A = arith.index_cast %add3A_68 : i32 to index
        %swap3A_82 = arith.index_cast %mul3A_81 : i32 to index
        %swap3A_83 = tpu.vector_load %arg10[%swap3A, %swap3A_82] {strides = array<i32>} : memref<104x128xf32, #tpu.memory_space<vmem>>, vector<1x16xf32>,
        %swap3A_84 = vector.shape_cast %swap3A_83 : vector<1x16xf32> to vector<16xf32>
        %swap3A_85 = vector.shape_cast %broadcast_in_dim3A_79 : vector<16xf32> to vector<1x16xf32>
        tpu.vector_store %arg10[%swap3A, %swap3A_82], %swap3A_85 {strides = array<i32>} : memref<104x128xf32, #tpu.memory_space<vmem>>, vector<1x16xf32>,
      }
      %scan3A_73 = arith.constant 8 : i32
    }
    %scan3A_4 = arith.constant 104 : i32
    %scan3A_5 = arith.constant 0 : i32
    %scan3A_6 = arith.constant 6 : i32
    %scan3A_7 = arith.addi %scan3A_5, %scan3A_6 : i32
    %scan3A_8 = arith.constant 1 : i32
    scf.for %scan3A_64 = %scan3A_5 to %scan3A_7 step %scan3A_8  : i32 {
      %mul3A_65 = arith.constant 1 : i32
      %mul3A_66 = arith.muli %scan3A_64, %mul3A_65 : i32
      %add3A_67 = arith.constant 0 : i32
      %add3A_68 = arith.addi %add3A_67, %mul3A_66 : i32
      %mul3A_69 = arith.constant 632 : i32
      %mul3A_70 = arith.muli %arg1, %mul3A_69 : i32
      %mul3A_71 = arith.constant 104 : i32
      %mul3A_72 = arith.muli %add3A_68, %mul3A_71 : i32
      %add3A_73 = arith.addi %mul3A_70, %mul3A_72 : i32
      "tpu.region"() ({
        %run_scoped3A = tpu.sem_alloc : memref<!tpu.dma_semaphore, #tpu.memory_space<semaphore_mem>>
        %dma_start3A = arith.constant 0 : i32
        %dma_start3A_74 = tpu.memref_slice %arg6[%add3A_73, %dma_start3A] : memref<10112x128xf32, #tpu.memory_space<vmem_shared>> -> memref<104x128xf32, #tpu.memory_space<vmem_shared>>
        %dma_start3A_75 = arith.constant 0 : i32
        %dma_start3A_76 = tpu.memref_slice %arg6[%add3A_73, %dma_start3A_75] : memref<10112x128xf32, #tpu.memory_space<vmem_shared>> -> memref<104x128xf32, #tpu.memory_space<vmem_shared>>
        tpu.enqueue_dma source(%arg10 : memref<104x128xf32, #tpu.memory_space<vmem>>) target(%dma_start3A_76 : memref<104x128xf32, #tpu.memory_space<vmem_shared>>) target_semaphore(%run_scoped3A : memref<!tpu.dma_semaphore, #tpu.memory_space<semaphore_mem>>)
        %dma_wait3A_77 = arith.constant 0 : i32
        %dma_wait3A_78 = tpu.memref_slice %arg6[%add3A_73, %dma_wait3A_77] : memref<10112x128xf32, #tpu.memory_space<vmem_shared>> -> memref<104x128xf32, #tpu.memory_space<vmem_shared>>
        %dma_wait3A_79 = arith.constant 0 : i32
        %dma_wait3A_80 = tpu.memref_slice %arg6[%add3A_73, %dma_wait3A_79] : memref<10112x128xf32, #tpu.memory_space<vmem_shared>> -> memref<104x128xf32, #tpu.memory_space<vmem_shared>>
        tpu.wait_dma2 semaphore(%run_scoped3A : memref<!tpu.dma_semaphore, #tpu.memory_space<semaphore_mem>>) src(%arg10 : memref<104x128xf32, #tpu.memory_space<vmem>>) dst(%dma_wait3A_80 : memref<104x128xf32, #tpu.memory_space<vmem_shared>>)
        tpu.yield
      }) : () -> ()
    }
    %scan3A_9 = arith.constant 6 : i32
    %mul3A_10 = arith.constant 632 : i32
    %mul3A_11 = arith.muli %arg1, %mul3A_10 : i32
    %add3A_12 = arith.constant 624 : i32
    %add3A_13 = arith.addi %mul3A_11, %add3A_12 : i32
    "tpu.region"() ({
      %run_scoped3A = tpu.sem_alloc : memref<!tpu.dma_semaphore, #tpu.memory_space<semaphore_mem>>
      %dma_start3A = arith.constant 0 : i32
      %dma_start3A_64 = arith.constant 0 : i32
      %dma_start3A_65 = tpu.memref_slice %arg10[%dma_start3A, %dma_start3A_64] : memref<104x128xf32, #tpu.memory_space<vmem>> -> memref<8x128xf32, #tpu.memory_space<vmem>>
      %dma_start3A_66 = arith.constant 0 : i32
      %dma_start3A_67 = tpu.memref_slice %arg6[%add3A_13, %dma_start3A_66] : memref<10112x128xf32, #tpu.memory_space<vmem_shared>> -> memref<8x128xf32, #tpu.memory_space<vmem_shared>>
      %dma_start3A_68 = arith.constant 0 : i32
      %dma_start3A_69 = tpu.memref_slice %arg6[%add3A_13, %dma_start3A_68] : memref<10112x128xf32, #tpu.memory_space<vmem_shared>> -> memref<8x128xf32, #tpu.memory_space<vmem_shared>>
      %dma_start3A_70 = arith.constant 0 : i32
      %dma_start3A_71 = arith.constant 0 : i32
      %dma_start3A_72 = tpu.memref_slice %arg10[%dma_start3A_70, %dma_start3A_71] : memref<104x128xf32, #tpu.memory_space<vmem>> -> memref<8x128xf32, #tpu.memory_space<vmem>>
      tpu.enqueue_dma source(%dma_start3A_72 : memref<8x128xf32, #tpu.memory_space<vmem>>) target(%dma_start3A_69 : memref<8x128xf32, #tpu.memory_space<vmem_shared>>) target_semaphore(%run_scoped3A : memref<!tpu.dma_semaphore, #tpu.memory_space<semaphore_mem>>)
      %dma_wait3A_73 = arith.constant 0 : i32
      %dma_wait3A_74 = arith.constant 0 : i32
      %dma_wait3A_75 = tpu.memref_slice %arg10[%dma_wait3A_73, %dma_wait3A_74] : memref<104x128xf32, #tpu.memory_space<vmem>> -> memref<8x128xf32, #tpu.memory_space<vmem>>
      %dma_wait3A_76 = arith.constant 0 : i32
      %dma_wait3A_77 = tpu.memref_slice %arg6[%add3A_13, %dma_wait3A_76] : memref<10112x128xf32, #tpu.memory_space<vmem_shared>> -> memref<8x128xf32, #tpu.memory_space<vmem_shared>>
      %dma_wait3A_78 = arith.constant 0 : i32
      %dma_wait3A_79 = tpu.memref_slice %arg6[%add3A_13, %dma_wait3A_78] : memref<10112x128xf32, #tpu.memory_space<vmem_shared>> -> memref<8x128xf32, #tpu.memory_space<vmem_shared>>
      %dma_wait3A_80 = arith.constant 0 : i32
      %dma_wait3A_81 = arith.constant 0 : i32
      %dma_wait3A_82 = tpu.memref_slice %arg10[%dma_wait3A_80, %dma_wait3A_81] : memref<104x128xf32, #tpu.memory_space<vmem>> -> memref<8x128xf32, #tpu.memory_space<vmem>>
      tpu.wait_dma2 semaphore(%run_scoped3A : memref<!tpu.dma_semaphore, #tpu.memory_space<semaphore_mem>>) src(%dma_wait3A_82 : memref<8x128xf32, #tpu.memory_space<vmem>>) dst(%dma_wait3A_79 : memref<8x128xf32, #tpu.memory_space<vmem_shared>>)
      tpu.yield
    }) : () -> ()
    %add3A_14 = arith.constant 0 : i32
    %add3A_15 = arith.addi %add3A, %add3A_14 : i32
    %lt3A = arith.constant 2500 : i32
    %lt3A_16 = arith.cmpi slt, %add3A_15, %lt3A : i32
    %convert_element_type3A = arith.extui %lt3A_16 : i1 to i32
    %cond3A = arith.constant 0 : i32
    %cond3A_17 = arith.cmpi ne, %convert_element_type3A, %cond3A : i32
    scf.if %cond3A_17 {
      %mul3A_64 = arith.constant 128 : i32
      %mul3A_65 = arith.muli %add3A_15, %mul3A_64 : i32
      %dma_start3A = arith.constant 0 : i32
      %dma_start3A_66 = arith.constant 0 : i32
      %dma_start3A_67 = arith.constant 0 : i32
      %dma_start3A_68 = tpu.memref_slice %arg8[%dma_start3A, %dma_start3A_67] : memref<4x128xi32, #tpu.memory_space<vmem>> -> memref<1x128xi32, #tpu.memory_space<vmem>>
      %dma_start3A_69 = tpu.memref_squeeze %dma_start3A_68 : memref<1x128xi32, #tpu.memory_space<vmem>> -> memref<128xi32, #tpu.memory_space<vmem>>
      %dma_start3A_70 = tpu.memref_slice %arg3[%mul3A_65] : memref<320000xi32, #tpu.memory_space<hbm>> -> memref<128xi32, #tpu.memory_space<hbm>>
      %dma_start3A_71 = tpu.memref_slice %arg13[%dma_start3A_66] : memref<4x!tpu.dma_semaphore, #tpu.memory_space<semaphore_mem>> -> memref<1x!tpu.dma_semaphore, #tpu.memory_space<semaphore_mem>>
      %dma_start3A_72 = tpu.memref_squeeze %dma_start3A_71 : memref<1x!tpu.dma_semaphore, #tpu.memory_space<semaphore_mem>> -> memref<!tpu.dma_semaphore, #tpu.memory_space<semaphore_mem>>
      %dma_start3A_73 = arith.constant 0 : i32
      %dma_start3A_74 = tpu.memref_slice %arg8[%dma_start3A, %dma_start3A_73] : memref<4x128xi32, #tpu.memory_space<vmem>> -> memref<1x128xi32, #tpu.memory_space<vmem>>
      %dma_start3A_75 = tpu.memref_squeeze %dma_start3A_74 : memref<1x128xi32, #tpu.memory_space<vmem>> -> memref<128xi32, #tpu.memory_space<vmem>>
      %dma_start3A_76 = tpu.memref_slice %arg3[%mul3A_65] : memref<320000xi32, #tpu.memory_space<hbm>> -> memref<128xi32, #tpu.memory_space<hbm>>
      tpu.enqueue_dma source(%dma_start3A_76 : memref<128xi32, #tpu.memory_space<hbm>>) target(%dma_start3A_75 : memref<128xi32, #tpu.memory_space<vmem>>) target_semaphore(%dma_start3A_72 : memref<!tpu.dma_semaphore, #tpu.memory_space<semaphore_mem>>)
      %mul3A_77 = arith.constant 128 : i32
      %mul3A_78 = arith.muli %add3A_15, %mul3A_77 : i32
      %dma_start3A_79 = arith.constant 0 : i32
      %dma_start3A_80 = arith.constant 0 : i32
      %dma_start3A_81 = arith.constant 0 : i32
      %dma_start3A_82 = tpu.memref_slice %arg9[%dma_start3A_79, %dma_start3A_81] : memref<4x128xi32, #tpu.memory_space<vmem>> -> memref<1x128xi32, #tpu.memory_space<vmem>>
      %dma_start3A_83 = tpu.memref_squeeze %dma_start3A_82 : memref<1x128xi32, #tpu.memory_space<vmem>> -> memref<128xi32, #tpu.memory_space<vmem>>
      %dma_start3A_84 = tpu.memref_slice %arg4[%mul3A_78] : memref<320000xi32, #tpu.memory_space<hbm>> -> memref<128xi32, #tpu.memory_space<hbm>>
      %dma_start3A_85 = tpu.memref_slice %arg13[%dma_start3A_80] : memref<4x!tpu.dma_semaphore, #tpu.memory_space<semaphore_mem>> -> memref<1x!tpu.dma_semaphore, #tpu.memory_space<semaphore_mem>>
      %dma_start3A_86 = tpu.memref_squeeze %dma_start3A_85 : memref<1x!tpu.dma_semaphore, #tpu.memory_space<semaphore_mem>> -> memref<!tpu.dma_semaphore, #tpu.memory_space<semaphore_mem>>
      %dma_start3A_87 = arith.constant 0 : i32
      %dma_start3A_88 = tpu.memref_slice %arg9[%dma_start3A_79, %dma_start3A_87] : memref<4x128xi32, #tpu.memory_space<vmem>> -> memref<1x128xi32, #tpu.memory_space<vmem>>
      %dma_start3A_89 = tpu.memref_squeeze %dma_start3A_88 : memref<1x128xi32, #tpu.memory_space<vmem>> -> memref<128xi32, #tpu.memory_space<vmem>>
      %dma_start3A_90 = tpu.memref_slice %arg4[%mul3A_78] : memref<320000xi32, #tpu.memory_space<hbm>> -> memref<128xi32, #tpu.memory_space<hbm>>
      tpu.enqueue_dma source(%dma_start3A_90 : memref<128xi32, #tpu.memory_space<hbm>>) target(%dma_start3A_89 : memref<128xi32, #tpu.memory_space<vmem>>) target_semaphore(%dma_start3A_86 : memref<!tpu.dma_semaphore, #tpu.memory_space<semaphore_mem>>)
    } else {
    }
    %add3A_18 = arith.constant 32 : i32
    %add3A_19 = arith.addi %add3A, %add3A_18 : i32
    %lt3A_20 = arith.constant 2500 : i32
    %lt3A_21 = arith.cmpi slt, %add3A_19, %lt3A_20 : i32
    %convert_element_type3A_22 = arith.extui %lt3A_21 : i1 to i32
    %cond3A_23 = arith.constant 0 : i32
    %cond3A_24 = arith.cmpi ne, %convert_element_type3A_22, %cond3A_23 : i32
    scf.if %cond3A_24 {
      %mul3A_64 = arith.constant 128 : i32
      %mul3A_65 = arith.muli %add3A_19, %mul3A_64 : i32
      %dma_start3A = arith.constant 1 : i32
      %dma_start3A_66 = arith.constant 1 : i32
      %dma_start3A_67 = arith.constant 0 : i32
      %dma_start3A_68 = tpu.memref_slice %arg8[%dma_start3A, %dma_start3A_67] : memref<4x128xi32, #tpu.memory_space<vmem>> -> memref<1x128xi32, #tpu.memory_space<vmem>>
      %dma_start3A_69 = tpu.memref_squeeze %dma_start3A_68 : memref<1x128xi32, #tpu.memory_space<vmem>> -> memref<128xi32, #tpu.memory_space<vmem>>
      %dma_start3A_70 = tpu.memref_slice %arg3[%mul3A_65] : memref<320000xi32, #tpu.memory_space<hbm>> -> memref<128xi32, #tpu.memory_space<hbm>>
      %dma_start3A_71 = tpu.memref_slice %arg13[%dma_start3A_66] : memref<4x!tpu.dma_semaphore, #tpu.memory_space<semaphore_mem>> -> memref<1x!tpu.dma_semaphore, #tpu.memory_space<semaphore_mem>>
      %dma_start3A_72 = tpu.memref_squeeze %dma_start3A_71 : memref<1x!tpu.dma_semaphore, #tpu.memory_space<semaphore_mem>> -> memref<!tpu.dma_semaphore, #tpu.memory_space<semaphore_mem>>
      %dma_start3A_73 = arith.constant 0 : i32
      %dma_start3A_74 = tpu.memref_slice %arg8[%dma_start3A, %dma_start3A_73] : memref<4x128xi32, #tpu.memory_space<vmem>> -> memref<1x128xi32, #tpu.memory_space<vmem>>
      %dma_start3A_75 = tpu.memref_squeeze %dma_start3A_74 : memref<1x128xi32, #tpu.memory_space<vmem>> -> memref<128xi32, #tpu.memory_space<vmem>>
      %dma_start3A_76 = tpu.memref_slice %arg3[%mul3A_65] : memref<320000xi32, #tpu.memory_space<hbm>> -> memref<128xi32, #tpu.memory_space<hbm>>
      tpu.enqueue_dma source(%dma_start3A_76 : memref<128xi32, #tpu.memory_space<hbm>>) target(%dma_start3A_75 : memref<128xi32, #tpu.memory_space<vmem>>) target_semaphore(%dma_start3A_72 : memref<!tpu.dma_semaphore, #tpu.memory_space<semaphore_mem>>)
      %mul3A_77 = arith.constant 128 : i32
      %mul3A_78 = arith.muli %add3A_19, %mul3A_77 : i32
      %dma_start3A_79 = arith.constant 1 : i32
      %dma_start3A_80 = arith.constant 1 : i32
      %dma_start3A_81 = arith.constant 0 : i32
      %dma_start3A_82 = tpu.memref_slice %arg9[%dma_start3A_79, %dma_start3A_81] : memref<4x128xi32, #tpu.memory_space<vmem>> -> memref<1x128xi32, #tpu.memory_space<vmem>>
      %dma_start3A_83 = tpu.memref_squeeze %dma_start3A_82 : memref<1x128xi32, #tpu.memory_space<vmem>> -> memref<128xi32, #tpu.memory_space<vmem>>
      %dma_start3A_84 = tpu.memref_slice %arg4[%mul3A_78] : memref<320000xi32, #tpu.memory_space<hbm>> -> memref<128xi32, #tpu.memory_space<hbm>>
      %dma_start3A_85 = tpu.memref_slice %arg13[%dma_start3A_80] : memref<4x!tpu.dma_semaphore, #tpu.memory_space<semaphore_mem>> -> memref<1x!tpu.dma_semaphore, #tpu.memory_space<semaphore_mem>>
      %dma_start3A_86 = tpu.memref_squeeze %dma_start3A_85 : memref<1x!tpu.dma_semaphore, #tpu.memory_space<semaphore_mem>> -> memref<!tpu.dma_semaphore, #tpu.memory_space<semaphore_mem>>
      %dma_start3A_87 = arith.constant 0 : i32
      %dma_start3A_88 = tpu.memref_slice %arg9[%dma_start3A_79, %dma_start3A_87] : memref<4x128xi32, #tpu.memory_space<vmem>> -> memref<1x128xi32, #tpu.memory_space<vmem>>
      %dma_start3A_89 = tpu.memref_squeeze %dma_start3A_88 : memref<1x128xi32, #tpu.memory_space<vmem>> -> memref<128xi32, #tpu.memory_space<vmem>>
      %dma_start3A_90 = tpu.memref_slice %arg4[%mul3A_78] : memref<320000xi32, #tpu.memory_space<hbm>> -> memref<128xi32, #tpu.memory_space<hbm>>
      tpu.enqueue_dma source(%dma_start3A_90 : memref<128xi32, #tpu.memory_space<hbm>>) target(%dma_start3A_89 : memref<128xi32, #tpu.memory_space<vmem>>) target_semaphore(%dma_start3A_86 : memref<!tpu.dma_semaphore, #tpu.memory_space<semaphore_mem>>)
    } else {
    }
    %barrier3A = arith.constant 0 : index
    tpu.barrier barrier_id(%barrier3A)
    %scan3A_25 = arith.constant 0 : i32
    %scan3A_26 = arith.constant 20 : i32
    %scan3A_27 = arith.addi %scan3A_25, %scan3A_26 : i32
    %scan3A_28 = arith.constant 1 : i32
    scf.for %scan3A_64 = %scan3A_25 to %scan3A_27 step %scan3A_28  : i32 {
      %mul3A_65 = arith.constant 1 : i32
      %mul3A_66 = arith.muli %scan3A_64, %mul3A_65 : i32
      %add3A_67 = arith.constant 0 : i32
      %add3A_68 = arith.addi %add3A_67, %mul3A_66 : i32
      %mul3A_69 = arith.constant 4 : i32
      %mul3A_70 = arith.muli %mul3A_69, %add3A_68 : i32
      %add3A_71 = arith.constant 0 : i32
      %add3A_72 = arith.addi %mul3A_70, %add3A_71 : i32
      %mul3A_73 = arith.constant 32 : i32
      %mul3A_74 = arith.muli %add3A_72, %mul3A_73 : i32
      %add3A_75 = arith.addi %add3A, %mul3A_74 : i32
      %lt3A_76 = arith.constant 2500 : i32
      %lt3A_77 = arith.cmpi slt, %add3A_75, %lt3A_76 : i32
      %convert_element_type3A_78 = arith.extui %lt3A_77 : i1 to i32
      %cond3A_79 = arith.constant 0 : i32
      %cond3A_80 = arith.constant 0 : i32
      %cond3A_81 = arith.constant 0 : i32
      %cond3A_82 = arith.constant 0 : i32
      %cond3A_83 = arith.cmpi ne, %convert_element_type3A_78, %cond3A_82 : i32
      scf.if %cond3A_83 {
        %ge3A_166 = arith.constant 2 : i32
        %ge3A_167 = arith.cmpi sge, %add3A_72, %ge3A_166 : i32
        %convert_element_type3A_168 = arith.extui %ge3A_167 : i1 to i32
        %cond3A_169 = arith.constant 0 : i32
        %cond3A_170 = arith.cmpi ne, %convert_element_type3A_168, %cond3A_169 : i32
        scf.if %cond3A_170 {
          %dma_wait3A_216 = arith.constant 0 : i32
          %dma_wait3A_217 = arith.constant 0 : i32
          %dma_wait3A_218 = arith.constant 0 : i32
          %dma_wait3A_219 = tpu.memref_slice %arg7[%cond3A_79, %dma_wait3A_217, %dma_wait3A_218] : memref<2x128x128xf32, #tpu.memory_space<vmem>> -> memref<1x128x128xf32, #tpu.memory_space<vmem>>
          %dma_wait3A_220 = tpu.memref_squeeze %dma_wait3A_219 : memref<1x128x128xf32, #tpu.memory_space<vmem>> -> memref<128x128xf32, #tpu.memory_space<vmem>>
          %dma_wait3A_221 = arith.constant 0 : i32
          %dma_wait3A_222 = tpu.memref_slice %arg9[%cond3A_80, %dma_wait3A_221] : memref<4x128xi32, #tpu.memory_space<vmem>> -> memref<1x128xi32, #tpu.memory_space<vmem>>
          %dma_wait3A_223 = tpu.memref_squeeze %dma_wait3A_222 : memref<1x128xi32, #tpu.memory_space<vmem>> -> memref<128xi32, #tpu.memory_space<vmem>>
          %dma_wait3A_224 = arith.constant 0 : i32
          %dma_wait3A_225 = arith.constant 0 : i32
          %dma_wait3A_226 = tpu.memref_slice %arg6[%dma_wait3A_224, %dma_wait3A_225] : memref<10112x128xf32, #tpu.memory_space<vmem_shared>> -> memref<10112x128xf32, #tpu.memory_space<vmem_shared>>
          %dma_wait3A_227 = tpu.memref_slice %arg12[%dma_wait3A_216] : memref<2x!tpu.dma_semaphore, #tpu.memory_space<semaphore_mem>> -> memref<1x!tpu.dma_semaphore, #tpu.memory_space<semaphore_mem>>
          %dma_wait3A_228 = tpu.memref_squeeze %dma_wait3A_227 : memref<1x!tpu.dma_semaphore, #tpu.memory_space<semaphore_mem>> -> memref<!tpu.dma_semaphore, #tpu.memory_space<semaphore_mem>>
          tpu.wait_indirect_dma semaphore(%dma_wait3A_228 : memref<!tpu.dma_semaphore, #tpu.memory_space<semaphore_mem>>) src(%dma_wait3A_220 : memref<128x128xf32, #tpu.memory_space<vmem>>) dst(%dma_wait3A_226 : memref<10112x128xf32, #tpu.memory_space<vmem_shared>>)
        } else {
        }
        %mul3A_171 = arith.constant 128 : i32
        %mul3A_172 = arith.muli %add3A_75, %mul3A_171 : i32
        %dma_wait3A_173 = arith.constant 0 : i32
        %dma_wait3A_174 = arith.constant 0 : i32
        %dma_wait3A_175 = tpu.memref_slice %arg8[%cond3A_81, %dma_wait3A_174] : memref<4x128xi32, #tpu.memory_space<vmem>> -> memref<1x128xi32, #tpu.memory_space<vmem>>
        %dma_wait3A_176 = tpu.memref_squeeze %dma_wait3A_175 : memref<1x128xi32, #tpu.memory_space<vmem>> -> memref<128xi32, #tpu.memory_space<vmem>>
        %dma_wait3A_177 = tpu.memref_slice %arg3[%mul3A_172] : memref<320000xi32, #tpu.memory_space<hbm>> -> memref<128xi32, #tpu.memory_space<hbm>>
        %dma_wait3A_178 = tpu.memref_slice %arg13[%dma_wait3A_173] : memref<4x!tpu.dma_semaphore, #tpu.memory_space<semaphore_mem>> -> memref<1x!tpu.dma_semaphore, #tpu.memory_space<semaphore_mem>>
        %dma_wait3A_179 = tpu.memref_squeeze %dma_wait3A_178 : memref<1x!tpu.dma_semaphore, #tpu.memory_space<semaphore_mem>> -> memref<!tpu.dma_semaphore, #tpu.memory_space<semaphore_mem>>
        %dma_wait3A_180 = arith.constant 0 : i32
        %dma_wait3A_181 = tpu.memref_slice %arg8[%cond3A_81, %dma_wait3A_180] : memref<4x128xi32, #tpu.memory_space<vmem>> -> memref<1x128xi32, #tpu.memory_space<vmem>>
        %dma_wait3A_182 = tpu.memref_squeeze %dma_wait3A_181 : memref<1x128xi32, #tpu.memory_space<vmem>> -> memref<128xi32, #tpu.memory_space<vmem>>
        %dma_wait3A_183 = tpu.memref_slice %arg3[%mul3A_172] : memref<320000xi32, #tpu.memory_space<hbm>> -> memref<128xi32, #tpu.memory_space<hbm>>
        tpu.wait_dma2 semaphore(%dma_wait3A_179 : memref<!tpu.dma_semaphore, #tpu.memory_space<semaphore_mem>>) src(%dma_wait3A_183 : memref<128xi32, #tpu.memory_space<hbm>>) dst(%dma_wait3A_182 : memref<128xi32, #tpu.memory_space<vmem>>)
        %mul3A_184 = arith.constant 128 : i32
        %mul3A_185 = arith.muli %add3A_75, %mul3A_184 : i32
        %dma_wait3A_186 = arith.constant 0 : i32
        %dma_wait3A_187 = arith.constant 0 : i32
        %dma_wait3A_188 = tpu.memref_slice %arg9[%cond3A_80, %dma_wait3A_187] : memref<4x128xi32, #tpu.memory_space<vmem>> -> memref<1x128xi32, #tpu.memory_space<vmem>>
        %dma_wait3A_189 = tpu.memref_squeeze %dma_wait3A_188 : memref<1x128xi32, #tpu.memory_space<vmem>> -> memref<128xi32, #tpu.memory_space<vmem>>
        %dma_wait3A_190 = tpu.memref_slice %arg4[%mul3A_185] : memref<320000xi32, #tpu.memory_space<hbm>> -> memref<128xi32, #tpu.memory_space<hbm>>
        %dma_wait3A_191 = tpu.memref_slice %arg13[%dma_wait3A_186] : memref<4x!tpu.dma_semaphore, #tpu.memory_space<semaphore_mem>> -> memref<1x!tpu.dma_semaphore, #tpu.memory_space<semaphore_mem>>
        %dma_wait3A_192 = tpu.memref_squeeze %dma_wait3A_191 : memref<1x!tpu.dma_semaphore, #tpu.memory_space<semaphore_mem>> -> memref<!tpu.dma_semaphore, #tpu.memory_space<semaphore_mem>>
        %dma_wait3A_193 = arith.constant 0 : i32
        %dma_wait3A_194 = tpu.memref_slice %arg9[%cond3A_80, %dma_wait3A_193] : memref<4x128xi32, #tpu.memory_space<vmem>> -> memref<1x128xi32, #tpu.memory_space<vmem>>
        %dma_wait3A_195 = tpu.memref_squeeze %dma_wait3A_194 : memref<1x128xi32, #tpu.memory_space<vmem>> -> memref<128xi32, #tpu.memory_space<vmem>>
        %dma_wait3A_196 = tpu.memref_slice %arg4[%mul3A_185] : memref<320000xi32, #tpu.memory_space<hbm>> -> memref<128xi32, #tpu.memory_space<hbm>>
        tpu.wait_dma2 semaphore(%dma_wait3A_192 : memref<!tpu.dma_semaphore, #tpu.memory_space<semaphore_mem>>) src(%dma_wait3A_196 : memref<128xi32, #tpu.memory_space<hbm>>) dst(%dma_wait3A_195 : memref<128xi32, #tpu.memory_space<vmem>>)
        %dma_start3A = arith.constant 0 : i32
        %dma_start3A_197 = arith.constant 0 : i32
        %dma_start3A_198 = arith.constant 0 : i32
        %dma_start3A_199 = tpu.memref_slice %arg7[%cond3A_79, %dma_start3A_197, %dma_start3A_198] : memref<2x128x128xf32, #tpu.memory_space<vmem>> -> memref<1x128x128xf32, #tpu.memory_space<vmem>>
        %dma_start3A_200 = tpu.memref_squeeze %dma_start3A_199 : memref<1x128x128xf32, #tpu.memory_space<vmem>> -> memref<128x128xf32, #tpu.memory_space<vmem>>
        %dma_start3A_201 = arith.constant 0 : i32
        %dma_start3A_202 = tpu.memref_slice %arg8[%cond3A_81, %dma_start3A_201] : memref<4x128xi32, #tpu.memory_space<vmem>> -> memref<1x128xi32, #tpu.memory_space<vmem>>
        %dma_start3A_203 = tpu.memref_squeeze %dma_start3A_202 : memref<1x128xi32, #tpu.memory_space<vmem>> -> memref<128xi32, #tpu.memory_space<vmem>>
        %dma_start3A_204 = arith.constant 0 : i32
        %dma_start3A_205 = arith.constant 0 : i32
        %dma_start3A_206 = tpu.memref_slice %arg2[%dma_start3A_204, %dma_start3A_205] : memref<10000x128xf32, #tpu.memory_space<hbm>> -> memref<10000x128xf32, #tpu.memory_space<hbm>>
        %dma_start3A_207 = tpu.memref_slice %arg11[%dma_start3A] : memref<2x!tpu.dma_semaphore, #tpu.memory_space<semaphore_mem>> -> memref<1x!tpu.dma_semaphore, #tpu.memory_space<semaphore_mem>>
        %dma_start3A_208 = tpu.memref_squeeze %dma_start3A_207 : memref<1x!tpu.dma_semaphore, #tpu.memory_space<semaphore_mem>> -> memref<!tpu.dma_semaphore, #tpu.memory_space<semaphore_mem>>
        tpu.enqueue_indirect_dma source(%dma_start3A_206 : memref<10000x128xf32, #tpu.memory_space<hbm>>) target(%dma_start3A_200 : memref<128x128xf32, #tpu.memory_space<vmem>>) offsets(%dma_start3A_203 : memref<128xi32, #tpu.memory_space<vmem>>) semaphore(%dma_start3A_208 : memref<!tpu.dma_semaphore, #tpu.memory_space<semaphore_mem>>)
        %add3A_209 = arith.constant 64 : i32
        %add3A_210 = arith.addi %add3A_75, %add3A_209 : i32
        %lt3A_211 = arith.constant 2500 : i32
        %lt3A_212 = arith.cmpi slt, %add3A_210, %lt3A_211 : i32
        %convert_element_type3A_213 = arith.extui %lt3A_212 : i1 to i32
        %cond3A_214 = arith.constant 0 : i32
        %cond3A_215 = arith.cmpi ne, %convert_element_type3A_213, %cond3A_214 : i32
        scf.if %cond3A_215 {
          %add3A_216 = arith.constant 64 : i32
          %add3A_217 = arith.addi %add3A_75, %add3A_216 : i32
          %mul3A_218 = arith.constant 128 : i32
          %mul3A_219 = arith.muli %add3A_217, %mul3A_218 : i32
          %dma_start3A_220 = arith.constant 2 : i32
          %dma_start3A_221 = arith.constant 2 : i32
          %dma_start3A_222 = arith.constant 0 : i32
          %dma_start3A_223 = tpu.memref_slice %arg8[%dma_start3A_220, %dma_start3A_222] : memref<4x128xi32, #tpu.memory_space<vmem>> -> memref<1x128xi32, #tpu.memory_space<vmem>>
          %dma_start3A_224 = tpu.memref_squeeze %dma_start3A_223 : memref<1x128xi32, #tpu.memory_space<vmem>> -> memref<128xi32, #tpu.memory_space<vmem>>
          %dma_start3A_225 = tpu.memref_slice %arg3[%mul3A_219] : memref<320000xi32, #tpu.memory_space<hbm>> -> memref<128xi32, #tpu.memory_space<hbm>>
          %dma_start3A_226 = tpu.memref_slice %arg13[%dma_start3A_221] : memref<4x!tpu.dma_semaphore, #tpu.memory_space<semaphore_mem>> -> memref<1x!tpu.dma_semaphore, #tpu.memory_space<semaphore_mem>>
          %dma_start3A_227 = tpu.memref_squeeze %dma_start3A_226 : memref<1x!tpu.dma_semaphore, #tpu.memory_space<semaphore_mem>> -> memref<!tpu.dma_semaphore, #tpu.memory_space<semaphore_mem>>
          %dma_start3A_228 = arith.constant 0 : i32
          %dma_start3A_229 = tpu.memref_slice %arg8[%dma_start3A_220, %dma_start3A_228] : memref<4x128xi32, #tpu.memory_space<vmem>> -> memref<1x128xi32, #tpu.memory_space<vmem>>
          %dma_start3A_230 = tpu.memref_squeeze %dma_start3A_229 : memref<1x128xi32, #tpu.memory_space<vmem>> -> memref<128xi32, #tpu.memory_space<vmem>>
          %dma_start3A_231 = tpu.memref_slice %arg3[%mul3A_219] : memref<320000xi32, #tpu.memory_space<hbm>> -> memref<128xi32, #tpu.memory_space<hbm>>
          tpu.enqueue_dma source(%dma_start3A_231 : memref<128xi32, #tpu.memory_space<hbm>>) target(%dma_start3A_230 : memref<128xi32, #tpu.memory_space<vmem>>) target_semaphore(%dma_start3A_227 : memref<!tpu.dma_semaphore, #tpu.memory_space<semaphore_mem>>)
          %mul3A_232 = arith.constant 128 : i32
          %mul3A_233 = arith.muli %add3A_217, %mul3A_232 : i32
          %dma_start3A_234 = arith.constant 2 : i32
          %dma_start3A_235 = arith.constant 2 : i32
          %dma_start3A_236 = arith.constant 0 : i32
          %dma_start3A_237 = tpu.memref_slice %arg9[%dma_start3A_234, %dma_start3A_236] : memref<4x128xi32, #tpu.memory_space<vmem>> -> memref<1x128xi32, #tpu.memory_space<vmem>>
          %dma_start3A_238 = tpu.memref_squeeze %dma_start3A_237 : memref<1x128xi32, #tpu.memory_space<vmem>> -> memref<128xi32, #tpu.memory_space<vmem>>
          %dma_start3A_239 = tpu.memref_slice %arg4[%mul3A_233] : memref<320000xi32, #tpu.memory_space<hbm>> -> memref<128xi32, #tpu.memory_space<hbm>>
          %dma_start3A_240 = tpu.memref_slice %arg13[%dma_start3A_235] : memref<4x!tpu.dma_semaphore, #tpu.memory_space<semaphore_mem>> -> memref<1x!tpu.dma_semaphore, #tpu.memory_space<semaphore_mem>>
          %dma_start3A_241 = tpu.memref_squeeze %dma_start3A_240 : memref<1x!tpu.dma_semaphore, #tpu.memory_space<semaphore_mem>> -> memref<!tpu.dma_semaphore, #tpu.memory_space<semaphore_mem>>
          %dma_start3A_242 = arith.constant 0 : i32
          %dma_start3A_243 = tpu.memref_slice %arg9[%dma_start3A_234, %dma_start3A_242] : memref<4x128xi32, #tpu.memory_space<vmem>> -> memref<1x128xi32, #tpu.memory_space<vmem>>
          %dma_start3A_244 = tpu.memref_squeeze %dma_start3A_243 : memref<1x128xi32, #tpu.memory_space<vmem>> -> memref<128xi32, #tpu.memory_space<vmem>>
          %dma_start3A_245 = tpu.memref_slice %arg4[%mul3A_233] : memref<320000xi32, #tpu.memory_space<hbm>> -> memref<128xi32, #tpu.memory_space<hbm>>
          tpu.enqueue_dma source(%dma_start3A_245 : memref<128xi32, #tpu.memory_space<hbm>>) target(%dma_start3A_244 : memref<128xi32, #tpu.memory_space<vmem>>) target_semaphore(%dma_start3A_241 : memref<!tpu.dma_semaphore, #tpu.memory_space<semaphore_mem>>)
        } else {
        }
      } else {
      }
      %ge3A = arith.constant 1 : i32
      %ge3A_84 = arith.cmpi sge, %add3A_72, %ge3A : i32
      %sub3A = arith.constant 32 : i32
      %sub3A_85 = arith.subi %add3A_75, %sub3A : i32
      %lt3A_86 = arith.constant 2500 : i32
      %lt3A_87 = arith.cmpi slt, %sub3A_85, %lt3A_86 : i32
      %and3A = arith.andi %ge3A_84, %lt3A_87 : i1
      %convert_element_type3A_88 = arith.extui %and3A : i1 to i32
      %cond3A_89 = arith.constant 0 : i32
      %cond3A_90 = arith.cmpi ne, %convert_element_type3A_88, %cond3A_89 : i32
      scf.if %cond3A_90 {
        %sub3A_166 = arith.constant 1 : i32
        %sub3A_167 = arith.subi %add3A_72, %sub3A_166 : i32
        %jit3A = arith.constant 4 : i32
        %eq3A = arith.constant 0 : i32
        %eq3A_168 = arith.cmpi eq, %jit3A, %eq3A : i32
        %jit3A_169 = arith.constant 1 : i32
        %select_n3A = arith.select %eq3A_168, %jit3A_169, %jit3A : i32
        %rem3A = arith.remsi %sub3A_167, %select_n3A : i32
        %ne3A = arith.constant 0 : i32
        %ne3A_170 = arith.cmpi ne, %rem3A, %ne3A : i32
        %lt3A_171 = arith.constant 0 : i32
        %lt3A_172 = arith.cmpi slt, %rem3A, %lt3A_171 : i32
        %lt3A_173 = arith.constant 0 : i32
        %lt3A_174 = arith.cmpi slt, %select_n3A, %lt3A_173 : i32
        %ne3A_175 = arith.xori %lt3A_172, %lt3A_174 : i1
        %and3A_176 = arith.andi %ne3A_175, %ne3A_170 : i1
        %add3A_177 = arith.addi %rem3A, %select_n3A : i32
        %select_n3A_178 = arith.select %and3A_176, %add3A_177, %rem3A : i32
        %dma_wait3A_179 = arith.constant 1 : i32
        %dma_wait3A_180 = arith.constant 1 : i32
        %dma_wait3A_181 = arith.constant 0 : i32
        %dma_wait3A_182 = arith.constant 0 : i32
        %dma_wait3A_183 = tpu.memref_slice %arg7[%dma_wait3A_179, %dma_wait3A_181, %dma_wait3A_182] : memref<2x128x128xf32, #tpu.memory_space<vmem>> -> memref<1x128x128xf32, #tpu.memory_space<vmem>>
        %dma_wait3A_184 = tpu.memref_squeeze %dma_wait3A_183 : memref<1x128x128xf32, #tpu.memory_space<vmem>> -> memref<128x128xf32, #tpu.memory_space<vmem>>
        %dma_wait3A_185 = arith.constant 0 : i32
        %dma_wait3A_186 = tpu.memref_slice %arg8[%select_n3A_178, %dma_wait3A_185] : memref<4x128xi32, #tpu.memory_space<vmem>> -> memref<1x128xi32, #tpu.memory_space<vmem>>
        %dma_wait3A_187 = tpu.memref_squeeze %dma_wait3A_186 : memref<1x128xi32, #tpu.memory_space<vmem>> -> memref<128xi32, #tpu.memory_space<vmem>>
        %dma_wait3A_188 = arith.constant 0 : i32
        %dma_wait3A_189 = arith.constant 0 : i32
        %dma_wait3A_190 = tpu.memref_slice %arg2[%dma_wait3A_188, %dma_wait3A_189] : memref<10000x128xf32, #tpu.memory_space<hbm>> -> memref<10000x128xf32, #tpu.memory_space<hbm>>
        %dma_wait3A_191 = tpu.memref_slice %arg11[%dma_wait3A_180] : memref<2x!tpu.dma_semaphore, #tpu.memory_space<semaphore_mem>> -> memref<1x!tpu.dma_semaphore, #tpu.memory_space<semaphore_mem>>
        %dma_wait3A_192 = tpu.memref_squeeze %dma_wait3A_191 : memref<1x!tpu.dma_semaphore, #tpu.memory_space<semaphore_mem>> -> memref<!tpu.dma_semaphore, #tpu.memory_space<semaphore_mem>>
        tpu.wait_indirect_dma semaphore(%dma_wait3A_192 : memref<!tpu.dma_semaphore, #tpu.memory_space<semaphore_mem>>) src(%dma_wait3A_190 : memref<10000x128xf32, #tpu.memory_space<hbm>>) dst(%dma_wait3A_184 : memref<128x128xf32, #tpu.memory_space<vmem>>)
        %dma_start3A = arith.constant 1 : i32
        %dma_start3A_193 = arith.constant 1 : i32
        %dma_start3A_194 = arith.constant 0 : i32
        %dma_start3A_195 = arith.constant 0 : i32
        %dma_start3A_196 = tpu.memref_slice %arg7[%dma_start3A, %dma_start3A_194, %dma_start3A_195] : memref<2x128x128xf32, #tpu.memory_space<vmem>> -> memref<1x128x128xf32, #tpu.memory_space<vmem>>
        %dma_start3A_197 = tpu.memref_squeeze %dma_start3A_196 : memref<1x128x128xf32, #tpu.memory_space<vmem>> -> memref<128x128xf32, #tpu.memory_space<vmem>>
        %dma_start3A_198 = arith.constant 0 : i32
        %dma_start3A_199 = tpu.memref_slice %arg9[%select_n3A_178, %dma_start3A_198] : memref<4x128xi32, #tpu.memory_space<vmem>> -> memref<1x128xi32, #tpu.memory_space<vmem>>
        %dma_start3A_200 = tpu.memref_squeeze %dma_start3A_199 : memref<1x128xi32, #tpu.memory_space<vmem>> -> memref<128xi32, #tpu.memory_space<vmem>>
        %dma_start3A_201 = arith.constant 0 : i32
        %dma_start3A_202 = arith.constant 0 : i32
        %dma_start3A_203 = tpu.memref_slice %arg6[%dma_start3A_201, %dma_start3A_202] : memref<10112x128xf32, #tpu.memory_space<vmem_shared>> -> memref<10112x128xf32, #tpu.memory_space<vmem_shared>>
        %dma_start3A_204 = tpu.memref_slice %arg12[%dma_start3A_193] : memref<2x!tpu.dma_semaphore, #tpu.memory_space<semaphore_mem>> -> memref<1x!tpu.dma_semaphore, #tpu.memory_space<semaphore_mem>>
        %dma_start3A_205 = tpu.memref_squeeze %dma_start3A_204 : memref<1x!tpu.dma_semaphore, #tpu.memory_space<semaphore_mem>> -> memref<!tpu.dma_semaphore, #tpu.memory_space<semaphore_mem>>
        tpu.enqueue_indirect_dma source(%dma_start3A_197 : memref<128x128xf32, #tpu.memory_space<vmem>>) target(%dma_start3A_203 : memref<10112x128xf32, #tpu.memory_space<vmem_shared>>) offsets(%dma_start3A_200 : memref<128xi32, #tpu.memory_space<vmem>>) semaphore(%dma_start3A_205 : memref<!tpu.dma_semaphore, #tpu.memory_space<semaphore_mem>>) {add = true}
      } else {
      }
      %mul3A_91 = arith.constant 4 : i32
      %mul3A_92 = arith.muli %mul3A_91, %add3A_68 : i32
      %add3A_93 = arith.constant 1 : i32
      %add3A_94 = arith.addi %mul3A_92, %add3A_93 : i32
      %mul3A_95 = arith.constant 32 : i32
      %mul3A_96 = arith.muli %add3A_94, %mul3A_95 : i32
      %add3A_97 = arith.addi %add3A, %mul3A_96 : i32
      %lt3A_98 = arith.constant 2500 : i32
      %lt3A_99 = arith.cmpi slt, %add3A_97, %lt3A_98 : i32
      %convert_element_type3A_100 = arith.extui %lt3A_99 : i1 to i32
      %cond3A_101 = arith.constant 1 : i32
      %cond3A_102 = arith.constant 1 : i32
      %cond3A_103 = arith.constant 1 : i32
      %cond3A_104 = arith.constant 0 : i32
      %cond3A_105 = arith.cmpi ne, %convert_element_type3A_100, %cond3A_104 : i32
      scf.if %cond3A_105 {
        %ge3A_166 = arith.constant 2 : i32
        %ge3A_167 = arith.cmpi sge, %add3A_94, %ge3A_166 : i32
        %convert_element_type3A_168 = arith.extui %ge3A_167 : i1 to i32
        %cond3A_169 = arith.constant 0 : i32
        %cond3A_170 = arith.cmpi ne, %convert_element_type3A_168, %cond3A_169 : i32
        scf.if %cond3A_170 {
          %dma_wait3A_216 = arith.constant 1 : i32
          %dma_wait3A_217 = arith.constant 0 : i32
          %dma_wait3A_218 = arith.constant 0 : i32
          %dma_wait3A_219 = tpu.memref_slice %arg7[%cond3A_101, %dma_wait3A_217, %dma_wait3A_218] : memref<2x128x128xf32, #tpu.memory_space<vmem>> -> memref<1x128x128xf32, #tpu.memory_space<vmem>>
          %dma_wait3A_220 = tpu.memref_squeeze %dma_wait3A_219 : memref<1x128x128xf32, #tpu.memory_space<vmem>> -> memref<128x128xf32, #tpu.memory_space<vmem>>
          %dma_wait3A_221 = arith.constant 0 : i32
          %dma_wait3A_222 = tpu.memref_slice %arg9[%cond3A_102, %dma_wait3A_221] : memref<4x128xi32, #tpu.memory_space<vmem>> -> memref<1x128xi32, #tpu.memory_space<vmem>>
          %dma_wait3A_223 = tpu.memref_squeeze %dma_wait3A_222 : memref<1x128xi32, #tpu.memory_space<vmem>> -> memref<128xi32, #tpu.memory_space<vmem>>
          %dma_wait3A_224 = arith.constant 0 : i32
          %dma_wait3A_225 = arith.constant 0 : i32
          %dma_wait3A_226 = tpu.memref_slice %arg6[%dma_wait3A_224, %dma_wait3A_225] : memref<10112x128xf32, #tpu.memory_space<vmem_shared>> -> memref<10112x128xf32, #tpu.memory_space<vmem_shared>>
          %dma_wait3A_227 = tpu.memref_slice %arg12[%dma_wait3A_216] : memref<2x!tpu.dma_semaphore, #tpu.memory_space<semaphore_mem>> -> memref<1x!tpu.dma_semaphore, #tpu.memory_space<semaphore_mem>>
          %dma_wait3A_228 = tpu.memref_squeeze %dma_wait3A_227 : memref<1x!tpu.dma_semaphore, #tpu.memory_space<semaphore_mem>> -> memref<!tpu.dma_semaphore, #tpu.memory_space<semaphore_mem>>
          tpu.wait_indirect_dma semaphore(%dma_wait3A_228 : memref<!tpu.dma_semaphore, #tpu.memory_space<semaphore_mem>>) src(%dma_wait3A_220 : memref<128x128xf32, #tpu.memory_space<vmem>>) dst(%dma_wait3A_226 : memref<10112x128xf32, #tpu.memory_space<vmem_shared>>)
        } else {
        }
        %mul3A_171 = arith.constant 128 : i32
        %mul3A_172 = arith.muli %add3A_97, %mul3A_171 : i32
        %dma_wait3A_173 = arith.constant 1 : i32
        %dma_wait3A_174 = arith.constant 0 : i32
        %dma_wait3A_175 = tpu.memref_slice %arg8[%cond3A_103, %dma_wait3A_174] : memref<4x128xi32, #tpu.memory_space<vmem>> -> memref<1x128xi32, #tpu.memory_space<vmem>>
        %dma_wait3A_176 = tpu.memref_squeeze %dma_wait3A_175 : memref<1x128xi32, #tpu.memory_space<vmem>> -> memref<128xi32, #tpu.memory_space<vmem>>
        %dma_wait3A_177 = tpu.memref_slice %arg3[%mul3A_172] : memref<320000xi32, #tpu.memory_space<hbm>> -> memref<128xi32, #tpu.memory_space<hbm>>
        %dma_wait3A_178 = tpu.memref_slice %arg13[%dma_wait3A_173] : memref<4x!tpu.dma_semaphore, #tpu.memory_space<semaphore_mem>> -> memref<1x!tpu.dma_semaphore, #tpu.memory_space<semaphore_mem>>
        %dma_wait3A_179 = tpu.memref_squeeze %dma_wait3A_178 : memref<1x!tpu.dma_semaphore, #tpu.memory_space<semaphore_mem>> -> memref<!tpu.dma_semaphore, #tpu.memory_space<semaphore_mem>>
        %dma_wait3A_180 = arith.constant 0 : i32
        %dma_wait3A_181 = tpu.memref_slice %arg8[%cond3A_103, %dma_wait3A_180] : memref<4x128xi32, #tpu.memory_space<vmem>> -> memref<1x128xi32, #tpu.memory_space<vmem>>
        %dma_wait3A_182 = tpu.memref_squeeze %dma_wait3A_181 : memref<1x128xi32, #tpu.memory_space<vmem>> -> memref<128xi32, #tpu.memory_space<vmem>>
        %dma_wait3A_183 = tpu.memref_slice %arg3[%mul3A_172] : memref<320000xi32, #tpu.memory_space<hbm>> -> memref<128xi32, #tpu.memory_space<hbm>>
        tpu.wait_dma2 semaphore(%dma_wait3A_179 : memref<!tpu.dma_semaphore, #tpu.memory_space<semaphore_mem>>) src(%dma_wait3A_183 : memref<128xi32, #tpu.memory_space<hbm>>) dst(%dma_wait3A_182 : memref<128xi32, #tpu.memory_space<vmem>>)
        %mul3A_184 = arith.constant 128 : i32
        %mul3A_185 = arith.muli %add3A_97, %mul3A_184 : i32
        %dma_wait3A_186 = arith.constant 1 : i32
        %dma_wait3A_187 = arith.constant 0 : i32
        %dma_wait3A_188 = tpu.memref_slice %arg9[%cond3A_102, %dma_wait3A_187] : memref<4x128xi32, #tpu.memory_space<vmem>> -> memref<1x128xi32, #tpu.memory_space<vmem>>
        %dma_wait3A_189 = tpu.memref_squeeze %dma_wait3A_188 : memref<1x128xi32, #tpu.memory_space<vmem>> -> memref<128xi32, #tpu.memory_space<vmem>>
        %dma_wait3A_190 = tpu.memref_slice %arg4[%mul3A_185] : memref<320000xi32, #tpu.memory_space<hbm>> -> memref<128xi32, #tpu.memory_space<hbm>>
        %dma_wait3A_191 = tpu.memref_slice %arg13[%dma_wait3A_186] : memref<4x!tpu.dma_semaphore, #tpu.memory_space<semaphore_mem>> -> memref<1x!tpu.dma_semaphore, #tpu.memory_space<semaphore_mem>>
        %dma_wait3A_192 = tpu.memref_squeeze %dma_wait3A_191 : memref<1x!tpu.dma_semaphore, #tpu.memory_space<semaphore_mem>> -> memref<!tpu.dma_semaphore, #tpu.memory_space<semaphore_mem>>
        %dma_wait3A_193 = arith.constant 0 : i32
        %dma_wait3A_194 = tpu.memref_slice %arg9[%cond3A_102, %dma_wait3A_193] : memref<4x128xi32, #tpu.memory_space<vmem>> -> memref<1x128xi32, #tpu.memory_space<vmem>>
        %dma_wait3A_195 = tpu.memref_squeeze %dma_wait3A_194 : memref<1x128xi32, #tpu.memory_space<vmem>> -> memref<128xi32, #tpu.memory_space<vmem>>
        %dma_wait3A_196 = tpu.memref_slice %arg4[%mul3A_185] : memref<320000xi32, #tpu.memory_space<hbm>> -> memref<128xi32, #tpu.memory_space<hbm>>
        tpu.wait_dma2 semaphore(%dma_wait3A_192 : memref<!tpu.dma_semaphore, #tpu.memory_space<semaphore_mem>>) src(%dma_wait3A_196 : memref<128xi32, #tpu.memory_space<hbm>>) dst(%dma_wait3A_195 : memref<128xi32, #tpu.memory_space<vmem>>)
        %dma_start3A = arith.constant 1 : i32
        %dma_start3A_197 = arith.constant 0 : i32
        %dma_start3A_198 = arith.constant 0 : i32
        %dma_start3A_199 = tpu.memref_slice %arg7[%cond3A_101, %dma_start3A_197, %dma_start3A_198] : memref<2x128x128xf32, #tpu.memory_space<vmem>> -> memref<1x128x128xf32, #tpu.memory_space<vmem>>
        %dma_start3A_200 = tpu.memref_squeeze %dma_start3A_199 : memref<1x128x128xf32, #tpu.memory_space<vmem>> -> memref<128x128xf32, #tpu.memory_space<vmem>>
        %dma_start3A_201 = arith.constant 0 : i32
        %dma_start3A_202 = tpu.memref_slice %arg8[%cond3A_103, %dma_start3A_201] : memref<4x128xi32, #tpu.memory_space<vmem>> -> memref<1x128xi32, #tpu.memory_space<vmem>>
        %dma_start3A_203 = tpu.memref_squeeze %dma_start3A_202 : memref<1x128xi32, #tpu.memory_space<vmem>> -> memref<128xi32, #tpu.memory_space<vmem>>
        %dma_start3A_204 = arith.constant 0 : i32
        %dma_start3A_205 = arith.constant 0 : i32
        %dma_start3A_206 = tpu.memref_slice %arg2[%dma_start3A_204, %dma_start3A_205] : memref<10000x128xf32, #tpu.memory_space<hbm>> -> memref<10000x128xf32, #tpu.memory_space<hbm>>
        %dma_start3A_207 = tpu.memref_slice %arg11[%dma_start3A] : memref<2x!tpu.dma_semaphore, #tpu.memory_space<semaphore_mem>> -> memref<1x!tpu.dma_semaphore, #tpu.memory_space<semaphore_mem>>
        %dma_start3A_208 = tpu.memref_squeeze %dma_start3A_207 : memref<1x!tpu.dma_semaphore, #tpu.memory_space<semaphore_mem>> -> memref<!tpu.dma_semaphore, #tpu.memory_space<semaphore_mem>>
        tpu.enqueue_indirect_dma source(%dma_start3A_206 : memref<10000x128xf32, #tpu.memory_space<hbm>>) target(%dma_start3A_200 : memref<128x128xf32, #tpu.memory_space<vmem>>) offsets(%dma_start3A_203 : memref<128xi32, #tpu.memory_space<vmem>>) semaphore(%dma_start3A_208 : memref<!tpu.dma_semaphore, #tpu.memory_space<semaphore_mem>>)
        %add3A_209 = arith.constant 64 : i32
        %add3A_210 = arith.addi %add3A_97, %add3A_209 : i32
        %lt3A_211 = arith.constant 2500 : i32
        %lt3A_212 = arith.cmpi slt, %add3A_210, %lt3A_211 : i32
        %convert_element_type3A_213 = arith.extui %lt3A_212 : i1 to i32
        %cond3A_214 = arith.constant 0 : i32
        %cond3A_215 = arith.cmpi ne, %convert_element_type3A_213, %cond3A_214 : i32
        scf.if %cond3A_215 {
          %add3A_216 = arith.constant 64 : i32
          %add3A_217 = arith.addi %add3A_97, %add3A_216 : i32
          %mul3A_218 = arith.constant 128 : i32
          %mul3A_219 = arith.muli %add3A_217, %mul3A_218 : i32
          %dma_start3A_220 = arith.constant 3 : i32
          %dma_start3A_221 = arith.constant 3 : i32
          %dma_start3A_222 = arith.constant 0 : i32
          %dma_start3A_223 = tpu.memref_slice %arg8[%dma_start3A_220, %dma_start3A_222] : memref<4x128xi32, #tpu.memory_space<vmem>> -> memref<1x128xi32, #tpu.memory_space<vmem>>
          %dma_start3A_224 = tpu.memref_squeeze %dma_start3A_223 : memref<1x128xi32, #tpu.memory_space<vmem>> -> memref<128xi32, #tpu.memory_space<vmem>>
          %dma_start3A_225 = tpu.memref_slice %arg3[%mul3A_219] : memref<320000xi32, #tpu.memory_space<hbm>> -> memref<128xi32, #tpu.memory_space<hbm>>
          %dma_start3A_226 = tpu.memref_slice %arg13[%dma_start3A_221] : memref<4x!tpu.dma_semaphore, #tpu.memory_space<semaphore_mem>> -> memref<1x!tpu.dma_semaphore, #tpu.memory_space<semaphore_mem>>
          %dma_start3A_227 = tpu.memref_squeeze %dma_start3A_226 : memref<1x!tpu.dma_semaphore, #tpu.memory_space<semaphore_mem>> -> memref<!tpu.dma_semaphore, #tpu.memory_space<semaphore_mem>>
          %dma_start3A_228 = arith.constant 0 : i32
          %dma_start3A_229 = tpu.memref_slice %arg8[%dma_start3A_220, %dma_start3A_228] : memref<4x128xi32, #tpu.memory_space<vmem>> -> memref<1x128xi32, #tpu.memory_space<vmem>>
          %dma_start3A_230 = tpu.memref_squeeze %dma_start3A_229 : memref<1x128xi32, #tpu.memory_space<vmem>> -> memref<128xi32, #tpu.memory_space<vmem>>
          %dma_start3A_231 = tpu.memref_slice %arg3[%mul3A_219] : memref<320000xi32, #tpu.memory_space<hbm>> -> memref<128xi32, #tpu.memory_space<hbm>>
          tpu.enqueue_dma source(%dma_start3A_231 : memref<128xi32, #tpu.memory_space<hbm>>) target(%dma_start3A_230 : memref<128xi32, #tpu.memory_space<vmem>>) target_semaphore(%dma_start3A_227 : memref<!tpu.dma_semaphore, #tpu.memory_space<semaphore_mem>>)
          %mul3A_232 = arith.constant 128 : i32
          %mul3A_233 = arith.muli %add3A_217, %mul3A_232 : i32
          %dma_start3A_234 = arith.constant 3 : i32
          %dma_start3A_235 = arith.constant 3 : i32
          %dma_start3A_236 = arith.constant 0 : i32
          %dma_start3A_237 = tpu.memref_slice %arg9[%dma_start3A_234, %dma_start3A_236] : memref<4x128xi32, #tpu.memory_space<vmem>> -> memref<1x128xi32, #tpu.memory_space<vmem>>
          %dma_start3A_238 = tpu.memref_squeeze %dma_start3A_237 : memref<1x128xi32, #tpu.memory_space<vmem>> -> memref<128xi32, #tpu.memory_space<vmem>>
          %dma_start3A_239 = tpu.memref_slice %arg4[%mul3A_233] : memref<320000xi32, #tpu.memory_space<hbm>> -> memref<128xi32, #tpu.memory_space<hbm>>
          %dma_start3A_240 = tpu.memref_slice %arg13[%dma_start3A_235] : memref<4x!tpu.dma_semaphore, #tpu.memory_space<semaphore_mem>> -> memref<1x!tpu.dma_semaphore, #tpu.memory_space<semaphore_mem>>
          %dma_start3A_241 = tpu.memref_squeeze %dma_start3A_240 : memref<1x!tpu.dma_semaphore, #tpu.memory_space<semaphore_mem>> -> memref<!tpu.dma_semaphore, #tpu.memory_space<semaphore_mem>>
          %dma_start3A_242 = arith.constant 0 : i32
          %dma_start3A_243 = tpu.memref_slice %arg9[%dma_start3A_234, %dma_start3A_242] : memref<4x128xi32, #tpu.memory_space<vmem>> -> memref<1x128xi32, #tpu.memory_space<vmem>>
          %dma_start3A_244 = tpu.memref_squeeze %dma_start3A_243 : memref<1x128xi32, #tpu.memory_space<vmem>> -> memref<128xi32, #tpu.memory_space<vmem>>
          %dma_start3A_245 = tpu.memref_slice %arg4[%mul3A_233] : memref<320000xi32, #tpu.memory_space<hbm>> -> memref<128xi32, #tpu.memory_space<hbm>>
          tpu.enqueue_dma source(%dma_start3A_245 : memref<128xi32, #tpu.memory_space<hbm>>) target(%dma_start3A_244 : memref<128xi32, #tpu.memory_space<vmem>>) target_semaphore(%dma_start3A_241 : memref<!tpu.dma_semaphore, #tpu.memory_space<semaphore_mem>>)
        } else {
        }
      } else {
      }
      %ge3A_106 = arith.constant 1 : i32
      %ge3A_107 = arith.cmpi sge, %add3A_94, %ge3A_106 : i32
      %sub3A_108 = arith.constant 32 : i32
      %sub3A_109 = arith.subi %add3A_97, %sub3A_108 : i32
      %lt3A_110 = arith.constant 2500 : i32
      %lt3A_111 = arith.cmpi slt, %sub3A_109, %lt3A_110 : i32
      %and3A_112 = arith.andi %ge3A_107, %lt3A_111 : i1
      %convert_element_type3A_113 = arith.extui %and3A_112 : i1 to i32
      %cond3A_114 = arith.constant 0 : i32
      %cond3A_115 = arith.cmpi ne, %convert_element_type3A_113, %cond3A_114 : i32
      scf.if %cond3A_115 {
        %sub3A_166 = arith.constant 1 : i32
        %sub3A_167 = arith.subi %add3A_94, %sub3A_166 : i32
        %jit3A = arith.constant 4 : i32
        %eq3A = arith.constant 0 : i32
        %eq3A_168 = arith.cmpi eq, %jit3A, %eq3A : i32
        %jit3A_169 = arith.constant 1 : i32
        %select_n3A = arith.select %eq3A_168, %jit3A_169, %jit3A : i32
        %rem3A = arith.remsi %sub3A_167, %select_n3A : i32
        %ne3A = arith.constant 0 : i32
        %ne3A_170 = arith.cmpi ne, %rem3A, %ne3A : i32
        %lt3A_171 = arith.constant 0 : i32
        %lt3A_172 = arith.cmpi slt, %rem3A, %lt3A_171 : i32
        %lt3A_173 = arith.constant 0 : i32
        %lt3A_174 = arith.cmpi slt, %select_n3A, %lt3A_173 : i32
        %ne3A_175 = arith.xori %lt3A_172, %lt3A_174 : i1
        %and3A_176 = arith.andi %ne3A_175, %ne3A_170 : i1
        %add3A_177 = arith.addi %rem3A, %select_n3A : i32
        %select_n3A_178 = arith.select %and3A_176, %add3A_177, %rem3A : i32
        %dma_wait3A_179 = arith.constant 0 : i32
        %dma_wait3A_180 = arith.constant 0 : i32
        %dma_wait3A_181 = arith.constant 0 : i32
        %dma_wait3A_182 = arith.constant 0 : i32
        %dma_wait3A_183 = tpu.memref_slice %arg7[%dma_wait3A_179, %dma_wait3A_181, %dma_wait3A_182] : memref<2x128x128xf32, #tpu.memory_space<vmem>> -> memref<1x128x128xf32, #tpu.memory_space<vmem>>
        %dma_wait3A_184 = tpu.memref_squeeze %dma_wait3A_183 : memref<1x128x128xf32, #tpu.memory_space<vmem>> -> memref<128x128xf32, #tpu.memory_space<vmem>>
        %dma_wait3A_185 = arith.constant 0 : i32
        %dma_wait3A_186 = tpu.memref_slice %arg8[%select_n3A_178, %dma_wait3A_185] : memref<4x128xi32, #tpu.memory_space<vmem>> -> memref<1x128xi32, #tpu.memory_space<vmem>>
        %dma_wait3A_187 = tpu.memref_squeeze %dma_wait3A_186 : memref<1x128xi32, #tpu.memory_space<vmem>> -> memref<128xi32, #tpu.memory_space<vmem>>
        %dma_wait3A_188 = arith.constant 0 : i32
        %dma_wait3A_189 = arith.constant 0 : i32
        %dma_wait3A_190 = tpu.memref_slice %arg2[%dma_wait3A_188, %dma_wait3A_189] : memref<10000x128xf32, #tpu.memory_space<hbm>> -> memref<10000x128xf32, #tpu.memory_space<hbm>>
        %dma_wait3A_191 = tpu.memref_slice %arg11[%dma_wait3A_180] : memref<2x!tpu.dma_semaphore, #tpu.memory_space<semaphore_mem>> -> memref<1x!tpu.dma_semaphore, #tpu.memory_space<semaphore_mem>>
        %dma_wait3A_192 = tpu.memref_squeeze %dma_wait3A_191 : memref<1x!tpu.dma_semaphore, #tpu.memory_space<semaphore_mem>> -> memref<!tpu.dma_semaphore, #tpu.memory_space<semaphore_mem>>
        tpu.wait_indirect_dma semaphore(%dma_wait3A_192 : memref<!tpu.dma_semaphore, #tpu.memory_space<semaphore_mem>>) src(%dma_wait3A_190 : memref<10000x128xf32, #tpu.memory_space<hbm>>) dst(%dma_wait3A_184 : memref<128x128xf32, #tpu.memory_space<vmem>>)
        %dma_start3A = arith.constant 0 : i32
        %dma_start3A_193 = arith.constant 0 : i32
        %dma_start3A_194 = arith.constant 0 : i32
        %dma_start3A_195 = arith.constant 0 : i32
        %dma_start3A_196 = tpu.memref_slice %arg7[%dma_start3A, %dma_start3A_194, %dma_start3A_195] : memref<2x128x128xf32, #tpu.memory_space<vmem>> -> memref<1x128x128xf32, #tpu.memory_space<vmem>>
        %dma_start3A_197 = tpu.memref_squeeze %dma_start3A_196 : memref<1x128x128xf32, #tpu.memory_space<vmem>> -> memref<128x128xf32, #tpu.memory_space<vmem>>
        %dma_start3A_198 = arith.constant 0 : i32
        %dma_start3A_199 = tpu.memref_slice %arg9[%select_n3A_178, %dma_start3A_198] : memref<4x128xi32, #tpu.memory_space<vmem>> -> memref<1x128xi32, #tpu.memory_space<vmem>>
        %dma_start3A_200 = tpu.memref_squeeze %dma_start3A_199 : memref<1x128xi32, #tpu.memory_space<vmem>> -> memref<128xi32, #tpu.memory_space<vmem>>
        %dma_start3A_201 = arith.constant 0 : i32
        %dma_start3A_202 = arith.constant 0 : i32
        %dma_start3A_203 = tpu.memref_slice %arg6[%dma_start3A_201, %dma_start3A_202] : memref<10112x128xf32, #tpu.memory_space<vmem_shared>> -> memref<10112x128xf32, #tpu.memory_space<vmem_shared>>
        %dma_start3A_204 = tpu.memref_slice %arg12[%dma_start3A_193] : memref<2x!tpu.dma_semaphore, #tpu.memory_space<semaphore_mem>> -> memref<1x!tpu.dma_semaphore, #tpu.memory_space<semaphore_mem>>
        %dma_start3A_205 = tpu.memref_squeeze %dma_start3A_204 : memref<1x!tpu.dma_semaphore, #tpu.memory_space<semaphore_mem>> -> memref<!tpu.dma_semaphore, #tpu.memory_space<semaphore_mem>>
        tpu.enqueue_indirect_dma source(%dma_start3A_197 : memref<128x128xf32, #tpu.memory_space<vmem>>) target(%dma_start3A_203 : memref<10112x128xf32, #tpu.memory_space<vmem_shared>>) offsets(%dma_start3A_200 : memref<128xi32, #tpu.memory_space<vmem>>) semaphore(%dma_start3A_205 : memref<!tpu.dma_semaphore, #tpu.memory_space<semaphore_mem>>) {add = true}
      } else {
      }
      %mul3A_116 = arith.constant 4 : i32
      %mul3A_117 = arith.muli %mul3A_116, %add3A_68 : i32
      %add3A_118 = arith.constant 2 : i32
      %add3A_119 = arith.addi %mul3A_117, %add3A_118 : i32
      %mul3A_120 = arith.constant 32 : i32
      %mul3A_121 = arith.muli %add3A_119, %mul3A_120 : i32
      %add3A_122 = arith.addi %add3A, %mul3A_121 : i32
      %lt3A_123 = arith.constant 2500 : i32
      %lt3A_124 = arith.cmpi slt, %add3A_122, %lt3A_123 : i32
      %convert_element_type3A_125 = arith.extui %lt3A_124 : i1 to i32
      %cond3A_126 = arith.constant 0 : i32
      %cond3A_127 = arith.constant 2 : i32
      %cond3A_128 = arith.constant 2 : i32
      %cond3A_129 = arith.constant 0 : i32
      %cond3A_130 = arith.cmpi ne, %convert_element_type3A_125, %cond3A_129 : i32
      scf.if %cond3A_130 {
        %ge3A_166 = arith.constant 2 : i32
        %ge3A_167 = arith.cmpi sge, %add3A_119, %ge3A_166 : i32
        %convert_element_type3A_168 = arith.extui %ge3A_167 : i1 to i32
        %cond3A_169 = arith.constant 0 : i32
        %cond3A_170 = arith.cmpi ne, %convert_element_type3A_168, %cond3A_169 : i32
        scf.if %cond3A_170 {
          %dma_wait3A_216 = arith.constant 0 : i32
          %dma_wait3A_217 = arith.constant 0 : i32
          %dma_wait3A_218 = arith.constant 0 : i32
          %dma_wait3A_219 = tpu.memref_slice %arg7[%cond3A_126, %dma_wait3A_217, %dma_wait3A_218] : memref<2x128x128xf32, #tpu.memory_space<vmem>> -> memref<1x128x128xf32, #tpu.memory_space<vmem>>
          %dma_wait3A_220 = tpu.memref_squeeze %dma_wait3A_219 : memref<1x128x128xf32, #tpu.memory_space<vmem>> -> memref<128x128xf32, #tpu.memory_space<vmem>>
          %dma_wait3A_221 = arith.constant 0 : i32
          %dma_wait3A_222 = tpu.memref_slice %arg9[%cond3A_127, %dma_wait3A_221] : memref<4x128xi32, #tpu.memory_space<vmem>> -> memref<1x128xi32, #tpu.memory_space<vmem>>
          %dma_wait3A_223 = tpu.memref_squeeze %dma_wait3A_222 : memref<1x128xi32, #tpu.memory_space<vmem>> -> memref<128xi32, #tpu.memory_space<vmem>>
          %dma_wait3A_224 = arith.constant 0 : i32
          %dma_wait3A_225 = arith.constant 0 : i32
          %dma_wait3A_226 = tpu.memref_slice %arg6[%dma_wait3A_224, %dma_wait3A_225] : memref<10112x128xf32, #tpu.memory_space<vmem_shared>> -> memref<10112x128xf32, #tpu.memory_space<vmem_shared>>
          %dma_wait3A_227 = tpu.memref_slice %arg12[%dma_wait3A_216] : memref<2x!tpu.dma_semaphore, #tpu.memory_space<semaphore_mem>> -> memref<1x!tpu.dma_semaphore, #tpu.memory_space<semaphore_mem>>
          %dma_wait3A_228 = tpu.memref_squeeze %dma_wait3A_227 : memref<1x!tpu.dma_semaphore, #tpu.memory_space<semaphore_mem>> -> memref<!tpu.dma_semaphore, #tpu.memory_space<semaphore_mem>>
          tpu.wait_indirect_dma semaphore(%dma_wait3A_228 : memref<!tpu.dma_semaphore, #tpu.memory_space<semaphore_mem>>) src(%dma_wait3A_220 : memref<128x128xf32, #tpu.memory_space<vmem>>) dst(%dma_wait3A_226 : memref<10112x128xf32, #tpu.memory_space<vmem_shared>>)
        } else {
        }
        %mul3A_171 = arith.constant 128 : i32
        %mul3A_172 = arith.muli %add3A_122, %mul3A_171 : i32
        %dma_wait3A_173 = arith.constant 2 : i32
        %dma_wait3A_174 = arith.constant 0 : i32
        %dma_wait3A_175 = tpu.memref_slice %arg8[%cond3A_128, %dma_wait3A_174] : memref<4x128xi32, #tpu.memory_space<vmem>> -> memref<1x128xi32, #tpu.memory_space<vmem>>
        %dma_wait3A_176 = tpu.memref_squeeze %dma_wait3A_175 : memref<1x128xi32, #tpu.memory_space<vmem>> -> memref<128xi32, #tpu.memory_space<vmem>>
        %dma_wait3A_177 = tpu.memref_slice %arg3[%mul3A_172] : memref<320000xi32, #tpu.memory_space<hbm>> -> memref<128xi32, #tpu.memory_space<hbm>>
        %dma_wait3A_178 = tpu.memref_slice %arg13[%dma_wait3A_173] : memref<4x!tpu.dma_semaphore, #tpu.memory_space<semaphore_mem>> -> memref<1x!tpu.dma_semaphore, #tpu.memory_space<semaphore_mem>>
        %dma_wait3A_179 = tpu.memref_squeeze %dma_wait3A_178 : memref<1x!tpu.dma_semaphore, #tpu.memory_space<semaphore_mem>> -> memref<!tpu.dma_semaphore, #tpu.memory_space<semaphore_mem>>
        %dma_wait3A_180 = arith.constant 0 : i32
        %dma_wait3A_181 = tpu.memref_slice %arg8[%cond3A_128, %dma_wait3A_180] : memref<4x128xi32, #tpu.memory_space<vmem>> -> memref<1x128xi32, #tpu.memory_space<vmem>>
        %dma_wait3A_182 = tpu.memref_squeeze %dma_wait3A_181 : memref<1x128xi32, #tpu.memory_space<vmem>> -> memref<128xi32, #tpu.memory_space<vmem>>
        %dma_wait3A_183 = tpu.memref_slice %arg3[%mul3A_172] : memref<320000xi32, #tpu.memory_space<hbm>> -> memref<128xi32, #tpu.memory_space<hbm>>
        tpu.wait_dma2 semaphore(%dma_wait3A_179 : memref<!tpu.dma_semaphore, #tpu.memory_space<semaphore_mem>>) src(%dma_wait3A_183 : memref<128xi32, #tpu.memory_space<hbm>>) dst(%dma_wait3A_182 : memref<128xi32, #tpu.memory_space<vmem>>)
        %mul3A_184 = arith.constant 128 : i32
        %mul3A_185 = arith.muli %add3A_122, %mul3A_184 : i32
        %dma_wait3A_186 = arith.constant 2 : i32
        %dma_wait3A_187 = arith.constant 0 : i32
        %dma_wait3A_188 = tpu.memref_slice %arg9[%cond3A_127, %dma_wait3A_187] : memref<4x128xi32, #tpu.memory_space<vmem>> -> memref<1x128xi32, #tpu.memory_space<vmem>>
        %dma_wait3A_189 = tpu.memref_squeeze %dma_wait3A_188 : memref<1x128xi32, #tpu.memory_space<vmem>> -> memref<128xi32, #tpu.memory_space<vmem>>
        %dma_wait3A_190 = tpu.memref_slice %arg4[%mul3A_185] : memref<320000xi32, #tpu.memory_space<hbm>> -> memref<128xi32, #tpu.memory_space<hbm>>
        %dma_wait3A_191 = tpu.memref_slice %arg13[%dma_wait3A_186] : memref<4x!tpu.dma_semaphore, #tpu.memory_space<semaphore_mem>> -> memref<1x!tpu.dma_semaphore, #tpu.memory_space<semaphore_mem>>
        %dma_wait3A_192 = tpu.memref_squeeze %dma_wait3A_191 : memref<1x!tpu.dma_semaphore, #tpu.memory_space<semaphore_mem>> -> memref<!tpu.dma_semaphore, #tpu.memory_space<semaphore_mem>>
        %dma_wait3A_193 = arith.constant 0 : i32
        %dma_wait3A_194 = tpu.memref_slice %arg9[%cond3A_127, %dma_wait3A_193] : memref<4x128xi32, #tpu.memory_space<vmem>> -> memref<1x128xi32, #tpu.memory_space<vmem>>
        %dma_wait3A_195 = tpu.memref_squeeze %dma_wait3A_194 : memref<1x128xi32, #tpu.memory_space<vmem>> -> memref<128xi32, #tpu.memory_space<vmem>>
        %dma_wait3A_196 = tpu.memref_slice %arg4[%mul3A_185] : memref<320000xi32, #tpu.memory_space<hbm>> -> memref<128xi32, #tpu.memory_space<hbm>>
        tpu.wait_dma2 semaphore(%dma_wait3A_192 : memref<!tpu.dma_semaphore, #tpu.memory_space<semaphore_mem>>) src(%dma_wait3A_196 : memref<128xi32, #tpu.memory_space<hbm>>) dst(%dma_wait3A_195 : memref<128xi32, #tpu.memory_space<vmem>>)
        %dma_start3A = arith.constant 0 : i32
        %dma_start3A_197 = arith.constant 0 : i32
        %dma_start3A_198 = arith.constant 0 : i32
        %dma_start3A_199 = tpu.memref_slice %arg7[%cond3A_126, %dma_start3A_197, %dma_start3A_198] : memref<2x128x128xf32, #tpu.memory_space<vmem>> -> memref<1x128x128xf32, #tpu.memory_space<vmem>>
        %dma_start3A_200 = tpu.memref_squeeze %dma_start3A_199 : memref<1x128x128xf32, #tpu.memory_space<vmem>> -> memref<128x128xf32, #tpu.memory_space<vmem>>
        %dma_start3A_201 = arith.constant 0 : i32
        %dma_start3A_202 = tpu.memref_slice %arg8[%cond3A_128, %dma_start3A_201] : memref<4x128xi32, #tpu.memory_space<vmem>> -> memref<1x128xi32, #tpu.memory_space<vmem>>
        %dma_start3A_203 = tpu.memref_squeeze %dma_start3A_202 : memref<1x128xi32, #tpu.memory_space<vmem>> -> memref<128xi32, #tpu.memory_space<vmem>>
        %dma_start3A_204 = arith.constant 0 : i32
        %dma_start3A_205 = arith.constant 0 : i32
        %dma_start3A_206 = tpu.memref_slice %arg2[%dma_start3A_204, %dma_start3A_205] : memref<10000x128xf32, #tpu.memory_space<hbm>> -> memref<10000x128xf32, #tpu.memory_space<hbm>>
        %dma_start3A_207 = tpu.memref_slice %arg11[%dma_start3A] : memref<2x!tpu.dma_semaphore, #tpu.memory_space<semaphore_mem>> -> memref<1x!tpu.dma_semaphore, #tpu.memory_space<semaphore_mem>>
        %dma_start3A_208 = tpu.memref_squeeze %dma_start3A_207 : memref<1x!tpu.dma_semaphore, #tpu.memory_space<semaphore_mem>> -> memref<!tpu.dma_semaphore, #tpu.memory_space<semaphore_mem>>
        tpu.enqueue_indirect_dma source(%dma_start3A_206 : memref<10000x128xf32, #tpu.memory_space<hbm>>) target(%dma_start3A_200 : memref<128x128xf32, #tpu.memory_space<vmem>>) offsets(%dma_start3A_203 : memref<128xi32, #tpu.memory_space<vmem>>) semaphore(%dma_start3A_208 : memref<!tpu.dma_semaphore, #tpu.memory_space<semaphore_mem>>)
        %add3A_209 = arith.constant 64 : i32
        %add3A_210 = arith.addi %add3A_122, %add3A_209 : i32
        %lt3A_211 = arith.constant 2500 : i32
        %lt3A_212 = arith.cmpi slt, %add3A_210, %lt3A_211 : i32
        %convert_element_type3A_213 = arith.extui %lt3A_212 : i1 to i32
        %cond3A_214 = arith.constant 0 : i32
        %cond3A_215 = arith.cmpi ne, %convert_element_type3A_213, %cond3A_214 : i32
        scf.if %cond3A_215 {
          %add3A_216 = arith.constant 64 : i32
          %add3A_217 = arith.addi %add3A_122, %add3A_216 : i32
          %mul3A_218 = arith.constant 128 : i32
          %mul3A_219 = arith.muli %add3A_217, %mul3A_218 : i32
          %dma_start3A_220 = arith.constant 0 : i32
          %dma_start3A_221 = arith.constant 0 : i32
          %dma_start3A_222 = arith.constant 0 : i32
          %dma_start3A_223 = tpu.memref_slice %arg8[%dma_start3A_220, %dma_start3A_222] : memref<4x128xi32, #tpu.memory_space<vmem>> -> memref<1x128xi32, #tpu.memory_space<vmem>>
          %dma_start3A_224 = tpu.memref_squeeze %dma_start3A_223 : memref<1x128xi32, #tpu.memory_space<vmem>> -> memref<128xi32, #tpu.memory_space<vmem>>
          %dma_start3A_225 = tpu.memref_slice %arg3[%mul3A_219] : memref<320000xi32, #tpu.memory_space<hbm>> -> memref<128xi32, #tpu.memory_space<hbm>>
          %dma_start3A_226 = tpu.memref_slice %arg13[%dma_start3A_221] : memref<4x!tpu.dma_semaphore, #tpu.memory_space<semaphore_mem>> -> memref<1x!tpu.dma_semaphore, #tpu.memory_space<semaphore_mem>>
          %dma_start3A_227 = tpu.memref_squeeze %dma_start3A_226 : memref<1x!tpu.dma_semaphore, #tpu.memory_space<semaphore_mem>> -> memref<!tpu.dma_semaphore, #tpu.memory_space<semaphore_mem>>
          %dma_start3A_228 = arith.constant 0 : i32
          %dma_start3A_229 = tpu.memref_slice %arg8[%dma_start3A_220, %dma_start3A_228] : memref<4x128xi32, #tpu.memory_space<vmem>> -> memref<1x128xi32, #tpu.memory_space<vmem>>
          %dma_start3A_230 = tpu.memref_squeeze %dma_start3A_229 : memref<1x128xi32, #tpu.memory_space<vmem>> -> memref<128xi32, #tpu.memory_space<vmem>>
          %dma_start3A_231 = tpu.memref_slice %arg3[%mul3A_219] : memref<320000xi32, #tpu.memory_space<hbm>> -> memref<128xi32, #tpu.memory_space<hbm>>
          tpu.enqueue_dma source(%dma_start3A_231 : memref<128xi32, #tpu.memory_space<hbm>>) target(%dma_start3A_230 : memref<128xi32, #tpu.memory_space<vmem>>) target_semaphore(%dma_start3A_227 : memref<!tpu.dma_semaphore, #tpu.memory_space<semaphore_mem>>)
          %mul3A_232 = arith.constant 128 : i32
          %mul3A_233 = arith.muli %add3A_217, %mul3A_232 : i32
          %dma_start3A_234 = arith.constant 0 : i32
          %dma_start3A_235 = arith.constant 0 : i32
          %dma_start3A_236 = arith.constant 0 : i32
          %dma_start3A_237 = tpu.memref_slice %arg9[%dma_start3A_234, %dma_start3A_236] : memref<4x128xi32, #tpu.memory_space<vmem>> -> memref<1x128xi32, #tpu.memory_space<vmem>>
          %dma_start3A_238 = tpu.memref_squeeze %dma_start3A_237 : memref<1x128xi32, #tpu.memory_space<vmem>> -> memref<128xi32, #tpu.memory_space<vmem>>
          %dma_start3A_239 = tpu.memref_slice %arg4[%mul3A_233] : memref<320000xi32, #tpu.memory_space<hbm>> -> memref<128xi32, #tpu.memory_space<hbm>>
          %dma_start3A_240 = tpu.memref_slice %arg13[%dma_start3A_235] : memref<4x!tpu.dma_semaphore, #tpu.memory_space<semaphore_mem>> -> memref<1x!tpu.dma_semaphore, #tpu.memory_space<semaphore_mem>>
          %dma_start3A_241 = tpu.memref_squeeze %dma_start3A_240 : memref<1x!tpu.dma_semaphore, #tpu.memory_space<semaphore_mem>> -> memref<!tpu.dma_semaphore, #tpu.memory_space<semaphore_mem>>
          %dma_start3A_242 = arith.constant 0 : i32
          %dma_start3A_243 = tpu.memref_slice %arg9[%dma_start3A_234, %dma_start3A_242] : memref<4x128xi32, #tpu.memory_space<vmem>> -> memref<1x128xi32, #tpu.memory_space<vmem>>
          %dma_start3A_244 = tpu.memref_squeeze %dma_start3A_243 : memref<1x128xi32, #tpu.memory_space<vmem>> -> memref<128xi32, #tpu.memory_space<vmem>>
          %dma_start3A_245 = tpu.memref_slice %arg4[%mul3A_233] : memref<320000xi32, #tpu.memory_space<hbm>> -> memref<128xi32, #tpu.memory_space<hbm>>
          tpu.enqueue_dma source(%dma_start3A_245 : memref<128xi32, #tpu.memory_space<hbm>>) target(%dma_start3A_244 : memref<128xi32, #tpu.memory_space<vmem>>) target_semaphore(%dma_start3A_241 : memref<!tpu.dma_semaphore, #tpu.memory_space<semaphore_mem>>)
        } else {
        }
      } else {
      }
      %ge3A_131 = arith.constant 1 : i32
      %ge3A_132 = arith.cmpi sge, %add3A_119, %ge3A_131 : i32
      %sub3A_133 = arith.constant 32 : i32
      %sub3A_134 = arith.subi %add3A_122, %sub3A_133 : i32
      %lt3A_135 = arith.constant 2500 : i32
      %lt3A_136 = arith.cmpi slt, %sub3A_134, %lt3A_135 : i32
      %and3A_137 = arith.andi %ge3A_132, %lt3A_136 : i1
      %convert_element_type3A_138 = arith.extui %and3A_137 : i1 to i32
      %cond3A_139 = arith.constant 0 : i32
      %cond3A_140 = arith.cmpi ne, %convert_element_type3A_138, %cond3A_139 : i32
      scf.if %cond3A_140 {
        %sub3A_166 = arith.constant 1 : i32
        %sub3A_167 = arith.subi %add3A_119, %sub3A_166 : i32
        %jit3A = arith.constant 4 : i32
        %eq3A = arith.constant 0 : i32
        %eq3A_168 = arith.cmpi eq, %jit3A, %eq3A : i32
        %jit3A_169 = arith.constant 1 : i32
        %select_n3A = arith.select %eq3A_168, %jit3A_169, %jit3A : i32
        %rem3A = arith.remsi %sub3A_167, %select_n3A : i32
        %ne3A = arith.constant 0 : i32
        %ne3A_170 = arith.cmpi ne, %rem3A, %ne3A : i32
        %lt3A_171 = arith.constant 0 : i32
        %lt3A_172 = arith.cmpi slt, %rem3A, %lt3A_171 : i32
        %lt3A_173 = arith.constant 0 : i32
        %lt3A_174 = arith.cmpi slt, %select_n3A, %lt3A_173 : i32
        %ne3A_175 = arith.xori %lt3A_172, %lt3A_174 : i1
        %and3A_176 = arith.andi %ne3A_175, %ne3A_170 : i1
        %add3A_177 = arith.addi %rem3A, %select_n3A : i32
        %select_n3A_178 = arith.select %and3A_176, %add3A_177, %rem3A : i32
        %dma_wait3A_179 = arith.constant 1 : i32
        %dma_wait3A_180 = arith.constant 1 : i32
        %dma_wait3A_181 = arith.constant 0 : i32
        %dma_wait3A_182 = arith.constant 0 : i32
        %dma_wait3A_183 = tpu.memref_slice %arg7[%dma_wait3A_179, %dma_wait3A_181, %dma_wait3A_182] : memref<2x128x128xf32, #tpu.memory_space<vmem>> -> memref<1x128x128xf32, #tpu.memory_space<vmem>>
        %dma_wait3A_184 = tpu.memref_squeeze %dma_wait3A_183 : memref<1x128x128xf32, #tpu.memory_space<vmem>> -> memref<128x128xf32, #tpu.memory_space<vmem>>
        %dma_wait3A_185 = arith.constant 0 : i32
        %dma_wait3A_186 = tpu.memref_slice %arg8[%select_n3A_178, %dma_wait3A_185] : memref<4x128xi32, #tpu.memory_space<vmem>> -> memref<1x128xi32, #tpu.memory_space<vmem>>
        %dma_wait3A_187 = tpu.memref_squeeze %dma_wait3A_186 : memref<1x128xi32, #tpu.memory_space<vmem>> -> memref<128xi32, #tpu.memory_space<vmem>>
        %dma_wait3A_188 = arith.constant 0 : i32
        %dma_wait3A_189 = arith.constant 0 : i32
        %dma_wait3A_190 = tpu.memref_slice %arg2[%dma_wait3A_188, %dma_wait3A_189] : memref<10000x128xf32, #tpu.memory_space<hbm>> -> memref<10000x128xf32, #tpu.memory_space<hbm>>
        %dma_wait3A_191 = tpu.memref_slice %arg11[%dma_wait3A_180] : memref<2x!tpu.dma_semaphore, #tpu.memory_space<semaphore_mem>> -> memref<1x!tpu.dma_semaphore, #tpu.memory_space<semaphore_mem>>
        %dma_wait3A_192 = tpu.memref_squeeze %dma_wait3A_191 : memref<1x!tpu.dma_semaphore, #tpu.memory_space<semaphore_mem>> -> memref<!tpu.dma_semaphore, #tpu.memory_space<semaphore_mem>>
        tpu.wait_indirect_dma semaphore(%dma_wait3A_192 : memref<!tpu.dma_semaphore, #tpu.memory_space<semaphore_mem>>) src(%dma_wait3A_190 : memref<10000x128xf32, #tpu.memory_space<hbm>>) dst(%dma_wait3A_184 : memref<128x128xf32, #tpu.memory_space<vmem>>)
        %dma_start3A = arith.constant 1 : i32
        %dma_start3A_193 = arith.constant 1 : i32
        %dma_start3A_194 = arith.constant 0 : i32
        %dma_start3A_195 = arith.constant 0 : i32
        %dma_start3A_196 = tpu.memref_slice %arg7[%dma_start3A, %dma_start3A_194, %dma_start3A_195] : memref<2x128x128xf32, #tpu.memory_space<vmem>> -> memref<1x128x128xf32, #tpu.memory_space<vmem>>
        %dma_start3A_197 = tpu.memref_squeeze %dma_start3A_196 : memref<1x128x128xf32, #tpu.memory_space<vmem>> -> memref<128x128xf32, #tpu.memory_space<vmem>>
        %dma_start3A_198 = arith.constant 0 : i32
        %dma_start3A_199 = tpu.memref_slice %arg9[%select_n3A_178, %dma_start3A_198] : memref<4x128xi32, #tpu.memory_space<vmem>> -> memref<1x128xi32, #tpu.memory_space<vmem>>
        %dma_start3A_200 = tpu.memref_squeeze %dma_start3A_199 : memref<1x128xi32, #tpu.memory_space<vmem>> -> memref<128xi32, #tpu.memory_space<vmem>>
        %dma_start3A_201 = arith.constant 0 : i32
        %dma_start3A_202 = arith.constant 0 : i32
        %dma_start3A_203 = tpu.memref_slice %arg6[%dma_start3A_201, %dma_start3A_202] : memref<10112x128xf32, #tpu.memory_space<vmem_shared>> -> memref<10112x128xf32, #tpu.memory_space<vmem_shared>>
        %dma_start3A_204 = tpu.memref_slice %arg12[%dma_start3A_193] : memref<2x!tpu.dma_semaphore, #tpu.memory_space<semaphore_mem>> -> memref<1x!tpu.dma_semaphore, #tpu.memory_space<semaphore_mem>>
        %dma_start3A_205 = tpu.memref_squeeze %dma_start3A_204 : memref<1x!tpu.dma_semaphore, #tpu.memory_space<semaphore_mem>> -> memref<!tpu.dma_semaphore, #tpu.memory_space<semaphore_mem>>
        tpu.enqueue_indirect_dma source(%dma_start3A_197 : memref<128x128xf32, #tpu.memory_space<vmem>>) target(%dma_start3A_203 : memref<10112x128xf32, #tpu.memory_space<vmem_shared>>) offsets(%dma_start3A_200 : memref<128xi32, #tpu.memory_space<vmem>>) semaphore(%dma_start3A_205 : memref<!tpu.dma_semaphore, #tpu.memory_space<semaphore_mem>>) {add = true}
      } else {
      }
      %mul3A_141 = arith.constant 4 : i32
      %mul3A_142 = arith.muli %mul3A_141, %add3A_68 : i32
      %add3A_143 = arith.constant 3 : i32
      %add3A_144 = arith.addi %mul3A_142, %add3A_143 : i32
      %mul3A_145 = arith.constant 32 : i32
      %mul3A_146 = arith.muli %add3A_144, %mul3A_145 : i32
      %add3A_147 = arith.addi %add3A, %mul3A_146 : i32
      %lt3A_148 = arith.constant 2500 : i32
      %lt3A_149 = arith.cmpi slt, %add3A_147, %lt3A_148 : i32
      %convert_element_type3A_150 = arith.extui %lt3A_149 : i1 to i32
      %cond3A_151 = arith.constant 1 : i32
      %cond3A_152 = arith.constant 3 : i32
      %cond3A_153 = arith.constant 3 : i32
      %cond3A_154 = arith.constant 0 : i32
      %cond3A_155 = arith.cmpi ne, %convert_element_type3A_150, %cond3A_154 : i32
      scf.if %cond3A_155 {
        %ge3A_166 = arith.constant 2 : i32
        %ge3A_167 = arith.cmpi sge, %add3A_144, %ge3A_166 : i32
        %convert_element_type3A_168 = arith.extui %ge3A_167 : i1 to i32
        %cond3A_169 = arith.constant 0 : i32
        %cond3A_170 = arith.cmpi ne, %convert_element_type3A_168, %cond3A_169 : i32
        scf.if %cond3A_170 {
          %dma_wait3A_216 = arith.constant 1 : i32
          %dma_wait3A_217 = arith.constant 0 : i32
          %dma_wait3A_218 = arith.constant 0 : i32
          %dma_wait3A_219 = tpu.memref_slice %arg7[%cond3A_151, %dma_wait3A_217, %dma_wait3A_218] : memref<2x128x128xf32, #tpu.memory_space<vmem>> -> memref<1x128x128xf32, #tpu.memory_space<vmem>>
          %dma_wait3A_220 = tpu.memref_squeeze %dma_wait3A_219 : memref<1x128x128xf32, #tpu.memory_space<vmem>> -> memref<128x128xf32, #tpu.memory_space<vmem>>
          %dma_wait3A_221 = arith.constant 0 : i32
          %dma_wait3A_222 = tpu.memref_slice %arg9[%cond3A_152, %dma_wait3A_221] : memref<4x128xi32, #tpu.memory_space<vmem>> -> memref<1x128xi32, #tpu.memory_space<vmem>>
          %dma_wait3A_223 = tpu.memref_squeeze %dma_wait3A_222 : memref<1x128xi32, #tpu.memory_space<vmem>> -> memref<128xi32, #tpu.memory_space<vmem>>
          %dma_wait3A_224 = arith.constant 0 : i32
          %dma_wait3A_225 = arith.constant 0 : i32
          %dma_wait3A_226 = tpu.memref_slice %arg6[%dma_wait3A_224, %dma_wait3A_225] : memref<10112x128xf32, #tpu.memory_space<vmem_shared>> -> memref<10112x128xf32, #tpu.memory_space<vmem_shared>>
          %dma_wait3A_227 = tpu.memref_slice %arg12[%dma_wait3A_216] : memref<2x!tpu.dma_semaphore, #tpu.memory_space<semaphore_mem>> -> memref<1x!tpu.dma_semaphore, #tpu.memory_space<semaphore_mem>>
          %dma_wait3A_228 = tpu.memref_squeeze %dma_wait3A_227 : memref<1x!tpu.dma_semaphore, #tpu.memory_space<semaphore_mem>> -> memref<!tpu.dma_semaphore, #tpu.memory_space<semaphore_mem>>
          tpu.wait_indirect_dma semaphore(%dma_wait3A_228 : memref<!tpu.dma_semaphore, #tpu.memory_space<semaphore_mem>>) src(%dma_wait3A_220 : memref<128x128xf32, #tpu.memory_space<vmem>>) dst(%dma_wait3A_226 : memref<10112x128xf32, #tpu.memory_space<vmem_shared>>)
        } else {
        }
        %mul3A_171 = arith.constant 128 : i32
        %mul3A_172 = arith.muli %add3A_147, %mul3A_171 : i32
        %dma_wait3A_173 = arith.constant 3 : i32
        %dma_wait3A_174 = arith.constant 0 : i32
        %dma_wait3A_175 = tpu.memref_slice %arg8[%cond3A_153, %dma_wait3A_174] : memref<4x128xi32, #tpu.memory_space<vmem>> -> memref<1x128xi32, #tpu.memory_space<vmem>>
        %dma_wait3A_176 = tpu.memref_squeeze %dma_wait3A_175 : memref<1x128xi32, #tpu.memory_space<vmem>> -> memref<128xi32, #tpu.memory_space<vmem>>
        %dma_wait3A_177 = tpu.memref_slice %arg3[%mul3A_172] : memref<320000xi32, #tpu.memory_space<hbm>> -> memref<128xi32, #tpu.memory_space<hbm>>
        %dma_wait3A_178 = tpu.memref_slice %arg13[%dma_wait3A_173] : memref<4x!tpu.dma_semaphore, #tpu.memory_space<semaphore_mem>> -> memref<1x!tpu.dma_semaphore, #tpu.memory_space<semaphore_mem>>
        %dma_wait3A_179 = tpu.memref_squeeze %dma_wait3A_178 : memref<1x!tpu.dma_semaphore, #tpu.memory_space<semaphore_mem>> -> memref<!tpu.dma_semaphore, #tpu.memory_space<semaphore_mem>>
        %dma_wait3A_180 = arith.constant 0 : i32
        %dma_wait3A_181 = tpu.memref_slice %arg8[%cond3A_153, %dma_wait3A_180] : memref<4x128xi32, #tpu.memory_space<vmem>> -> memref<1x128xi32, #tpu.memory_space<vmem>>
        %dma_wait3A_182 = tpu.memref_squeeze %dma_wait3A_181 : memref<1x128xi32, #tpu.memory_space<vmem>> -> memref<128xi32, #tpu.memory_space<vmem>>
        %dma_wait3A_183 = tpu.memref_slice %arg3[%mul3A_172] : memref<320000xi32, #tpu.memory_space<hbm>> -> memref<128xi32, #tpu.memory_space<hbm>>
        tpu.wait_dma2 semaphore(%dma_wait3A_179 : memref<!tpu.dma_semaphore, #tpu.memory_space<semaphore_mem>>) src(%dma_wait3A_183 : memref<128xi32, #tpu.memory_space<hbm>>) dst(%dma_wait3A_182 : memref<128xi32, #tpu.memory_space<vmem>>)
        %mul3A_184 = arith.constant 128 : i32
        %mul3A_185 = arith.muli %add3A_147, %mul3A_184 : i32
        %dma_wait3A_186 = arith.constant 3 : i32
        %dma_wait3A_187 = arith.constant 0 : i32
        %dma_wait3A_188 = tpu.memref_slice %arg9[%cond3A_152, %dma_wait3A_187] : memref<4x128xi32, #tpu.memory_space<vmem>> -> memref<1x128xi32, #tpu.memory_space<vmem>>
        %dma_wait3A_189 = tpu.memref_squeeze %dma_wait3A_188 : memref<1x128xi32, #tpu.memory_space<vmem>> -> memref<128xi32, #tpu.memory_space<vmem>>
        %dma_wait3A_190 = tpu.memref_slice %arg4[%mul3A_185] : memref<320000xi32, #tpu.memory_space<hbm>> -> memref<128xi32, #tpu.memory_space<hbm>>
        %dma_wait3A_191 = tpu.memref_slice %arg13[%dma_wait3A_186] : memref<4x!tpu.dma_semaphore, #tpu.memory_space<semaphore_mem>> -> memref<1x!tpu.dma_semaphore, #tpu.memory_space<semaphore_mem>>
        %dma_wait3A_192 = tpu.memref_squeeze %dma_wait3A_191 : memref<1x!tpu.dma_semaphore, #tpu.memory_space<semaphore_mem>> -> memref<!tpu.dma_semaphore, #tpu.memory_space<semaphore_mem>>
        %dma_wait3A_193 = arith.constant 0 : i32
        %dma_wait3A_194 = tpu.memref_slice %arg9[%cond3A_152, %dma_wait3A_193] : memref<4x128xi32, #tpu.memory_space<vmem>> -> memref<1x128xi32, #tpu.memory_space<vmem>>
        %dma_wait3A_195 = tpu.memref_squeeze %dma_wait3A_194 : memref<1x128xi32, #tpu.memory_space<vmem>> -> memref<128xi32, #tpu.memory_space<vmem>>
        %dma_wait3A_196 = tpu.memref_slice %arg4[%mul3A_185] : memref<320000xi32, #tpu.memory_space<hbm>> -> memref<128xi32, #tpu.memory_space<hbm>>
        tpu.wait_dma2 semaphore(%dma_wait3A_192 : memref<!tpu.dma_semaphore, #tpu.memory_space<semaphore_mem>>) src(%dma_wait3A_196 : memref<128xi32, #tpu.memory_space<hbm>>) dst(%dma_wait3A_195 : memref<128xi32, #tpu.memory_space<vmem>>)
        %dma_start3A = arith.constant 1 : i32
        %dma_start3A_197 = arith.constant 0 : i32
        %dma_start3A_198 = arith.constant 0 : i32
        %dma_start3A_199 = tpu.memref_slice %arg7[%cond3A_151, %dma_start3A_197, %dma_start3A_198] : memref<2x128x128xf32, #tpu.memory_space<vmem>> -> memref<1x128x128xf32, #tpu.memory_space<vmem>>
        %dma_start3A_200 = tpu.memref_squeeze %dma_start3A_199 : memref<1x128x128xf32, #tpu.memory_space<vmem>> -> memref<128x128xf32, #tpu.memory_space<vmem>>
        %dma_start3A_201 = arith.constant 0 : i32
        %dma_start3A_202 = tpu.memref_slice %arg8[%cond3A_153, %dma_start3A_201] : memref<4x128xi32, #tpu.memory_space<vmem>> -> memref<1x128xi32, #tpu.memory_space<vmem>>
        %dma_start3A_203 = tpu.memref_squeeze %dma_start3A_202 : memref<1x128xi32, #tpu.memory_space<vmem>> -> memref<128xi32, #tpu.memory_space<vmem>>
        %dma_start3A_204 = arith.constant 0 : i32
        %dma_start3A_205 = arith.constant 0 : i32
        %dma_start3A_206 = tpu.memref_slice %arg2[%dma_start3A_204, %dma_start3A_205] : memref<10000x128xf32, #tpu.memory_space<hbm>> -> memref<10000x128xf32, #tpu.memory_space<hbm>>
        %dma_start3A_207 = tpu.memref_slice %arg11[%dma_start3A] : memref<2x!tpu.dma_semaphore, #tpu.memory_space<semaphore_mem>> -> memref<1x!tpu.dma_semaphore, #tpu.memory_space<semaphore_mem>>
        %dma_start3A_208 = tpu.memref_squeeze %dma_start3A_207 : memref<1x!tpu.dma_semaphore, #tpu.memory_space<semaphore_mem>> -> memref<!tpu.dma_semaphore, #tpu.memory_space<semaphore_mem>>
        tpu.enqueue_indirect_dma source(%dma_start3A_206 : memref<10000x128xf32, #tpu.memory_space<hbm>>) target(%dma_start3A_200 : memref<128x128xf32, #tpu.memory_space<vmem>>) offsets(%dma_start3A_203 : memref<128xi32, #tpu.memory_space<vmem>>) semaphore(%dma_start3A_208 : memref<!tpu.dma_semaphore, #tpu.memory_space<semaphore_mem>>)
        %add3A_209 = arith.constant 64 : i32
        %add3A_210 = arith.addi %add3A_147, %add3A_209 : i32
        %lt3A_211 = arith.constant 2500 : i32
        %lt3A_212 = arith.cmpi slt, %add3A_210, %lt3A_211 : i32
        %convert_element_type3A_213 = arith.extui %lt3A_212 : i1 to i32
        %cond3A_214 = arith.constant 0 : i32
        %cond3A_215 = arith.cmpi ne, %convert_element_type3A_213, %cond3A_214 : i32
        scf.if %cond3A_215 {
          %add3A_216 = arith.constant 64 : i32
          %add3A_217 = arith.addi %add3A_147, %add3A_216 : i32
          %mul3A_218 = arith.constant 128 : i32
          %mul3A_219 = arith.muli %add3A_217, %mul3A_218 : i32
          %dma_start3A_220 = arith.constant 1 : i32
          %dma_start3A_221 = arith.constant 1 : i32
          %dma_start3A_222 = arith.constant 0 : i32
          %dma_start3A_223 = tpu.memref_slice %arg8[%dma_start3A_220, %dma_start3A_222] : memref<4x128xi32, #tpu.memory_space<vmem>> -> memref<1x128xi32, #tpu.memory_space<vmem>>
          %dma_start3A_224 = tpu.memref_squeeze %dma_start3A_223 : memref<1x128xi32, #tpu.memory_space<vmem>> -> memref<128xi32, #tpu.memory_space<vmem>>
          %dma_start3A_225 = tpu.memref_slice %arg3[%mul3A_219] : memref<320000xi32, #tpu.memory_space<hbm>> -> memref<128xi32, #tpu.memory_space<hbm>>
          %dma_start3A_226 = tpu.memref_slice %arg13[%dma_start3A_221] : memref<4x!tpu.dma_semaphore, #tpu.memory_space<semaphore_mem>> -> memref<1x!tpu.dma_semaphore, #tpu.memory_space<semaphore_mem>>
          %dma_start3A_227 = tpu.memref_squeeze %dma_start3A_226 : memref<1x!tpu.dma_semaphore, #tpu.memory_space<semaphore_mem>> -> memref<!tpu.dma_semaphore, #tpu.memory_space<semaphore_mem>>
          %dma_start3A_228 = arith.constant 0 : i32
          %dma_start3A_229 = tpu.memref_slice %arg8[%dma_start3A_220, %dma_start3A_228] : memref<4x128xi32, #tpu.memory_space<vmem>> -> memref<1x128xi32, #tpu.memory_space<vmem>>
          %dma_start3A_230 = tpu.memref_squeeze %dma_start3A_229 : memref<1x128xi32, #tpu.memory_space<vmem>> -> memref<128xi32, #tpu.memory_space<vmem>>
          %dma_start3A_231 = tpu.memref_slice %arg3[%mul3A_219] : memref<320000xi32, #tpu.memory_space<hbm>> -> memref<128xi32, #tpu.memory_space<hbm>>
          tpu.enqueue_dma source(%dma_start3A_231 : memref<128xi32, #tpu.memory_space<hbm>>) target(%dma_start3A_230 : memref<128xi32, #tpu.memory_space<vmem>>) target_semaphore(%dma_start3A_227 : memref<!tpu.dma_semaphore, #tpu.memory_space<semaphore_mem>>)
          %mul3A_232 = arith.constant 128 : i32
          %mul3A_233 = arith.muli %add3A_217, %mul3A_232 : i32
          %dma_start3A_234 = arith.constant 1 : i32
          %dma_start3A_235 = arith.constant 1 : i32
          %dma_start3A_236 = arith.constant 0 : i32
          %dma_start3A_237 = tpu.memref_slice %arg9[%dma_start3A_234, %dma_start3A_236] : memref<4x128xi32, #tpu.memory_space<vmem>> -> memref<1x128xi32, #tpu.memory_space<vmem>>
          %dma_start3A_238 = tpu.memref_squeeze %dma_start3A_237 : memref<1x128xi32, #tpu.memory_space<vmem>> -> memref<128xi32, #tpu.memory_space<vmem>>
          %dma_start3A_239 = tpu.memref_slice %arg4[%mul3A_233] : memref<320000xi32, #tpu.memory_space<hbm>> -> memref<128xi32, #tpu.memory_space<hbm>>
          %dma_start3A_240 = tpu.memref_slice %arg13[%dma_start3A_235] : memref<4x!tpu.dma_semaphore, #tpu.memory_space<semaphore_mem>> -> memref<1x!tpu.dma_semaphore, #tpu.memory_space<semaphore_mem>>
          %dma_start3A_241 = tpu.memref_squeeze %dma_start3A_240 : memref<1x!tpu.dma_semaphore, #tpu.memory_space<semaphore_mem>> -> memref<!tpu.dma_semaphore, #tpu.memory_space<semaphore_mem>>
          %dma_start3A_242 = arith.constant 0 : i32
          %dma_start3A_243 = tpu.memref_slice %arg9[%dma_start3A_234, %dma_start3A_242] : memref<4x128xi32, #tpu.memory_space<vmem>> -> memref<1x128xi32, #tpu.memory_space<vmem>>
          %dma_start3A_244 = tpu.memref_squeeze %dma_start3A_243 : memref<1x128xi32, #tpu.memory_space<vmem>> -> memref<128xi32, #tpu.memory_space<vmem>>
          %dma_start3A_245 = tpu.memref_slice %arg4[%mul3A_233] : memref<320000xi32, #tpu.memory_space<hbm>> -> memref<128xi32, #tpu.memory_space<hbm>>
          tpu.enqueue_dma source(%dma_start3A_245 : memref<128xi32, #tpu.memory_space<hbm>>) target(%dma_start3A_244 : memref<128xi32, #tpu.memory_space<vmem>>) target_semaphore(%dma_start3A_241 : memref<!tpu.dma_semaphore, #tpu.memory_space<semaphore_mem>>)
        } else {
        }
      } else {
      }
      %ge3A_156 = arith.constant 1 : i32
      %ge3A_157 = arith.cmpi sge, %add3A_144, %ge3A_156 : i32
      %sub3A_158 = arith.constant 32 : i32
      %sub3A_159 = arith.subi %add3A_147, %sub3A_158 : i32
      %lt3A_160 = arith.constant 2500 : i32
      %lt3A_161 = arith.cmpi slt, %sub3A_159, %lt3A_160 : i32
      %and3A_162 = arith.andi %ge3A_157, %lt3A_161 : i1
      %convert_element_type3A_163 = arith.extui %and3A_162 : i1 to i32
      %cond3A_164 = arith.constant 0 : i32
      %cond3A_165 = arith.cmpi ne, %convert_element_type3A_163, %cond3A_164 : i32
      scf.if %cond3A_165 {
        %sub3A_166 = arith.constant 1 : i32
        %sub3A_167 = arith.subi %add3A_144, %sub3A_166 : i32
        %jit3A = arith.constant 4 : i32
        %eq3A = arith.constant 0 : i32
        %eq3A_168 = arith.cmpi eq, %jit3A, %eq3A : i32
        %jit3A_169 = arith.constant 1 : i32
        %select_n3A = arith.select %eq3A_168, %jit3A_169, %jit3A : i32
        %rem3A = arith.remsi %sub3A_167, %select_n3A : i32
        %ne3A = arith.constant 0 : i32
        %ne3A_170 = arith.cmpi ne, %rem3A, %ne3A : i32
        %lt3A_171 = arith.constant 0 : i32
        %lt3A_172 = arith.cmpi slt, %rem3A, %lt3A_171 : i32
        %lt3A_173 = arith.constant 0 : i32
        %lt3A_174 = arith.cmpi slt, %select_n3A, %lt3A_173 : i32
        %ne3A_175 = arith.xori %lt3A_172, %lt3A_174 : i1
        %and3A_176 = arith.andi %ne3A_175, %ne3A_170 : i1
        %add3A_177 = arith.addi %rem3A, %select_n3A : i32
        %select_n3A_178 = arith.select %and3A_176, %add3A_177, %rem3A : i32
        %dma_wait3A_179 = arith.constant 0 : i32
        %dma_wait3A_180 = arith.constant 0 : i32
        %dma_wait3A_181 = arith.constant 0 : i32
        %dma_wait3A_182 = arith.constant 0 : i32
        %dma_wait3A_183 = tpu.memref_slice %arg7[%dma_wait3A_179, %dma_wait3A_181, %dma_wait3A_182] : memref<2x128x128xf32, #tpu.memory_space<vmem>> -> memref<1x128x128xf32, #tpu.memory_space<vmem>>
        %dma_wait3A_184 = tpu.memref_squeeze %dma_wait3A_183 : memref<1x128x128xf32, #tpu.memory_space<vmem>> -> memref<128x128xf32, #tpu.memory_space<vmem>>
        %dma_wait3A_185 = arith.constant 0 : i32
        %dma_wait3A_186 = tpu.memref_slice %arg8[%select_n3A_178, %dma_wait3A_185] : memref<4x128xi32, #tpu.memory_space<vmem>> -> memref<1x128xi32, #tpu.memory_space<vmem>>
        %dma_wait3A_187 = tpu.memref_squeeze %dma_wait3A_186 : memref<1x128xi32, #tpu.memory_space<vmem>> -> memref<128xi32, #tpu.memory_space<vmem>>
        %dma_wait3A_188 = arith.constant 0 : i32
        %dma_wait3A_189 = arith.constant 0 : i32
        %dma_wait3A_190 = tpu.memref_slice %arg2[%dma_wait3A_188, %dma_wait3A_189] : memref<10000x128xf32, #tpu.memory_space<hbm>> -> memref<10000x128xf32, #tpu.memory_space<hbm>>
        %dma_wait3A_191 = tpu.memref_slice %arg11[%dma_wait3A_180] : memref<2x!tpu.dma_semaphore, #tpu.memory_space<semaphore_mem>> -> memref<1x!tpu.dma_semaphore, #tpu.memory_space<semaphore_mem>>
        %dma_wait3A_192 = tpu.memref_squeeze %dma_wait3A_191 : memref<1x!tpu.dma_semaphore, #tpu.memory_space<semaphore_mem>> -> memref<!tpu.dma_semaphore, #tpu.memory_space<semaphore_mem>>
        tpu.wait_indirect_dma semaphore(%dma_wait3A_192 : memref<!tpu.dma_semaphore, #tpu.memory_space<semaphore_mem>>) src(%dma_wait3A_190 : memref<10000x128xf32, #tpu.memory_space<hbm>>) dst(%dma_wait3A_184 : memref<128x128xf32, #tpu.memory_space<vmem>>)
        %dma_start3A = arith.constant 0 : i32
        %dma_start3A_193 = arith.constant 0 : i32
        %dma_start3A_194 = arith.constant 0 : i32
        %dma_start3A_195 = arith.constant 0 : i32
        %dma_start3A_196 = tpu.memref_slice %arg7[%dma_start3A, %dma_start3A_194, %dma_start3A_195] : memref<2x128x128xf32, #tpu.memory_space<vmem>> -> memref<1x128x128xf32, #tpu.memory_space<vmem>>
        %dma_start3A_197 = tpu.memref_squeeze %dma_start3A_196 : memref<1x128x128xf32, #tpu.memory_space<vmem>> -> memref<128x128xf32, #tpu.memory_space<vmem>>
        %dma_start3A_198 = arith.constant 0 : i32
        %dma_start3A_199 = tpu.memref_slice %arg9[%select_n3A_178, %dma_start3A_198] : memref<4x128xi32, #tpu.memory_space<vmem>> -> memref<1x128xi32, #tpu.memory_space<vmem>>
        %dma_start3A_200 = tpu.memref_squeeze %dma_start3A_199 : memref<1x128xi32, #tpu.memory_space<vmem>> -> memref<128xi32, #tpu.memory_space<vmem>>
        %dma_start3A_201 = arith.constant 0 : i32
        %dma_start3A_202 = arith.constant 0 : i32
        %dma_start3A_203 = tpu.memref_slice %arg6[%dma_start3A_201, %dma_start3A_202] : memref<10112x128xf32, #tpu.memory_space<vmem_shared>> -> memref<10112x128xf32, #tpu.memory_space<vmem_shared>>
        %dma_start3A_204 = tpu.memref_slice %arg12[%dma_start3A_193] : memref<2x!tpu.dma_semaphore, #tpu.memory_space<semaphore_mem>> -> memref<1x!tpu.dma_semaphore, #tpu.memory_space<semaphore_mem>>
        %dma_start3A_205 = tpu.memref_squeeze %dma_start3A_204 : memref<1x!tpu.dma_semaphore, #tpu.memory_space<semaphore_mem>> -> memref<!tpu.dma_semaphore, #tpu.memory_space<semaphore_mem>>
        tpu.enqueue_indirect_dma source(%dma_start3A_197 : memref<128x128xf32, #tpu.memory_space<vmem>>) target(%dma_start3A_203 : memref<10112x128xf32, #tpu.memory_space<vmem_shared>>) offsets(%dma_start3A_200 : memref<128xi32, #tpu.memory_space<vmem>>) semaphore(%dma_start3A_205 : memref<!tpu.dma_semaphore, #tpu.memory_space<semaphore_mem>>) {add = true}
      } else {
      }
    }
    %scan3A_29 = arith.constant 20 : i32
    %dma_wait3A = arith.constant 0 : i32
    %dma_wait3A_30 = arith.constant 0 : i32
    %dma_wait3A_31 = arith.constant 0 : i32
    %dma_wait3A_32 = arith.constant 0 : i32
    %dma_wait3A_33 = arith.constant 0 : i32
    %dma_wait3A_34 = tpu.memref_slice %arg7[%dma_wait3A, %dma_wait3A_32, %dma_wait3A_33] : memref<2x128x128xf32, #tpu.memory_space<vmem>> -> memref<1x128x128xf32, #tpu.memory_space<vmem>>
    %dma_wait3A_35 = tpu.memref_squeeze %dma_wait3A_34 : memref<1x128x128xf32, #tpu.memory_space<vmem>> -> memref<128x128xf32, #tpu.memory_space<vmem>>
    %dma_wait3A_36 = arith.constant 0 : i32
    %dma_wait3A_37 = tpu.memref_slice %arg9[%dma_wait3A_30, %dma_wait3A_36] : memref<4x128xi32, #tpu.memory_space<vmem>> -> memref<1x128xi32, #tpu.memory_space<vmem>>
    %dma_wait3A_38 = tpu.memref_squeeze %dma_wait3A_37 : memref<1x128xi32, #tpu.memory_space<vmem>> -> memref<128xi32, #tpu.memory_space<vmem>>
    %dma_wait3A_39 = arith.constant 0 : i32
    %dma_wait3A_40 = arith.constant 0 : i32
    %dma_wait3A_41 = tpu.memref_slice %arg6[%dma_wait3A_39, %dma_wait3A_40] : memref<10112x128xf32, #tpu.memory_space<vmem_shared>> -> memref<10112x128xf32, #tpu.memory_space<vmem_shared>>
    %dma_wait3A_42 = tpu.memref_slice %arg12[%dma_wait3A_31] : memref<2x!tpu.dma_semaphore, #tpu.memory_space<semaphore_mem>> -> memref<1x!tpu.dma_semaphore, #tpu.memory_space<semaphore_mem>>
    %dma_wait3A_43 = tpu.memref_squeeze %dma_wait3A_42 : memref<1x!tpu.dma_semaphore, #tpu.memory_space<semaphore_mem>> -> memref<!tpu.dma_semaphore, #tpu.memory_space<semaphore_mem>>
    tpu.wait_indirect_dma semaphore(%dma_wait3A_43 : memref<!tpu.dma_semaphore, #tpu.memory_space<semaphore_mem>>) src(%dma_wait3A_35 : memref<128x128xf32, #tpu.memory_space<vmem>>) dst(%dma_wait3A_41 : memref<10112x128xf32, #tpu.memory_space<vmem_shared>>)
    %dma_wait3A_44 = arith.constant 1 : i32
    %dma_wait3A_45 = arith.constant 1 : i32
    %dma_wait3A_46 = arith.constant 1 : i32
    %dma_wait3A_47 = arith.constant 0 : i32
    %dma_wait3A_48 = arith.constant 0 : i32
    %dma_wait3A_49 = tpu.memref_slice %arg7[%dma_wait3A_44, %dma_wait3A_47, %dma_wait3A_48] : memref<2x128x128xf32, #tpu.memory_space<vmem>> -> memref<1x128x128xf32, #tpu.memory_space<vmem>>
    %dma_wait3A_50 = tpu.memref_squeeze %dma_wait3A_49 : memref<1x128x128xf32, #tpu.memory_space<vmem>> -> memref<128x128xf32, #tpu.memory_space<vmem>>
    %dma_wait3A_51 = arith.constant 0 : i32
    %dma_wait3A_52 = tpu.memref_slice %arg9[%dma_wait3A_45, %dma_wait3A_51] : memref<4x128xi32, #tpu.memory_space<vmem>> -> memref<1x128xi32, #tpu.memory_space<vmem>>
    %dma_wait3A_53 = tpu.memref_squeeze %dma_wait3A_52 : memref<1x128xi32, #tpu.memory_space<vmem>> -> memref<128xi32, #tpu.memory_space<vmem>>
    %dma_wait3A_54 = arith.constant 0 : i32
    %dma_wait3A_55 = arith.constant 0 : i32
    %dma_wait3A_56 = tpu.memref_slice %arg6[%dma_wait3A_54, %dma_wait3A_55] : memref<10112x128xf32, #tpu.memory_space<vmem_shared>> -> memref<10112x128xf32, #tpu.memory_space<vmem_shared>>
    %dma_wait3A_57 = tpu.memref_slice %arg12[%dma_wait3A_46] : memref<2x!tpu.dma_semaphore, #tpu.memory_space<semaphore_mem>> -> memref<1x!tpu.dma_semaphore, #tpu.memory_space<semaphore_mem>>
    %dma_wait3A_58 = tpu.memref_squeeze %dma_wait3A_57 : memref<1x!tpu.dma_semaphore, #tpu.memory_space<semaphore_mem>> -> memref<!tpu.dma_semaphore, #tpu.memory_space<semaphore_mem>>
    tpu.wait_indirect_dma semaphore(%dma_wait3A_58 : memref<!tpu.dma_semaphore, #tpu.memory_space<semaphore_mem>>) src(%dma_wait3A_50 : memref<128x128xf32, #tpu.memory_space<vmem>>) dst(%dma_wait3A_56 : memref<10112x128xf32, #tpu.memory_space<vmem_shared>>)
    %barrier3A_59 = arith.constant 0 : index
    tpu.barrier barrier_id(%barrier3A_59)
    %mul3A_60 = arith.constant 632 : i32
    %mul3A_61 = arith.muli %arg1, %mul3A_60 : i32
    %mul3A_62 = arith.constant 632 : i32
    %mul3A_63 = arith.muli %arg1, %mul3A_62 : i32
    "tpu.region"() ({
      %run_scoped3A = tpu.sem_alloc : memref<!tpu.dma_semaphore, #tpu.memory_space<semaphore_mem>>
      %dma_start3A = arith.constant 0 : i32
      %dma_start3A_64 = tpu.memref_slice %arg5[%arg0, %mul3A_63, %dma_start3A] : memref<2x10112x128xf32, #tpu.memory_space<hbm>> -> memref<1x632x128xf32, #tpu.memory_space<hbm>>
      %dma_start3A_65 = tpu.memref_squeeze %dma_start3A_64 : memref<1x632x128xf32, #tpu.memory_space<hbm>> -> memref<632x128xf32, #tpu.memory_space<hbm>>
      %dma_start3A_66 = arith.constant 0 : i32
      %dma_start3A_67 = tpu.memref_slice %arg6[%mul3A_61, %dma_start3A_66] : memref<10112x128xf32, #tpu.memory_space<vmem_shared>> -> memref<632x128xf32, #tpu.memory_space<vmem_shared>>
      tpu.enqueue_dma source(%dma_start3A_67 : memref<632x128xf32, #tpu.memory_space<vmem_shared>>) target(%dma_start3A_65 : memref<632x128xf32, #tpu.memory_space<hbm>>) target_semaphore(%run_scoped3A : memref<!tpu.dma_semaphore, #tpu.memory_space<semaphore_mem>>)
      %dma_wait3A_68 = arith.constant 0 : i32
      %dma_wait3A_69 = tpu.memref_slice %arg5[%arg0, %mul3A_63, %dma_wait3A_68] : memref<2x10112x128xf32, #tpu.memory_space<hbm>> -> memref<1x632x128xf32, #tpu.memory_space<hbm>>
      %dma_wait3A_70 = tpu.memref_squeeze %dma_wait3A_69 : memref<1x632x128xf32, #tpu.memory_space<hbm>> -> memref<632x128xf32, #tpu.memory_space<hbm>>
      %dma_wait3A_71 = arith.constant 0 : i32
      %dma_wait3A_72 = tpu.memref_slice %arg6[%mul3A_61, %dma_wait3A_71] : memref<10112x128xf32, #tpu.memory_space<vmem_shared>> -> memref<632x128xf32, #tpu.memory_space<vmem_shared>>
      tpu.wait_dma2 semaphore(%run_scoped3A : memref<!tpu.dma_semaphore, #tpu.memory_space<semaphore_mem>>) src(%dma_wait3A_72 : memref<632x128xf32, #tpu.memory_space<vmem_shared>>) dst(%dma_wait3A_70 : memref<632x128xf32, #tpu.memory_space<hbm>>)
      tpu.yield
    }) : () -> ()
    return
  }
}

#map = affine_map<(d0, d1) -> (0, 0)>
#map1 = affine_map<(d0, d1) -> (0)>
#map2 = affine_map<(d0, d1) -> (0, 0, 0)>
module attributes {stable_mosaic.version = 14 : i64} {
  func.func @_agg_body(%arg0: i32, %arg1: i32, %arg2: memref<10000x128xf32, #tpu.memory_space<hbm>>, %arg3: memref<320000xi32, #tpu.memory_space<hbm>>, %arg4: memref<320000xi32, #tpu.memory_space<hbm>>, %arg5: memref<2x10112x128xf32, #tpu.memory_space<hbm>>, %arg6: memref<10112x128xf32, #tpu.memory_space<vmem_shared>>, %arg7: memref<2x128x128xf32, #tpu.memory_space<vmem>>, %arg8: memref<4x128xi32, #tpu.memory_space<vmem>>, %arg9: memref<4x128xi32, #tpu.memory_space<vmem>>, %arg10: memref<104x128xf32, #tpu.memory_space<vmem>>, %arg11: memref<2x!tpu.dma_semaphore, #tpu.memory_space<semaphore_mem>>, %arg12: memref<2x!tpu.dma_semaphore, #tpu.memory_space<semaphore_mem>>, %arg13: memref<4x!tpu.dma_semaphore, #tpu.memory_space<semaphore_mem>>) attributes {dimension_semantics = [#tpu.dimension_semantics<core_parallel>, #tpu.dimension_semantics<subcore_parallel>], iteration_bounds = array<i64: 2, 16>, scalar_prefetch = 0 : i64, scratch_operands = 8 : i64, tpu.core_type = #tpu.core_type<sc_vector_subcore>, window_params = [{transform_indices = #map}, {transform_indices = #map1}, {transform_indices = #map1}, {transform_indices = #map2}]} {
    %mul3A = arith.constant 2 : i32
    %mul3A_0 = arith.muli %arg1, %mul3A : i32
    %add3A = arith.addi %mul3A_0, %arg0 : i32
    %scan3A = arith.constant 0 : i32
    %scan3A_1 = arith.constant 104 : i32
    %scan3A_2 = arith.addi %scan3A, %scan3A_1 : i32
    %scan3A_3 = arith.constant 1 : i32
    scf.for %scan3A_64 = %scan3A to %scan3A_2 step %scan3A_3  : i32 {
      %mul3A_65 = arith.constant 1 : i32
      %mul3A_66 = arith.muli %scan3A_64, %mul3A_65 : i32
      %add3A_67 = arith.constant 0 : i32
      %add3A_68 = arith.addi %add3A_67, %mul3A_66 : i32
      %scan3A_69 = arith.constant 0 : i32
      %scan3A_70 = arith.constant 8 : i32
      %scan3A_71 = arith.addi %scan3A_69, %scan3A_70 : i32
      %scan3A_72 = arith.constant 1 : i32
      scf.for %scan3A_74 = %scan3A_69 to %scan3A_71 step %scan3A_72  : i32 {
        %mul3A_75 = arith.constant 1 : i32
        %mul3A_76 = arith.muli %scan3A_74, %mul3A_75 : i32
        %add3A_77 = arith.constant 0 : i32
        %add3A_78 = arith.addi %add3A_77, %mul3A_76 : i32
        %broadcast_in_dim3A = arith.constant 0.000000e+00 : f32
        %broadcast_in_dim3A_79 = vector.broadcast %broadcast_in_dim3A : f32 to vector<16xf32>
        %mul3A_80 = arith.constant 16 : i32
        %mul3A_81 = arith.muli %add3A_78, %mul3A_80 : i32
        %swap3A = arith.index_cast %add3A_68 : i32 to index
        %swap3A_82 = arith.index_cast %mul3A_81 : i32 to index
        %swap3A_83 = tpu.vector_load %arg10[%swap3A, %swap3A_82] {strides = array<i32>} : memref<104x128xf32, #tpu.memory_space<vmem>>, vector<1x16xf32>,
        %swap3A_84 = vector.shape_cast %swap3A_83 : vector<1x16xf32> to vector<16xf32>
        %swap3A_85 = vector.shape_cast %broadcast_in_dim3A_79 : vector<16xf32> to vector<1x16xf32>
        tpu.vector_store %arg10[%swap3A, %swap3A_82], %swap3A_85 {strides = array<i32>} : memref<104x128xf32, #tpu.memory_space<vmem>>, vector<1x16xf32>,
      }
      %scan3A_73 = arith.constant 8 : i32
    }
    %scan3A_4 = arith.constant 104 : i32
    %scan3A_5 = arith.constant 0 : i32
    %scan3A_6 = arith.constant 6 : i32
    %scan3A_7 = arith.addi %scan3A_5, %scan3A_6 : i32
    %scan3A_8 = arith.constant 1 : i32
    scf.for %scan3A_64 = %scan3A_5 to %scan3A_7 step %scan3A_8  : i32 {
      %mul3A_65 = arith.constant 1 : i32
      %mul3A_66 = arith.muli %scan3A_64, %mul3A_65 : i32
      %add3A_67 = arith.constant 0 : i32
      %add3A_68 = arith.addi %add3A_67, %mul3A_66 : i32
      %mul3A_69 = arith.constant 632 : i32
      %mul3A_70 = arith.muli %arg1, %mul3A_69 : i32
      %mul3A_71 = arith.constant 104 : i32
      %mul3A_72 = arith.muli %add3A_68, %mul3A_71 : i32
      %add3A_73 = arith.addi %mul3A_70, %mul3A_72 : i32
      "tpu.region"() ({
        %run_scoped3A = tpu.sem_alloc : memref<!tpu.dma_semaphore, #tpu.memory_space<semaphore_mem>>
        %dma_start3A = arith.constant 0 : i32
        %dma_start3A_74 = tpu.memref_slice %arg6[%add3A_73, %dma_start3A] : memref<10112x128xf32, #tpu.memory_space<vmem_shared>> -> memref<104x128xf32, #tpu.memory_space<vmem_shared>>
        %dma_start3A_75 = arith.constant 0 : i32
        %dma_start3A_76 = tpu.memref_slice %arg6[%add3A_73, %dma_start3A_75] : memref<10112x128xf32, #tpu.memory_space<vmem_shared>> -> memref<104x128xf32, #tpu.memory_space<vmem_shared>>
        tpu.enqueue_dma source(%arg10 : memref<104x128xf32, #tpu.memory_space<vmem>>) target(%dma_start3A_76 : memref<104x128xf32, #tpu.memory_space<vmem_shared>>) target_semaphore(%run_scoped3A : memref<!tpu.dma_semaphore, #tpu.memory_space<semaphore_mem>>)
        %dma_wait3A_77 = arith.constant 0 : i32
        %dma_wait3A_78 = tpu.memref_slice %arg6[%add3A_73, %dma_wait3A_77] : memref<10112x128xf32, #tpu.memory_space<vmem_shared>> -> memref<104x128xf32, #tpu.memory_space<vmem_shared>>
        %dma_wait3A_79 = arith.constant 0 : i32
        %dma_wait3A_80 = tpu.memref_slice %arg6[%add3A_73, %dma_wait3A_79] : memref<10112x128xf32, #tpu.memory_space<vmem_shared>> -> memref<104x128xf32, #tpu.memory_space<vmem_shared>>
        tpu.wait_dma2 semaphore(%run_scoped3A : memref<!tpu.dma_semaphore, #tpu.memory_space<semaphore_mem>>) src(%arg10 : memref<104x128xf32, #tpu.memory_space<vmem>>) dst(%dma_wait3A_80 : memref<104x128xf32, #tpu.memory_space<vmem_shared>>)
        tpu.yield
      }) : () -> ()
    }
    %scan3A_9 = arith.constant 6 : i32
    %mul3A_10 = arith.constant 632 : i32
    %mul3A_11 = arith.muli %arg1, %mul3A_10 : i32
    %add3A_12 = arith.constant 624 : i32
    %add3A_13 = arith.addi %mul3A_11, %add3A_12 : i32
    "tpu.region"() ({
      %run_scoped3A = tpu.sem_alloc : memref<!tpu.dma_semaphore, #tpu.memory_space<semaphore_mem>>
      %dma_start3A = arith.constant 0 : i32
      %dma_start3A_64 = arith.constant 0 : i32
      %dma_start3A_65 = tpu.memref_slice %arg10[%dma_start3A, %dma_start3A_64] : memref<104x128xf32, #tpu.memory_space<vmem>> -> memref<8x128xf32, #tpu.memory_space<vmem>>
      %dma_start3A_66 = arith.constant 0 : i32
      %dma_start3A_67 = tpu.memref_slice %arg6[%add3A_13, %dma_start3A_66] : memref<10112x128xf32, #tpu.memory_space<vmem_shared>> -> memref<8x128xf32, #tpu.memory_space<vmem_shared>>
      %dma_start3A_68 = arith.constant 0 : i32
      %dma_start3A_69 = tpu.memref_slice %arg6[%add3A_13, %dma_start3A_68] : memref<10112x128xf32, #tpu.memory_space<vmem_shared>> -> memref<8x128xf32, #tpu.memory_space<vmem_shared>>
      %dma_start3A_70 = arith.constant 0 : i32
      %dma_start3A_71 = arith.constant 0 : i32
      %dma_start3A_72 = tpu.memref_slice %arg10[%dma_start3A_70, %dma_start3A_71] : memref<104x128xf32, #tpu.memory_space<vmem>> -> memref<8x128xf32, #tpu.memory_space<vmem>>
      tpu.enqueue_dma source(%dma_start3A_72 : memref<8x128xf32, #tpu.memory_space<vmem>>) target(%dma_start3A_69 : memref<8x128xf32, #tpu.memory_space<vmem_shared>>) target_semaphore(%run_scoped3A : memref<!tpu.dma_semaphore, #tpu.memory_space<semaphore_mem>>)
      %dma_wait3A_73 = arith.constant 0 : i32
      %dma_wait3A_74 = arith.constant 0 : i32
      %dma_wait3A_75 = tpu.memref_slice %arg10[%dma_wait3A_73, %dma_wait3A_74] : memref<104x128xf32, #tpu.memory_space<vmem>> -> memref<8x128xf32, #tpu.memory_space<vmem>>
      %dma_wait3A_76 = arith.constant 0 : i32
      %dma_wait3A_77 = tpu.memref_slice %arg6[%add3A_13, %dma_wait3A_76] : memref<10112x128xf32, #tpu.memory_space<vmem_shared>> -> memref<8x128xf32, #tpu.memory_space<vmem_shared>>
      %dma_wait3A_78 = arith.constant 0 : i32
      %dma_wait3A_79 = tpu.memref_slice %arg6[%add3A_13, %dma_wait3A_78] : memref<10112x128xf32, #tpu.memory_space<vmem_shared>> -> memref<8x128xf32, #tpu.memory_space<vmem_shared>>
      %dma_wait3A_80 = arith.constant 0 : i32
      %dma_wait3A_81 = arith.constant 0 : i32
      %dma_wait3A_82 = tpu.memref_slice %arg10[%dma_wait3A_80, %dma_wait3A_81] : memref<104x128xf32, #tpu.memory_space<vmem>> -> memref<8x128xf32, #tpu.memory_space<vmem>>
      tpu.wait_dma2 semaphore(%run_scoped3A : memref<!tpu.dma_semaphore, #tpu.memory_space<semaphore_mem>>) src(%dma_wait3A_82 : memref<8x128xf32, #tpu.memory_space<vmem>>) dst(%dma_wait3A_79 : memref<8x128xf32, #tpu.memory_space<vmem_shared>>)
      tpu.yield
    }) : () -> ()
    %add3A_14 = arith.constant 0 : i32
    %add3A_15 = arith.addi %add3A, %add3A_14 : i32
    %lt3A = arith.constant 2500 : i32
    %lt3A_16 = arith.cmpi slt, %add3A_15, %lt3A : i32
    %convert_element_type3A = arith.extui %lt3A_16 : i1 to i32
    %cond3A = arith.constant 0 : i32
    %cond3A_17 = arith.cmpi ne, %convert_element_type3A, %cond3A : i32
    scf.if %cond3A_17 {
      %mul3A_64 = arith.constant 128 : i32
      %mul3A_65 = arith.muli %add3A_15, %mul3A_64 : i32
      %dma_start3A = arith.constant 0 : i32
      %dma_start3A_66 = arith.constant 0 : i32
      %dma_start3A_67 = arith.constant 0 : i32
      %dma_start3A_68 = tpu.memref_slice %arg8[%dma_start3A, %dma_start3A_67] : memref<4x128xi32, #tpu.memory_space<vmem>> -> memref<1x128xi32, #tpu.memory_space<vmem>>
      %dma_start3A_69 = tpu.memref_squeeze %dma_start3A_68 : memref<1x128xi32, #tpu.memory_space<vmem>> -> memref<128xi32, #tpu.memory_space<vmem>>
      %dma_start3A_70 = tpu.memref_slice %arg3[%mul3A_65] : memref<320000xi32, #tpu.memory_space<hbm>> -> memref<128xi32, #tpu.memory_space<hbm>>
      %dma_start3A_71 = tpu.memref_slice %arg13[%dma_start3A_66] : memref<4x!tpu.dma_semaphore, #tpu.memory_space<semaphore_mem>> -> memref<1x!tpu.dma_semaphore, #tpu.memory_space<semaphore_mem>>
      %dma_start3A_72 = tpu.memref_squeeze %dma_start3A_71 : memref<1x!tpu.dma_semaphore, #tpu.memory_space<semaphore_mem>> -> memref<!tpu.dma_semaphore, #tpu.memory_space<semaphore_mem>>
      %dma_start3A_73 = arith.constant 0 : i32
      %dma_start3A_74 = tpu.memref_slice %arg8[%dma_start3A, %dma_start3A_73] : memref<4x128xi32, #tpu.memory_space<vmem>> -> memref<1x128xi32, #tpu.memory_space<vmem>>
      %dma_start3A_75 = tpu.memref_squeeze %dma_start3A_74 : memref<1x128xi32, #tpu.memory_space<vmem>> -> memref<128xi32, #tpu.memory_space<vmem>>
      %dma_start3A_76 = tpu.memref_slice %arg3[%mul3A_65] : memref<320000xi32, #tpu.memory_space<hbm>> -> memref<128xi32, #tpu.memory_space<hbm>>
      tpu.enqueue_dma source(%dma_start3A_76 : memref<128xi32, #tpu.memory_space<hbm>>) target(%dma_start3A_75 : memref<128xi32, #tpu.memory_space<vmem>>) target_semaphore(%dma_start3A_72 : memref<!tpu.dma_semaphore, #tpu.memory_space<semaphore_mem>>)
      %mul3A_77 = arith.constant 128 : i32
      %mul3A_78 = arith.muli %add3A_15, %mul3A_77 : i32
      %dma_start3A_79 = arith.constant 0 : i32
      %dma_start3A_80 = arith.constant 0 : i32
      %dma_start3A_81 = arith.constant 0 : i32
      %dma_start3A_82 = tpu.memref_slice %arg9[%dma_start3A_79, %dma_start3A_81] : memref<4x128xi32, #tpu.memory_space<vmem>> -> memref<1x128xi32, #tpu.memory_space<vmem>>
      %dma_start3A_83 = tpu.memref_squeeze %dma_start3A_82 : memref<1x128xi32, #tpu.memory_space<vmem>> -> memref<128xi32, #tpu.memory_space<vmem>>
      %dma_start3A_84 = tpu.memref_slice %arg4[%mul3A_78] : memref<320000xi32, #tpu.memory_space<hbm>> -> memref<128xi32, #tpu.memory_space<hbm>>
      %dma_start3A_85 = tpu.memref_slice %arg13[%dma_start3A_80] : memref<4x!tpu.dma_semaphore, #tpu.memory_space<semaphore_mem>> -> memref<1x!tpu.dma_semaphore, #tpu.memory_space<semaphore_mem>>
      %dma_start3A_86 = tpu.memref_squeeze %dma_start3A_85 : memref<1x!tpu.dma_semaphore, #tpu.memory_space<semaphore_mem>> -> memref<!tpu.dma_semaphore, #tpu.memory_space<semaphore_mem>>
      %dma_start3A_87 = arith.constant 0 : i32
      %dma_start3A_88 = tpu.memref_slice %arg9[%dma_start3A_79, %dma_start3A_87] : memref<4x128xi32, #tpu.memory_space<vmem>> -> memref<1x128xi32, #tpu.memory_space<vmem>>
      %dma_start3A_89 = tpu.memref_squeeze %dma_start3A_88 : memref<1x128xi32, #tpu.memory_space<vmem>> -> memref<128xi32, #tpu.memory_space<vmem>>
      %dma_start3A_90 = tpu.memref_slice %arg4[%mul3A_78] : memref<320000xi32, #tpu.memory_space<hbm>> -> memref<128xi32, #tpu.memory_space<hbm>>
      tpu.enqueue_dma source(%dma_start3A_90 : memref<128xi32, #tpu.memory_space<hbm>>) target(%dma_start3A_89 : memref<128xi32, #tpu.memory_space<vmem>>) target_semaphore(%dma_start3A_86 : memref<!tpu.dma_semaphore, #tpu.memory_space<semaphore_mem>>)
    } else {
    }
    %add3A_18 = arith.constant 32 : i32
    %add3A_19 = arith.addi %add3A, %add3A_18 : i32
    %lt3A_20 = arith.constant 2500 : i32
    %lt3A_21 = arith.cmpi slt, %add3A_19, %lt3A_20 : i32
    %convert_element_type3A_22 = arith.extui %lt3A_21 : i1 to i32
    %cond3A_23 = arith.constant 0 : i32
    %cond3A_24 = arith.cmpi ne, %convert_element_type3A_22, %cond3A_23 : i32
    scf.if %cond3A_24 {
      %mul3A_64 = arith.constant 128 : i32
      %mul3A_65 = arith.muli %add3A_19, %mul3A_64 : i32
      %dma_start3A = arith.constant 1 : i32
      %dma_start3A_66 = arith.constant 1 : i32
      %dma_start3A_67 = arith.constant 0 : i32
      %dma_start3A_68 = tpu.memref_slice %arg8[%dma_start3A, %dma_start3A_67] : memref<4x128xi32, #tpu.memory_space<vmem>> -> memref<1x128xi32, #tpu.memory_space<vmem>>
      %dma_start3A_69 = tpu.memref_squeeze %dma_start3A_68 : memref<1x128xi32, #tpu.memory_space<vmem>> -> memref<128xi32, #tpu.memory_space<vmem>>
      %dma_start3A_70 = tpu.memref_slice %arg3[%mul3A_65] : memref<320000xi32, #tpu.memory_space<hbm>> -> memref<128xi32, #tpu.memory_space<hbm>>
      %dma_start3A_71 = tpu.memref_slice %arg13[%dma_start3A_66] : memref<4x!tpu.dma_semaphore, #tpu.memory_space<semaphore_mem>> -> memref<1x!tpu.dma_semaphore, #tpu.memory_space<semaphore_mem>>
      %dma_start3A_72 = tpu.memref_squeeze %dma_start3A_71 : memref<1x!tpu.dma_semaphore, #tpu.memory_space<semaphore_mem>> -> memref<!tpu.dma_semaphore, #tpu.memory_space<semaphore_mem>>
      %dma_start3A_73 = arith.constant 0 : i32
      %dma_start3A_74 = tpu.memref_slice %arg8[%dma_start3A, %dma_start3A_73] : memref<4x128xi32, #tpu.memory_space<vmem>> -> memref<1x128xi32, #tpu.memory_space<vmem>>
      %dma_start3A_75 = tpu.memref_squeeze %dma_start3A_74 : memref<1x128xi32, #tpu.memory_space<vmem>> -> memref<128xi32, #tpu.memory_space<vmem>>
      %dma_start3A_76 = tpu.memref_slice %arg3[%mul3A_65] : memref<320000xi32, #tpu.memory_space<hbm>> -> memref<128xi32, #tpu.memory_space<hbm>>
      tpu.enqueue_dma source(%dma_start3A_76 : memref<128xi32, #tpu.memory_space<hbm>>) target(%dma_start3A_75 : memref<128xi32, #tpu.memory_space<vmem>>) target_semaphore(%dma_start3A_72 : memref<!tpu.dma_semaphore, #tpu.memory_space<semaphore_mem>>)
      %mul3A_77 = arith.constant 128 : i32
      %mul3A_78 = arith.muli %add3A_19, %mul3A_77 : i32
      %dma_start3A_79 = arith.constant 1 : i32
      %dma_start3A_80 = arith.constant 1 : i32
      %dma_start3A_81 = arith.constant 0 : i32
      %dma_start3A_82 = tpu.memref_slice %arg9[%dma_start3A_79, %dma_start3A_81] : memref<4x128xi32, #tpu.memory_space<vmem>> -> memref<1x128xi32, #tpu.memory_space<vmem>>
      %dma_start3A_83 = tpu.memref_squeeze %dma_start3A_82 : memref<1x128xi32, #tpu.memory_space<vmem>> -> memref<128xi32, #tpu.memory_space<vmem>>
      %dma_start3A_84 = tpu.memref_slice %arg4[%mul3A_78] : memref<320000xi32, #tpu.memory_space<hbm>> -> memref<128xi32, #tpu.memory_space<hbm>>
      %dma_start3A_85 = tpu.memref_slice %arg13[%dma_start3A_80] : memref<4x!tpu.dma_semaphore, #tpu.memory_space<semaphore_mem>> -> memref<1x!tpu.dma_semaphore, #tpu.memory_space<semaphore_mem>>
      %dma_start3A_86 = tpu.memref_squeeze %dma_start3A_85 : memref<1x!tpu.dma_semaphore, #tpu.memory_space<semaphore_mem>> -> memref<!tpu.dma_semaphore, #tpu.memory_space<semaphore_mem>>
      %dma_start3A_87 = arith.constant 0 : i32
      %dma_start3A_88 = tpu.memref_slice %arg9[%dma_start3A_79, %dma_start3A_87] : memref<4x128xi32, #tpu.memory_space<vmem>> -> memref<1x128xi32, #tpu.memory_space<vmem>>
      %dma_start3A_89 = tpu.memref_squeeze %dma_start3A_88 : memref<1x128xi32, #tpu.memory_space<vmem>> -> memref<128xi32, #tpu.memory_space<vmem>>
      %dma_start3A_90 = tpu.memref_slice %arg4[%mul3A_78] : memref<320000xi32, #tpu.memory_space<hbm>> -> memref<128xi32, #tpu.memory_space<hbm>>
      tpu.enqueue_dma source(%dma_start3A_90 : memref<128xi32, #tpu.memory_space<hbm>>) target(%dma_start3A_89 : memref<128xi32, #tpu.memory_space<vmem>>) target_semaphore(%dma_start3A_86 : memref<!tpu.dma_semaphore, #tpu.memory_space<semaphore_mem>>)
    } else {
    }
    %barrier3A = arith.constant 0 : index
    tpu.barrier barrier_id(%barrier3A)
    %scan3A_25 = arith.constant 0 : i32
    %scan3A_26 = arith.constant 20 : i32
    %scan3A_27 = arith.addi %scan3A_25, %scan3A_26 : i32
    %scan3A_28 = arith.constant 1 : i32
    scf.for %scan3A_64 = %scan3A_25 to %scan3A_27 step %scan3A_28  : i32 {
      %mul3A_65 = arith.constant 1 : i32
      %mul3A_66 = arith.muli %scan3A_64, %mul3A_65 : i32
      %add3A_67 = arith.constant 0 : i32
      %add3A_68 = arith.addi %add3A_67, %mul3A_66 : i32
      %mul3A_69 = arith.constant 4 : i32
      %mul3A_70 = arith.muli %mul3A_69, %add3A_68 : i32
      %add3A_71 = arith.constant 0 : i32
      %add3A_72 = arith.addi %mul3A_70, %add3A_71 : i32
      %mul3A_73 = arith.constant 32 : i32
      %mul3A_74 = arith.muli %add3A_72, %mul3A_73 : i32
      %add3A_75 = arith.addi %add3A, %mul3A_74 : i32
      %lt3A_76 = arith.constant 2500 : i32
      %lt3A_77 = arith.cmpi slt, %add3A_75, %lt3A_76 : i32
      %convert_element_type3A_78 = arith.extui %lt3A_77 : i1 to i32
      %cond3A_79 = arith.constant 0 : i32
      %cond3A_80 = arith.constant 0 : i32
      %cond3A_81 = arith.constant 0 : i32
      %cond3A_82 = arith.constant 0 : i32
      %cond3A_83 = arith.cmpi ne, %convert_element_type3A_78, %cond3A_82 : i32
      scf.if %cond3A_83 {
        %ge3A_166 = arith.constant 2 : i32
        %ge3A_167 = arith.cmpi sge, %add3A_72, %ge3A_166 : i32
        %convert_element_type3A_168 = arith.extui %ge3A_167 : i1 to i32
        %cond3A_169 = arith.constant 0 : i32
        %cond3A_170 = arith.cmpi ne, %convert_element_type3A_168, %cond3A_169 : i32
        scf.if %cond3A_170 {
          %dma_wait3A_216 = arith.constant 0 : i32
          %dma_wait3A_217 = arith.constant 0 : i32
          %dma_wait3A_218 = arith.constant 0 : i32
          %dma_wait3A_219 = tpu.memref_slice %arg7[%cond3A_79, %dma_wait3A_217, %dma_wait3A_218] : memref<2x128x128xf32, #tpu.memory_space<vmem>> -> memref<1x128x128xf32, #tpu.memory_space<vmem>>
          %dma_wait3A_220 = tpu.memref_squeeze %dma_wait3A_219 : memref<1x128x128xf32, #tpu.memory_space<vmem>> -> memref<128x128xf32, #tpu.memory_space<vmem>>
          %dma_wait3A_221 = arith.constant 0 : i32
          %dma_wait3A_222 = tpu.memref_slice %arg9[%cond3A_80, %dma_wait3A_221] : memref<4x128xi32, #tpu.memory_space<vmem>> -> memref<1x128xi32, #tpu.memory_space<vmem>>
          %dma_wait3A_223 = tpu.memref_squeeze %dma_wait3A_222 : memref<1x128xi32, #tpu.memory_space<vmem>> -> memref<128xi32, #tpu.memory_space<vmem>>
          %dma_wait3A_224 = arith.constant 0 : i32
          %dma_wait3A_225 = arith.constant 0 : i32
          %dma_wait3A_226 = tpu.memref_slice %arg6[%dma_wait3A_224, %dma_wait3A_225] : memref<10112x128xf32, #tpu.memory_space<vmem_shared>> -> memref<10112x128xf32, #tpu.memory_space<vmem_shared>>
          %dma_wait3A_227 = tpu.memref_slice %arg12[%dma_wait3A_216] : memref<2x!tpu.dma_semaphore, #tpu.memory_space<semaphore_mem>> -> memref<1x!tpu.dma_semaphore, #tpu.memory_space<semaphore_mem>>
          %dma_wait3A_228 = tpu.memref_squeeze %dma_wait3A_227 : memref<1x!tpu.dma_semaphore, #tpu.memory_space<semaphore_mem>> -> memref<!tpu.dma_semaphore, #tpu.memory_space<semaphore_mem>>
          tpu.wait_indirect_dma semaphore(%dma_wait3A_228 : memref<!tpu.dma_semaphore, #tpu.memory_space<semaphore_mem>>) src(%dma_wait3A_220 : memref<128x128xf32, #tpu.memory_space<vmem>>) dst(%dma_wait3A_226 : memref<10112x128xf32, #tpu.memory_space<vmem_shared>>)
        } else {
        }
        %mul3A_171 = arith.constant 128 : i32
        %mul3A_172 = arith.muli %add3A_75, %mul3A_171 : i32
        %dma_wait3A_173 = arith.constant 0 : i32
        %dma_wait3A_174 = arith.constant 0 : i32
        %dma_wait3A_175 = tpu.memref_slice %arg8[%cond3A_81, %dma_wait3A_174] : memref<4x128xi32, #tpu.memory_space<vmem>> -> memref<1x128xi32, #tpu.memory_space<vmem>>
        %dma_wait3A_176 = tpu.memref_squeeze %dma_wait3A_175 : memref<1x128xi32, #tpu.memory_space<vmem>> -> memref<128xi32, #tpu.memory_space<vmem>>
        %dma_wait3A_177 = tpu.memref_slice %arg3[%mul3A_172] : memref<320000xi32, #tpu.memory_space<hbm>> -> memref<128xi32, #tpu.memory_space<hbm>>
        %dma_wait3A_178 = tpu.memref_slice %arg13[%dma_wait3A_173] : memref<4x!tpu.dma_semaphore, #tpu.memory_space<semaphore_mem>> -> memref<1x!tpu.dma_semaphore, #tpu.memory_space<semaphore_mem>>
        %dma_wait3A_179 = tpu.memref_squeeze %dma_wait3A_178 : memref<1x!tpu.dma_semaphore, #tpu.memory_space<semaphore_mem>> -> memref<!tpu.dma_semaphore, #tpu.memory_space<semaphore_mem>>
        %dma_wait3A_180 = arith.constant 0 : i32
        %dma_wait3A_181 = tpu.memref_slice %arg8[%cond3A_81, %dma_wait3A_180] : memref<4x128xi32, #tpu.memory_space<vmem>> -> memref<1x128xi32, #tpu.memory_space<vmem>>
        %dma_wait3A_182 = tpu.memref_squeeze %dma_wait3A_181 : memref<1x128xi32, #tpu.memory_space<vmem>> -> memref<128xi32, #tpu.memory_space<vmem>>
        %dma_wait3A_183 = tpu.memref_slice %arg3[%mul3A_172] : memref<320000xi32, #tpu.memory_space<hbm>> -> memref<128xi32, #tpu.memory_space<hbm>>
        tpu.wait_dma2 semaphore(%dma_wait3A_179 : memref<!tpu.dma_semaphore, #tpu.memory_space<semaphore_mem>>) src(%dma_wait3A_183 : memref<128xi32, #tpu.memory_space<hbm>>) dst(%dma_wait3A_182 : memref<128xi32, #tpu.memory_space<vmem>>)
        %mul3A_184 = arith.constant 128 : i32
        %mul3A_185 = arith.muli %add3A_75, %mul3A_184 : i32
        %dma_wait3A_186 = arith.constant 0 : i32
        %dma_wait3A_187 = arith.constant 0 : i32
        %dma_wait3A_188 = tpu.memref_slice %arg9[%cond3A_80, %dma_wait3A_187] : memref<4x128xi32, #tpu.memory_space<vmem>> -> memref<1x128xi32, #tpu.memory_space<vmem>>
        %dma_wait3A_189 = tpu.memref_squeeze %dma_wait3A_188 : memref<1x128xi32, #tpu.memory_space<vmem>> -> memref<128xi32, #tpu.memory_space<vmem>>
        %dma_wait3A_190 = tpu.memref_slice %arg4[%mul3A_185] : memref<320000xi32, #tpu.memory_space<hbm>> -> memref<128xi32, #tpu.memory_space<hbm>>
        %dma_wait3A_191 = tpu.memref_slice %arg13[%dma_wait3A_186] : memref<4x!tpu.dma_semaphore, #tpu.memory_space<semaphore_mem>> -> memref<1x!tpu.dma_semaphore, #tpu.memory_space<semaphore_mem>>
        %dma_wait3A_192 = tpu.memref_squeeze %dma_wait3A_191 : memref<1x!tpu.dma_semaphore, #tpu.memory_space<semaphore_mem>> -> memref<!tpu.dma_semaphore, #tpu.memory_space<semaphore_mem>>
        %dma_wait3A_193 = arith.constant 0 : i32
        %dma_wait3A_194 = tpu.memref_slice %arg9[%cond3A_80, %dma_wait3A_193] : memref<4x128xi32, #tpu.memory_space<vmem>> -> memref<1x128xi32, #tpu.memory_space<vmem>>
        %dma_wait3A_195 = tpu.memref_squeeze %dma_wait3A_194 : memref<1x128xi32, #tpu.memory_space<vmem>> -> memref<128xi32, #tpu.memory_space<vmem>>
        %dma_wait3A_196 = tpu.memref_slice %arg4[%mul3A_185] : memref<320000xi32, #tpu.memory_space<hbm>> -> memref<128xi32, #tpu.memory_space<hbm>>
        tpu.wait_dma2 semaphore(%dma_wait3A_192 : memref<!tpu.dma_semaphore, #tpu.memory_space<semaphore_mem>>) src(%dma_wait3A_196 : memref<128xi32, #tpu.memory_space<hbm>>) dst(%dma_wait3A_195 : memref<128xi32, #tpu.memory_space<vmem>>)
        %dma_start3A = arith.constant 0 : i32
        %dma_start3A_197 = arith.constant 0 : i32
        %dma_start3A_198 = arith.constant 0 : i32
        %dma_start3A_199 = tpu.memref_slice %arg7[%cond3A_79, %dma_start3A_197, %dma_start3A_198] : memref<2x128x128xf32, #tpu.memory_space<vmem>> -> memref<1x128x128xf32, #tpu.memory_space<vmem>>
        %dma_start3A_200 = tpu.memref_squeeze %dma_start3A_199 : memref<1x128x128xf32, #tpu.memory_space<vmem>> -> memref<128x128xf32, #tpu.memory_space<vmem>>
        %dma_start3A_201 = arith.constant 0 : i32
        %dma_start3A_202 = tpu.memref_slice %arg8[%cond3A_81, %dma_start3A_201] : memref<4x128xi32, #tpu.memory_space<vmem>> -> memref<1x128xi32, #tpu.memory_space<vmem>>
        %dma_start3A_203 = tpu.memref_squeeze %dma_start3A_202 : memref<1x128xi32, #tpu.memory_space<vmem>> -> memref<128xi32, #tpu.memory_space<vmem>>
        %dma_start3A_204 = arith.constant 0 : i32
        %dma_start3A_205 = arith.constant 0 : i32
        %dma_start3A_206 = tpu.memref_slice %arg2[%dma_start3A_204, %dma_start3A_205] : memref<10000x128xf32, #tpu.memory_space<hbm>> -> memref<10000x128xf32, #tpu.memory_space<hbm>>
        %dma_start3A_207 = tpu.memref_slice %arg11[%dma_start3A] : memref<2x!tpu.dma_semaphore, #tpu.memory_space<semaphore_mem>> -> memref<1x!tpu.dma_semaphore, #tpu.memory_space<semaphore_mem>>
        %dma_start3A_208 = tpu.memref_squeeze %dma_start3A_207 : memref<1x!tpu.dma_semaphore, #tpu.memory_space<semaphore_mem>> -> memref<!tpu.dma_semaphore, #tpu.memory_space<semaphore_mem>>
        tpu.enqueue_indirect_dma source(%dma_start3A_206 : memref<10000x128xf32, #tpu.memory_space<hbm>>) target(%dma_start3A_200 : memref<128x128xf32, #tpu.memory_space<vmem>>) offsets(%dma_start3A_203 : memref<128xi32, #tpu.memory_space<vmem>>) semaphore(%dma_start3A_208 : memref<!tpu.dma_semaphore, #tpu.memory_space<semaphore_mem>>)
        %add3A_209 = arith.constant 64 : i32
        %add3A_210 = arith.addi %add3A_75, %add3A_209 : i32
        %lt3A_211 = arith.constant 2500 : i32
        %lt3A_212 = arith.cmpi slt, %add3A_210, %lt3A_211 : i32
        %convert_element_type3A_213 = arith.extui %lt3A_212 : i1 to i32
        %cond3A_214 = arith.constant 0 : i32
        %cond3A_215 = arith.cmpi ne, %convert_element_type3A_213, %cond3A_214 : i32
        scf.if %cond3A_215 {
          %add3A_216 = arith.constant 64 : i32
          %add3A_217 = arith.addi %add3A_75, %add3A_216 : i32
          %mul3A_218 = arith.constant 128 : i32
          %mul3A_219 = arith.muli %add3A_217, %mul3A_218 : i32
          %dma_start3A_220 = arith.constant 2 : i32
          %dma_start3A_221 = arith.constant 2 : i32
          %dma_start3A_222 = arith.constant 0 : i32
          %dma_start3A_223 = tpu.memref_slice %arg8[%dma_start3A_220, %dma_start3A_222] : memref<4x128xi32, #tpu.memory_space<vmem>> -> memref<1x128xi32, #tpu.memory_space<vmem>>
          %dma_start3A_224 = tpu.memref_squeeze %dma_start3A_223 : memref<1x128xi32, #tpu.memory_space<vmem>> -> memref<128xi32, #tpu.memory_space<vmem>>
          %dma_start3A_225 = tpu.memref_slice %arg3[%mul3A_219] : memref<320000xi32, #tpu.memory_space<hbm>> -> memref<128xi32, #tpu.memory_space<hbm>>
          %dma_start3A_226 = tpu.memref_slice %arg13[%dma_start3A_221] : memref<4x!tpu.dma_semaphore, #tpu.memory_space<semaphore_mem>> -> memref<1x!tpu.dma_semaphore, #tpu.memory_space<semaphore_mem>>
          %dma_start3A_227 = tpu.memref_squeeze %dma_start3A_226 : memref<1x!tpu.dma_semaphore, #tpu.memory_space<semaphore_mem>> -> memref<!tpu.dma_semaphore, #tpu.memory_space<semaphore_mem>>
          %dma_start3A_228 = arith.constant 0 : i32
          %dma_start3A_229 = tpu.memref_slice %arg8[%dma_start3A_220, %dma_start3A_228] : memref<4x128xi32, #tpu.memory_space<vmem>> -> memref<1x128xi32, #tpu.memory_space<vmem>>
          %dma_start3A_230 = tpu.memref_squeeze %dma_start3A_229 : memref<1x128xi32, #tpu.memory_space<vmem>> -> memref<128xi32, #tpu.memory_space<vmem>>
          %dma_start3A_231 = tpu.memref_slice %arg3[%mul3A_219] : memref<320000xi32, #tpu.memory_space<hbm>> -> memref<128xi32, #tpu.memory_space<hbm>>
          tpu.enqueue_dma source(%dma_start3A_231 : memref<128xi32, #tpu.memory_space<hbm>>) target(%dma_start3A_230 : memref<128xi32, #tpu.memory_space<vmem>>) target_semaphore(%dma_start3A_227 : memref<!tpu.dma_semaphore, #tpu.memory_space<semaphore_mem>>)
          %mul3A_232 = arith.constant 128 : i32
          %mul3A_233 = arith.muli %add3A_217, %mul3A_232 : i32
          %dma_start3A_234 = arith.constant 2 : i32
          %dma_start3A_235 = arith.constant 2 : i32
          %dma_start3A_236 = arith.constant 0 : i32
          %dma_start3A_237 = tpu.memref_slice %arg9[%dma_start3A_234, %dma_start3A_236] : memref<4x128xi32, #tpu.memory_space<vmem>> -> memref<1x128xi32, #tpu.memory_space<vmem>>
          %dma_start3A_238 = tpu.memref_squeeze %dma_start3A_237 : memref<1x128xi32, #tpu.memory_space<vmem>> -> memref<128xi32, #tpu.memory_space<vmem>>
          %dma_start3A_239 = tpu.memref_slice %arg4[%mul3A_233] : memref<320000xi32, #tpu.memory_space<hbm>> -> memref<128xi32, #tpu.memory_space<hbm>>
          %dma_start3A_240 = tpu.memref_slice %arg13[%dma_start3A_235] : memref<4x!tpu.dma_semaphore, #tpu.memory_space<semaphore_mem>> -> memref<1x!tpu.dma_semaphore, #tpu.memory_space<semaphore_mem>>
          %dma_start3A_241 = tpu.memref_squeeze %dma_start3A_240 : memref<1x!tpu.dma_semaphore, #tpu.memory_space<semaphore_mem>> -> memref<!tpu.dma_semaphore, #tpu.memory_space<semaphore_mem>>
          %dma_start3A_242 = arith.constant 0 : i32
          %dma_start3A_243 = tpu.memref_slice %arg9[%dma_start3A_234, %dma_start3A_242] : memref<4x128xi32, #tpu.memory_space<vmem>> -> memref<1x128xi32, #tpu.memory_space<vmem>>
          %dma_start3A_244 = tpu.memref_squeeze %dma_start3A_243 : memref<1x128xi32, #tpu.memory_space<vmem>> -> memref<128xi32, #tpu.memory_space<vmem>>
          %dma_start3A_245 = tpu.memref_slice %arg4[%mul3A_233] : memref<320000xi32, #tpu.memory_space<hbm>> -> memref<128xi32, #tpu.memory_space<hbm>>
          tpu.enqueue_dma source(%dma_start3A_245 : memref<128xi32, #tpu.memory_space<hbm>>) target(%dma_start3A_244 : memref<128xi32, #tpu.memory_space<vmem>>) target_semaphore(%dma_start3A_241 : memref<!tpu.dma_semaphore, #tpu.memory_space<semaphore_mem>>)
        } else {
        }
      } else {
      }
      %ge3A = arith.constant 1 : i32
      %ge3A_84 = arith.cmpi sge, %add3A_72, %ge3A : i32
      %sub3A = arith.constant 32 : i32
      %sub3A_85 = arith.subi %add3A_75, %sub3A : i32
      %lt3A_86 = arith.constant 2500 : i32
      %lt3A_87 = arith.cmpi slt, %sub3A_85, %lt3A_86 : i32
      %and3A = arith.andi %ge3A_84, %lt3A_87 : i1
      %convert_element_type3A_88 = arith.extui %and3A : i1 to i32
      %cond3A_89 = arith.constant 0 : i32
      %cond3A_90 = arith.cmpi ne, %convert_element_type3A_88, %cond3A_89 : i32
      scf.if %cond3A_90 {
        %sub3A_166 = arith.constant 1 : i32
        %sub3A_167 = arith.subi %add3A_72, %sub3A_166 : i32
        %jit3A = arith.constant 4 : i32
        %eq3A = arith.constant 0 : i32
        %eq3A_168 = arith.cmpi eq, %jit3A, %eq3A : i32
        %jit3A_169 = arith.constant 1 : i32
        %select_n3A = arith.select %eq3A_168, %jit3A_169, %jit3A : i32
        %rem3A = arith.remsi %sub3A_167, %select_n3A : i32
        %ne3A = arith.constant 0 : i32
        %ne3A_170 = arith.cmpi ne, %rem3A, %ne3A : i32
        %lt3A_171 = arith.constant 0 : i32
        %lt3A_172 = arith.cmpi slt, %rem3A, %lt3A_171 : i32
        %lt3A_173 = arith.constant 0 : i32
        %lt3A_174 = arith.cmpi slt, %select_n3A, %lt3A_173 : i32
        %ne3A_175 = arith.xori %lt3A_172, %lt3A_174 : i1
        %and3A_176 = arith.andi %ne3A_175, %ne3A_170 : i1
        %add3A_177 = arith.addi %rem3A, %select_n3A : i32
        %select_n3A_178 = arith.select %and3A_176, %add3A_177, %rem3A : i32
        %dma_wait3A_179 = arith.constant 1 : i32
        %dma_wait3A_180 = arith.constant 1 : i32
        %dma_wait3A_181 = arith.constant 0 : i32
        %dma_wait3A_182 = arith.constant 0 : i32
        %dma_wait3A_183 = tpu.memref_slice %arg7[%dma_wait3A_179, %dma_wait3A_181, %dma_wait3A_182] : memref<2x128x128xf32, #tpu.memory_space<vmem>> -> memref<1x128x128xf32, #tpu.memory_space<vmem>>
        %dma_wait3A_184 = tpu.memref_squeeze %dma_wait3A_183 : memref<1x128x128xf32, #tpu.memory_space<vmem>> -> memref<128x128xf32, #tpu.memory_space<vmem>>
        %dma_wait3A_185 = arith.constant 0 : i32
        %dma_wait3A_186 = tpu.memref_slice %arg8[%select_n3A_178, %dma_wait3A_185] : memref<4x128xi32, #tpu.memory_space<vmem>> -> memref<1x128xi32, #tpu.memory_space<vmem>>
        %dma_wait3A_187 = tpu.memref_squeeze %dma_wait3A_186 : memref<1x128xi32, #tpu.memory_space<vmem>> -> memref<128xi32, #tpu.memory_space<vmem>>
        %dma_wait3A_188 = arith.constant 0 : i32
        %dma_wait3A_189 = arith.constant 0 : i32
        %dma_wait3A_190 = tpu.memref_slice %arg2[%dma_wait3A_188, %dma_wait3A_189] : memref<10000x128xf32, #tpu.memory_space<hbm>> -> memref<10000x128xf32, #tpu.memory_space<hbm>>
        %dma_wait3A_191 = tpu.memref_slice %arg11[%dma_wait3A_180] : memref<2x!tpu.dma_semaphore, #tpu.memory_space<semaphore_mem>> -> memref<1x!tpu.dma_semaphore, #tpu.memory_space<semaphore_mem>>
        %dma_wait3A_192 = tpu.memref_squeeze %dma_wait3A_191 : memref<1x!tpu.dma_semaphore, #tpu.memory_space<semaphore_mem>> -> memref<!tpu.dma_semaphore, #tpu.memory_space<semaphore_mem>>
        tpu.wait_indirect_dma semaphore(%dma_wait3A_192 : memref<!tpu.dma_semaphore, #tpu.memory_space<semaphore_mem>>) src(%dma_wait3A_190 : memref<10000x128xf32, #tpu.memory_space<hbm>>) dst(%dma_wait3A_184 : memref<128x128xf32, #tpu.memory_space<vmem>>)
        %dma_start3A = arith.constant 1 : i32
        %dma_start3A_193 = arith.constant 1 : i32
        %dma_start3A_194 = arith.constant 0 : i32
        %dma_start3A_195 = arith.constant 0 : i32
        %dma_start3A_196 = tpu.memref_slice %arg7[%dma_start3A, %dma_start3A_194, %dma_start3A_195] : memref<2x128x128xf32, #tpu.memory_space<vmem>> -> memref<1x128x128xf32, #tpu.memory_space<vmem>>
        %dma_start3A_197 = tpu.memref_squeeze %dma_start3A_196 : memref<1x128x128xf32, #tpu.memory_space<vmem>> -> memref<128x128xf32, #tpu.memory_space<vmem>>
        %dma_start3A_198 = arith.constant 0 : i32
        %dma_start3A_199 = tpu.memref_slice %arg9[%select_n3A_178, %dma_start3A_198] : memref<4x128xi32, #tpu.memory_space<vmem>> -> memref<1x128xi32, #tpu.memory_space<vmem>>
        %dma_start3A_200 = tpu.memref_squeeze %dma_start3A_199 : memref<1x128xi32, #tpu.memory_space<vmem>> -> memref<128xi32, #tpu.memory_space<vmem>>
        %dma_start3A_201 = arith.constant 0 : i32
        %dma_start3A_202 = arith.constant 0 : i32
        %dma_start3A_203 = tpu.memref_slice %arg6[%dma_start3A_201, %dma_start3A_202] : memref<10112x128xf32, #tpu.memory_space<vmem_shared>> -> memref<10112x128xf32, #tpu.memory_space<vmem_shared>>
        %dma_start3A_204 = tpu.memref_slice %arg12[%dma_start3A_193] : memref<2x!tpu.dma_semaphore, #tpu.memory_space<semaphore_mem>> -> memref<1x!tpu.dma_semaphore, #tpu.memory_space<semaphore_mem>>
        %dma_start3A_205 = tpu.memref_squeeze %dma_start3A_204 : memref<1x!tpu.dma_semaphore, #tpu.memory_space<semaphore_mem>> -> memref<!tpu.dma_semaphore, #tpu.memory_space<semaphore_mem>>
        tpu.enqueue_indirect_dma source(%dma_start3A_197 : memref<128x128xf32, #tpu.memory_space<vmem>>) target(%dma_start3A_203 : memref<10112x128xf32, #tpu.memory_space<vmem_shared>>) offsets(%dma_start3A_200 : memref<128xi32, #tpu.memory_space<vmem>>) semaphore(%dma_start3A_205 : memref<!tpu.dma_semaphore, #tpu.memory_space<semaphore_mem>>) {add = true}
      } else {
      }
      %mul3A_91 = arith.constant 4 : i32
      %mul3A_92 = arith.muli %mul3A_91, %add3A_68 : i32
      %add3A_93 = arith.constant 1 : i32
      %add3A_94 = arith.addi %mul3A_92, %add3A_93 : i32
      %mul3A_95 = arith.constant 32 : i32
      %mul3A_96 = arith.muli %add3A_94, %mul3A_95 : i32
      %add3A_97 = arith.addi %add3A, %mul3A_96 : i32
      %lt3A_98 = arith.constant 2500 : i32
      %lt3A_99 = arith.cmpi slt, %add3A_97, %lt3A_98 : i32
      %convert_element_type3A_100 = arith.extui %lt3A_99 : i1 to i32
      %cond3A_101 = arith.constant 1 : i32
      %cond3A_102 = arith.constant 1 : i32
      %cond3A_103 = arith.constant 1 : i32
      %cond3A_104 = arith.constant 0 : i32
      %cond3A_105 = arith.cmpi ne, %convert_element_type3A_100, %cond3A_104 : i32
      scf.if %cond3A_105 {
        %ge3A_166 = arith.constant 2 : i32
        %ge3A_167 = arith.cmpi sge, %add3A_94, %ge3A_166 : i32
        %convert_element_type3A_168 = arith.extui %ge3A_167 : i1 to i32
        %cond3A_169 = arith.constant 0 : i32
        %cond3A_170 = arith.cmpi ne, %convert_element_type3A_168, %cond3A_169 : i32
        scf.if %cond3A_170 {
          %dma_wait3A_216 = arith.constant 1 : i32
          %dma_wait3A_217 = arith.constant 0 : i32
          %dma_wait3A_218 = arith.constant 0 : i32
          %dma_wait3A_219 = tpu.memref_slice %arg7[%cond3A_101, %dma_wait3A_217, %dma_wait3A_218] : memref<2x128x128xf32, #tpu.memory_space<vmem>> -> memref<1x128x128xf32, #tpu.memory_space<vmem>>
          %dma_wait3A_220 = tpu.memref_squeeze %dma_wait3A_219 : memref<1x128x128xf32, #tpu.memory_space<vmem>> -> memref<128x128xf32, #tpu.memory_space<vmem>>
          %dma_wait3A_221 = arith.constant 0 : i32
          %dma_wait3A_222 = tpu.memref_slice %arg9[%cond3A_102, %dma_wait3A_221] : memref<4x128xi32, #tpu.memory_space<vmem>> -> memref<1x128xi32, #tpu.memory_space<vmem>>
          %dma_wait3A_223 = tpu.memref_squeeze %dma_wait3A_222 : memref<1x128xi32, #tpu.memory_space<vmem>> -> memref<128xi32, #tpu.memory_space<vmem>>
          %dma_wait3A_224 = arith.constant 0 : i32
          %dma_wait3A_225 = arith.constant 0 : i32
          %dma_wait3A_226 = tpu.memref_slice %arg6[%dma_wait3A_224, %dma_wait3A_225] : memref<10112x128xf32, #tpu.memory_space<vmem_shared>> -> memref<10112x128xf32, #tpu.memory_space<vmem_shared>>
          %dma_wait3A_227 = tpu.memref_slice %arg12[%dma_wait3A_216] : memref<2x!tpu.dma_semaphore, #tpu.memory_space<semaphore_mem>> -> memref<1x!tpu.dma_semaphore, #tpu.memory_space<semaphore_mem>>
          %dma_wait3A_228 = tpu.memref_squeeze %dma_wait3A_227 : memref<1x!tpu.dma_semaphore, #tpu.memory_space<semaphore_mem>> -> memref<!tpu.dma_semaphore, #tpu.memory_space<semaphore_mem>>
          tpu.wait_indirect_dma semaphore(%dma_wait3A_228 : memref<!tpu.dma_semaphore, #tpu.memory_space<semaphore_mem>>) src(%dma_wait3A_220 : memref<128x128xf32, #tpu.memory_space<vmem>>) dst(%dma_wait3A_226 : memref<10112x128xf32, #tpu.memory_space<vmem_shared>>)
        } else {
        }
        %mul3A_171 = arith.constant 128 : i32
        %mul3A_172 = arith.muli %add3A_97, %mul3A_171 : i32
        %dma_wait3A_173 = arith.constant 1 : i32
        %dma_wait3A_174 = arith.constant 0 : i32
        %dma_wait3A_175 = tpu.memref_slice %arg8[%cond3A_103, %dma_wait3A_174] : memref<4x128xi32, #tpu.memory_space<vmem>> -> memref<1x128xi32, #tpu.memory_space<vmem>>
        %dma_wait3A_176 = tpu.memref_squeeze %dma_wait3A_175 : memref<1x128xi32, #tpu.memory_space<vmem>> -> memref<128xi32, #tpu.memory_space<vmem>>
        %dma_wait3A_177 = tpu.memref_slice %arg3[%mul3A_172] : memref<320000xi32, #tpu.memory_space<hbm>> -> memref<128xi32, #tpu.memory_space<hbm>>
        %dma_wait3A_178 = tpu.memref_slice %arg13[%dma_wait3A_173] : memref<4x!tpu.dma_semaphore, #tpu.memory_space<semaphore_mem>> -> memref<1x!tpu.dma_semaphore, #tpu.memory_space<semaphore_mem>>
        %dma_wait3A_179 = tpu.memref_squeeze %dma_wait3A_178 : memref<1x!tpu.dma_semaphore, #tpu.memory_space<semaphore_mem>> -> memref<!tpu.dma_semaphore, #tpu.memory_space<semaphore_mem>>
        %dma_wait3A_180 = arith.constant 0 : i32
        %dma_wait3A_181 = tpu.memref_slice %arg8[%cond3A_103, %dma_wait3A_180] : memref<4x128xi32, #tpu.memory_space<vmem>> -> memref<1x128xi32, #tpu.memory_space<vmem>>
        %dma_wait3A_182 = tpu.memref_squeeze %dma_wait3A_181 : memref<1x128xi32, #tpu.memory_space<vmem>> -> memref<128xi32, #tpu.memory_space<vmem>>
        %dma_wait3A_183 = tpu.memref_slice %arg3[%mul3A_172] : memref<320000xi32, #tpu.memory_space<hbm>> -> memref<128xi32, #tpu.memory_space<hbm>>
        tpu.wait_dma2 semaphore(%dma_wait3A_179 : memref<!tpu.dma_semaphore, #tpu.memory_space<semaphore_mem>>) src(%dma_wait3A_183 : memref<128xi32, #tpu.memory_space<hbm>>) dst(%dma_wait3A_182 : memref<128xi32, #tpu.memory_space<vmem>>)
        %mul3A_184 = arith.constant 128 : i32
        %mul3A_185 = arith.muli %add3A_97, %mul3A_184 : i32
        %dma_wait3A_186 = arith.constant 1 : i32
        %dma_wait3A_187 = arith.constant 0 : i32
        %dma_wait3A_188 = tpu.memref_slice %arg9[%cond3A_102, %dma_wait3A_187] : memref<4x128xi32, #tpu.memory_space<vmem>> -> memref<1x128xi32, #tpu.memory_space<vmem>>
        %dma_wait3A_189 = tpu.memref_squeeze %dma_wait3A_188 : memref<1x128xi32, #tpu.memory_space<vmem>> -> memref<128xi32, #tpu.memory_space<vmem>>
        %dma_wait3A_190 = tpu.memref_slice %arg4[%mul3A_185] : memref<320000xi32, #tpu.memory_space<hbm>> -> memref<128xi32, #tpu.memory_space<hbm>>
        %dma_wait3A_191 = tpu.memref_slice %arg13[%dma_wait3A_186] : memref<4x!tpu.dma_semaphore, #tpu.memory_space<semaphore_mem>> -> memref<1x!tpu.dma_semaphore, #tpu.memory_space<semaphore_mem>>
        %dma_wait3A_192 = tpu.memref_squeeze %dma_wait3A_191 : memref<1x!tpu.dma_semaphore, #tpu.memory_space<semaphore_mem>> -> memref<!tpu.dma_semaphore, #tpu.memory_space<semaphore_mem>>
        %dma_wait3A_193 = arith.constant 0 : i32
        %dma_wait3A_194 = tpu.memref_slice %arg9[%cond3A_102, %dma_wait3A_193] : memref<4x128xi32, #tpu.memory_space<vmem>> -> memref<1x128xi32, #tpu.memory_space<vmem>>
        %dma_wait3A_195 = tpu.memref_squeeze %dma_wait3A_194 : memref<1x128xi32, #tpu.memory_space<vmem>> -> memref<128xi32, #tpu.memory_space<vmem>>
        %dma_wait3A_196 = tpu.memref_slice %arg4[%mul3A_185] : memref<320000xi32, #tpu.memory_space<hbm>> -> memref<128xi32, #tpu.memory_space<hbm>>
        tpu.wait_dma2 semaphore(%dma_wait3A_192 : memref<!tpu.dma_semaphore, #tpu.memory_space<semaphore_mem>>) src(%dma_wait3A_196 : memref<128xi32, #tpu.memory_space<hbm>>) dst(%dma_wait3A_195 : memref<128xi32, #tpu.memory_space<vmem>>)
        %dma_start3A = arith.constant 1 : i32
        %dma_start3A_197 = arith.constant 0 : i32
        %dma_start3A_198 = arith.constant 0 : i32
        %dma_start3A_199 = tpu.memref_slice %arg7[%cond3A_101, %dma_start3A_197, %dma_start3A_198] : memref<2x128x128xf32, #tpu.memory_space<vmem>> -> memref<1x128x128xf32, #tpu.memory_space<vmem>>
        %dma_start3A_200 = tpu.memref_squeeze %dma_start3A_199 : memref<1x128x128xf32, #tpu.memory_space<vmem>> -> memref<128x128xf32, #tpu.memory_space<vmem>>
        %dma_start3A_201 = arith.constant 0 : i32
        %dma_start3A_202 = tpu.memref_slice %arg8[%cond3A_103, %dma_start3A_201] : memref<4x128xi32, #tpu.memory_space<vmem>> -> memref<1x128xi32, #tpu.memory_space<vmem>>
        %dma_start3A_203 = tpu.memref_squeeze %dma_start3A_202 : memref<1x128xi32, #tpu.memory_space<vmem>> -> memref<128xi32, #tpu.memory_space<vmem>>
        %dma_start3A_204 = arith.constant 0 : i32
        %dma_start3A_205 = arith.constant 0 : i32
        %dma_start3A_206 = tpu.memref_slice %arg2[%dma_start3A_204, %dma_start3A_205] : memref<10000x128xf32, #tpu.memory_space<hbm>> -> memref<10000x128xf32, #tpu.memory_space<hbm>>
        %dma_start3A_207 = tpu.memref_slice %arg11[%dma_start3A] : memref<2x!tpu.dma_semaphore, #tpu.memory_space<semaphore_mem>> -> memref<1x!tpu.dma_semaphore, #tpu.memory_space<semaphore_mem>>
        %dma_start3A_208 = tpu.memref_squeeze %dma_start3A_207 : memref<1x!tpu.dma_semaphore, #tpu.memory_space<semaphore_mem>> -> memref<!tpu.dma_semaphore, #tpu.memory_space<semaphore_mem>>
        tpu.enqueue_indirect_dma source(%dma_start3A_206 : memref<10000x128xf32, #tpu.memory_space<hbm>>) target(%dma_start3A_200 : memref<128x128xf32, #tpu.memory_space<vmem>>) offsets(%dma_start3A_203 : memref<128xi32, #tpu.memory_space<vmem>>) semaphore(%dma_start3A_208 : memref<!tpu.dma_semaphore, #tpu.memory_space<semaphore_mem>>)
        %add3A_209 = arith.constant 64 : i32
        %add3A_210 = arith.addi %add3A_97, %add3A_209 : i32
        %lt3A_211 = arith.constant 2500 : i32
        %lt3A_212 = arith.cmpi slt, %add3A_210, %lt3A_211 : i32
        %convert_element_type3A_213 = arith.extui %lt3A_212 : i1 to i32
        %cond3A_214 = arith.constant 0 : i32
        %cond3A_215 = arith.cmpi ne, %convert_element_type3A_213, %cond3A_214 : i32
        scf.if %cond3A_215 {
          %add3A_216 = arith.constant 64 : i32
          %add3A_217 = arith.addi %add3A_97, %add3A_216 : i32
          %mul3A_218 = arith.constant 128 : i32
          %mul3A_219 = arith.muli %add3A_217, %mul3A_218 : i32
          %dma_start3A_220 = arith.constant 3 : i32
          %dma_start3A_221 = arith.constant 3 : i32
          %dma_start3A_222 = arith.constant 0 : i32
          %dma_start3A_223 = tpu.memref_slice %arg8[%dma_start3A_220, %dma_start3A_222] : memref<4x128xi32, #tpu.memory_space<vmem>> -> memref<1x128xi32, #tpu.memory_space<vmem>>
          %dma_start3A_224 = tpu.memref_squeeze %dma_start3A_223 : memref<1x128xi32, #tpu.memory_space<vmem>> -> memref<128xi32, #tpu.memory_space<vmem>>
          %dma_start3A_225 = tpu.memref_slice %arg3[%mul3A_219] : memref<320000xi32, #tpu.memory_space<hbm>> -> memref<128xi32, #tpu.memory_space<hbm>>
          %dma_start3A_226 = tpu.memref_slice %arg13[%dma_start3A_221] : memref<4x!tpu.dma_semaphore, #tpu.memory_space<semaphore_mem>> -> memref<1x!tpu.dma_semaphore, #tpu.memory_space<semaphore_mem>>
          %dma_start3A_227 = tpu.memref_squeeze %dma_start3A_226 : memref<1x!tpu.dma_semaphore, #tpu.memory_space<semaphore_mem>> -> memref<!tpu.dma_semaphore, #tpu.memory_space<semaphore_mem>>
          %dma_start3A_228 = arith.constant 0 : i32
          %dma_start3A_229 = tpu.memref_slice %arg8[%dma_start3A_220, %dma_start3A_228] : memref<4x128xi32, #tpu.memory_space<vmem>> -> memref<1x128xi32, #tpu.memory_space<vmem>>
          %dma_start3A_230 = tpu.memref_squeeze %dma_start3A_229 : memref<1x128xi32, #tpu.memory_space<vmem>> -> memref<128xi32, #tpu.memory_space<vmem>>
          %dma_start3A_231 = tpu.memref_slice %arg3[%mul3A_219] : memref<320000xi32, #tpu.memory_space<hbm>> -> memref<128xi32, #tpu.memory_space<hbm>>
          tpu.enqueue_dma source(%dma_start3A_231 : memref<128xi32, #tpu.memory_space<hbm>>) target(%dma_start3A_230 : memref<128xi32, #tpu.memory_space<vmem>>) target_semaphore(%dma_start3A_227 : memref<!tpu.dma_semaphore, #tpu.memory_space<semaphore_mem>>)
          %mul3A_232 = arith.constant 128 : i32
          %mul3A_233 = arith.muli %add3A_217, %mul3A_232 : i32
          %dma_start3A_234 = arith.constant 3 : i32
          %dma_start3A_235 = arith.constant 3 : i32
          %dma_start3A_236 = arith.constant 0 : i32
          %dma_start3A_237 = tpu.memref_slice %arg9[%dma_start3A_234, %dma_start3A_236] : memref<4x128xi32, #tpu.memory_space<vmem>> -> memref<1x128xi32, #tpu.memory_space<vmem>>
          %dma_start3A_238 = tpu.memref_squeeze %dma_start3A_237 : memref<1x128xi32, #tpu.memory_space<vmem>> -> memref<128xi32, #tpu.memory_space<vmem>>
          %dma_start3A_239 = tpu.memref_slice %arg4[%mul3A_233] : memref<320000xi32, #tpu.memory_space<hbm>> -> memref<128xi32, #tpu.memory_space<hbm>>
          %dma_start3A_240 = tpu.memref_slice %arg13[%dma_start3A_235] : memref<4x!tpu.dma_semaphore, #tpu.memory_space<semaphore_mem>> -> memref<1x!tpu.dma_semaphore, #tpu.memory_space<semaphore_mem>>
          %dma_start3A_241 = tpu.memref_squeeze %dma_start3A_240 : memref<1x!tpu.dma_semaphore, #tpu.memory_space<semaphore_mem>> -> memref<!tpu.dma_semaphore, #tpu.memory_space<semaphore_mem>>
          %dma_start3A_242 = arith.constant 0 : i32
          %dma_start3A_243 = tpu.memref_slice %arg9[%dma_start3A_234, %dma_start3A_242] : memref<4x128xi32, #tpu.memory_space<vmem>> -> memref<1x128xi32, #tpu.memory_space<vmem>>
          %dma_start3A_244 = tpu.memref_squeeze %dma_start3A_243 : memref<1x128xi32, #tpu.memory_space<vmem>> -> memref<128xi32, #tpu.memory_space<vmem>>
          %dma_start3A_245 = tpu.memref_slice %arg4[%mul3A_233] : memref<320000xi32, #tpu.memory_space<hbm>> -> memref<128xi32, #tpu.memory_space<hbm>>
          tpu.enqueue_dma source(%dma_start3A_245 : memref<128xi32, #tpu.memory_space<hbm>>) target(%dma_start3A_244 : memref<128xi32, #tpu.memory_space<vmem>>) target_semaphore(%dma_start3A_241 : memref<!tpu.dma_semaphore, #tpu.memory_space<semaphore_mem>>)
        } else {
        }
      } else {
      }
      %ge3A_106 = arith.constant 1 : i32
      %ge3A_107 = arith.cmpi sge, %add3A_94, %ge3A_106 : i32
      %sub3A_108 = arith.constant 32 : i32
      %sub3A_109 = arith.subi %add3A_97, %sub3A_108 : i32
      %lt3A_110 = arith.constant 2500 : i32
      %lt3A_111 = arith.cmpi slt, %sub3A_109, %lt3A_110 : i32
      %and3A_112 = arith.andi %ge3A_107, %lt3A_111 : i1
      %convert_element_type3A_113 = arith.extui %and3A_112 : i1 to i32
      %cond3A_114 = arith.constant 0 : i32
      %cond3A_115 = arith.cmpi ne, %convert_element_type3A_113, %cond3A_114 : i32
      scf.if %cond3A_115 {
        %sub3A_166 = arith.constant 1 : i32
        %sub3A_167 = arith.subi %add3A_94, %sub3A_166 : i32
        %jit3A = arith.constant 4 : i32
        %eq3A = arith.constant 0 : i32
        %eq3A_168 = arith.cmpi eq, %jit3A, %eq3A : i32
        %jit3A_169 = arith.constant 1 : i32
        %select_n3A = arith.select %eq3A_168, %jit3A_169, %jit3A : i32
        %rem3A = arith.remsi %sub3A_167, %select_n3A : i32
        %ne3A = arith.constant 0 : i32
        %ne3A_170 = arith.cmpi ne, %rem3A, %ne3A : i32
        %lt3A_171 = arith.constant 0 : i32
        %lt3A_172 = arith.cmpi slt, %rem3A, %lt3A_171 : i32
        %lt3A_173 = arith.constant 0 : i32
        %lt3A_174 = arith.cmpi slt, %select_n3A, %lt3A_173 : i32
        %ne3A_175 = arith.xori %lt3A_172, %lt3A_174 : i1
        %and3A_176 = arith.andi %ne3A_175, %ne3A_170 : i1
        %add3A_177 = arith.addi %rem3A, %select_n3A : i32
        %select_n3A_178 = arith.select %and3A_176, %add3A_177, %rem3A : i32
        %dma_wait3A_179 = arith.constant 0 : i32
        %dma_wait3A_180 = arith.constant 0 : i32
        %dma_wait3A_181 = arith.constant 0 : i32
        %dma_wait3A_182 = arith.constant 0 : i32
        %dma_wait3A_183 = tpu.memref_slice %arg7[%dma_wait3A_179, %dma_wait3A_181, %dma_wait3A_182] : memref<2x128x128xf32, #tpu.memory_space<vmem>> -> memref<1x128x128xf32, #tpu.memory_space<vmem>>
        %dma_wait3A_184 = tpu.memref_squeeze %dma_wait3A_183 : memref<1x128x128xf32, #tpu.memory_space<vmem>> -> memref<128x128xf32, #tpu.memory_space<vmem>>
        %dma_wait3A_185 = arith.constant 0 : i32
        %dma_wait3A_186 = tpu.memref_slice %arg8[%select_n3A_178, %dma_wait3A_185] : memref<4x128xi32, #tpu.memory_space<vmem>> -> memref<1x128xi32, #tpu.memory_space<vmem>>
        %dma_wait3A_187 = tpu.memref_squeeze %dma_wait3A_186 : memref<1x128xi32, #tpu.memory_space<vmem>> -> memref<128xi32, #tpu.memory_space<vmem>>
        %dma_wait3A_188 = arith.constant 0 : i32
        %dma_wait3A_189 = arith.constant 0 : i32
        %dma_wait3A_190 = tpu.memref_slice %arg2[%dma_wait3A_188, %dma_wait3A_189] : memref<10000x128xf32, #tpu.memory_space<hbm>> -> memref<10000x128xf32, #tpu.memory_space<hbm>>
        %dma_wait3A_191 = tpu.memref_slice %arg11[%dma_wait3A_180] : memref<2x!tpu.dma_semaphore, #tpu.memory_space<semaphore_mem>> -> memref<1x!tpu.dma_semaphore, #tpu.memory_space<semaphore_mem>>
        %dma_wait3A_192 = tpu.memref_squeeze %dma_wait3A_191 : memref<1x!tpu.dma_semaphore, #tpu.memory_space<semaphore_mem>> -> memref<!tpu.dma_semaphore, #tpu.memory_space<semaphore_mem>>
        tpu.wait_indirect_dma semaphore(%dma_wait3A_192 : memref<!tpu.dma_semaphore, #tpu.memory_space<semaphore_mem>>) src(%dma_wait3A_190 : memref<10000x128xf32, #tpu.memory_space<hbm>>) dst(%dma_wait3A_184 : memref<128x128xf32, #tpu.memory_space<vmem>>)
        %dma_start3A = arith.constant 0 : i32
        %dma_start3A_193 = arith.constant 0 : i32
        %dma_start3A_194 = arith.constant 0 : i32
        %dma_start3A_195 = arith.constant 0 : i32
        %dma_start3A_196 = tpu.memref_slice %arg7[%dma_start3A, %dma_start3A_194, %dma_start3A_195] : memref<2x128x128xf32, #tpu.memory_space<vmem>> -> memref<1x128x128xf32, #tpu.memory_space<vmem>>
        %dma_start3A_197 = tpu.memref_squeeze %dma_start3A_196 : memref<1x128x128xf32, #tpu.memory_space<vmem>> -> memref<128x128xf32, #tpu.memory_space<vmem>>
        %dma_start3A_198 = arith.constant 0 : i32
        %dma_start3A_199 = tpu.memref_slice %arg9[%select_n3A_178, %dma_start3A_198] : memref<4x128xi32, #tpu.memory_space<vmem>> -> memref<1x128xi32, #tpu.memory_space<vmem>>
        %dma_start3A_200 = tpu.memref_squeeze %dma_start3A_199 : memref<1x128xi32, #tpu.memory_space<vmem>> -> memref<128xi32, #tpu.memory_space<vmem>>
        %dma_start3A_201 = arith.constant 0 : i32
        %dma_start3A_202 = arith.constant 0 : i32
        %dma_start3A_203 = tpu.memref_slice %arg6[%dma_start3A_201, %dma_start3A_202] : memref<10112x128xf32, #tpu.memory_space<vmem_shared>> -> memref<10112x128xf32, #tpu.memory_space<vmem_shared>>
        %dma_start3A_204 = tpu.memref_slice %arg12[%dma_start3A_193] : memref<2x!tpu.dma_semaphore, #tpu.memory_space<semaphore_mem>> -> memref<1x!tpu.dma_semaphore, #tpu.memory_space<semaphore_mem>>
        %dma_start3A_205 = tpu.memref_squeeze %dma_start3A_204 : memref<1x!tpu.dma_semaphore, #tpu.memory_space<semaphore_mem>> -> memref<!tpu.dma_semaphore, #tpu.memory_space<semaphore_mem>>
        tpu.enqueue_indirect_dma source(%dma_start3A_197 : memref<128x128xf32, #tpu.memory_space<vmem>>) target(%dma_start3A_203 : memref<10112x128xf32, #tpu.memory_space<vmem_shared>>) offsets(%dma_start3A_200 : memref<128xi32, #tpu.memory_space<vmem>>) semaphore(%dma_start3A_205 : memref<!tpu.dma_semaphore, #tpu.memory_space<semaphore_mem>>) {add = true}
      } else {
      }
      %mul3A_116 = arith.constant 4 : i32
      %mul3A_117 = arith.muli %mul3A_116, %add3A_68 : i32
      %add3A_118 = arith.constant 2 : i32
      %add3A_119 = arith.addi %mul3A_117, %add3A_118 : i32
      %mul3A_120 = arith.constant 32 : i32
      %mul3A_121 = arith.muli %add3A_119, %mul3A_120 : i32
      %add3A_122 = arith.addi %add3A, %mul3A_121 : i32
      %lt3A_123 = arith.constant 2500 : i32
      %lt3A_124 = arith.cmpi slt, %add3A_122, %lt3A_123 : i32
      %convert_element_type3A_125 = arith.extui %lt3A_124 : i1 to i32
      %cond3A_126 = arith.constant 0 : i32
      %cond3A_127 = arith.constant 2 : i32
      %cond3A_128 = arith.constant 2 : i32
      %cond3A_129 = arith.constant 0 : i32
      %cond3A_130 = arith.cmpi ne, %convert_element_type3A_125, %cond3A_129 : i32
      scf.if %cond3A_130 {
        %ge3A_166 = arith.constant 2 : i32
        %ge3A_167 = arith.cmpi sge, %add3A_119, %ge3A_166 : i32
        %convert_element_type3A_168 = arith.extui %ge3A_167 : i1 to i32
        %cond3A_169 = arith.constant 0 : i32
        %cond3A_170 = arith.cmpi ne, %convert_element_type3A_168, %cond3A_169 : i32
        scf.if %cond3A_170 {
          %dma_wait3A_216 = arith.constant 0 : i32
          %dma_wait3A_217 = arith.constant 0 : i32
          %dma_wait3A_218 = arith.constant 0 : i32
          %dma_wait3A_219 = tpu.memref_slice %arg7[%cond3A_126, %dma_wait3A_217, %dma_wait3A_218] : memref<2x128x128xf32, #tpu.memory_space<vmem>> -> memref<1x128x128xf32, #tpu.memory_space<vmem>>
          %dma_wait3A_220 = tpu.memref_squeeze %dma_wait3A_219 : memref<1x128x128xf32, #tpu.memory_space<vmem>> -> memref<128x128xf32, #tpu.memory_space<vmem>>
          %dma_wait3A_221 = arith.constant 0 : i32
          %dma_wait3A_222 = tpu.memref_slice %arg9[%cond3A_127, %dma_wait3A_221] : memref<4x128xi32, #tpu.memory_space<vmem>> -> memref<1x128xi32, #tpu.memory_space<vmem>>
          %dma_wait3A_223 = tpu.memref_squeeze %dma_wait3A_222 : memref<1x128xi32, #tpu.memory_space<vmem>> -> memref<128xi32, #tpu.memory_space<vmem>>
          %dma_wait3A_224 = arith.constant 0 : i32
          %dma_wait3A_225 = arith.constant 0 : i32
          %dma_wait3A_226 = tpu.memref_slice %arg6[%dma_wait3A_224, %dma_wait3A_225] : memref<10112x128xf32, #tpu.memory_space<vmem_shared>> -> memref<10112x128xf32, #tpu.memory_space<vmem_shared>>
          %dma_wait3A_227 = tpu.memref_slice %arg12[%dma_wait3A_216] : memref<2x!tpu.dma_semaphore, #tpu.memory_space<semaphore_mem>> -> memref<1x!tpu.dma_semaphore, #tpu.memory_space<semaphore_mem>>
          %dma_wait3A_228 = tpu.memref_squeeze %dma_wait3A_227 : memref<1x!tpu.dma_semaphore, #tpu.memory_space<semaphore_mem>> -> memref<!tpu.dma_semaphore, #tpu.memory_space<semaphore_mem>>
          tpu.wait_indirect_dma semaphore(%dma_wait3A_228 : memref<!tpu.dma_semaphore, #tpu.memory_space<semaphore_mem>>) src(%dma_wait3A_220 : memref<128x128xf32, #tpu.memory_space<vmem>>) dst(%dma_wait3A_226 : memref<10112x128xf32, #tpu.memory_space<vmem_shared>>)
        } else {
        }
        %mul3A_171 = arith.constant 128 : i32
        %mul3A_172 = arith.muli %add3A_122, %mul3A_171 : i32
        %dma_wait3A_173 = arith.constant 2 : i32
        %dma_wait3A_174 = arith.constant 0 : i32
        %dma_wait3A_175 = tpu.memref_slice %arg8[%cond3A_128, %dma_wait3A_174] : memref<4x128xi32, #tpu.memory_space<vmem>> -> memref<1x128xi32, #tpu.memory_space<vmem>>
        %dma_wait3A_176 = tpu.memref_squeeze %dma_wait3A_175 : memref<1x128xi32, #tpu.memory_space<vmem>> -> memref<128xi32, #tpu.memory_space<vmem>>
        %dma_wait3A_177 = tpu.memref_slice %arg3[%mul3A_172] : memref<320000xi32, #tpu.memory_space<hbm>> -> memref<128xi32, #tpu.memory_space<hbm>>
        %dma_wait3A_178 = tpu.memref_slice %arg13[%dma_wait3A_173] : memref<4x!tpu.dma_semaphore, #tpu.memory_space<semaphore_mem>> -> memref<1x!tpu.dma_semaphore, #tpu.memory_space<semaphore_mem>>
        %dma_wait3A_179 = tpu.memref_squeeze %dma_wait3A_178 : memref<1x!tpu.dma_semaphore, #tpu.memory_space<semaphore_mem>> -> memref<!tpu.dma_semaphore, #tpu.memory_space<semaphore_mem>>
        %dma_wait3A_180 = arith.constant 0 : i32
        %dma_wait3A_181 = tpu.memref_slice %arg8[%cond3A_128, %dma_wait3A_180] : memref<4x128xi32, #tpu.memory_space<vmem>> -> memref<1x128xi32, #tpu.memory_space<vmem>>
        %dma_wait3A_182 = tpu.memref_squeeze %dma_wait3A_181 : memref<1x128xi32, #tpu.memory_space<vmem>> -> memref<128xi32, #tpu.memory_space<vmem>>
        %dma_wait3A_183 = tpu.memref_slice %arg3[%mul3A_172] : memref<320000xi32, #tpu.memory_space<hbm>> -> memref<128xi32, #tpu.memory_space<hbm>>
        tpu.wait_dma2 semaphore(%dma_wait3A_179 : memref<!tpu.dma_semaphore, #tpu.memory_space<semaphore_mem>>) src(%dma_wait3A_183 : memref<128xi32, #tpu.memory_space<hbm>>) dst(%dma_wait3A_182 : memref<128xi32, #tpu.memory_space<vmem>>)
        %mul3A_184 = arith.constant 128 : i32
        %mul3A_185 = arith.muli %add3A_122, %mul3A_184 : i32
        %dma_wait3A_186 = arith.constant 2 : i32
        %dma_wait3A_187 = arith.constant 0 : i32
        %dma_wait3A_188 = tpu.memref_slice %arg9[%cond3A_127, %dma_wait3A_187] : memref<4x128xi32, #tpu.memory_space<vmem>> -> memref<1x128xi32, #tpu.memory_space<vmem>>
        %dma_wait3A_189 = tpu.memref_squeeze %dma_wait3A_188 : memref<1x128xi32, #tpu.memory_space<vmem>> -> memref<128xi32, #tpu.memory_space<vmem>>
        %dma_wait3A_190 = tpu.memref_slice %arg4[%mul3A_185] : memref<320000xi32, #tpu.memory_space<hbm>> -> memref<128xi32, #tpu.memory_space<hbm>>
        %dma_wait3A_191 = tpu.memref_slice %arg13[%dma_wait3A_186] : memref<4x!tpu.dma_semaphore, #tpu.memory_space<semaphore_mem>> -> memref<1x!tpu.dma_semaphore, #tpu.memory_space<semaphore_mem>>
        %dma_wait3A_192 = tpu.memref_squeeze %dma_wait3A_191 : memref<1x!tpu.dma_semaphore, #tpu.memory_space<semaphore_mem>> -> memref<!tpu.dma_semaphore, #tpu.memory_space<semaphore_mem>>
        %dma_wait3A_193 = arith.constant 0 : i32
        %dma_wait3A_194 = tpu.memref_slice %arg9[%cond3A_127, %dma_wait3A_193] : memref<4x128xi32, #tpu.memory_space<vmem>> -> memref<1x128xi32, #tpu.memory_space<vmem>>
        %dma_wait3A_195 = tpu.memref_squeeze %dma_wait3A_194 : memref<1x128xi32, #tpu.memory_space<vmem>> -> memref<128xi32, #tpu.memory_space<vmem>>
        %dma_wait3A_196 = tpu.memref_slice %arg4[%mul3A_185] : memref<320000xi32, #tpu.memory_space<hbm>> -> memref<128xi32, #tpu.memory_space<hbm>>
        tpu.wait_dma2 semaphore(%dma_wait3A_192 : memref<!tpu.dma_semaphore, #tpu.memory_space<semaphore_mem>>) src(%dma_wait3A_196 : memref<128xi32, #tpu.memory_space<hbm>>) dst(%dma_wait3A_195 : memref<128xi32, #tpu.memory_space<vmem>>)
        %dma_start3A = arith.constant 0 : i32
        %dma_start3A_197 = arith.constant 0 : i32
        %dma_start3A_198 = arith.constant 0 : i32
        %dma_start3A_199 = tpu.memref_slice %arg7[%cond3A_126, %dma_start3A_197, %dma_start3A_198] : memref<2x128x128xf32, #tpu.memory_space<vmem>> -> memref<1x128x128xf32, #tpu.memory_space<vmem>>
        %dma_start3A_200 = tpu.memref_squeeze %dma_start3A_199 : memref<1x128x128xf32, #tpu.memory_space<vmem>> -> memref<128x128xf32, #tpu.memory_space<vmem>>
        %dma_start3A_201 = arith.constant 0 : i32
        %dma_start3A_202 = tpu.memref_slice %arg8[%cond3A_128, %dma_start3A_201] : memref<4x128xi32, #tpu.memory_space<vmem>> -> memref<1x128xi32, #tpu.memory_space<vmem>>
        %dma_start3A_203 = tpu.memref_squeeze %dma_start3A_202 : memref<1x128xi32, #tpu.memory_space<vmem>> -> memref<128xi32, #tpu.memory_space<vmem>>
        %dma_start3A_204 = arith.constant 0 : i32
        %dma_start3A_205 = arith.constant 0 : i32
        %dma_start3A_206 = tpu.memref_slice %arg2[%dma_start3A_204, %dma_start3A_205] : memref<10000x128xf32, #tpu.memory_space<hbm>> -> memref<10000x128xf32, #tpu.memory_space<hbm>>
        %dma_start3A_207 = tpu.memref_slice %arg11[%dma_start3A] : memref<2x!tpu.dma_semaphore, #tpu.memory_space<semaphore_mem>> -> memref<1x!tpu.dma_semaphore, #tpu.memory_space<semaphore_mem>>
        %dma_start3A_208 = tpu.memref_squeeze %dma_start3A_207 : memref<1x!tpu.dma_semaphore, #tpu.memory_space<semaphore_mem>> -> memref<!tpu.dma_semaphore, #tpu.memory_space<semaphore_mem>>
        tpu.enqueue_indirect_dma source(%dma_start3A_206 : memref<10000x128xf32, #tpu.memory_space<hbm>>) target(%dma_start3A_200 : memref<128x128xf32, #tpu.memory_space<vmem>>) offsets(%dma_start3A_203 : memref<128xi32, #tpu.memory_space<vmem>>) semaphore(%dma_start3A_208 : memref<!tpu.dma_semaphore, #tpu.memory_space<semaphore_mem>>)
        %add3A_209 = arith.constant 64 : i32
        %add3A_210 = arith.addi %add3A_122, %add3A_209 : i32
        %lt3A_211 = arith.constant 2500 : i32
        %lt3A_212 = arith.cmpi slt, %add3A_210, %lt3A_211 : i32
        %convert_element_type3A_213 = arith.extui %lt3A_212 : i1 to i32
        %cond3A_214 = arith.constant 0 : i32
        %cond3A_215 = arith.cmpi ne, %convert_element_type3A_213, %cond3A_214 : i32
        scf.if %cond3A_215 {
          %add3A_216 = arith.constant 64 : i32
          %add3A_217 = arith.addi %add3A_122, %add3A_216 : i32
          %mul3A_218 = arith.constant 128 : i32
          %mul3A_219 = arith.muli %add3A_217, %mul3A_218 : i32
          %dma_start3A_220 = arith.constant 0 : i32
          %dma_start3A_221 = arith.constant 0 : i32
          %dma_start3A_222 = arith.constant 0 : i32
          %dma_start3A_223 = tpu.memref_slice %arg8[%dma_start3A_220, %dma_start3A_222] : memref<4x128xi32, #tpu.memory_space<vmem>> -> memref<1x128xi32, #tpu.memory_space<vmem>>
          %dma_start3A_224 = tpu.memref_squeeze %dma_start3A_223 : memref<1x128xi32, #tpu.memory_space<vmem>> -> memref<128xi32, #tpu.memory_space<vmem>>
          %dma_start3A_225 = tpu.memref_slice %arg3[%mul3A_219] : memref<320000xi32, #tpu.memory_space<hbm>> -> memref<128xi32, #tpu.memory_space<hbm>>
          %dma_start3A_226 = tpu.memref_slice %arg13[%dma_start3A_221] : memref<4x!tpu.dma_semaphore, #tpu.memory_space<semaphore_mem>> -> memref<1x!tpu.dma_semaphore, #tpu.memory_space<semaphore_mem>>
          %dma_start3A_227 = tpu.memref_squeeze %dma_start3A_226 : memref<1x!tpu.dma_semaphore, #tpu.memory_space<semaphore_mem>> -> memref<!tpu.dma_semaphore, #tpu.memory_space<semaphore_mem>>
          %dma_start3A_228 = arith.constant 0 : i32
          %dma_start3A_229 = tpu.memref_slice %arg8[%dma_start3A_220, %dma_start3A_228] : memref<4x128xi32, #tpu.memory_space<vmem>> -> memref<1x128xi32, #tpu.memory_space<vmem>>
          %dma_start3A_230 = tpu.memref_squeeze %dma_start3A_229 : memref<1x128xi32, #tpu.memory_space<vmem>> -> memref<128xi32, #tpu.memory_space<vmem>>
          %dma_start3A_231 = tpu.memref_slice %arg3[%mul3A_219] : memref<320000xi32, #tpu.memory_space<hbm>> -> memref<128xi32, #tpu.memory_space<hbm>>
          tpu.enqueue_dma source(%dma_start3A_231 : memref<128xi32, #tpu.memory_space<hbm>>) target(%dma_start3A_230 : memref<128xi32, #tpu.memory_space<vmem>>) target_semaphore(%dma_start3A_227 : memref<!tpu.dma_semaphore, #tpu.memory_space<semaphore_mem>>)
          %mul3A_232 = arith.constant 128 : i32
          %mul3A_233 = arith.muli %add3A_217, %mul3A_232 : i32
          %dma_start3A_234 = arith.constant 0 : i32
          %dma_start3A_235 = arith.constant 0 : i32
          %dma_start3A_236 = arith.constant 0 : i32
          %dma_start3A_237 = tpu.memref_slice %arg9[%dma_start3A_234, %dma_start3A_236] : memref<4x128xi32, #tpu.memory_space<vmem>> -> memref<1x128xi32, #tpu.memory_space<vmem>>
          %dma_start3A_238 = tpu.memref_squeeze %dma_start3A_237 : memref<1x128xi32, #tpu.memory_space<vmem>> -> memref<128xi32, #tpu.memory_space<vmem>>
          %dma_start3A_239 = tpu.memref_slice %arg4[%mul3A_233] : memref<320000xi32, #tpu.memory_space<hbm>> -> memref<128xi32, #tpu.memory_space<hbm>>
          %dma_start3A_240 = tpu.memref_slice %arg13[%dma_start3A_235] : memref<4x!tpu.dma_semaphore, #tpu.memory_space<semaphore_mem>> -> memref<1x!tpu.dma_semaphore, #tpu.memory_space<semaphore_mem>>
          %dma_start3A_241 = tpu.memref_squeeze %dma_start3A_240 : memref<1x!tpu.dma_semaphore, #tpu.memory_space<semaphore_mem>> -> memref<!tpu.dma_semaphore, #tpu.memory_space<semaphore_mem>>
          %dma_start3A_242 = arith.constant 0 : i32
          %dma_start3A_243 = tpu.memref_slice %arg9[%dma_start3A_234, %dma_start3A_242] : memref<4x128xi32, #tpu.memory_space<vmem>> -> memref<1x128xi32, #tpu.memory_space<vmem>>
          %dma_start3A_244 = tpu.memref_squeeze %dma_start3A_243 : memref<1x128xi32, #tpu.memory_space<vmem>> -> memref<128xi32, #tpu.memory_space<vmem>>
          %dma_start3A_245 = tpu.memref_slice %arg4[%mul3A_233] : memref<320000xi32, #tpu.memory_space<hbm>> -> memref<128xi32, #tpu.memory_space<hbm>>
          tpu.enqueue_dma source(%dma_start3A_245 : memref<128xi32, #tpu.memory_space<hbm>>) target(%dma_start3A_244 : memref<128xi32, #tpu.memory_space<vmem>>) target_semaphore(%dma_start3A_241 : memref<!tpu.dma_semaphore, #tpu.memory_space<semaphore_mem>>)
        } else {
        }
      } else {
      }
      %ge3A_131 = arith.constant 1 : i32
      %ge3A_132 = arith.cmpi sge, %add3A_119, %ge3A_131 : i32
      %sub3A_133 = arith.constant 32 : i32
      %sub3A_134 = arith.subi %add3A_122, %sub3A_133 : i32
      %lt3A_135 = arith.constant 2500 : i32
      %lt3A_136 = arith.cmpi slt, %sub3A_134, %lt3A_135 : i32
      %and3A_137 = arith.andi %ge3A_132, %lt3A_136 : i1
      %convert_element_type3A_138 = arith.extui %and3A_137 : i1 to i32
      %cond3A_139 = arith.constant 0 : i32
      %cond3A_140 = arith.cmpi ne, %convert_element_type3A_138, %cond3A_139 : i32
      scf.if %cond3A_140 {
        %sub3A_166 = arith.constant 1 : i32
        %sub3A_167 = arith.subi %add3A_119, %sub3A_166 : i32
        %jit3A = arith.constant 4 : i32
        %eq3A = arith.constant 0 : i32
        %eq3A_168 = arith.cmpi eq, %jit3A, %eq3A : i32
        %jit3A_169 = arith.constant 1 : i32
        %select_n3A = arith.select %eq3A_168, %jit3A_169, %jit3A : i32
        %rem3A = arith.remsi %sub3A_167, %select_n3A : i32
        %ne3A = arith.constant 0 : i32
        %ne3A_170 = arith.cmpi ne, %rem3A, %ne3A : i32
        %lt3A_171 = arith.constant 0 : i32
        %lt3A_172 = arith.cmpi slt, %rem3A, %lt3A_171 : i32
        %lt3A_173 = arith.constant 0 : i32
        %lt3A_174 = arith.cmpi slt, %select_n3A, %lt3A_173 : i32
        %ne3A_175 = arith.xori %lt3A_172, %lt3A_174 : i1
        %and3A_176 = arith.andi %ne3A_175, %ne3A_170 : i1
        %add3A_177 = arith.addi %rem3A, %select_n3A : i32
        %select_n3A_178 = arith.select %and3A_176, %add3A_177, %rem3A : i32
        %dma_wait3A_179 = arith.constant 1 : i32
        %dma_wait3A_180 = arith.constant 1 : i32
        %dma_wait3A_181 = arith.constant 0 : i32
        %dma_wait3A_182 = arith.constant 0 : i32
        %dma_wait3A_183 = tpu.memref_slice %arg7[%dma_wait3A_179, %dma_wait3A_181, %dma_wait3A_182] : memref<2x128x128xf32, #tpu.memory_space<vmem>> -> memref<1x128x128xf32, #tpu.memory_space<vmem>>
        %dma_wait3A_184 = tpu.memref_squeeze %dma_wait3A_183 : memref<1x128x128xf32, #tpu.memory_space<vmem>> -> memref<128x128xf32, #tpu.memory_space<vmem>>
        %dma_wait3A_185 = arith.constant 0 : i32
        %dma_wait3A_186 = tpu.memref_slice %arg8[%select_n3A_178, %dma_wait3A_185] : memref<4x128xi32, #tpu.memory_space<vmem>> -> memref<1x128xi32, #tpu.memory_space<vmem>>
        %dma_wait3A_187 = tpu.memref_squeeze %dma_wait3A_186 : memref<1x128xi32, #tpu.memory_space<vmem>> -> memref<128xi32, #tpu.memory_space<vmem>>
        %dma_wait3A_188 = arith.constant 0 : i32
        %dma_wait3A_189 = arith.constant 0 : i32
        %dma_wait3A_190 = tpu.memref_slice %arg2[%dma_wait3A_188, %dma_wait3A_189] : memref<10000x128xf32, #tpu.memory_space<hbm>> -> memref<10000x128xf32, #tpu.memory_space<hbm>>
        %dma_wait3A_191 = tpu.memref_slice %arg11[%dma_wait3A_180] : memref<2x!tpu.dma_semaphore, #tpu.memory_space<semaphore_mem>> -> memref<1x!tpu.dma_semaphore, #tpu.memory_space<semaphore_mem>>
        %dma_wait3A_192 = tpu.memref_squeeze %dma_wait3A_191 : memref<1x!tpu.dma_semaphore, #tpu.memory_space<semaphore_mem>> -> memref<!tpu.dma_semaphore, #tpu.memory_space<semaphore_mem>>
        tpu.wait_indirect_dma semaphore(%dma_wait3A_192 : memref<!tpu.dma_semaphore, #tpu.memory_space<semaphore_mem>>) src(%dma_wait3A_190 : memref<10000x128xf32, #tpu.memory_space<hbm>>) dst(%dma_wait3A_184 : memref<128x128xf32, #tpu.memory_space<vmem>>)
        %dma_start3A = arith.constant 1 : i32
        %dma_start3A_193 = arith.constant 1 : i32
        %dma_start3A_194 = arith.constant 0 : i32
        %dma_start3A_195 = arith.constant 0 : i32
        %dma_start3A_196 = tpu.memref_slice %arg7[%dma_start3A, %dma_start3A_194, %dma_start3A_195] : memref<2x128x128xf32, #tpu.memory_space<vmem>> -> memref<1x128x128xf32, #tpu.memory_space<vmem>>
        %dma_start3A_197 = tpu.memref_squeeze %dma_start3A_196 : memref<1x128x128xf32, #tpu.memory_space<vmem>> -> memref<128x128xf32, #tpu.memory_space<vmem>>
        %dma_start3A_198 = arith.constant 0 : i32
        %dma_start3A_199 = tpu.memref_slice %arg9[%select_n3A_178, %dma_start3A_198] : memref<4x128xi32, #tpu.memory_space<vmem>> -> memref<1x128xi32, #tpu.memory_space<vmem>>
        %dma_start3A_200 = tpu.memref_squeeze %dma_start3A_199 : memref<1x128xi32, #tpu.memory_space<vmem>> -> memref<128xi32, #tpu.memory_space<vmem>>
        %dma_start3A_201 = arith.constant 0 : i32
        %dma_start3A_202 = arith.constant 0 : i32
        %dma_start3A_203 = tpu.memref_slice %arg6[%dma_start3A_201, %dma_start3A_202] : memref<10112x128xf32, #tpu.memory_space<vmem_shared>> -> memref<10112x128xf32, #tpu.memory_space<vmem_shared>>
        %dma_start3A_204 = tpu.memref_slice %arg12[%dma_start3A_193] : memref<2x!tpu.dma_semaphore, #tpu.memory_space<semaphore_mem>> -> memref<1x!tpu.dma_semaphore, #tpu.memory_space<semaphore_mem>>
        %dma_start3A_205 = tpu.memref_squeeze %dma_start3A_204 : memref<1x!tpu.dma_semaphore, #tpu.memory_space<semaphore_mem>> -> memref<!tpu.dma_semaphore, #tpu.memory_space<semaphore_mem>>
        tpu.enqueue_indirect_dma source(%dma_start3A_197 : memref<128x128xf32, #tpu.memory_space<vmem>>) target(%dma_start3A_203 : memref<10112x128xf32, #tpu.memory_space<vmem_shared>>) offsets(%dma_start3A_200 : memref<128xi32, #tpu.memory_space<vmem>>) semaphore(%dma_start3A_205 : memref<!tpu.dma_semaphore, #tpu.memory_space<semaphore_mem>>) {add = true}
      } else {
      }
      %mul3A_141 = arith.constant 4 : i32
      %mul3A_142 = arith.muli %mul3A_141, %add3A_68 : i32
      %add3A_143 = arith.constant 3 : i32
      %add3A_144 = arith.addi %mul3A_142, %add3A_143 : i32
      %mul3A_145 = arith.constant 32 : i32
      %mul3A_146 = arith.muli %add3A_144, %mul3A_145 : i32
      %add3A_147 = arith.addi %add3A, %mul3A_146 : i32
      %lt3A_148 = arith.constant 2500 : i32
      %lt3A_149 = arith.cmpi slt, %add3A_147, %lt3A_148 : i32
      %convert_element_type3A_150 = arith.extui %lt3A_149 : i1 to i32
      %cond3A_151 = arith.constant 1 : i32
      %cond3A_152 = arith.constant 3 : i32
      %cond3A_153 = arith.constant 3 : i32
      %cond3A_154 = arith.constant 0 : i32
      %cond3A_155 = arith.cmpi ne, %convert_element_type3A_150, %cond3A_154 : i32
      scf.if %cond3A_155 {
        %ge3A_166 = arith.constant 2 : i32
        %ge3A_167 = arith.cmpi sge, %add3A_144, %ge3A_166 : i32
        %convert_element_type3A_168 = arith.extui %ge3A_167 : i1 to i32
        %cond3A_169 = arith.constant 0 : i32
        %cond3A_170 = arith.cmpi ne, %convert_element_type3A_168, %cond3A_169 : i32
        scf.if %cond3A_170 {
          %dma_wait3A_216 = arith.constant 1 : i32
          %dma_wait3A_217 = arith.constant 0 : i32
          %dma_wait3A_218 = arith.constant 0 : i32
          %dma_wait3A_219 = tpu.memref_slice %arg7[%cond3A_151, %dma_wait3A_217, %dma_wait3A_218] : memref<2x128x128xf32, #tpu.memory_space<vmem>> -> memref<1x128x128xf32, #tpu.memory_space<vmem>>
          %dma_wait3A_220 = tpu.memref_squeeze %dma_wait3A_219 : memref<1x128x128xf32, #tpu.memory_space<vmem>> -> memref<128x128xf32, #tpu.memory_space<vmem>>
          %dma_wait3A_221 = arith.constant 0 : i32
          %dma_wait3A_222 = tpu.memref_slice %arg9[%cond3A_152, %dma_wait3A_221] : memref<4x128xi32, #tpu.memory_space<vmem>> -> memref<1x128xi32, #tpu.memory_space<vmem>>
          %dma_wait3A_223 = tpu.memref_squeeze %dma_wait3A_222 : memref<1x128xi32, #tpu.memory_space<vmem>> -> memref<128xi32, #tpu.memory_space<vmem>>
          %dma_wait3A_224 = arith.constant 0 : i32
          %dma_wait3A_225 = arith.constant 0 : i32
          %dma_wait3A_226 = tpu.memref_slice %arg6[%dma_wait3A_224, %dma_wait3A_225] : memref<10112x128xf32, #tpu.memory_space<vmem_shared>> -> memref<10112x128xf32, #tpu.memory_space<vmem_shared>>
          %dma_wait3A_227 = tpu.memref_slice %arg12[%dma_wait3A_216] : memref<2x!tpu.dma_semaphore, #tpu.memory_space<semaphore_mem>> -> memref<1x!tpu.dma_semaphore, #tpu.memory_space<semaphore_mem>>
          %dma_wait3A_228 = tpu.memref_squeeze %dma_wait3A_227 : memref<1x!tpu.dma_semaphore, #tpu.memory_space<semaphore_mem>> -> memref<!tpu.dma_semaphore, #tpu.memory_space<semaphore_mem>>
          tpu.wait_indirect_dma semaphore(%dma_wait3A_228 : memref<!tpu.dma_semaphore, #tpu.memory_space<semaphore_mem>>) src(%dma_wait3A_220 : memref<128x128xf32, #tpu.memory_space<vmem>>) dst(%dma_wait3A_226 : memref<10112x128xf32, #tpu.memory_space<vmem_shared>>)
        } else {
        }
        %mul3A_171 = arith.constant 128 : i32
        %mul3A_172 = arith.muli %add3A_147, %mul3A_171 : i32
        %dma_wait3A_173 = arith.constant 3 : i32
        %dma_wait3A_174 = arith.constant 0 : i32
        %dma_wait3A_175 = tpu.memref_slice %arg8[%cond3A_153, %dma_wait3A_174] : memref<4x128xi32, #tpu.memory_space<vmem>> -> memref<1x128xi32, #tpu.memory_space<vmem>>
        %dma_wait3A_176 = tpu.memref_squeeze %dma_wait3A_175 : memref<1x128xi32, #tpu.memory_space<vmem>> -> memref<128xi32, #tpu.memory_space<vmem>>
        %dma_wait3A_177 = tpu.memref_slice %arg3[%mul3A_172] : memref<320000xi32, #tpu.memory_space<hbm>> -> memref<128xi32, #tpu.memory_space<hbm>>
        %dma_wait3A_178 = tpu.memref_slice %arg13[%dma_wait3A_173] : memref<4x!tpu.dma_semaphore, #tpu.memory_space<semaphore_mem>> -> memref<1x!tpu.dma_semaphore, #tpu.memory_space<semaphore_mem>>
        %dma_wait3A_179 = tpu.memref_squeeze %dma_wait3A_178 : memref<1x!tpu.dma_semaphore, #tpu.memory_space<semaphore_mem>> -> memref<!tpu.dma_semaphore, #tpu.memory_space<semaphore_mem>>
        %dma_wait3A_180 = arith.constant 0 : i32
        %dma_wait3A_181 = tpu.memref_slice %arg8[%cond3A_153, %dma_wait3A_180] : memref<4x128xi32, #tpu.memory_space<vmem>> -> memref<1x128xi32, #tpu.memory_space<vmem>>
        %dma_wait3A_182 = tpu.memref_squeeze %dma_wait3A_181 : memref<1x128xi32, #tpu.memory_space<vmem>> -> memref<128xi32, #tpu.memory_space<vmem>>
        %dma_wait3A_183 = tpu.memref_slice %arg3[%mul3A_172] : memref<320000xi32, #tpu.memory_space<hbm>> -> memref<128xi32, #tpu.memory_space<hbm>>
        tpu.wait_dma2 semaphore(%dma_wait3A_179 : memref<!tpu.dma_semaphore, #tpu.memory_space<semaphore_mem>>) src(%dma_wait3A_183 : memref<128xi32, #tpu.memory_space<hbm>>) dst(%dma_wait3A_182 : memref<128xi32, #tpu.memory_space<vmem>>)
        %mul3A_184 = arith.constant 128 : i32
        %mul3A_185 = arith.muli %add3A_147, %mul3A_184 : i32
        %dma_wait3A_186 = arith.constant 3 : i32
        %dma_wait3A_187 = arith.constant 0 : i32
        %dma_wait3A_188 = tpu.memref_slice %arg9[%cond3A_152, %dma_wait3A_187] : memref<4x128xi32, #tpu.memory_space<vmem>> -> memref<1x128xi32, #tpu.memory_space<vmem>>
        %dma_wait3A_189 = tpu.memref_squeeze %dma_wait3A_188 : memref<1x128xi32, #tpu.memory_space<vmem>> -> memref<128xi32, #tpu.memory_space<vmem>>
        %dma_wait3A_190 = tpu.memref_slice %arg4[%mul3A_185] : memref<320000xi32, #tpu.memory_space<hbm>> -> memref<128xi32, #tpu.memory_space<hbm>>
        %dma_wait3A_191 = tpu.memref_slice %arg13[%dma_wait3A_186] : memref<4x!tpu.dma_semaphore, #tpu.memory_space<semaphore_mem>> -> memref<1x!tpu.dma_semaphore, #tpu.memory_space<semaphore_mem>>
        %dma_wait3A_192 = tpu.memref_squeeze %dma_wait3A_191 : memref<1x!tpu.dma_semaphore, #tpu.memory_space<semaphore_mem>> -> memref<!tpu.dma_semaphore, #tpu.memory_space<semaphore_mem>>
        %dma_wait3A_193 = arith.constant 0 : i32
        %dma_wait3A_194 = tpu.memref_slice %arg9[%cond3A_152, %dma_wait3A_193] : memref<4x128xi32, #tpu.memory_space<vmem>> -> memref<1x128xi32, #tpu.memory_space<vmem>>
        %dma_wait3A_195 = tpu.memref_squeeze %dma_wait3A_194 : memref<1x128xi32, #tpu.memory_space<vmem>> -> memref<128xi32, #tpu.memory_space<vmem>>
        %dma_wait3A_196 = tpu.memref_slice %arg4[%mul3A_185] : memref<320000xi32, #tpu.memory_space<hbm>> -> memref<128xi32, #tpu.memory_space<hbm>>
        tpu.wait_dma2 semaphore(%dma_wait3A_192 : memref<!tpu.dma_semaphore, #tpu.memory_space<semaphore_mem>>) src(%dma_wait3A_196 : memref<128xi32, #tpu.memory_space<hbm>>) dst(%dma_wait3A_195 : memref<128xi32, #tpu.memory_space<vmem>>)
        %dma_start3A = arith.constant 1 : i32
        %dma_start3A_197 = arith.constant 0 : i32
        %dma_start3A_198 = arith.constant 0 : i32
        %dma_start3A_199 = tpu.memref_slice %arg7[%cond3A_151, %dma_start3A_197, %dma_start3A_198] : memref<2x128x128xf32, #tpu.memory_space<vmem>> -> memref<1x128x128xf32, #tpu.memory_space<vmem>>
        %dma_start3A_200 = tpu.memref_squeeze %dma_start3A_199 : memref<1x128x128xf32, #tpu.memory_space<vmem>> -> memref<128x128xf32, #tpu.memory_space<vmem>>
        %dma_start3A_201 = arith.constant 0 : i32
        %dma_start3A_202 = tpu.memref_slice %arg8[%cond3A_153, %dma_start3A_201] : memref<4x128xi32, #tpu.memory_space<vmem>> -> memref<1x128xi32, #tpu.memory_space<vmem>>
        %dma_start3A_203 = tpu.memref_squeeze %dma_start3A_202 : memref<1x128xi32, #tpu.memory_space<vmem>> -> memref<128xi32, #tpu.memory_space<vmem>>
        %dma_start3A_204 = arith.constant 0 : i32
        %dma_start3A_205 = arith.constant 0 : i32
        %dma_start3A_206 = tpu.memref_slice %arg2[%dma_start3A_204, %dma_start3A_205] : memref<10000x128xf32, #tpu.memory_space<hbm>> -> memref<10000x128xf32, #tpu.memory_space<hbm>>
        %dma_start3A_207 = tpu.memref_slice %arg11[%dma_start3A] : memref<2x!tpu.dma_semaphore, #tpu.memory_space<semaphore_mem>> -> memref<1x!tpu.dma_semaphore, #tpu.memory_space<semaphore_mem>>
        %dma_start3A_208 = tpu.memref_squeeze %dma_start3A_207 : memref<1x!tpu.dma_semaphore, #tpu.memory_space<semaphore_mem>> -> memref<!tpu.dma_semaphore, #tpu.memory_space<semaphore_mem>>
        tpu.enqueue_indirect_dma source(%dma_start3A_206 : memref<10000x128xf32, #tpu.memory_space<hbm>>) target(%dma_start3A_200 : memref<128x128xf32, #tpu.memory_space<vmem>>) offsets(%dma_start3A_203 : memref<128xi32, #tpu.memory_space<vmem>>) semaphore(%dma_start3A_208 : memref<!tpu.dma_semaphore, #tpu.memory_space<semaphore_mem>>)
        %add3A_209 = arith.constant 64 : i32
        %add3A_210 = arith.addi %add3A_147, %add3A_209 : i32
        %lt3A_211 = arith.constant 2500 : i32
        %lt3A_212 = arith.cmpi slt, %add3A_210, %lt3A_211 : i32
        %convert_element_type3A_213 = arith.extui %lt3A_212 : i1 to i32
        %cond3A_214 = arith.constant 0 : i32
        %cond3A_215 = arith.cmpi ne, %convert_element_type3A_213, %cond3A_214 : i32
        scf.if %cond3A_215 {
          %add3A_216 = arith.constant 64 : i32
          %add3A_217 = arith.addi %add3A_147, %add3A_216 : i32
          %mul3A_218 = arith.constant 128 : i32
          %mul3A_219 = arith.muli %add3A_217, %mul3A_218 : i32
          %dma_start3A_220 = arith.constant 1 : i32
          %dma_start3A_221 = arith.constant 1 : i32
          %dma_start3A_222 = arith.constant 0 : i32
          %dma_start3A_223 = tpu.memref_slice %arg8[%dma_start3A_220, %dma_start3A_222] : memref<4x128xi32, #tpu.memory_space<vmem>> -> memref<1x128xi32, #tpu.memory_space<vmem>>
          %dma_start3A_224 = tpu.memref_squeeze %dma_start3A_223 : memref<1x128xi32, #tpu.memory_space<vmem>> -> memref<128xi32, #tpu.memory_space<vmem>>
          %dma_start3A_225 = tpu.memref_slice %arg3[%mul3A_219] : memref<320000xi32, #tpu.memory_space<hbm>> -> memref<128xi32, #tpu.memory_space<hbm>>
          %dma_start3A_226 = tpu.memref_slice %arg13[%dma_start3A_221] : memref<4x!tpu.dma_semaphore, #tpu.memory_space<semaphore_mem>> -> memref<1x!tpu.dma_semaphore, #tpu.memory_space<semaphore_mem>>
          %dma_start3A_227 = tpu.memref_squeeze %dma_start3A_226 : memref<1x!tpu.dma_semaphore, #tpu.memory_space<semaphore_mem>> -> memref<!tpu.dma_semaphore, #tpu.memory_space<semaphore_mem>>
          %dma_start3A_228 = arith.constant 0 : i32
          %dma_start3A_229 = tpu.memref_slice %arg8[%dma_start3A_220, %dma_start3A_228] : memref<4x128xi32, #tpu.memory_space<vmem>> -> memref<1x128xi32, #tpu.memory_space<vmem>>
          %dma_start3A_230 = tpu.memref_squeeze %dma_start3A_229 : memref<1x128xi32, #tpu.memory_space<vmem>> -> memref<128xi32, #tpu.memory_space<vmem>>
          %dma_start3A_231 = tpu.memref_slice %arg3[%mul3A_219] : memref<320000xi32, #tpu.memory_space<hbm>> -> memref<128xi32, #tpu.memory_space<hbm>>
          tpu.enqueue_dma source(%dma_start3A_231 : memref<128xi32, #tpu.memory_space<hbm>>) target(%dma_start3A_230 : memref<128xi32, #tpu.memory_space<vmem>>) target_semaphore(%dma_start3A_227 : memref<!tpu.dma_semaphore, #tpu.memory_space<semaphore_mem>>)
          %mul3A_232 = arith.constant 128 : i32
          %mul3A_233 = arith.muli %add3A_217, %mul3A_232 : i32
          %dma_start3A_234 = arith.constant 1 : i32
          %dma_start3A_235 = arith.constant 1 : i32
          %dma_start3A_236 = arith.constant 0 : i32
          %dma_start3A_237 = tpu.memref_slice %arg9[%dma_start3A_234, %dma_start3A_236] : memref<4x128xi32, #tpu.memory_space<vmem>> -> memref<1x128xi32, #tpu.memory_space<vmem>>
          %dma_start3A_238 = tpu.memref_squeeze %dma_start3A_237 : memref<1x128xi32, #tpu.memory_space<vmem>> -> memref<128xi32, #tpu.memory_space<vmem>>
          %dma_start3A_239 = tpu.memref_slice %arg4[%mul3A_233] : memref<320000xi32, #tpu.memory_space<hbm>> -> memref<128xi32, #tpu.memory_space<hbm>>
          %dma_start3A_240 = tpu.memref_slice %arg13[%dma_start3A_235] : memref<4x!tpu.dma_semaphore, #tpu.memory_space<semaphore_mem>> -> memref<1x!tpu.dma_semaphore, #tpu.memory_space<semaphore_mem>>
          %dma_start3A_241 = tpu.memref_squeeze %dma_start3A_240 : memref<1x!tpu.dma_semaphore, #tpu.memory_space<semaphore_mem>> -> memref<!tpu.dma_semaphore, #tpu.memory_space<semaphore_mem>>
          %dma_start3A_242 = arith.constant 0 : i32
          %dma_start3A_243 = tpu.memref_slice %arg9[%dma_start3A_234, %dma_start3A_242] : memref<4x128xi32, #tpu.memory_space<vmem>> -> memref<1x128xi32, #tpu.memory_space<vmem>>
          %dma_start3A_244 = tpu.memref_squeeze %dma_start3A_243 : memref<1x128xi32, #tpu.memory_space<vmem>> -> memref<128xi32, #tpu.memory_space<vmem>>
          %dma_start3A_245 = tpu.memref_slice %arg4[%mul3A_233] : memref<320000xi32, #tpu.memory_space<hbm>> -> memref<128xi32, #tpu.memory_space<hbm>>
          tpu.enqueue_dma source(%dma_start3A_245 : memref<128xi32, #tpu.memory_space<hbm>>) target(%dma_start3A_244 : memref<128xi32, #tpu.memory_space<vmem>>) target_semaphore(%dma_start3A_241 : memref<!tpu.dma_semaphore, #tpu.memory_space<semaphore_mem>>)
        } else {
        }
      } else {
      }
      %ge3A_156 = arith.constant 1 : i32
      %ge3A_157 = arith.cmpi sge, %add3A_144, %ge3A_156 : i32
      %sub3A_158 = arith.constant 32 : i32
      %sub3A_159 = arith.subi %add3A_147, %sub3A_158 : i32
      %lt3A_160 = arith.constant 2500 : i32
      %lt3A_161 = arith.cmpi slt, %sub3A_159, %lt3A_160 : i32
      %and3A_162 = arith.andi %ge3A_157, %lt3A_161 : i1
      %convert_element_type3A_163 = arith.extui %and3A_162 : i1 to i32
      %cond3A_164 = arith.constant 0 : i32
      %cond3A_165 = arith.cmpi ne, %convert_element_type3A_163, %cond3A_164 : i32
      scf.if %cond3A_165 {
        %sub3A_166 = arith.constant 1 : i32
        %sub3A_167 = arith.subi %add3A_144, %sub3A_166 : i32
        %jit3A = arith.constant 4 : i32
        %eq3A = arith.constant 0 : i32
        %eq3A_168 = arith.cmpi eq, %jit3A, %eq3A : i32
        %jit3A_169 = arith.constant 1 : i32
        %select_n3A = arith.select %eq3A_168, %jit3A_169, %jit3A : i32
        %rem3A = arith.remsi %sub3A_167, %select_n3A : i32
        %ne3A = arith.constant 0 : i32
        %ne3A_170 = arith.cmpi ne, %rem3A, %ne3A : i32
        %lt3A_171 = arith.constant 0 : i32
        %lt3A_172 = arith.cmpi slt, %rem3A, %lt3A_171 : i32
        %lt3A_173 = arith.constant 0 : i32
        %lt3A_174 = arith.cmpi slt, %select_n3A, %lt3A_173 : i32
        %ne3A_175 = arith.xori %lt3A_172, %lt3A_174 : i1
        %and3A_176 = arith.andi %ne3A_175, %ne3A_170 : i1
        %add3A_177 = arith.addi %rem3A, %select_n3A : i32
        %select_n3A_178 = arith.select %and3A_176, %add3A_177, %rem3A : i32
        %dma_wait3A_179 = arith.constant 0 : i32
        %dma_wait3A_180 = arith.constant 0 : i32
        %dma_wait3A_181 = arith.constant 0 : i32
        %dma_wait3A_182 = arith.constant 0 : i32
        %dma_wait3A_183 = tpu.memref_slice %arg7[%dma_wait3A_179, %dma_wait3A_181, %dma_wait3A_182] : memref<2x128x128xf32, #tpu.memory_space<vmem>> -> memref<1x128x128xf32, #tpu.memory_space<vmem>>
        %dma_wait3A_184 = tpu.memref_squeeze %dma_wait3A_183 : memref<1x128x128xf32, #tpu.memory_space<vmem>> -> memref<128x128xf32, #tpu.memory_space<vmem>>
        %dma_wait3A_185 = arith.constant 0 : i32
        %dma_wait3A_186 = tpu.memref_slice %arg8[%select_n3A_178, %dma_wait3A_185] : memref<4x128xi32, #tpu.memory_space<vmem>> -> memref<1x128xi32, #tpu.memory_space<vmem>>
        %dma_wait3A_187 = tpu.memref_squeeze %dma_wait3A_186 : memref<1x128xi32, #tpu.memory_space<vmem>> -> memref<128xi32, #tpu.memory_space<vmem>>
        %dma_wait3A_188 = arith.constant 0 : i32
        %dma_wait3A_189 = arith.constant 0 : i32
        %dma_wait3A_190 = tpu.memref_slice %arg2[%dma_wait3A_188, %dma_wait3A_189] : memref<10000x128xf32, #tpu.memory_space<hbm>> -> memref<10000x128xf32, #tpu.memory_space<hbm>>
        %dma_wait3A_191 = tpu.memref_slice %arg11[%dma_wait3A_180] : memref<2x!tpu.dma_semaphore, #tpu.memory_space<semaphore_mem>> -> memref<1x!tpu.dma_semaphore, #tpu.memory_space<semaphore_mem>>
        %dma_wait3A_192 = tpu.memref_squeeze %dma_wait3A_191 : memref<1x!tpu.dma_semaphore, #tpu.memory_space<semaphore_mem>> -> memref<!tpu.dma_semaphore, #tpu.memory_space<semaphore_mem>>
        tpu.wait_indirect_dma semaphore(%dma_wait3A_192 : memref<!tpu.dma_semaphore, #tpu.memory_space<semaphore_mem>>) src(%dma_wait3A_190 : memref<10000x128xf32, #tpu.memory_space<hbm>>) dst(%dma_wait3A_184 : memref<128x128xf32, #tpu.memory_space<vmem>>)
        %dma_start3A = arith.constant 0 : i32
        %dma_start3A_193 = arith.constant 0 : i32
        %dma_start3A_194 = arith.constant 0 : i32
        %dma_start3A_195 = arith.constant 0 : i32
        %dma_start3A_196 = tpu.memref_slice %arg7[%dma_start3A, %dma_start3A_194, %dma_start3A_195] : memref<2x128x128xf32, #tpu.memory_space<vmem>> -> memref<1x128x128xf32, #tpu.memory_space<vmem>>
        %dma_start3A_197 = tpu.memref_squeeze %dma_start3A_196 : memref<1x128x128xf32, #tpu.memory_space<vmem>> -> memref<128x128xf32, #tpu.memory_space<vmem>>
        %dma_start3A_198 = arith.constant 0 : i32
        %dma_start3A_199 = tpu.memref_slice %arg9[%select_n3A_178, %dma_start3A_198] : memref<4x128xi32, #tpu.memory_space<vmem>> -> memref<1x128xi32, #tpu.memory_space<vmem>>
        %dma_start3A_200 = tpu.memref_squeeze %dma_start3A_199 : memref<1x128xi32, #tpu.memory_space<vmem>> -> memref<128xi32, #tpu.memory_space<vmem>>
        %dma_start3A_201 = arith.constant 0 : i32
        %dma_start3A_202 = arith.constant 0 : i32
        %dma_start3A_203 = tpu.memref_slice %arg6[%dma_start3A_201, %dma_start3A_202] : memref<10112x128xf32, #tpu.memory_space<vmem_shared>> -> memref<10112x128xf32, #tpu.memory_space<vmem_shared>>
        %dma_start3A_204 = tpu.memref_slice %arg12[%dma_start3A_193] : memref<2x!tpu.dma_semaphore, #tpu.memory_space<semaphore_mem>> -> memref<1x!tpu.dma_semaphore, #tpu.memory_space<semaphore_mem>>
        %dma_start3A_205 = tpu.memref_squeeze %dma_start3A_204 : memref<1x!tpu.dma_semaphore, #tpu.memory_space<semaphore_mem>> -> memref<!tpu.dma_semaphore, #tpu.memory_space<semaphore_mem>>
        tpu.enqueue_indirect_dma source(%dma_start3A_197 : memref<128x128xf32, #tpu.memory_space<vmem>>) target(%dma_start3A_203 : memref<10112x128xf32, #tpu.memory_space<vmem_shared>>) offsets(%dma_start3A_200 : memref<128xi32, #tpu.memory_space<vmem>>) semaphore(%dma_start3A_205 : memref<!tpu.dma_semaphore, #tpu.memory_space<semaphore_mem>>) {add = true}
      } else {
      }
    }
    %scan3A_29 = arith.constant 20 : i32
    %dma_wait3A = arith.constant 0 : i32
    %dma_wait3A_30 = arith.constant 0 : i32
    %dma_wait3A_31 = arith.constant 0 : i32
    %dma_wait3A_32 = arith.constant 0 : i32
    %dma_wait3A_33 = arith.constant 0 : i32
    %dma_wait3A_34 = tpu.memref_slice %arg7[%dma_wait3A, %dma_wait3A_32, %dma_wait3A_33] : memref<2x128x128xf32, #tpu.memory_space<vmem>> -> memref<1x128x128xf32, #tpu.memory_space<vmem>>
    %dma_wait3A_35 = tpu.memref_squeeze %dma_wait3A_34 : memref<1x128x128xf32, #tpu.memory_space<vmem>> -> memref<128x128xf32, #tpu.memory_space<vmem>>
    %dma_wait3A_36 = arith.constant 0 : i32
    %dma_wait3A_37 = tpu.memref_slice %arg9[%dma_wait3A_30, %dma_wait3A_36] : memref<4x128xi32, #tpu.memory_space<vmem>> -> memref<1x128xi32, #tpu.memory_space<vmem>>
    %dma_wait3A_38 = tpu.memref_squeeze %dma_wait3A_37 : memref<1x128xi32, #tpu.memory_space<vmem>> -> memref<128xi32, #tpu.memory_space<vmem>>
    %dma_wait3A_39 = arith.constant 0 : i32
    %dma_wait3A_40 = arith.constant 0 : i32
    %dma_wait3A_41 = tpu.memref_slice %arg6[%dma_wait3A_39, %dma_wait3A_40] : memref<10112x128xf32, #tpu.memory_space<vmem_shared>> -> memref<10112x128xf32, #tpu.memory_space<vmem_shared>>
    %dma_wait3A_42 = tpu.memref_slice %arg12[%dma_wait3A_31] : memref<2x!tpu.dma_semaphore, #tpu.memory_space<semaphore_mem>> -> memref<1x!tpu.dma_semaphore, #tpu.memory_space<semaphore_mem>>
    %dma_wait3A_43 = tpu.memref_squeeze %dma_wait3A_42 : memref<1x!tpu.dma_semaphore, #tpu.memory_space<semaphore_mem>> -> memref<!tpu.dma_semaphore, #tpu.memory_space<semaphore_mem>>
    tpu.wait_indirect_dma semaphore(%dma_wait3A_43 : memref<!tpu.dma_semaphore, #tpu.memory_space<semaphore_mem>>) src(%dma_wait3A_35 : memref<128x128xf32, #tpu.memory_space<vmem>>) dst(%dma_wait3A_41 : memref<10112x128xf32, #tpu.memory_space<vmem_shared>>)
    %dma_wait3A_44 = arith.constant 1 : i32
    %dma_wait3A_45 = arith.constant 1 : i32
    %dma_wait3A_46 = arith.constant 1 : i32
    %dma_wait3A_47 = arith.constant 0 : i32
    %dma_wait3A_48 = arith.constant 0 : i32
    %dma_wait3A_49 = tpu.memref_slice %arg7[%dma_wait3A_44, %dma_wait3A_47, %dma_wait3A_48] : memref<2x128x128xf32, #tpu.memory_space<vmem>> -> memref<1x128x128xf32, #tpu.memory_space<vmem>>
    %dma_wait3A_50 = tpu.memref_squeeze %dma_wait3A_49 : memref<1x128x128xf32, #tpu.memory_space<vmem>> -> memref<128x128xf32, #tpu.memory_space<vmem>>
    %dma_wait3A_51 = arith.constant 0 : i32
    %dma_wait3A_52 = tpu.memref_slice %arg9[%dma_wait3A_45, %dma_wait3A_51] : memref<4x128xi32, #tpu.memory_space<vmem>> -> memref<1x128xi32, #tpu.memory_space<vmem>>
    %dma_wait3A_53 = tpu.memref_squeeze %dma_wait3A_52 : memref<1x128xi32, #tpu.memory_space<vmem>> -> memref<128xi32, #tpu.memory_space<vmem>>
    %dma_wait3A_54 = arith.constant 0 : i32
    %dma_wait3A_55 = arith.constant 0 : i32
    %dma_wait3A_56 = tpu.memref_slice %arg6[%dma_wait3A_54, %dma_wait3A_55] : memref<10112x128xf32, #tpu.memory_space<vmem_shared>> -> memref<10112x128xf32, #tpu.memory_space<vmem_shared>>
    %dma_wait3A_57 = tpu.memref_slice %arg12[%dma_wait3A_46] : memref<2x!tpu.dma_semaphore, #tpu.memory_space<semaphore_mem>> -> memref<1x!tpu.dma_semaphore, #tpu.memory_space<semaphore_mem>>
    %dma_wait3A_58 = tpu.memref_squeeze %dma_wait3A_57 : memref<1x!tpu.dma_semaphore, #tpu.memory_space<semaphore_mem>> -> memref<!tpu.dma_semaphore, #tpu.memory_space<semaphore_mem>>
    tpu.wait_indirect_dma semaphore(%dma_wait3A_58 : memref<!tpu.dma_semaphore, #tpu.memory_space<semaphore_mem>>) src(%dma_wait3A_50 : memref<128x128xf32, #tpu.memory_space<vmem>>) dst(%dma_wait3A_56 : memref<10112x128xf32, #tpu.memory_space<vmem_shared>>)
    %barrier3A_59 = arith.constant 0 : index
    tpu.barrier barrier_id(%barrier3A_59)
    %mul3A_60 = arith.constant 632 : i32
    %mul3A_61 = arith.muli %arg1, %mul3A_60 : i32
    %mul3A_62 = arith.constant 632 : i32
    %mul3A_63 = arith.muli %arg1, %mul3A_62 : i32
    "tpu.region"() ({
      %run_scoped3A = tpu.sem_alloc : memref<!tpu.dma_semaphore, #tpu.memory_space<semaphore_mem>>
      %dma_start3A = arith.constant 0 : i32
      %dma_start3A_64 = tpu.memref_slice %arg5[%arg0, %mul3A_63, %dma_start3A] : memref<2x10112x128xf32, #tpu.memory_space<hbm>> -> memref<1x632x128xf32, #tpu.memory_space<hbm>>
      %dma_start3A_65 = tpu.memref_squeeze %dma_start3A_64 : memref<1x632x128xf32, #tpu.memory_space<hbm>> -> memref<632x128xf32, #tpu.memory_space<hbm>>
      %dma_start3A_66 = arith.constant 0 : i32
      %dma_start3A_67 = tpu.memref_slice %arg6[%mul3A_61, %dma_start3A_66] : memref<10112x128xf32, #tpu.memory_space<vmem_shared>> -> memref<632x128xf32, #tpu.memory_space<vmem_shared>>
      tpu.enqueue_dma source(%dma_start3A_67 : memref<632x128xf32, #tpu.memory_space<vmem_shared>>) target(%dma_start3A_65 : memref<632x128xf32, #tpu.memory_space<hbm>>) target_semaphore(%run_scoped3A : memref<!tpu.dma_semaphore, #tpu.memory_space<semaphore_mem>>)
      %dma_wait3A_68 = arith.constant 0 : i32
      %dma_wait3A_69 = tpu.memref_slice %arg5[%arg0, %mul3A_63, %dma_wait3A_68] : memref<2x10112x128xf32, #tpu.memory_space<hbm>> -> memref<1x632x128xf32, #tpu.memory_space<hbm>>
      %dma_wait3A_70 = tpu.memref_squeeze %dma_wait3A_69 : memref<1x632x128xf32, #tpu.memory_space<hbm>> -> memref<632x128xf32, #tpu.memory_space<hbm>>
      %dma_wait3A_71 = arith.constant 0 : i32
      %dma_wait3A_72 = tpu.memref_slice %arg6[%mul3A_61, %dma_wait3A_71] : memref<10112x128xf32, #tpu.memory_space<vmem_shared>> -> memref<632x128xf32, #tpu.memory_space<vmem_shared>>
      tpu.wait_dma2 semaphore(%run_scoped3A : memref<!tpu.dma_semaphore, #tpu.memory_space<semaphore_mem>>) src(%dma_wait3A_72 : memref<632x128xf32, #tpu.memory_space<vmem_shared>>) dst(%dma_wait3A_70 : memref<632x128xf32, #tpu.memory_space<hbm>>)
      tpu.yield
    }) : () -> ()
    return
  }
}

#map = affine_map<(d0, d1) -> (0, 0, 0)>
module attributes {stable_mosaic.version = 14 : i64} {
  func.func @_deg_body(%arg0: i32, %arg1: i32, %arg2: memref<32x160x128xi32, #tpu.memory_space<hbm>>, %arg3: memref<2x20096x16xf32, #tpu.memory_space<hbm>>, %arg4: memref<20096x16xf32, #tpu.memory_space<vmem_shared>>, %arg5: memref<128x16xf32, #tpu.memory_space<vmem>>, %arg6: memref<160x128xi32, #tpu.memory_space<vmem>>, %arg7: memref<1256x16xf32, #tpu.memory_space<vmem>>, %arg8: memref<4x!tpu.dma_semaphore, #tpu.memory_space<semaphore_mem>>) attributes {dimension_semantics = [#tpu.dimension_semantics<core_parallel>, #tpu.dimension_semantics<subcore_parallel>], iteration_bounds = array<i64: 2, 16>, scalar_prefetch = 0 : i64, scratch_operands = 5 : i64, tpu.core_type = #tpu.core_type<sc_vector_subcore>, window_params = [{transform_indices = #map}, {transform_indices = #map}]} {
    %mul3A = arith.constant 2 : i32
    %mul3A_0 = arith.muli %arg1, %mul3A : i32
    %add3A = arith.addi %mul3A_0, %arg0 : i32
    %scan3A = arith.constant 0 : i32
    %scan3A_1 = arith.constant 128 : i32
    %scan3A_2 = arith.addi %scan3A, %scan3A_1 : i32
    %scan3A_3 = arith.constant 1 : i32
    scf.for %scan3A_61 = %scan3A to %scan3A_2 step %scan3A_3  : i32 {
      %mul3A_62 = arith.constant 1 : i32
      %mul3A_63 = arith.muli %scan3A_61, %mul3A_62 : i32
      %add3A_64 = arith.constant 0 : i32
      %add3A_65 = arith.addi %add3A_64, %mul3A_63 : i32
      %broadcast_in_dim3A = arith.constant 1.000000e+00 : f32
      %broadcast_in_dim3A_66 = vector.broadcast %broadcast_in_dim3A : f32 to vector<16xf32>
      %swap3A = arith.index_cast %add3A_65 : i32 to index
      %swap3A_67 = arith.constant 0 : index
      %swap3A_68 = tpu.vector_load %arg5[%swap3A, %swap3A_67] {strides = array<i32>} : memref<128x16xf32, #tpu.memory_space<vmem>>, vector<1x16xf32>,
      %swap3A_69 = vector.shape_cast %swap3A_68 : vector<1x16xf32> to vector<16xf32>
      %swap3A_70 = vector.shape_cast %broadcast_in_dim3A_66 : vector<16xf32> to vector<1x16xf32>
      tpu.vector_store %arg5[%swap3A, %swap3A_67], %swap3A_70 {strides = array<i32>} : memref<128x16xf32, #tpu.memory_space<vmem>>, vector<1x16xf32>,
    }
    %scan3A_4 = arith.constant 128 : i32
    %scan3A_5 = arith.constant 0 : i32
    %scan3A_6 = arith.constant 1256 : i32
    %scan3A_7 = arith.addi %scan3A_5, %scan3A_6 : i32
    %scan3A_8 = arith.constant 1 : i32
    scf.for %scan3A_61 = %scan3A_5 to %scan3A_7 step %scan3A_8  : i32 {
      %mul3A_62 = arith.constant 1 : i32
      %mul3A_63 = arith.muli %scan3A_61, %mul3A_62 : i32
      %add3A_64 = arith.constant 0 : i32
      %add3A_65 = arith.addi %add3A_64, %mul3A_63 : i32
      %broadcast_in_dim3A = arith.constant 0.000000e+00 : f32
      %broadcast_in_dim3A_66 = vector.broadcast %broadcast_in_dim3A : f32 to vector<16xf32>
      %swap3A = arith.index_cast %add3A_65 : i32 to index
      %swap3A_67 = arith.constant 0 : index
      %swap3A_68 = tpu.vector_load %arg7[%swap3A, %swap3A_67] {strides = array<i32>} : memref<1256x16xf32, #tpu.memory_space<vmem>>, vector<1x16xf32>,
      %swap3A_69 = vector.shape_cast %swap3A_68 : vector<1x16xf32> to vector<16xf32>
      %swap3A_70 = vector.shape_cast %broadcast_in_dim3A_66 : vector<16xf32> to vector<1x16xf32>
      tpu.vector_store %arg7[%swap3A, %swap3A_67], %swap3A_70 {strides = array<i32>} : memref<1256x16xf32, #tpu.memory_space<vmem>>, vector<1x16xf32>,
    }
    %scan3A_9 = arith.constant 1256 : i32
    %mul3A_10 = arith.constant 1256 : i32
    %mul3A_11 = arith.muli %arg1, %mul3A_10 : i32
    "tpu.region"() ({
      %run_scoped3A = tpu.sem_alloc : memref<!tpu.dma_semaphore, #tpu.memory_space<semaphore_mem>>
      %dma_start3A = arith.constant 0 : i32
      %dma_start3A_61 = tpu.memref_slice %arg4[%mul3A_11, %dma_start3A] : memref<20096x16xf32, #tpu.memory_space<vmem_shared>> -> memref<1256x16xf32, #tpu.memory_space<vmem_shared>>
      %dma_start3A_62 = arith.constant 0 : i32
      %dma_start3A_63 = tpu.memref_slice %arg4[%mul3A_11, %dma_start3A_62] : memref<20096x16xf32, #tpu.memory_space<vmem_shared>> -> memref<1256x16xf32, #tpu.memory_space<vmem_shared>>
      tpu.enqueue_dma source(%arg7 : memref<1256x16xf32, #tpu.memory_space<vmem>>) target(%dma_start3A_63 : memref<1256x16xf32, #tpu.memory_space<vmem_shared>>) target_semaphore(%run_scoped3A : memref<!tpu.dma_semaphore, #tpu.memory_space<semaphore_mem>>)
      %dma_wait3A_64 = arith.constant 0 : i32
      %dma_wait3A_65 = tpu.memref_slice %arg4[%mul3A_11, %dma_wait3A_64] : memref<20096x16xf32, #tpu.memory_space<vmem_shared>> -> memref<1256x16xf32, #tpu.memory_space<vmem_shared>>
      %dma_wait3A_66 = arith.constant 0 : i32
      %dma_wait3A_67 = tpu.memref_slice %arg4[%mul3A_11, %dma_wait3A_66] : memref<20096x16xf32, #tpu.memory_space<vmem_shared>> -> memref<1256x16xf32, #tpu.memory_space<vmem_shared>>
      tpu.wait_dma2 semaphore(%run_scoped3A : memref<!tpu.dma_semaphore, #tpu.memory_space<semaphore_mem>>) src(%arg7 : memref<1256x16xf32, #tpu.memory_space<vmem>>) dst(%dma_wait3A_67 : memref<1256x16xf32, #tpu.memory_space<vmem_shared>>)
      tpu.yield
    }) : () -> ()
    "tpu.region"() ({
      %run_scoped3A = tpu.sem_alloc : memref<!tpu.dma_semaphore, #tpu.memory_space<semaphore_mem>>
      %dma_start3A = arith.constant 0 : i32
      %dma_start3A_61 = arith.constant 0 : i32
      %dma_start3A_62 = tpu.memref_slice %arg2[%add3A, %dma_start3A, %dma_start3A_61] : memref<32x160x128xi32, #tpu.memory_space<hbm>> -> memref<1x160x128xi32, #tpu.memory_space<hbm>>
      %dma_start3A_63 = tpu.memref_squeeze %dma_start3A_62 : memref<1x160x128xi32, #tpu.memory_space<hbm>> -> memref<160x128xi32, #tpu.memory_space<hbm>>
      %dma_start3A_64 = arith.constant 0 : i32
      %dma_start3A_65 = arith.constant 0 : i32
      %dma_start3A_66 = tpu.memref_slice %arg2[%add3A, %dma_start3A_64, %dma_start3A_65] : memref<32x160x128xi32, #tpu.memory_space<hbm>> -> memref<1x160x128xi32, #tpu.memory_space<hbm>>
      %dma_start3A_67 = tpu.memref_squeeze %dma_start3A_66 : memref<1x160x128xi32, #tpu.memory_space<hbm>> -> memref<160x128xi32, #tpu.memory_space<hbm>>
      tpu.enqueue_dma source(%dma_start3A_67 : memref<160x128xi32, #tpu.memory_space<hbm>>) target(%arg6 : memref<160x128xi32, #tpu.memory_space<vmem>>) target_semaphore(%run_scoped3A : memref<!tpu.dma_semaphore, #tpu.memory_space<semaphore_mem>>)
      %dma_wait3A_68 = arith.constant 0 : i32
      %dma_wait3A_69 = arith.constant 0 : i32
      %dma_wait3A_70 = tpu.memref_slice %arg2[%add3A, %dma_wait3A_68, %dma_wait3A_69] : memref<32x160x128xi32, #tpu.memory_space<hbm>> -> memref<1x160x128xi32, #tpu.memory_space<hbm>>
      %dma_wait3A_71 = tpu.memref_squeeze %dma_wait3A_70 : memref<1x160x128xi32, #tpu.memory_space<hbm>> -> memref<160x128xi32, #tpu.memory_space<hbm>>
      %dma_wait3A_72 = arith.constant 0 : i32
      %dma_wait3A_73 = arith.constant 0 : i32
      %dma_wait3A_74 = tpu.memref_slice %arg2[%add3A, %dma_wait3A_72, %dma_wait3A_73] : memref<32x160x128xi32, #tpu.memory_space<hbm>> -> memref<1x160x128xi32, #tpu.memory_space<hbm>>
      %dma_wait3A_75 = tpu.memref_squeeze %dma_wait3A_74 : memref<1x160x128xi32, #tpu.memory_space<hbm>> -> memref<160x128xi32, #tpu.memory_space<hbm>>
      tpu.wait_dma2 semaphore(%run_scoped3A : memref<!tpu.dma_semaphore, #tpu.memory_space<semaphore_mem>>) src(%dma_wait3A_75 : memref<160x128xi32, #tpu.memory_space<hbm>>) dst(%arg6 : memref<160x128xi32, #tpu.memory_space<vmem>>)
      tpu.yield
    }) : () -> ()
    %barrier3A = arith.constant 0 : index
    tpu.barrier barrier_id(%barrier3A)
    %scan3A_12 = arith.constant 0 : i32
    %scan3A_13 = arith.constant 40 : i32
    %scan3A_14 = arith.addi %scan3A_12, %scan3A_13 : i32
    %scan3A_15 = arith.constant 1 : i32
    scf.for %scan3A_61 = %scan3A_12 to %scan3A_14 step %scan3A_15  : i32 {
      %mul3A_62 = arith.constant 1 : i32
      %mul3A_63 = arith.muli %scan3A_61, %mul3A_62 : i32
      %add3A_64 = arith.constant 0 : i32
      %add3A_65 = arith.addi %add3A_64, %mul3A_63 : i32
      %mul3A_66 = arith.constant 4 : i32
      %mul3A_67 = arith.muli %add3A_65, %mul3A_66 : i32
      %add3A_68 = arith.constant 0 : i32
      %add3A_69 = arith.addi %mul3A_67, %add3A_68 : i32
      %ge3A = arith.constant 1 : i32
      %ge3A_70 = arith.cmpi sge, %add3A_65, %ge3A : i32
      %convert_element_type3A = arith.extui %ge3A_70 : i1 to i32
      %cond3A = arith.constant 0 : i32
      %cond3A_71 = arith.cmpi ne, %convert_element_type3A, %cond3A : i32
      scf.if %cond3A_71 {
        %dma_wait3A_134 = arith.constant 0 : i32
        %dma_wait3A_135 = arith.constant 0 : i32
        %dma_wait3A_136 = arith.constant 0 : i32
        %dma_wait3A_137 = tpu.memref_slice %arg6[%dma_wait3A_134, %dma_wait3A_136] : memref<160x128xi32, #tpu.memory_space<vmem>> -> memref<1x128xi32, #tpu.memory_space<vmem>>
        %dma_wait3A_138 = tpu.memref_squeeze %dma_wait3A_137 : memref<1x128xi32, #tpu.memory_space<vmem>> -> memref<128xi32, #tpu.memory_space<vmem>>
        %dma_wait3A_139 = arith.constant 0 : i32
        %dma_wait3A_140 = arith.constant 0 : i32
        %dma_wait3A_141 = tpu.memref_slice %arg4[%dma_wait3A_139, %dma_wait3A_140] : memref<20096x16xf32, #tpu.memory_space<vmem_shared>> -> memref<20096x16xf32, #tpu.memory_space<vmem_shared>>
        %dma_wait3A_142 = tpu.memref_slice %arg8[%dma_wait3A_135] : memref<4x!tpu.dma_semaphore, #tpu.memory_space<semaphore_mem>> -> memref<1x!tpu.dma_semaphore, #tpu.memory_space<semaphore_mem>>
        %dma_wait3A_143 = tpu.memref_squeeze %dma_wait3A_142 : memref<1x!tpu.dma_semaphore, #tpu.memory_space<semaphore_mem>> -> memref<!tpu.dma_semaphore, #tpu.memory_space<semaphore_mem>>
        tpu.wait_indirect_dma semaphore(%dma_wait3A_143 : memref<!tpu.dma_semaphore, #tpu.memory_space<semaphore_mem>>) src(%arg5 : memref<128x16xf32, #tpu.memory_space<vmem>>) dst(%dma_wait3A_141 : memref<20096x16xf32, #tpu.memory_space<vmem_shared>>)
      } else {
      }
      %dma_start3A = arith.constant 0 : i32
      %dma_start3A_72 = arith.constant 0 : i32
      %dma_start3A_73 = tpu.memref_slice %arg6[%add3A_69, %dma_start3A_72] : memref<160x128xi32, #tpu.memory_space<vmem>> -> memref<1x128xi32, #tpu.memory_space<vmem>>
      %dma_start3A_74 = tpu.memref_squeeze %dma_start3A_73 : memref<1x128xi32, #tpu.memory_space<vmem>> -> memref<128xi32, #tpu.memory_space<vmem>>
      %dma_start3A_75 = arith.constant 0 : i32
      %dma_start3A_76 = arith.constant 0 : i32
      %dma_start3A_77 = tpu.memref_slice %arg4[%dma_start3A_75, %dma_start3A_76] : memref<20096x16xf32, #tpu.memory_space<vmem_shared>> -> memref<20096x16xf32, #tpu.memory_space<vmem_shared>>
      %dma_start3A_78 = tpu.memref_slice %arg8[%dma_start3A] : memref<4x!tpu.dma_semaphore, #tpu.memory_space<semaphore_mem>> -> memref<1x!tpu.dma_semaphore, #tpu.memory_space<semaphore_mem>>
      %dma_start3A_79 = tpu.memref_squeeze %dma_start3A_78 : memref<1x!tpu.dma_semaphore, #tpu.memory_space<semaphore_mem>> -> memref<!tpu.dma_semaphore, #tpu.memory_space<semaphore_mem>>
      tpu.enqueue_indirect_dma source(%arg5 : memref<128x16xf32, #tpu.memory_space<vmem>>) target(%dma_start3A_77 : memref<20096x16xf32, #tpu.memory_space<vmem_shared>>) offsets(%dma_start3A_74 : memref<128xi32, #tpu.memory_space<vmem>>) semaphore(%dma_start3A_79 : memref<!tpu.dma_semaphore, #tpu.memory_space<semaphore_mem>>) {add = true}
      %mul3A_80 = arith.constant 4 : i32
      %mul3A_81 = arith.muli %add3A_65, %mul3A_80 : i32
      %add3A_82 = arith.constant 1 : i32
      %add3A_83 = arith.addi %mul3A_81, %add3A_82 : i32
      %ge3A_84 = arith.constant 1 : i32
      %ge3A_85 = arith.cmpi sge, %add3A_65, %ge3A_84 : i32
      %convert_element_type3A_86 = arith.extui %ge3A_85 : i1 to i32
      %cond3A_87 = arith.constant 0 : i32
      %cond3A_88 = arith.cmpi ne, %convert_element_type3A_86, %cond3A_87 : i32
      scf.if %cond3A_88 {
        %dma_wait3A_134 = arith.constant 0 : i32
        %dma_wait3A_135 = arith.constant 1 : i32
        %dma_wait3A_136 = arith.constant 0 : i32
        %dma_wait3A_137 = tpu.memref_slice %arg6[%dma_wait3A_134, %dma_wait3A_136] : memref<160x128xi32, #tpu.memory_space<vmem>> -> memref<1x128xi32, #tpu.memory_space<vmem>>
        %dma_wait3A_138 = tpu.memref_squeeze %dma_wait3A_137 : memref<1x128xi32, #tpu.memory_space<vmem>> -> memref<128xi32, #tpu.memory_space<vmem>>
        %dma_wait3A_139 = arith.constant 0 : i32
        %dma_wait3A_140 = arith.constant 0 : i32
        %dma_wait3A_141 = tpu.memref_slice %arg4[%dma_wait3A_139, %dma_wait3A_140] : memref<20096x16xf32, #tpu.memory_space<vmem_shared>> -> memref<20096x16xf32, #tpu.memory_space<vmem_shared>>
        %dma_wait3A_142 = tpu.memref_slice %arg8[%dma_wait3A_135] : memref<4x!tpu.dma_semaphore, #tpu.memory_space<semaphore_mem>> -> memref<1x!tpu.dma_semaphore, #tpu.memory_space<semaphore_mem>>
        %dma_wait3A_143 = tpu.memref_squeeze %dma_wait3A_142 : memref<1x!tpu.dma_semaphore, #tpu.memory_space<semaphore_mem>> -> memref<!tpu.dma_semaphore, #tpu.memory_space<semaphore_mem>>
        tpu.wait_indirect_dma semaphore(%dma_wait3A_143 : memref<!tpu.dma_semaphore, #tpu.memory_space<semaphore_mem>>) src(%arg5 : memref<128x16xf32, #tpu.memory_space<vmem>>) dst(%dma_wait3A_141 : memref<20096x16xf32, #tpu.memory_space<vmem_shared>>)
      } else {
      }
      %dma_start3A_89 = arith.constant 1 : i32
      %dma_start3A_90 = arith.constant 0 : i32
      %dma_start3A_91 = tpu.memref_slice %arg6[%add3A_83, %dma_start3A_90] : memref<160x128xi32, #tpu.memory_space<vmem>> -> memref<1x128xi32, #tpu.memory_space<vmem>>
      %dma_start3A_92 = tpu.memref_squeeze %dma_start3A_91 : memref<1x128xi32, #tpu.memory_space<vmem>> -> memref<128xi32, #tpu.memory_space<vmem>>
      %dma_start3A_93 = arith.constant 0 : i32
      %dma_start3A_94 = arith.constant 0 : i32
      %dma_start3A_95 = tpu.memref_slice %arg4[%dma_start3A_93, %dma_start3A_94] : memref<20096x16xf32, #tpu.memory_space<vmem_shared>> -> memref<20096x16xf32, #tpu.memory_space<vmem_shared>>
      %dma_start3A_96 = tpu.memref_slice %arg8[%dma_start3A_89] : memref<4x!tpu.dma_semaphore, #tpu.memory_space<semaphore_mem>> -> memref<1x!tpu.dma_semaphore, #tpu.memory_space<semaphore_mem>>
      %dma_start3A_97 = tpu.memref_squeeze %dma_start3A_96 : memref<1x!tpu.dma_semaphore, #tpu.memory_space<semaphore_mem>> -> memref<!tpu.dma_semaphore, #tpu.memory_space<semaphore_mem>>
      tpu.enqueue_indirect_dma source(%arg5 : memref<128x16xf32, #tpu.memory_space<vmem>>) target(%dma_start3A_95 : memref<20096x16xf32, #tpu.memory_space<vmem_shared>>) offsets(%dma_start3A_92 : memref<128xi32, #tpu.memory_space<vmem>>) semaphore(%dma_start3A_97 : memref<!tpu.dma_semaphore, #tpu.memory_space<semaphore_mem>>) {add = true}
      %mul3A_98 = arith.constant 4 : i32
      %mul3A_99 = arith.muli %add3A_65, %mul3A_98 : i32
      %add3A_100 = arith.constant 2 : i32
      %add3A_101 = arith.addi %mul3A_99, %add3A_100 : i32
      %ge3A_102 = arith.constant 1 : i32
      %ge3A_103 = arith.cmpi sge, %add3A_65, %ge3A_102 : i32
      %convert_element_type3A_104 = arith.extui %ge3A_103 : i1 to i32
      %cond3A_105 = arith.constant 0 : i32
      %cond3A_106 = arith.cmpi ne, %convert_element_type3A_104, %cond3A_105 : i32
      scf.if %cond3A_106 {
        %dma_wait3A_134 = arith.constant 0 : i32
        %dma_wait3A_135 = arith.constant 2 : i32
        %dma_wait3A_136 = arith.constant 0 : i32
        %dma_wait3A_137 = tpu.memref_slice %arg6[%dma_wait3A_134, %dma_wait3A_136] : memref<160x128xi32, #tpu.memory_space<vmem>> -> memref<1x128xi32, #tpu.memory_space<vmem>>
        %dma_wait3A_138 = tpu.memref_squeeze %dma_wait3A_137 : memref<1x128xi32, #tpu.memory_space<vmem>> -> memref<128xi32, #tpu.memory_space<vmem>>
        %dma_wait3A_139 = arith.constant 0 : i32
        %dma_wait3A_140 = arith.constant 0 : i32
        %dma_wait3A_141 = tpu.memref_slice %arg4[%dma_wait3A_139, %dma_wait3A_140] : memref<20096x16xf32, #tpu.memory_space<vmem_shared>> -> memref<20096x16xf32, #tpu.memory_space<vmem_shared>>
        %dma_wait3A_142 = tpu.memref_slice %arg8[%dma_wait3A_135] : memref<4x!tpu.dma_semaphore, #tpu.memory_space<semaphore_mem>> -> memref<1x!tpu.dma_semaphore, #tpu.memory_space<semaphore_mem>>
        %dma_wait3A_143 = tpu.memref_squeeze %dma_wait3A_142 : memref<1x!tpu.dma_semaphore, #tpu.memory_space<semaphore_mem>> -> memref<!tpu.dma_semaphore, #tpu.memory_space<semaphore_mem>>
        tpu.wait_indirect_dma semaphore(%dma_wait3A_143 : memref<!tpu.dma_semaphore, #tpu.memory_space<semaphore_mem>>) src(%arg5 : memref<128x16xf32, #tpu.memory_space<vmem>>) dst(%dma_wait3A_141 : memref<20096x16xf32, #tpu.memory_space<vmem_shared>>)
      } else {
      }
      %dma_start3A_107 = arith.constant 2 : i32
      %dma_start3A_108 = arith.constant 0 : i32
      %dma_start3A_109 = tpu.memref_slice %arg6[%add3A_101, %dma_start3A_108] : memref<160x128xi32, #tpu.memory_space<vmem>> -> memref<1x128xi32, #tpu.memory_space<vmem>>
      %dma_start3A_110 = tpu.memref_squeeze %dma_start3A_109 : memref<1x128xi32, #tpu.memory_space<vmem>> -> memref<128xi32, #tpu.memory_space<vmem>>
      %dma_start3A_111 = arith.constant 0 : i32
      %dma_start3A_112 = arith.constant 0 : i32
      %dma_start3A_113 = tpu.memref_slice %arg4[%dma_start3A_111, %dma_start3A_112] : memref<20096x16xf32, #tpu.memory_space<vmem_shared>> -> memref<20096x16xf32, #tpu.memory_space<vmem_shared>>
      %dma_start3A_114 = tpu.memref_slice %arg8[%dma_start3A_107] : memref<4x!tpu.dma_semaphore, #tpu.memory_space<semaphore_mem>> -> memref<1x!tpu.dma_semaphore, #tpu.memory_space<semaphore_mem>>
      %dma_start3A_115 = tpu.memref_squeeze %dma_start3A_114 : memref<1x!tpu.dma_semaphore, #tpu.memory_space<semaphore_mem>> -> memref<!tpu.dma_semaphore, #tpu.memory_space<semaphore_mem>>
      tpu.enqueue_indirect_dma source(%arg5 : memref<128x16xf32, #tpu.memory_space<vmem>>) target(%dma_start3A_113 : memref<20096x16xf32, #tpu.memory_space<vmem_shared>>) offsets(%dma_start3A_110 : memref<128xi32, #tpu.memory_space<vmem>>) semaphore(%dma_start3A_115 : memref<!tpu.dma_semaphore, #tpu.memory_space<semaphore_mem>>) {add = true}
      %mul3A_116 = arith.constant 4 : i32
      %mul3A_117 = arith.muli %add3A_65, %mul3A_116 : i32
      %add3A_118 = arith.constant 3 : i32
      %add3A_119 = arith.addi %mul3A_117, %add3A_118 : i32
      %ge3A_120 = arith.constant 1 : i32
      %ge3A_121 = arith.cmpi sge, %add3A_65, %ge3A_120 : i32
      %convert_element_type3A_122 = arith.extui %ge3A_121 : i1 to i32
      %cond3A_123 = arith.constant 0 : i32
      %cond3A_124 = arith.cmpi ne, %convert_element_type3A_122, %cond3A_123 : i32
      scf.if %cond3A_124 {
        %dma_wait3A_134 = arith.constant 0 : i32
        %dma_wait3A_135 = arith.constant 3 : i32
        %dma_wait3A_136 = arith.constant 0 : i32
        %dma_wait3A_137 = tpu.memref_slice %arg6[%dma_wait3A_134, %dma_wait3A_136] : memref<160x128xi32, #tpu.memory_space<vmem>> -> memref<1x128xi32, #tpu.memory_space<vmem>>
        %dma_wait3A_138 = tpu.memref_squeeze %dma_wait3A_137 : memref<1x128xi32, #tpu.memory_space<vmem>> -> memref<128xi32, #tpu.memory_space<vmem>>
        %dma_wait3A_139 = arith.constant 0 : i32
        %dma_wait3A_140 = arith.constant 0 : i32
        %dma_wait3A_141 = tpu.memref_slice %arg4[%dma_wait3A_139, %dma_wait3A_140] : memref<20096x16xf32, #tpu.memory_space<vmem_shared>> -> memref<20096x16xf32, #tpu.memory_space<vmem_shared>>
        %dma_wait3A_142 = tpu.memref_slice %arg8[%dma_wait3A_135] : memref<4x!tpu.dma_semaphore, #tpu.memory_space<semaphore_mem>> -> memref<1x!tpu.dma_semaphore, #tpu.memory_space<semaphore_mem>>
        %dma_wait3A_143 = tpu.memref_squeeze %dma_wait3A_142 : memref<1x!tpu.dma_semaphore, #tpu.memory_space<semaphore_mem>> -> memref<!tpu.dma_semaphore, #tpu.memory_space<semaphore_mem>>
        tpu.wait_indirect_dma semaphore(%dma_wait3A_143 : memref<!tpu.dma_semaphore, #tpu.memory_space<semaphore_mem>>) src(%arg5 : memref<128x16xf32, #tpu.memory_space<vmem>>) dst(%dma_wait3A_141 : memref<20096x16xf32, #tpu.memory_space<vmem_shared>>)
      } else {
      }
      %dma_start3A_125 = arith.constant 3 : i32
      %dma_start3A_126 = arith.constant 0 : i32
      %dma_start3A_127 = tpu.memref_slice %arg6[%add3A_119, %dma_start3A_126] : memref<160x128xi32, #tpu.memory_space<vmem>> -> memref<1x128xi32, #tpu.memory_space<vmem>>
      %dma_start3A_128 = tpu.memref_squeeze %dma_start3A_127 : memref<1x128xi32, #tpu.memory_space<vmem>> -> memref<128xi32, #tpu.memory_space<vmem>>
      %dma_start3A_129 = arith.constant 0 : i32
      %dma_start3A_130 = arith.constant 0 : i32
      %dma_start3A_131 = tpu.memref_slice %arg4[%dma_start3A_129, %dma_start3A_130] : memref<20096x16xf32, #tpu.memory_space<vmem_shared>> -> memref<20096x16xf32, #tpu.memory_space<vmem_shared>>
      %dma_start3A_132 = tpu.memref_slice %arg8[%dma_start3A_125] : memref<4x!tpu.dma_semaphore, #tpu.memory_space<semaphore_mem>> -> memref<1x!tpu.dma_semaphore, #tpu.memory_space<semaphore_mem>>
      %dma_start3A_133 = tpu.memref_squeeze %dma_start3A_132 : memref<1x!tpu.dma_semaphore, #tpu.memory_space<semaphore_mem>> -> memref<!tpu.dma_semaphore, #tpu.memory_space<semaphore_mem>>
      tpu.enqueue_indirect_dma source(%arg5 : memref<128x16xf32, #tpu.memory_space<vmem>>) target(%dma_start3A_131 : memref<20096x16xf32, #tpu.memory_space<vmem_shared>>) offsets(%dma_start3A_128 : memref<128xi32, #tpu.memory_space<vmem>>) semaphore(%dma_start3A_133 : memref<!tpu.dma_semaphore, #tpu.memory_space<semaphore_mem>>) {add = true}
    }
    %scan3A_16 = arith.constant 40 : i32
    %dma_wait3A = arith.constant 0 : i32
    %dma_wait3A_17 = arith.constant 0 : i32
    %dma_wait3A_18 = arith.constant 0 : i32
    %dma_wait3A_19 = tpu.memref_slice %arg6[%dma_wait3A, %dma_wait3A_18] : memref<160x128xi32, #tpu.memory_space<vmem>> -> memref<1x128xi32, #tpu.memory_space<vmem>>
    %dma_wait3A_20 = tpu.memref_squeeze %dma_wait3A_19 : memref<1x128xi32, #tpu.memory_space<vmem>> -> memref<128xi32, #tpu.memory_space<vmem>>
    %dma_wait3A_21 = arith.constant 0 : i32
    %dma_wait3A_22 = arith.constant 0 : i32
    %dma_wait3A_23 = tpu.memref_slice %arg4[%dma_wait3A_21, %dma_wait3A_22] : memref<20096x16xf32, #tpu.memory_space<vmem_shared>> -> memref<20096x16xf32, #tpu.memory_space<vmem_shared>>
    %dma_wait3A_24 = tpu.memref_slice %arg8[%dma_wait3A_17] : memref<4x!tpu.dma_semaphore, #tpu.memory_space<semaphore_mem>> -> memref<1x!tpu.dma_semaphore, #tpu.memory_space<semaphore_mem>>
    %dma_wait3A_25 = tpu.memref_squeeze %dma_wait3A_24 : memref<1x!tpu.dma_semaphore, #tpu.memory_space<semaphore_mem>> -> memref<!tpu.dma_semaphore, #tpu.memory_space<semaphore_mem>>
    tpu.wait_indirect_dma semaphore(%dma_wait3A_25 : memref<!tpu.dma_semaphore, #tpu.memory_space<semaphore_mem>>) src(%arg5 : memref<128x16xf32, #tpu.memory_space<vmem>>) dst(%dma_wait3A_23 : memref<20096x16xf32, #tpu.memory_space<vmem_shared>>)
    %dma_wait3A_26 = arith.constant 0 : i32
    %dma_wait3A_27 = arith.constant 1 : i32
    %dma_wait3A_28 = arith.constant 0 : i32
    %dma_wait3A_29 = tpu.memref_slice %arg6[%dma_wait3A_26, %dma_wait3A_28] : memref<160x128xi32, #tpu.memory_space<vmem>> -> memref<1x128xi32, #tpu.memory_space<vmem>>
    %dma_wait3A_30 = tpu.memref_squeeze %dma_wait3A_29 : memref<1x128xi32, #tpu.memory_space<vmem>> -> memref<128xi32, #tpu.memory_space<vmem>>
    %dma_wait3A_31 = arith.constant 0 : i32
    %dma_wait3A_32 = arith.constant 0 : i32
    %dma_wait3A_33 = tpu.memref_slice %arg4[%dma_wait3A_31, %dma_wait3A_32] : memref<20096x16xf32, #tpu.memory_space<vmem_shared>> -> memref<20096x16xf32, #tpu.memory_space<vmem_shared>>
    %dma_wait3A_34 = tpu.memref_slice %arg8[%dma_wait3A_27] : memref<4x!tpu.dma_semaphore, #tpu.memory_space<semaphore_mem>> -> memref<1x!tpu.dma_semaphore, #tpu.memory_space<semaphore_mem>>
    %dma_wait3A_35 = tpu.memref_squeeze %dma_wait3A_34 : memref<1x!tpu.dma_semaphore, #tpu.memory_space<semaphore_mem>> -> memref<!tpu.dma_semaphore, #tpu.memory_space<semaphore_mem>>
    tpu.wait_indirect_dma semaphore(%dma_wait3A_35 : memref<!tpu.dma_semaphore, #tpu.memory_space<semaphore_mem>>) src(%arg5 : memref<128x16xf32, #tpu.memory_space<vmem>>) dst(%dma_wait3A_33 : memref<20096x16xf32, #tpu.memory_space<vmem_shared>>)
    %dma_wait3A_36 = arith.constant 0 : i32
    %dma_wait3A_37 = arith.constant 2 : i32
    %dma_wait3A_38 = arith.constant 0 : i32
    %dma_wait3A_39 = tpu.memref_slice %arg6[%dma_wait3A_36, %dma_wait3A_38] : memref<160x128xi32, #tpu.memory_space<vmem>> -> memref<1x128xi32, #tpu.memory_space<vmem>>
    %dma_wait3A_40 = tpu.memref_squeeze %dma_wait3A_39 : memref<1x128xi32, #tpu.memory_space<vmem>> -> memref<128xi32, #tpu.memory_space<vmem>>
    %dma_wait3A_41 = arith.constant 0 : i32
    %dma_wait3A_42 = arith.constant 0 : i32
    %dma_wait3A_43 = tpu.memref_slice %arg4[%dma_wait3A_41, %dma_wait3A_42] : memref<20096x16xf32, #tpu.memory_space<vmem_shared>> -> memref<20096x16xf32, #tpu.memory_space<vmem_shared>>
    %dma_wait3A_44 = tpu.memref_slice %arg8[%dma_wait3A_37] : memref<4x!tpu.dma_semaphore, #tpu.memory_space<semaphore_mem>> -> memref<1x!tpu.dma_semaphore, #tpu.memory_space<semaphore_mem>>
    %dma_wait3A_45 = tpu.memref_squeeze %dma_wait3A_44 : memref<1x!tpu.dma_semaphore, #tpu.memory_space<semaphore_mem>> -> memref<!tpu.dma_semaphore, #tpu.memory_space<semaphore_mem>>
    tpu.wait_indirect_dma semaphore(%dma_wait3A_45 : memref<!tpu.dma_semaphore, #tpu.memory_space<semaphore_mem>>) src(%arg5 : memref<128x16xf32, #tpu.memory_space<vmem>>) dst(%dma_wait3A_43 : memref<20096x16xf32, #tpu.memory_space<vmem_shared>>)
    %dma_wait3A_46 = arith.constant 0 : i32
    %dma_wait3A_47 = arith.constant 3 : i32
    %dma_wait3A_48 = arith.constant 0 : i32
    %dma_wait3A_49 = tpu.memref_slice %arg6[%dma_wait3A_46, %dma_wait3A_48] : memref<160x128xi32, #tpu.memory_space<vmem>> -> memref<1x128xi32, #tpu.memory_space<vmem>>
    %dma_wait3A_50 = tpu.memref_squeeze %dma_wait3A_49 : memref<1x128xi32, #tpu.memory_space<vmem>> -> memref<128xi32, #tpu.memory_space<vmem>>
    %dma_wait3A_51 = arith.constant 0 : i32
    %dma_wait3A_52 = arith.constant 0 : i32
    %dma_wait3A_53 = tpu.memref_slice %arg4[%dma_wait3A_51, %dma_wait3A_52] : memref<20096x16xf32, #tpu.memory_space<vmem_shared>> -> memref<20096x16xf32, #tpu.memory_space<vmem_shared>>
    %dma_wait3A_54 = tpu.memref_slice %arg8[%dma_wait3A_47] : memref<4x!tpu.dma_semaphore, #tpu.memory_space<semaphore_mem>> -> memref<1x!tpu.dma_semaphore, #tpu.memory_space<semaphore_mem>>
    %dma_wait3A_55 = tpu.memref_squeeze %dma_wait3A_54 : memref<1x!tpu.dma_semaphore, #tpu.memory_space<semaphore_mem>> -> memref<!tpu.dma_semaphore, #tpu.memory_space<semaphore_mem>>
    tpu.wait_indirect_dma semaphore(%dma_wait3A_55 : memref<!tpu.dma_semaphore, #tpu.memory_space<semaphore_mem>>) src(%arg5 : memref<128x16xf32, #tpu.memory_space<vmem>>) dst(%dma_wait3A_53 : memref<20096x16xf32, #tpu.memory_space<vmem_shared>>)
    %barrier3A_56 = arith.constant 0 : index
    tpu.barrier barrier_id(%barrier3A_56)
    %mul3A_57 = arith.constant 1256 : i32
    %mul3A_58 = arith.muli %arg1, %mul3A_57 : i32
    %mul3A_59 = arith.constant 1256 : i32
    %mul3A_60 = arith.muli %arg1, %mul3A_59 : i32
    "tpu.region"() ({
      %run_scoped3A = tpu.sem_alloc : memref<!tpu.dma_semaphore, #tpu.memory_space<semaphore_mem>>
      %dma_start3A = arith.constant 0 : i32
      %dma_start3A_61 = tpu.memref_slice %arg3[%arg0, %mul3A_60, %dma_start3A] : memref<2x20096x16xf32, #tpu.memory_space<hbm>> -> memref<1x1256x16xf32, #tpu.memory_space<hbm>>
      %dma_start3A_62 = tpu.memref_squeeze %dma_start3A_61 : memref<1x1256x16xf32, #tpu.memory_space<hbm>> -> memref<1256x16xf32, #tpu.memory_space<hbm>>
      %dma_start3A_63 = arith.constant 0 : i32
      %dma_start3A_64 = tpu.memref_slice %arg4[%mul3A_58, %dma_start3A_63] : memref<20096x16xf32, #tpu.memory_space<vmem_shared>> -> memref<1256x16xf32, #tpu.memory_space<vmem_shared>>
      tpu.enqueue_dma source(%dma_start3A_64 : memref<1256x16xf32, #tpu.memory_space<vmem_shared>>) target(%dma_start3A_62 : memref<1256x16xf32, #tpu.memory_space<hbm>>) target_semaphore(%run_scoped3A : memref<!tpu.dma_semaphore, #tpu.memory_space<semaphore_mem>>)
      %dma_wait3A_65 = arith.constant 0 : i32
      %dma_wait3A_66 = tpu.memref_slice %arg3[%arg0, %mul3A_60, %dma_wait3A_65] : memref<2x20096x16xf32, #tpu.memory_space<hbm>> -> memref<1x1256x16xf32, #tpu.memory_space<hbm>>
      %dma_wait3A_67 = tpu.memref_squeeze %dma_wait3A_66 : memref<1x1256x16xf32, #tpu.memory_space<hbm>> -> memref<1256x16xf32, #tpu.memory_space<hbm>>
      %dma_wait3A_68 = arith.constant 0 : i32
      %dma_wait3A_69 = tpu.memref_slice %arg4[%mul3A_58, %dma_wait3A_68] : memref<20096x16xf32, #tpu.memory_space<vmem_shared>> -> memref<1256x16xf32, #tpu.memory_space<vmem_shared>>
      tpu.wait_dma2 semaphore(%run_scoped3A : memref<!tpu.dma_semaphore, #tpu.memory_space<semaphore_mem>>) src(%dma_wait3A_69 : memref<1256x16xf32, #tpu.memory_space<vmem_shared>>) dst(%dma_wait3A_67 : memref<1256x16xf32, #tpu.memory_space<hbm>>)
      tpu.yield
    }) : () -> ()
    return
  }
}

#map = affine_map<(d0, d1) -> (0)>
module attributes {stable_mosaic.version = 14 : i64} {
  func.func @_score_body(%arg0: i32, %arg1: i32, %arg2: memref<10000xf32, #tpu.memory_space<hbm>>, %arg3: memref<10000xf32, #tpu.memory_space<hbm>>, %arg4: memref<320000xi32, #tpu.memory_space<hbm>>, %arg5: memref<320000xi32, #tpu.memory_space<hbm>>, %arg6: memref<320000xf32, #tpu.memory_space<hbm>>, %arg7: memref<320000xf32, #tpu.memory_space<hbm>>, %arg8: memref<10000xf32, #tpu.memory_space<vmem>>, %arg9: memref<10000xf32, #tpu.memory_space<vmem>>, %arg10: memref<10000xi32, #tpu.memory_space<vmem>>, %arg11: memref<10000xi32, #tpu.memory_space<vmem>>, %arg12: memref<10000xf32, #tpu.memory_space<vmem>>, %arg13: memref<10000xf32, #tpu.memory_space<vmem>>) attributes {dimension_semantics = [#tpu.dimension_semantics<core_parallel>, #tpu.dimension_semantics<subcore_parallel>], iteration_bounds = array<i64: 2, 16>, scalar_prefetch = 0 : i64, scratch_operands = 6 : i64, tpu.core_type = #tpu.core_type<sc_vector_subcore>, window_params = [{transform_indices = #map}, {transform_indices = #map}, {transform_indices = #map}, {transform_indices = #map}, {transform_indices = #map}, {transform_indices = #map}]} {
    %mul3A = arith.constant 2 : i32
    %mul3A_0 = arith.muli %arg1, %mul3A : i32
    %add3A = arith.addi %mul3A_0, %arg0 : i32
    %mul3A_1 = arith.constant 10000 : i32
    %mul3A_2 = arith.muli %add3A, %mul3A_1 : i32
    "tpu.region"() ({
      %run_scoped3A = tpu.sem_alloc : memref<!tpu.dma_semaphore, #tpu.memory_space<semaphore_mem>>
      tpu.enqueue_dma source(%arg2 : memref<10000xf32, #tpu.memory_space<hbm>>) target(%arg8 : memref<10000xf32, #tpu.memory_space<vmem>>) target_semaphore(%run_scoped3A : memref<!tpu.dma_semaphore, #tpu.memory_space<semaphore_mem>>)
      tpu.wait_dma2 semaphore(%run_scoped3A : memref<!tpu.dma_semaphore, #tpu.memory_space<semaphore_mem>>) src(%arg2 : memref<10000xf32, #tpu.memory_space<hbm>>) dst(%arg8 : memref<10000xf32, #tpu.memory_space<vmem>>)
      tpu.yield
    }) : () -> ()
    "tpu.region"() ({
      %run_scoped3A = tpu.sem_alloc : memref<!tpu.dma_semaphore, #tpu.memory_space<semaphore_mem>>
      tpu.enqueue_dma source(%arg3 : memref<10000xf32, #tpu.memory_space<hbm>>) target(%arg9 : memref<10000xf32, #tpu.memory_space<vmem>>) target_semaphore(%run_scoped3A : memref<!tpu.dma_semaphore, #tpu.memory_space<semaphore_mem>>)
      tpu.wait_dma2 semaphore(%run_scoped3A : memref<!tpu.dma_semaphore, #tpu.memory_space<semaphore_mem>>) src(%arg3 : memref<10000xf32, #tpu.memory_space<hbm>>) dst(%arg9 : memref<10000xf32, #tpu.memory_space<vmem>>)
      tpu.yield
    }) : () -> ()
    "tpu.region"() ({
      %run_scoped3A = tpu.sem_alloc : memref<!tpu.dma_semaphore, #tpu.memory_space<semaphore_mem>>
      %dma_start3A = tpu.memref_slice %arg4[%mul3A_2] : memref<320000xi32, #tpu.memory_space<hbm>> -> memref<10000xi32, #tpu.memory_space<hbm>>
      %dma_start3A_7 = tpu.memref_slice %arg4[%mul3A_2] : memref<320000xi32, #tpu.memory_space<hbm>> -> memref<10000xi32, #tpu.memory_space<hbm>>
      tpu.enqueue_dma source(%dma_start3A_7 : memref<10000xi32, #tpu.memory_space<hbm>>) target(%arg10 : memref<10000xi32, #tpu.memory_space<vmem>>) target_semaphore(%run_scoped3A : memref<!tpu.dma_semaphore, #tpu.memory_space<semaphore_mem>>)
      %dma_wait3A = tpu.memref_slice %arg4[%mul3A_2] : memref<320000xi32, #tpu.memory_space<hbm>> -> memref<10000xi32, #tpu.memory_space<hbm>>
      %dma_wait3A_8 = tpu.memref_slice %arg4[%mul3A_2] : memref<320000xi32, #tpu.memory_space<hbm>> -> memref<10000xi32, #tpu.memory_space<hbm>>
      tpu.wait_dma2 semaphore(%run_scoped3A : memref<!tpu.dma_semaphore, #tpu.memory_space<semaphore_mem>>) src(%dma_wait3A_8 : memref<10000xi32, #tpu.memory_space<hbm>>) dst(%arg10 : memref<10000xi32, #tpu.memory_space<vmem>>)
      tpu.yield
    }) : () -> ()
    "tpu.region"() ({
      %run_scoped3A = tpu.sem_alloc : memref<!tpu.dma_semaphore, #tpu.memory_space<semaphore_mem>>
      %dma_start3A = tpu.memref_slice %arg5[%mul3A_2] : memref<320000xi32, #tpu.memory_space<hbm>> -> memref<10000xi32, #tpu.memory_space<hbm>>
      %dma_start3A_7 = tpu.memref_slice %arg5[%mul3A_2] : memref<320000xi32, #tpu.memory_space<hbm>> -> memref<10000xi32, #tpu.memory_space<hbm>>
      tpu.enqueue_dma source(%dma_start3A_7 : memref<10000xi32, #tpu.memory_space<hbm>>) target(%arg11 : memref<10000xi32, #tpu.memory_space<vmem>>) target_semaphore(%run_scoped3A : memref<!tpu.dma_semaphore, #tpu.memory_space<semaphore_mem>>)
      %dma_wait3A = tpu.memref_slice %arg5[%mul3A_2] : memref<320000xi32, #tpu.memory_space<hbm>> -> memref<10000xi32, #tpu.memory_space<hbm>>
      %dma_wait3A_8 = tpu.memref_slice %arg5[%mul3A_2] : memref<320000xi32, #tpu.memory_space<hbm>> -> memref<10000xi32, #tpu.memory_space<hbm>>
      tpu.wait_dma2 semaphore(%run_scoped3A : memref<!tpu.dma_semaphore, #tpu.memory_space<semaphore_mem>>) src(%dma_wait3A_8 : memref<10000xi32, #tpu.memory_space<hbm>>) dst(%arg11 : memref<10000xi32, #tpu.memory_space<vmem>>)
      tpu.yield
    }) : () -> ()
    "tpu.region"() ({
      %run_scoped3A = tpu.sem_alloc : memref<!tpu.dma_semaphore, #tpu.memory_space<semaphore_mem>>
      %dma_start3A = tpu.memref_slice %arg6[%mul3A_2] : memref<320000xf32, #tpu.memory_space<hbm>> -> memref<10000xf32, #tpu.memory_space<hbm>>
      %dma_start3A_7 = tpu.memref_slice %arg6[%mul3A_2] : memref<320000xf32, #tpu.memory_space<hbm>> -> memref<10000xf32, #tpu.memory_space<hbm>>
      tpu.enqueue_dma source(%dma_start3A_7 : memref<10000xf32, #tpu.memory_space<hbm>>) target(%arg12 : memref<10000xf32, #tpu.memory_space<vmem>>) target_semaphore(%run_scoped3A : memref<!tpu.dma_semaphore, #tpu.memory_space<semaphore_mem>>)
      %dma_wait3A = tpu.memref_slice %arg6[%mul3A_2] : memref<320000xf32, #tpu.memory_space<hbm>> -> memref<10000xf32, #tpu.memory_space<hbm>>
      %dma_wait3A_8 = tpu.memref_slice %arg6[%mul3A_2] : memref<320000xf32, #tpu.memory_space<hbm>> -> memref<10000xf32, #tpu.memory_space<hbm>>
      tpu.wait_dma2 semaphore(%run_scoped3A : memref<!tpu.dma_semaphore, #tpu.memory_space<semaphore_mem>>) src(%dma_wait3A_8 : memref<10000xf32, #tpu.memory_space<hbm>>) dst(%arg12 : memref<10000xf32, #tpu.memory_space<vmem>>)
      tpu.yield
    }) : () -> ()
    %scan3A = arith.constant 0 : i32
    %scan3A_3 = arith.constant 625 : i32
    %scan3A_4 = arith.addi %scan3A, %scan3A_3 : i32
    %scan3A_5 = arith.constant 1 : i32
    scf.for %scan3A_7 = %scan3A to %scan3A_4 step %scan3A_5  : i32 {
      %mul3A_8 = arith.constant 1 : i32
      %mul3A_9 = arith.muli %scan3A_7, %mul3A_8 : i32
      %add3A_10 = arith.constant 0 : i32
      %add3A_11 = arith.addi %add3A_10, %mul3A_9 : i32
      %mul3A_12 = arith.constant 16 : i32
      %mul3A_13 = arith.muli %add3A_11, %mul3A_12 : i32
      %get3A = arith.index_cast %mul3A_13 : i32 to index
      %get3A_14 = tpu.vector_load %arg10[%get3A] {strides = array<i32>} : memref<10000xi32, #tpu.memory_space<vmem>>, vector<16xi32>,
      %mul3A_15 = arith.constant 16 : i32
      %mul3A_16 = arith.muli %add3A_11, %mul3A_15 : i32
      %get3A_17 = arith.index_cast %mul3A_16 : i32 to index
      %get3A_18 = tpu.vector_load %arg11[%get3A_17] {strides = array<i32>} : memref<10000xi32, #tpu.memory_space<vmem>>, vector<16xi32>,
      %gather3A = tpu.vector_load_idx %arg8[%get3A_14] : memref<10000xf32, #tpu.memory_space<vmem>>[vector<16xi32>], vector<16xf32>,
      %gather3A_19 = tpu.vector_load_idx %arg9[%get3A_18] : memref<10000xf32, #tpu.memory_space<vmem>>[vector<16xi32>], vector<16xf32>,
      %add3A_20 = arith.addf %gather3A, %gather3A_19 : vector<16xf32>
      %mul3A_21 = arith.constant 16 : i32
      %mul3A_22 = arith.muli %add3A_11, %mul3A_21 : i32
      %get3A_23 = arith.index_cast %mul3A_22 : i32 to index
      %get3A_24 = tpu.vector_load %arg12[%get3A_23] {strides = array<i32>} : memref<10000xf32, #tpu.memory_space<vmem>>, vector<16xf32>,
      %add3A_25 = arith.addf %add3A_20, %get3A_24 : vector<16xf32>
      %mul3A_26 = arith.constant 16 : i32
      %mul3A_27 = arith.muli %add3A_11, %mul3A_26 : i32
      %swap3A = arith.index_cast %mul3A_27 : i32 to index
      %swap3A_28 = tpu.vector_load %arg13[%swap3A] {strides = array<i32>} : memref<10000xf32, #tpu.memory_space<vmem>>, vector<16xf32>,
      tpu.vector_store %arg13[%swap3A], %add3A_25 {strides = array<i32>} : memref<10000xf32, #tpu.memory_space<vmem>>, vector<16xf32>,
    }
    %scan3A_6 = arith.constant 625 : i32
    "tpu.region"() ({
      %run_scoped3A = tpu.sem_alloc : memref<!tpu.dma_semaphore, #tpu.memory_space<semaphore_mem>>
      %dma_start3A = tpu.memref_slice %arg7[%mul3A_2] : memref<320000xf32, #tpu.memory_space<hbm>> -> memref<10000xf32, #tpu.memory_space<hbm>>
      %dma_start3A_7 = tpu.memref_slice %arg7[%mul3A_2] : memref<320000xf32, #tpu.memory_space<hbm>> -> memref<10000xf32, #tpu.memory_space<hbm>>
      tpu.enqueue_dma source(%arg13 : memref<10000xf32, #tpu.memory_space<vmem>>) target(%dma_start3A_7 : memref<10000xf32, #tpu.memory_space<hbm>>) target_semaphore(%run_scoped3A : memref<!tpu.dma_semaphore, #tpu.memory_space<semaphore_mem>>)
      %dma_wait3A = tpu.memref_slice %arg7[%mul3A_2] : memref<320000xf32, #tpu.memory_space<hbm>> -> memref<10000xf32, #tpu.memory_space<hbm>>
      %dma_wait3A_8 = tpu.memref_slice %arg7[%mul3A_2] : memref<320000xf32, #tpu.memory_space<hbm>> -> memref<10000xf32, #tpu.memory_space<hbm>>
      tpu.wait_dma2 semaphore(%run_scoped3A : memref<!tpu.dma_semaphore, #tpu.memory_space<semaphore_mem>>) src(%arg13 : memref<10000xf32, #tpu.memory_space<vmem>>) dst(%dma_wait3A_8 : memref<10000xf32, #tpu.memory_space<hbm>>)
      tpu.yield
    }) : () -> ()
    return
  }
}

module attributes {stable_mosaic.version = 14 : i64} {
  func.func @_node_embed_tc(%arg0: i32, %arg1: memref<1000x128xf32, #tpu.memory_space<vmem>>, %arg2: memref<128x128xf32, #tpu.memory_space<vmem>>, %arg3: memref<1x128xf32, #tpu.memory_space<vmem>>, %arg4: memref<1000x128xf32, #tpu.memory_space<vmem>>) attributes {dimension_semantics = [#tpu.dimension_semantics<arbitrary>], iteration_bounds = array<i64: 10>, scalar_prefetch = 0 : i64, scratch_operands = 0 : i64, tpu.core_type = #tpu.core_type<tc>, window_params = [{transform_indices = @transform_0, window_bounds = array<i64: 1000, 128>}, {pipeline_mode = #tpu.pipeline_mode<synchronous>, transform_indices = @transform_1, window_bounds = array<i64: 128, 128>}, {pipeline_mode = #tpu.pipeline_mode<synchronous>, transform_indices = @transform_2, window_bounds = array<i64: 1, 128>}, {transform_indices = @transform_3, window_bounds = array<i64: 1000, 128>}]} {
    %get3A = arith.constant 0 : index
    %get3A_0 = arith.constant 0 : index
    %get3A_1 = vector.load %arg1[%get3A, %get3A_0] : memref<1000x128xf32, #tpu.memory_space<vmem>>, vector<1000x128xf32>
    %get3A_2 = arith.constant 0 : index
    %get3A_3 = arith.constant 0 : index
    %get3A_4 = vector.load %arg2[%get3A_2, %get3A_3] : memref<128x128xf32, #tpu.memory_space<vmem>>, vector<128x128xf32>
    %dot_general3A = arith.constant dense<0.000000e+00> : vector<1000x128xf32>
    %dot_general3A_5 = tpu.matmul %get3A_1, %get3A_4, %dot_general3A {dimension_numbers = #tpu.dot_dimension_numbers<[1], [0], [0], [1], [0, 0, 1, 1], [], []>, transpose_lhs_hint = false} : vector<1000x128xf32>, vector<128x128xf32>, vector<1000x128xf32> -> vector<1000x128xf32>
    %get3A_6 = arith.constant 0 : index
    %get3A_7 = arith.constant 0 : index
    %get3A_8 = vector.load %arg3[%get3A_6, %get3A_7] : memref<1x128xf32, #tpu.memory_space<vmem>>, vector<1x128xf32>
    %add3A = vector.broadcast %get3A_8 : vector<1x128xf32> to vector<1000x128xf32>
    %add3A_9 = arith.addf %dot_general3A_5, %add3A : vector<1000x128xf32>
    %swap3A = arith.constant 0 : index
    %swap3A_10 = arith.constant 0 : index
    %swap3A_11 = vector.load %arg4[%swap3A, %swap3A_10] : memref<1000x128xf32, #tpu.memory_space<vmem>>, vector<1000x128xf32>
    tpu.vector_store %arg4[%swap3A, %swap3A_10], %add3A_9 {strides = array<i32>} : memref<1000x128xf32, #tpu.memory_space<vmem>>, vector<1000x128xf32>,
    return
  }
  func.func @transform_0(%arg0: i32) -> (i32, i32) {
    %c0_i32 = arith.constant 0 : i32
    %c0_i32_0 = arith.constant 0 : i32
    return %arg0, %c0_i32 : i32, i32
  }
  func.func @transform_1(%arg0: i32) -> (i32, i32) {
    %c0_i32 = arith.constant 0 : i32
    %c0_i32_0 = arith.constant 0 : i32
    %c0_i32_1 = arith.constant 0 : i32
    return %c0_i32, %c0_i32_0 : i32, i32
  }
  func.func @transform_2(%arg0: i32) -> (i32, i32) {
    %c0_i32 = arith.constant 0 : i32
    %c0_i32_0 = arith.constant 0 : i32
    %c0_i32_1 = arith.constant 0 : i32
    return %c0_i32, %c0_i32_0 : i32, i32
  }
  func.func @transform_3(%arg0: i32) -> (i32, i32) {
    %c0_i32 = arith.constant 0 : i32
    %c0_i32_0 = arith.constant 0 : i32
    return %arg0, %c0_i32 : i32, i32
  }
}

module attributes {stable_mosaic.version = 14 : i64} {
  func.func @_norm_tc(%arg0: i32, %arg1: memref<2x1000x16xf32, #tpu.memory_space<vmem>>, %arg2: memref<2x1000x16xf32, #tpu.memory_space<vmem>>, %arg3: memref<1000x128xf32, #tpu.memory_space<vmem>>, %arg4: memref<1000x128xf32, #tpu.memory_space<vmem>>, %arg5: memref<1000x1xf32, #tpu.memory_space<vmem>>, %arg6: memref<1000x1xf32, #tpu.memory_space<vmem>>) attributes {dimension_semantics = [#tpu.dimension_semantics<arbitrary>], iteration_bounds = array<i64: 10>, scalar_prefetch = 0 : i64, scratch_operands = 0 : i64, tpu.core_type = #tpu.core_type<tc>, window_params = [{transform_indices = @transform_0, window_bounds = array<i64: 2, 1000, 16>}, {transform_indices = @transform_1, window_bounds = array<i64: 2, 1000, 16>}, {transform_indices = @transform_2, window_bounds = array<i64: 1000, 128>}, {transform_indices = @transform_3, window_bounds = array<i64: 1000, 128>}, {transform_indices = @transform_4, window_bounds = array<i64: 1000, 1>}, {transform_indices = @transform_5, window_bounds = array<i64: 1000, 1>}]} {
    %get3A = arith.constant 0 : index
    %get3A_0 = arith.constant 0 : index
    %get3A_1 = arith.constant 0 : index
    %get3A_2 = vector.load %arg1[%get3A, %get3A_0, %get3A_1] : memref<2x1000x16xf32, #tpu.memory_space<vmem>>, vector<2x1000x16xf32>
    %get3A_3 = arith.constant 0 : index
    %get3A_4 = arith.constant 0 : index
    %get3A_5 = arith.constant 0 : index
    %get3A_6 = vector.load %arg2[%get3A_3, %get3A_4, %get3A_5] : memref<2x1000x16xf32, #tpu.memory_space<vmem>>, vector<2x1000x16xf32>
    %slice3A = vector.extract_strided_slice %get3A_2 {offsets = [0, 0, 0], sizes = [1, 1000, 1], strides = [1, 1, 1]} : vector<2x1000x16xf32> to vector<1x1000x1xf32>
    %squeeze3A = vector.shape_cast %slice3A : vector<1x1000x1xf32> to vector<1000x1xf32>
    %slice3A_7 = vector.extract_strided_slice %get3A_2 {offsets = [1, 0, 0], sizes = [1, 1000, 1], strides = [1, 1, 1]} : vector<2x1000x16xf32> to vector<1x1000x1xf32>
    %squeeze3A_8 = vector.shape_cast %slice3A_7 : vector<1x1000x1xf32> to vector<1000x1xf32>
    %add3A = arith.addf %squeeze3A, %squeeze3A_8 : vector<1000x1xf32>
    %slice3A_9 = vector.extract_strided_slice %get3A_6 {offsets = [0, 0, 0], sizes = [1, 1000, 1], strides = [1, 1, 1]} : vector<2x1000x16xf32> to vector<1x1000x1xf32>
    %squeeze3A_10 = vector.shape_cast %slice3A_9 : vector<1x1000x1xf32> to vector<1000x1xf32>
    %slice3A_11 = vector.extract_strided_slice %get3A_6 {offsets = [1, 0, 0], sizes = [1, 1000, 1], strides = [1, 1, 1]} : vector<2x1000x16xf32> to vector<1x1000x1xf32>
    %squeeze3A_12 = vector.shape_cast %slice3A_11 : vector<1x1000x1xf32> to vector<1000x1xf32>
    %add3A_13 = arith.addf %squeeze3A_10, %squeeze3A_12 : vector<1000x1xf32>
    %max3A = arith.constant 1.000000e+00 : f32
    %max3A_14 = vector.broadcast %max3A : f32 to vector<1000x1xf32>
    %max3A_15 = arith.maximumf %add3A, %max3A_14 : vector<1000x1xf32>
    %rsqrt3A = math.rsqrt %max3A_15 : vector<1000x1xf32>
    %max3A_16 = arith.constant 1.000000e+00 : f32
    %max3A_17 = vector.broadcast %max3A_16 : f32 to vector<1000x1xf32>
    %max3A_18 = arith.maximumf %add3A_13, %max3A_17 : vector<1000x1xf32>
    %rsqrt3A_19 = math.rsqrt %max3A_18 : vector<1000x1xf32>
    %get3A_20 = arith.constant 0 : index
    %get3A_21 = arith.constant 0 : index
    %get3A_22 = vector.load %arg3[%get3A_20, %get3A_21] : memref<1000x128xf32, #tpu.memory_space<vmem>>, vector<1000x128xf32>
    %mul3A = vector.broadcast %rsqrt3A : vector<1000x1xf32> to vector<1000x128xf32>
    %mul3A_23 = arith.mulf %get3A_22, %mul3A : vector<1000x128xf32>
    %swap3A = arith.constant 0 : index
    %swap3A_24 = arith.constant 0 : index
    %swap3A_25 = vector.load %arg4[%swap3A, %swap3A_24] : memref<1000x128xf32, #tpu.memory_space<vmem>>, vector<1000x128xf32>
    tpu.vector_store %arg4[%swap3A, %swap3A_24], %mul3A_23 {strides = array<i32>} : memref<1000x128xf32, #tpu.memory_space<vmem>>, vector<1000x128xf32>,
    %swap3A_26 = arith.constant 0 : index
    %swap3A_27 = arith.constant 0 : index
    %swap3A_28 = vector.load %arg5[%swap3A_26, %swap3A_27] : memref<1000x1xf32, #tpu.memory_space<vmem>>, vector<1000x1xf32>
    tpu.vector_store %arg5[%swap3A_26, %swap3A_27], %rsqrt3A {strides = array<i32>} : memref<1000x1xf32, #tpu.memory_space<vmem>>, vector<1000x1xf32>,
    %swap3A_29 = arith.constant 0 : index
    %swap3A_30 = arith.constant 0 : index
    %swap3A_31 = vector.load %arg6[%swap3A_29, %swap3A_30] : memref<1000x1xf32, #tpu.memory_space<vmem>>, vector<1000x1xf32>
    tpu.vector_store %arg6[%swap3A_29, %swap3A_30], %rsqrt3A_19 {strides = array<i32>} : memref<1000x1xf32, #tpu.memory_space<vmem>>, vector<1000x1xf32>,
    return
  }
  func.func @transform_0(%arg0: i32) -> (i32, i32, i32) {
    %c0_i32 = arith.constant 0 : i32
    %c0_i32_0 = arith.constant 0 : i32
    %c0_i32_1 = arith.constant 0 : i32
    return %c0_i32, %arg0, %c0_i32_0 : i32, i32, i32
  }
  func.func @transform_1(%arg0: i32) -> (i32, i32, i32) {
    %add3A = arith.constant 10 : i32
    %add3A_0 = arith.addi %arg0, %add3A : i32
    %c0_i32 = arith.constant 0 : i32
    %c0_i32_1 = arith.constant 0 : i32
    %c0_i32_2 = arith.constant 0 : i32
    return %c0_i32, %add3A_0, %c0_i32_1 : i32, i32, i32
  }
  func.func @transform_2(%arg0: i32) -> (i32, i32) {
    %c0_i32 = arith.constant 0 : i32
    %c0_i32_0 = arith.constant 0 : i32
    return %arg0, %c0_i32 : i32, i32
  }
  func.func @transform_3(%arg0: i32) -> (i32, i32) {
    %c0_i32 = arith.constant 0 : i32
    %c0_i32_0 = arith.constant 0 : i32
    return %arg0, %c0_i32 : i32, i32
  }
  func.func @transform_4(%arg0: i32) -> (i32, i32) {
    %c0_i32 = arith.constant 0 : i32
    %c0_i32_0 = arith.constant 0 : i32
    return %arg0, %c0_i32 : i32, i32
  }
  func.func @transform_5(%arg0: i32) -> (i32, i32) {
    %c0_i32 = arith.constant 0 : i32
    %c0_i32_0 = arith.constant 0 : i32
    return %arg0, %c0_i32 : i32, i32
  }
}

module attributes {stable_mosaic.version = 14 : i64} {
  func.func @_layer_tc(%arg0: i32, %arg1: memref<2x1000x128xf32, #tpu.memory_space<vmem>>, %arg2: memref<1000x1xf32, #tpu.memory_space<vmem>>, %arg3: memref<1000x1xf32, #tpu.memory_space<vmem>>, %arg4: memref<128x128xf32, #tpu.memory_space<vmem>>, %arg5: memref<1x128xf32, #tpu.memory_space<vmem>>, %arg6: memref<1000x128xf32, #tpu.memory_space<vmem>>) attributes {dimension_semantics = [#tpu.dimension_semantics<arbitrary>], iteration_bounds = array<i64: 10>, scalar_prefetch = 0 : i64, scratch_operands = 0 : i64, tpu.core_type = #tpu.core_type<tc>, window_params = [{transform_indices = @transform_0, window_bounds = array<i64: 2, 1000, 128>}, {transform_indices = @transform_1, window_bounds = array<i64: 1000, 1>}, {transform_indices = @transform_2, window_bounds = array<i64: 1000, 1>}, {pipeline_mode = #tpu.pipeline_mode<synchronous>, transform_indices = @transform_3, window_bounds = array<i64: 128, 128>}, {pipeline_mode = #tpu.pipeline_mode<synchronous>, transform_indices = @transform_4, window_bounds = array<i64: 1, 128>}, {transform_indices = @transform_5, window_bounds = array<i64: 1000, 128>}]} {
    %get3A = arith.constant 0 : index
    %get3A_0 = arith.constant 0 : index
    %get3A_1 = arith.constant 0 : index
    %get3A_2 = vector.load %arg1[%get3A, %get3A_0, %get3A_1] : memref<2x1000x128xf32, #tpu.memory_space<vmem>>, vector<2x1000x128xf32>
    %slice3A = vector.extract_strided_slice %get3A_2 {offsets = [0, 0, 0], sizes = [1, 1000, 128], strides = [1, 1, 1]} : vector<2x1000x128xf32> to vector<1x1000x128xf32>
    %squeeze3A = vector.shape_cast %slice3A : vector<1x1000x128xf32> to vector<1000x128xf32>
    %slice3A_3 = vector.extract_strided_slice %get3A_2 {offsets = [1, 0, 0], sizes = [1, 1000, 128], strides = [1, 1, 1]} : vector<2x1000x128xf32> to vector<1x1000x128xf32>
    %squeeze3A_4 = vector.shape_cast %slice3A_3 : vector<1x1000x128xf32> to vector<1000x128xf32>
    %add3A = arith.addf %squeeze3A, %squeeze3A_4 : vector<1000x128xf32>
    %get3A_5 = arith.constant 0 : index
    %get3A_6 = arith.constant 0 : index
    %get3A_7 = vector.load %arg2[%get3A_5, %get3A_6] : memref<1000x1xf32, #tpu.memory_space<vmem>>, vector<1000x1xf32>
    %mul3A = vector.broadcast %get3A_7 : vector<1000x1xf32> to vector<1000x128xf32>
    %mul3A_8 = arith.mulf %add3A, %mul3A : vector<1000x128xf32>
    %get3A_9 = arith.constant 0 : index
    %get3A_10 = arith.constant 0 : index
    %get3A_11 = vector.load %arg4[%get3A_9, %get3A_10] : memref<128x128xf32, #tpu.memory_space<vmem>>, vector<128x128xf32>
    %dot_general3A = arith.constant dense<0.000000e+00> : vector<1000x128xf32>
    %dot_general3A_12 = tpu.matmul %mul3A_8, %get3A_11, %dot_general3A {dimension_numbers = #tpu.dot_dimension_numbers<[1], [0], [0], [1], [0, 0, 1, 1], [], []>, transpose_lhs_hint = false} : vector<1000x128xf32>, vector<128x128xf32>, vector<1000x128xf32> -> vector<1000x128xf32>
    %get3A_13 = arith.constant 0 : index
    %get3A_14 = arith.constant 0 : index
    %get3A_15 = vector.load %arg5[%get3A_13, %get3A_14] : memref<1x128xf32, #tpu.memory_space<vmem>>, vector<1x128xf32>
    %add3A_16 = vector.broadcast %get3A_15 : vector<1x128xf32> to vector<1000x128xf32>
    %add3A_17 = arith.addf %dot_general3A_12, %add3A_16 : vector<1000x128xf32>
    %max3A = arith.constant 0.000000e+00 : f32
    %max3A_18 = vector.broadcast %max3A : f32 to vector<1000x128xf32>
    %max3A_19 = arith.maximumf %add3A_17, %max3A_18 : vector<1000x128xf32>
    %get3A_20 = arith.constant 0 : index
    %get3A_21 = arith.constant 0 : index
    %get3A_22 = vector.load %arg3[%get3A_20, %get3A_21] : memref<1000x1xf32, #tpu.memory_space<vmem>>, vector<1000x1xf32>
    %mul3A_23 = vector.broadcast %get3A_22 : vector<1000x1xf32> to vector<1000x128xf32>
    %mul3A_24 = arith.mulf %max3A_19, %mul3A_23 : vector<1000x128xf32>
    %swap3A = arith.constant 0 : index
    %swap3A_25 = arith.constant 0 : index
    %swap3A_26 = vector.load %arg6[%swap3A, %swap3A_25] : memref<1000x128xf32, #tpu.memory_space<vmem>>, vector<1000x128xf32>
    tpu.vector_store %arg6[%swap3A, %swap3A_25], %mul3A_24 {strides = array<i32>} : memref<1000x128xf32, #tpu.memory_space<vmem>>, vector<1000x128xf32>,
    return
  }
  func.func @transform_0(%arg0: i32) -> (i32, i32, i32) {
    %c0_i32 = arith.constant 0 : i32
    %c0_i32_0 = arith.constant 0 : i32
    %c0_i32_1 = arith.constant 0 : i32
    return %c0_i32, %arg0, %c0_i32_0 : i32, i32, i32
  }
  func.func @transform_1(%arg0: i32) -> (i32, i32) {
    %c0_i32 = arith.constant 0 : i32
    %c0_i32_0 = arith.constant 0 : i32
    return %arg0, %c0_i32 : i32, i32
  }
  func.func @transform_2(%arg0: i32) -> (i32, i32) {
    %c0_i32 = arith.constant 0 : i32
    %c0_i32_0 = arith.constant 0 : i32
    return %arg0, %c0_i32 : i32, i32
  }
  func.func @transform_3(%arg0: i32) -> (i32, i32) {
    %c0_i32 = arith.constant 0 : i32
    %c0_i32_0 = arith.constant 0 : i32
    %c0_i32_1 = arith.constant 0 : i32
    return %c0_i32, %c0_i32_0 : i32, i32
  }
  func.func @transform_4(%arg0: i32) -> (i32, i32) {
    %c0_i32 = arith.constant 0 : i32
    %c0_i32_0 = arith.constant 0 : i32
    %c0_i32_1 = arith.constant 0 : i32
    return %c0_i32, %c0_i32_0 : i32, i32
  }
  func.func @transform_5(%arg0: i32) -> (i32, i32) {
    %c0_i32 = arith.constant 0 : i32
    %c0_i32_0 = arith.constant 0 : i32
    return %arg0, %c0_i32 : i32, i32
  }
}

module attributes {stable_mosaic.version = 14 : i64} {
  func.func @_pe_tc(%arg0: i32, %arg1: memref<4000x128xf32, #tpu.memory_space<vmem>>, %arg2: memref<16x128xf32, #tpu.memory_space<vmem>>, %arg3: memref<384x1xf32, #tpu.memory_space<vmem>>, %arg4: memref<1x128xf32, #tpu.memory_space<vmem>>, %arg5: memref<1x1xf32, #tpu.memory_space<vmem>>, %arg6: memref<4000x8xf32, #tpu.memory_space<vmem>>) attributes {dimension_semantics = [#tpu.dimension_semantics<arbitrary>], iteration_bounds = array<i64: 10>, scalar_prefetch = 0 : i64, scratch_operands = 0 : i64, tpu.core_type = #tpu.core_type<tc>, window_params = [{transform_indices = @transform_0, window_bounds = array<i64: 4000, 128>}, {pipeline_mode = #tpu.pipeline_mode<synchronous>, transform_indices = @transform_1, window_bounds = array<i64: 16, 128>}, {pipeline_mode = #tpu.pipeline_mode<synchronous>, transform_indices = @transform_2, window_bounds = array<i64: 384, 1>}, {pipeline_mode = #tpu.pipeline_mode<synchronous>, transform_indices = @transform_3, window_bounds = array<i64: 1, 128>}, {pipeline_mode = #tpu.pipeline_mode<synchronous>, transform_indices = @transform_4, window_bounds = array<i64: 1, 1>}, {transform_indices = @transform_5, window_bounds = array<i64: 4000, 8>}]} {
    %get3A = arith.constant 0 : index
    %get3A_0 = arith.constant 0 : index
    %get3A_1 = vector.load %arg3[%get3A, %get3A_0] : memref<384x1xf32, #tpu.memory_space<vmem>>, vector<384x1xf32>
    %slice3A = vector.extract_strided_slice %get3A_1 {offsets = [256, 0], sizes = [128, 1], strides = [1, 1]} : vector<384x1xf32> to vector<128x1xf32>
    %get3A_2 = arith.constant 0 : index
    %get3A_3 = arith.constant 0 : index
    %get3A_4 = vector.load %arg2[%get3A_2, %get3A_3] : memref<16x128xf32, #tpu.memory_space<vmem>>, vector<16x128xf32>
    %dot_general3A = arith.constant dense<0.000000e+00> : vector<16x1xf32>
    %dot_general3A_5 = tpu.matmul %get3A_4, %slice3A, %dot_general3A {dimension_numbers = #tpu.dot_dimension_numbers<[1], [0], [0], [1], [0, 0, 1, 1], [], []>, transpose_lhs_hint = false} : vector<16x128xf32>, vector<128x1xf32>, vector<16x1xf32> -> vector<16x1xf32>
    %get3A_6 = arith.constant 0 : index
    %get3A_7 = arith.constant 0 : index
    %get3A_8 = vector.load %arg4[%get3A_6, %get3A_7] : memref<1x128xf32, #tpu.memory_space<vmem>>, vector<1x128xf32>
    %dot_general3A_9 = arith.constant dense<0.000000e+00> : vector<1x1xf32>
    %dot_general3A_10 = tpu.matmul %get3A_8, %slice3A, %dot_general3A_9 {dimension_numbers = #tpu.dot_dimension_numbers<[1], [0], [0], [1], [0, 0, 1, 1], [], []>, transpose_lhs_hint = false} : vector<1x128xf32>, vector<128x1xf32>, vector<1x1xf32> -> vector<1x1xf32>
    %concatenate3A = tpu.concatenate %dot_general3A_5, %dot_general3A_5, %dot_general3A_5, %dot_general3A_5, %dot_general3A_5, %dot_general3A_5, %dot_general3A_5, %dot_general3A_5 in 0 : vector<16x1xf32>, vector<16x1xf32>, vector<16x1xf32>, vector<16x1xf32>, vector<16x1xf32>, vector<16x1xf32>, vector<16x1xf32>, vector<16x1xf32> -> vector<128x1xf32>
    %iota3A = tpu.iota {dimensions = array<i32: 0>} : vector<128x8xi32>
    %iota3A_11 = tpu.iota {dimensions = array<i32: 1>} : vector<128x8xi32>
    %jit3A = arith.constant 16 : i32
    %div3A = vector.broadcast %jit3A : i32 to vector<128x8xi32>
    %div3A_12 = arith.divsi %iota3A, %div3A : vector<128x8xi32>
    %sign3A = arith.constant 0 : i32
    %sign3A_13 = vector.broadcast %sign3A : i32 to vector<128x8xi32>
    %sign3A_14 = arith.cmpi sgt, %iota3A, %sign3A_13 : vector<128x8xi32>
    %sign3A_15 = arith.extui %sign3A_14 : vector<128x8xi1> to vector<128x8xi32>
    %sign3A_16 = arith.constant 0 : i32
    %sign3A_17 = vector.broadcast %sign3A_16 : i32 to vector<128x8xi32>
    %sign3A_18 = arith.cmpi slt, %iota3A, %sign3A_17 : vector<128x8xi32>
    %sign3A_19 = arith.extui %sign3A_18 : vector<128x8xi1> to vector<128x8xi32>
    %sign3A_20 = arith.subi %sign3A_15, %sign3A_19 : vector<128x8xi32>
    %sign3A_21 = arith.constant 0 : i32
    %sign3A_22 = arith.cmpi sgt, %jit3A, %sign3A_21 : i32
    %sign3A_23 = arith.extui %sign3A_22 : i1 to i32
    %sign3A_24 = arith.constant 0 : i32
    %sign3A_25 = arith.cmpi slt, %jit3A, %sign3A_24 : i32
    %sign3A_26 = arith.extui %sign3A_25 : i1 to i32
    %sign3A_27 = arith.subi %sign3A_23, %sign3A_26 : i32
    %ne3A = vector.broadcast %sign3A_27 : i32 to vector<128x8xi32>
    %ne3A_28 = arith.cmpi ne, %sign3A_20, %ne3A : vector<128x8xi32>
    %rem3A = vector.broadcast %jit3A : i32 to vector<128x8xi32>
    %rem3A_29 = arith.remsi %iota3A, %rem3A : vector<128x8xi32>
    %ne3A_30 = arith.constant 0 : i32
    %ne3A_31 = vector.broadcast %ne3A_30 : i32 to vector<128x8xi32>
    %ne3A_32 = arith.cmpi ne, %rem3A_29, %ne3A_31 : vector<128x8xi32>
    %and3A = arith.andi %ne3A_28, %ne3A_32 : vector<128x8xi1>
    %sub3A = arith.constant 1 : i32
    %sub3A_33 = vector.broadcast %sub3A : i32 to vector<128x8xi32>
    %sub3A_34 = arith.subi %div3A_12, %sub3A_33 : vector<128x8xi32>
    %select_n3A = arith.select %and3A, %sub3A_34, %div3A_12 : vector<128x8xi1>, vector<128x8xi32>
    %eq3A = arith.cmpi eq, %select_n3A, %iota3A_11 : vector<128x8xi32>
    %jit3A_35 = arith.constant 0.000000e+00 : f32
    %broadcast_in_dim3A = vector.shape_cast %concatenate3A : vector<128x1xf32> to vector<128x1xf32>
    %broadcast_in_dim3A_36 = vector.broadcast %broadcast_in_dim3A : vector<128x1xf32> to vector<128x8xf32>
    %broadcast_in_dim3A_37 = vector.broadcast %jit3A_35 : f32 to vector<128x8xf32>
    %select_n3A_38 = arith.select %eq3A, %broadcast_in_dim3A_36, %broadcast_in_dim3A_37 : vector<128x8xi1>, vector<128x8xf32>
    %get3A_39 = arith.constant 0 : index
    %get3A_40 = arith.constant 0 : index
    %get3A_41 = vector.load %arg1[%get3A_39, %get3A_40] : memref<4000x128xf32, #tpu.memory_space<vmem>>, vector<4000x128xf32>
    %dot_general3A_42 = arith.constant dense<0.000000e+00> : vector<4000x8xf32>
    %dot_general3A_43 = tpu.matmul %get3A_41, %select_n3A_38, %dot_general3A_42 {dimension_numbers = #tpu.dot_dimension_numbers<[1], [0], [0], [1], [0, 0, 1, 1], [], []>, transpose_lhs_hint = false} : vector<4000x128xf32>, vector<128x8xf32>, vector<4000x8xf32> -> vector<4000x8xf32>
    %add3A = vector.broadcast %dot_general3A_10 : vector<1x1xf32> to vector<4000x8xf32>
    %add3A_44 = arith.addf %dot_general3A_43, %add3A : vector<4000x8xf32>
    %get3A_45 = arith.constant 0 : index
    %get3A_46 = arith.constant 0 : index
    %get3A_47 = vector.load %arg5[%get3A_45, %get3A_46] : memref<1x1xf32, #tpu.memory_space<vmem>>, vector<1x1xf32>
    %add3A_48 = vector.broadcast %get3A_47 : vector<1x1xf32> to vector<4000x8xf32>
    %add3A_49 = arith.addf %add3A_44, %add3A_48 : vector<4000x8xf32>
    %swap3A = arith.constant 0 : index
    %swap3A_50 = arith.constant 0 : index
    %swap3A_51 = vector.load %arg6[%swap3A, %swap3A_50] : memref<4000x8xf32, #tpu.memory_space<vmem>>, vector<4000x8xf32>
    tpu.vector_store %arg6[%swap3A, %swap3A_50], %add3A_49 {strides = array<i32>} : memref<4000x8xf32, #tpu.memory_space<vmem>>, vector<4000x8xf32>,
    return
  }
  func.func @transform_0(%arg0: i32) -> (i32, i32) {
    %c0_i32 = arith.constant 0 : i32
    %c0_i32_0 = arith.constant 0 : i32
    return %arg0, %c0_i32 : i32, i32
  }
  func.func @transform_1(%arg0: i32) -> (i32, i32) {
    %c0_i32 = arith.constant 0 : i32
    %c0_i32_0 = arith.constant 0 : i32
    %c0_i32_1 = arith.constant 0 : i32
    return %c0_i32, %c0_i32_0 : i32, i32
  }
  func.func @transform_2(%arg0: i32) -> (i32, i32) {
    %c0_i32 = arith.constant 0 : i32
    %c0_i32_0 = arith.constant 0 : i32
    %c0_i32_1 = arith.constant 0 : i32
    return %c0_i32, %c0_i32_0 : i32, i32
  }
  func.func @transform_3(%arg0: i32) -> (i32, i32) {
    %c0_i32 = arith.constant 0 : i32
    %c0_i32_0 = arith.constant 0 : i32
    %c0_i32_1 = arith.constant 0 : i32
    return %c0_i32, %c0_i32_0 : i32, i32
  }
  func.func @transform_4(%arg0: i32) -> (i32, i32) {
    %c0_i32 = arith.constant 0 : i32
    %c0_i32_0 = arith.constant 0 : i32
    %c0_i32_1 = arith.constant 0 : i32
    return %c0_i32, %c0_i32_0 : i32, i32
  }
  func.func @transform_5(%arg0: i32) -> (i32, i32) {
    %c0_i32 = arith.constant 0 : i32
    %c0_i32_0 = arith.constant 0 : i32
    return %arg0, %c0_i32 : i32, i32
  }
}

module attributes {stable_mosaic.version = 14 : i64} {
  func.func @_final_tc(%arg0: i32, %arg1: memref<2x1000x128xf32, #tpu.memory_space<vmem>>, %arg2: memref<1000x1xf32, #tpu.memory_space<vmem>>, %arg3: memref<128x128xf32, #tpu.memory_space<vmem>>, %arg4: memref<1x128xf32, #tpu.memory_space<vmem>>, %arg5: memref<384x1xf32, #tpu.memory_space<vmem>>, %arg6: memref<1000x1xf32, #tpu.memory_space<vmem>>, %arg7: memref<1000x1xf32, #tpu.memory_space<vmem>>) attributes {dimension_semantics = [#tpu.dimension_semantics<arbitrary>], iteration_bounds = array<i64: 10>, scalar_prefetch = 0 : i64, scratch_operands = 0 : i64, tpu.core_type = #tpu.core_type<tc>, window_params = [{transform_indices = @transform_0, window_bounds = array<i64: 2, 1000, 128>}, {transform_indices = @transform_1, window_bounds = array<i64: 1000, 1>}, {pipeline_mode = #tpu.pipeline_mode<synchronous>, transform_indices = @transform_2, window_bounds = array<i64: 128, 128>}, {pipeline_mode = #tpu.pipeline_mode<synchronous>, transform_indices = @transform_3, window_bounds = array<i64: 1, 128>}, {pipeline_mode = #tpu.pipeline_mode<synchronous>, transform_indices = @transform_4, window_bounds = array<i64: 384, 1>}, {transform_indices = @transform_5, window_bounds = array<i64: 1000, 1>}, {transform_indices = @transform_6, window_bounds = array<i64: 1000, 1>}]} {
    %get3A = arith.constant 0 : index
    %get3A_0 = arith.constant 0 : index
    %get3A_1 = arith.constant 0 : index
    %get3A_2 = vector.load %arg1[%get3A, %get3A_0, %get3A_1] : memref<2x1000x128xf32, #tpu.memory_space<vmem>>, vector<2x1000x128xf32>
    %slice3A = vector.extract_strided_slice %get3A_2 {offsets = [0, 0, 0], sizes = [1, 1000, 128], strides = [1, 1, 1]} : vector<2x1000x128xf32> to vector<1x1000x128xf32>
    %squeeze3A = vector.shape_cast %slice3A : vector<1x1000x128xf32> to vector<1000x128xf32>
    %slice3A_3 = vector.extract_strided_slice %get3A_2 {offsets = [1, 0, 0], sizes = [1, 1000, 128], strides = [1, 1, 1]} : vector<2x1000x128xf32> to vector<1x1000x128xf32>
    %squeeze3A_4 = vector.shape_cast %slice3A_3 : vector<1x1000x128xf32> to vector<1000x128xf32>
    %add3A = arith.addf %squeeze3A, %squeeze3A_4 : vector<1000x128xf32>
    %get3A_5 = arith.constant 0 : index
    %get3A_6 = arith.constant 0 : index
    %get3A_7 = vector.load %arg2[%get3A_5, %get3A_6] : memref<1000x1xf32, #tpu.memory_space<vmem>>, vector<1000x1xf32>
    %mul3A = vector.broadcast %get3A_7 : vector<1000x1xf32> to vector<1000x128xf32>
    %mul3A_8 = arith.mulf %add3A, %mul3A : vector<1000x128xf32>
    %get3A_9 = arith.constant 0 : index
    %get3A_10 = arith.constant 0 : index
    %get3A_11 = vector.load %arg3[%get3A_9, %get3A_10] : memref<128x128xf32, #tpu.memory_space<vmem>>, vector<128x128xf32>
    %dot_general3A = arith.constant dense<0.000000e+00> : vector<1000x128xf32>
    %dot_general3A_12 = tpu.matmul %mul3A_8, %get3A_11, %dot_general3A {dimension_numbers = #tpu.dot_dimension_numbers<[1], [0], [0], [1], [0, 0, 1, 1], [], []>, transpose_lhs_hint = false} : vector<1000x128xf32>, vector<128x128xf32>, vector<1000x128xf32> -> vector<1000x128xf32>
    %get3A_13 = arith.constant 0 : index
    %get3A_14 = arith.constant 0 : index
    %get3A_15 = vector.load %arg4[%get3A_13, %get3A_14] : memref<1x128xf32, #tpu.memory_space<vmem>>, vector<1x128xf32>
    %add3A_16 = vector.broadcast %get3A_15 : vector<1x128xf32> to vector<1000x128xf32>
    %add3A_17 = arith.addf %dot_general3A_12, %add3A_16 : vector<1000x128xf32>
    %max3A = arith.constant 0.000000e+00 : f32
    %max3A_18 = vector.broadcast %max3A : f32 to vector<1000x128xf32>
    %max3A_19 = arith.maximumf %add3A_17, %max3A_18 : vector<1000x128xf32>
    %get3A_20 = arith.constant 0 : index
    %get3A_21 = arith.constant 0 : index
    %get3A_22 = vector.load %arg5[%get3A_20, %get3A_21] : memref<384x1xf32, #tpu.memory_space<vmem>>, vector<384x1xf32>
    %slice3A_23 = vector.extract_strided_slice %get3A_22 {offsets = [0, 0], sizes = [128, 1], strides = [1, 1]} : vector<384x1xf32> to vector<128x1xf32>
    %dot_general3A_24 = arith.constant dense<0.000000e+00> : vector<1000x1xf32>
    %dot_general3A_25 = tpu.matmul %max3A_19, %slice3A_23, %dot_general3A_24 {dimension_numbers = #tpu.dot_dimension_numbers<[1], [0], [0], [1], [0, 0, 1, 1], [], []>, transpose_lhs_hint = false} : vector<1000x128xf32>, vector<128x1xf32>, vector<1000x1xf32> -> vector<1000x1xf32>
    %swap3A = arith.constant 0 : index
    %swap3A_26 = arith.constant 0 : index
    %swap3A_27 = vector.load %arg6[%swap3A, %swap3A_26] : memref<1000x1xf32, #tpu.memory_space<vmem>>, vector<1000x1xf32>
    tpu.vector_store %arg6[%swap3A, %swap3A_26], %dot_general3A_25 {strides = array<i32>} : memref<1000x1xf32, #tpu.memory_space<vmem>>, vector<1000x1xf32>,
    %slice3A_28 = vector.extract_strided_slice %get3A_22 {offsets = [128, 0], sizes = [128, 1], strides = [1, 1]} : vector<384x1xf32> to vector<128x1xf32>
    %dot_general3A_29 = arith.constant dense<0.000000e+00> : vector<1000x1xf32>
    %dot_general3A_30 = tpu.matmul %max3A_19, %slice3A_28, %dot_general3A_29 {dimension_numbers = #tpu.dot_dimension_numbers<[1], [0], [0], [1], [0, 0, 1, 1], [], []>, transpose_lhs_hint = false} : vector<1000x128xf32>, vector<128x1xf32>, vector<1000x1xf32> -> vector<1000x1xf32>
    %swap3A_31 = arith.constant 0 : index
    %swap3A_32 = arith.constant 0 : index
    %swap3A_33 = vector.load %arg7[%swap3A_31, %swap3A_32] : memref<1000x1xf32, #tpu.memory_space<vmem>>, vector<1000x1xf32>
    tpu.vector_store %arg7[%swap3A_31, %swap3A_32], %dot_general3A_30 {strides = array<i32>} : memref<1000x1xf32, #tpu.memory_space<vmem>>, vector<1000x1xf32>,
    return
  }
  func.func @transform_0(%arg0: i32) -> (i32, i32, i32) {
    %c0_i32 = arith.constant 0 : i32
    %c0_i32_0 = arith.constant 0 : i32
    %c0_i32_1 = arith.constant 0 : i32
    return %c0_i32, %arg0, %c0_i32_0 : i32, i32, i32
  }
  func.func @transform_1(%arg0: i32) -> (i32, i32) {
    %c0_i32 = arith.constant 0 : i32
    %c0_i32_0 = arith.constant 0 : i32
    return %arg0, %c0_i32 : i32, i32
  }
  func.func @transform_2(%arg0: i32) -> (i32, i32) {
    %c0_i32 = arith.constant 0 : i32
    %c0_i32_0 = arith.constant 0 : i32
    %c0_i32_1 = arith.constant 0 : i32
    return %c0_i32, %c0_i32_0 : i32, i32
  }
  func.func @transform_3(%arg0: i32) -> (i32, i32) {
    %c0_i32 = arith.constant 0 : i32
    %c0_i32_0 = arith.constant 0 : i32
    %c0_i32_1 = arith.constant 0 : i32
    return %c0_i32, %c0_i32_0 : i32, i32
  }
  func.func @transform_4(%arg0: i32) -> (i32, i32) {
    %c0_i32 = arith.constant 0 : i32
    %c0_i32_0 = arith.constant 0 : i32
    %c0_i32_1 = arith.constant 0 : i32
    return %c0_i32, %c0_i32_0 : i32, i32
  }
  func.func @transform_5(%arg0: i32) -> (i32, i32) {
    %c0_i32 = arith.constant 0 : i32
    %c0_i32_0 = arith.constant 0 : i32
    return %arg0, %c0_i32 : i32, i32
  }
  func.func @transform_6(%arg0: i32) -> (i32, i32) {
    %c0_i32 = arith.constant 0 : i32
    %c0_i32_0 = arith.constant 0 : i32
    return %arg0, %c0_i32 : i32, i32
  }
}

</mosaic_0001>

<sc_bundles>
// kernel: kernel.11.cloned.1.call-start
scs
__scs_entry_jumppad:
0x0: {  	(pc) =	sbr.rel $0x88, $3  }
0x1: {  	(tag) =	ssettag $0x0;
	lr =	simm.s32 $0x1  }
0x2: {  	[smem:$0x3F94] =	sst lr;
	_ =	strace $0xD0000000  }
0x3: {  	_ = 	snop  }
0x4: {  	_ = 	snop  }
0x5: {  	_ = 	snop  }
0x6: {  	_ = 	snop  }
0x7: {  	_ = 	snop  }
__scs_overlays_trampoline_lowered:
0x8: {  	[smem:$0x3FA3] =	sst s0  }
0x9: {  	[smem:$0x3FA4] =	sst s1  }
0xa: {  	[smem:$0x3FA5] =	sst s2  }
0xb: {  	[smem:$0x3FA6] =	sst s3  }
0xc: {  	[smem:$0x3FA7] =	sst s4  }
0xd: {  	[smem:$0x3FA8] =	sst s5  }
0xe: {  	[smem:$0x3FA9] =	sst s6  }
0xf: {  	[smem:$0x3FAA] =	sst s7  }
0x10: {  	[smem:$0x3FAB] =	sst s8  }
0x11: {  	[smem:$0x3FAC] =	sst s9;
	s0 =	simm.s32 @!p0 $0x0  }
0x12: {  	s1 =	sld [smem:$0x3F92];
	s0 =	simm.s32 @p0 $0x1  }
0x13: {  	[smem:$0x3FAD] =	sst s0;
	s0 =	simm.s32 @!p1 $0x0  }
0x14: {  	s2 =	sld [smem:$0x3F91];
	s0 =	simm.s32 @p1 $0x1  }
0x15: {  	[smem:$0x3FAE] =	sst s0;
	s0 =	simm.s32 @!p2 $0x0  }
0x16: {  	s3 =	sld [smem:$0x3FDB];
	s0 =	simm.s32 @p2 $0x1  }
0x17: {  	s4 =	simm.s32 $0x1BF5;
	[smem:$0x3FB0] =	sst s0  }
0x18: {  	s0 =	sld [smem:$0x3F93];
	_ =	swait.ge [sflag:s4], $0x0  }
0x19: {  	s7 =	sld [smem:$0x3F94]  }
0x1a: {  	s8 =	sadd.s32 $0xFFFFE003, lr  }
0x1b: {  	s9 =	sadd.s32 $0xFFFFFEF7, lr;
	s5 =	simm.s32 $0xFFFFFFFF;
	p2 =	slt.u32 s8, $0xFFFFF086  }
0x1c: {  	p1 =	slt.u32 s9, $0xF7A;
	s5 =	simm.s32 @!p2 $0x0  }
0x1d: {  	s5 =	simm.s32 @p1 $0x1;
	p0 =	seq.s32 s7, s2  }
0x1e: {  	s7 =	smul.u32 @!p0 $0xF7A, s2;
	p2 =	seq.s32 @!p0 s5, $0x0  }
0x1f: {  	s9 =	smul.u32 $0xF7A, s1;
	s8 =	simm.s32 @!p0 $0x1BF5;
	p2 =	por !p2, p0  }
0x20: {  	[sflag:s8] =	ssyncset.s32 @!p0 $0xFFFFF086;
	s6 =	sadd.s32 @!p0 s3, s7;
	s7 =	simm.s32 @!p0 $0x108  }
0x21: {  	s3 =	sadd.s32 s3, s9;
	s6 =	sadd.s32 @!p0 $0x88, s6;
	s7 =	simm.s32 @p2 $0x1082  }
0x22: {  	[simem:s7], [sflag:s8] =	dma.local @!p0 [hbm:s6], $0xF7A  }
0x23: {  	s9 =	sor.u32 $0xD0000000, s2;
	s6 =	simm.s32 $0x108;
	_ =	swait.ge @!p0 [sflag:s8], $0x0  }
0x24: {  	s3 =	sadd.s32 $0x88, s3;
	s6 =	simm.s32 @!p1 $0x1082;
	[sflag:s4] =	ssyncset.s32 $0xFFFFF086  }
0x25: {  	[simem:s6], [sflag:s4] =	dma.local [hbm:s3], $0xF7A  }
0x26: {  	[smem:$0x3F94] =	sst s1;
	(tag) =	ssettag s2;
	_ =	strace s9  }
0x27: {  	s1 =	sld [smem:$0x3FA4]  }
0x28: {  	s2 =	sld [smem:$0x3FA5]  }
0x29: {  	s4 =	sld [smem:$0x3FA7]  }
0x2a: {  	p0 =	seq.s32 s5, $0x0;
	s5 =	sld [smem:$0x3FA8]  }
0x2b: {  	s6 =	sld [smem:$0x3FA9]  }
0x2c: {  	s7 =	sld [smem:$0x3FAA]  }
0x2d: {  	s3 =	simm.s32 $0x108;
	s8 =	sld [smem:$0x3FAB]  }
0x2e: {  	s3 =	simm.s32 @!p0 $0x1082;
	s9 =	sld [smem:$0x3FAC]  }
0x2f: {  	lr =	sadd.s32 s0, s3;
	s0 =	sld [smem:$0x3FA3]  }
0x30: {  	s3 =	sld [smem:$0x3FA6]  }
0x31: {  	[smem:$0x3FAF] =	sst s10  }
0x32: {  	s10 =	sld [smem:$0x3FAD];
	_ =	sdelay $0x3  }
0x33: {  	p0 =	seq.s32 s10, $0x1;
	s10 =	sld [smem:$0x3FAF];
	_ =	sdelay $0x3  }
0x34: {  	[smem:$0x3FAF] =	sst s10  }
0x35: {  	s10 =	sld [smem:$0x3FAE];
	_ =	sdelay $0x3  }
0x36: {  	p1 =	seq.s32 s10, $0x1;
	s10 =	sld [smem:$0x3FAF];
	_ =	sdelay $0x3  }
0x37: {  	[smem:$0x3FAF] =	sst s10  }
0x38: {  	s10 =	sld [smem:$0x3FB0]  }
0x39: {  	_ = 	snop;
	(pc) =	sbr.ind lr, $3  }
0x3a: {  	_ = 	snop  }
0x3b: {  	_ = 	snop  }
0x3c: {  	p2 =	seq.s32 s10, $0x1;
	s10 =	sld [smem:$0x3FAF]  }
0x3d: {  	_ =	shalt  }
0x3e: {  	_ =	shalt  }
0x3f: {  	_ =	shalt  }
0x40: {  	_ =	shalt  }
0x41: {  	_ =	shalt  }
0x42: {  	_ =	shalt  }
0x43: {  	_ =	shalt  }
0x44: {  	_ =	shalt  }
0x45: {  	_ =	shalt  }
0x46: {  	_ =	shalt  }
0x47: {  	_ =	shalt  }
0x48: {  	_ =	shalt  }
0x49: {  	_ =	shalt  }
0x4a: {  	_ =	shalt  }
0x4b: {  	_ =	shalt  }
0x4c: {  	_ =	shalt  }
0x4d: {  	_ =	shalt  }
0x4e: {  	_ =	shalt  }
0x4f: {  	_ =	shalt  }
0x50: {  	_ =	shalt  }
0x51: {  	_ =	shalt  }
0x52: {  	_ =	shalt  }
0x53: {  	_ =	shalt  }
0x54: {  	_ =	shalt  }
0x55: {  	_ =	shalt  }
0x56: {  	_ =	shalt  }
0x57: {  	_ =	shalt  }
0x58: {  	_ =	shalt  }
0x59: {  	_ =	shalt  }
0x5a: {  	_ =	shalt  }
0x5b: {  	_ =	shalt  }
0x5c: {  	_ =	shalt  }
0x5d: {  	_ =	shalt  }
0x5e: {  	_ =	shalt  }
0x5f: {  	_ =	shalt  }
0x60: {  	_ =	shalt  }
0x61: {  	_ =	shalt  }
0x62: {  	_ =	shalt  }
0x63: {  	_ =	shalt  }
0x64: {  	_ =	shalt  }
0x65: {  	_ =	shalt  }
0x66: {  	_ =	shalt  }
0x67: {  	_ =	shalt  }
0x68: {  	_ =	shalt  }
0x69: {  	_ =	shalt  }
0x6a: {  	_ =	shalt  }
0x6b: {  	_ =	shalt  }
0x6c: {  	_ =	shalt  }
0x6d: {  	_ =	shalt  }
0x6e: {  	_ =	shalt  }
0x6f: {  	_ =	shalt  }
0x70: {  	_ =	shalt  }
0x71: {  	_ =	shalt  }
0x72: {  	_ =	shalt  }
0x73: {  	_ =	shalt  }
0x74: {  	_ =	shalt  }
0x75: {  	_ =	shalt  }
0x76: {  	_ =	shalt  }
0x77: {  	_ =	shalt  }
0x78: {  	_ =	shalt  }
0x79: {  	_ =	shalt  }
0x7a: {  	_ =	shalt  }
0x7b: {  	_ =	shalt  }
0x7c: {  	_ =	shalt  }
0x7d: {  	_ =	shalt  }
0x7e: {  	_ =	shalt  }
0x7f: {  	_ =	shalt  }
0x80: {  	_ =	shalt  }
0x81: {  	_ =	shalt  }
0x82: {  	_ =	shalt  }
0x83: {  	_ =	shalt  }
0x84: {  	_ =	shalt  }
0x85: {  	_ =	shalt  }
0x86: {  	_ =	shalt  }
0x87: {  	_ =	shalt  }
.Lfunc_end0:
.L_simem_size_0:
called_computation_lowered:
.L_overlay_start_0:
0x88: {  	s2 =	sld [smem:$0x3FD9]  }
0x89: {  	s3 =	sld [smem:$0x3FFE];
	_ =	sdelay $0x1  }
0x8a: {  	s1 =	srdreg.scid  }
0x8b: {  	s0 =	sand.u32 $0x1, s1  }
0x8c: {  	s16 =	sshll.u32 s0, $0xA;
	s2 =	sadd.s32 s3, s2  }
0x8d: {  	s2 =	sadd.s32 s2, s16  }
0x8e: {  	[smem:$0x3FBB] =	sst s2  }
0x8f: {  	_ = 	snop  }
0x90: {  	(tm) =	ssettm $0x1  }
0x91: {  	s17 =	sld [smem:$0x3FFB];
	_ =	sdelay $0x3  }
0x92: {  	_ =	strace s17  }
0x93: {  	s2 =	sld [smem:$0x3FFC];
	_ =	sdelay $0x3  }
0x94: {  	_ =	strace s2  }
0x95: {  	s2 =	sld [smem:$0x3FFD];
	_ =	sdelay $0x3  }
0x96: {  	_ =	strace s2  }
0x97: {  	_ =	strace $0x8FFFFFFF  }
0x98: {  	s18 =	sld [smem:$0x3FDB];
	_ =	sdelay $0x1  }
0x99: {  	s19 =	simm.s32 $_scs_section_size  }
0x9a: {  	s4 =	simm.s32 $_size__tile_overlayer_lowered;
	s5 =	simm.s32 $_tile_overlayer_lowered  }
0x9b: {  	s22 =	simm.s32 $0x1BFF;
	s21 =	sshll.u32 s5, $0x1;
	s2 =	sadd.s32 s19, s18  }
0x9c: {  	s6 =	simm.s32 $0x0;
	s20 =	sshll.u32 s4, $0x1;
	s4 =	sadd.s32 s21, s2  }
0x9d: {  	[timem:s6], [sflag:s22] =	dma.local [hbm:s4], s20  }
0x9e: {  	_ =	swait.ge [sflag:s22], s20  }
0x9f: {  	s3 =	ssub.s32 $0x0, s20;
	[sflag:s22] =	ssyncset.done $0x0  }
0xa0: {  	[sflag:s22] =	ssyncadd.s32 s3;
	_ =	sdelay $0x1  }
0xa1: {  	s23 =	simm.s32 $0x1B8B  }
0xa2: {  	_ =	swait.ge [sflag:s23], $0x1  }
0xa3: {  	[sflag:s23] =	ssyncset.done $0x0  }
0xa4: {  	s25 =	simm.s32 $0x1B8E;
	s24 =	sld [smem:$0x3FFE];
	[sflag:s23] =	ssyncadd.s32 $0xFFFFFFFF  }
0xa5: {  	s26 =	simm.s32 $execute0_lowered;
	[smem:$0x3FD2] =	sst s25  }
0xa6: {  	s4 =	sshll.u32 s26, $0x1;
	_ =	strace $0x80000046;
	[dreg:$0x1] =	wrdreg $0xFFFFFFFF  }
0xa7: {  	s28 =	simm.s32 $_size_execute0_lowered;
	s2 =	sadd.s32 s2, s4;
	[dreg:$0x0] =	wrdreg $0x0  }
0xa8: {  	s4 =	sshll.u32 s28, $0x1;
	[dreg:$0x2] =	wrdreg s2  }
0xa9: {  	[dreg:$0x3] =	wrdreg s4  }
0xaa: {  	[dreg:$0x4] =	wrdreg $0xC0  }
0xab: {  	_ =	task [dreg:s6], $0x5FFFF  }
0xac: {  	[dreg:$0x1] =	wrdreg $0xFFFFFFFF  }
0xad: {  	[dreg:$0x0] =	wrdreg $0x60  }
0xae: {  	[dreg:$0x2] =	wrdreg s24  }
0xaf: {  	[dreg:$0x3] =	wrdreg $0x0  }
0xb0: {  	[dreg:$0x4] =	wrdreg $0x9  }
0xb1: {  	_ =	task.clear_ibuf [dreg:s6], $0x5FFFF;
	_ =	strace $0x90000046  }
0xb2: {  	s29 =	simm.s32 $0x9;
	_ =	strace $0x80000048  }
0xb3: {  	_ =	swait.ge [sflag:s29], $0x1  }
0xb4: {  	[sflag:s29] =	ssyncadd.s32 $0xFFFFFFFF  }
0xb5: {  	_ =	strace $0x90000048  }
0xb6: {  	_ =	sfence  }
0xb7: {  	s30 =	sld [smem:$0x0];
	_ =	sdelay $0x2  }
0xb8: {  	s31 =	sshll.u32 s1, $0xD;
	s1 =	sshrl.u32 s1, $0x2  }
0xb9: {  	s3 =	sand.u32 $0x4000, s31;
	s1 =	sadd.s32 s1, s30  }
0xba: {  	s0 =	sor.u32 s3, s0;
	s1 =	sshll.u32 s1, $0x11  }
0xbb: {  	s0 =	sor.u32 s1, s0  }
0xbc: {  	s0 =	sadd.s32 $0x8F2B, s0  }
0xbd: {  	[sflag:s0] =	ssyncadd.remote.s32 $0x1  }
0xbe: {  	_ =	sfence.sel $0xFFFF  }
0xbf: {  	[dreg:$0x0] =	wrdreg $0xFFFFFFFF;
	(pc) =	sbr.abs _section_cstart, $3  }
0xc0: {  	[dreg:$0x1] =	wrdreg $0xFFFFFFFF  }
0xc1: {  	_ =	task.clear_ibuf [dreg:s6], $0x2FFFF;
	_ =	strace $0x9FFFFFFF  }
0xc2: {  	(tm) =	ssettm $0x7FFFFFFF  }
0xc3: {  	_ =	shalt  }
tec
execute0_lowered:
.L_overlay_start_1:
0x0: {  	(tag) =	ssettag $0x1  }
0x1: {  	s1 =	srdreg.scid;
	s4 =	rddreg [dreg:$0x0]  }
0x2: {  	s0 =	stileid.u32;
	s2 =	rddreg [dreg:$0x1];
	s3 =	simm.s32 $0x0  }
0x3: {  	s10 =	simm.s32 $0x5680;
	s11 =	simm.s32 $0x80;
	s12 =	simm.s32 $0x4E80  }
0x4: {  	s13 =	simm.s32 $0x5700;
	s14 =	simm.s32 $0x5780;
	s15 =	simm.s32 $0x5800  }
0x5: {  	s16 =	simm.s32 $0x1;
	s17 =	simm.s32 $0x2;
	s18 =	simm.s32 $0x3  }
0x6: {  	s19 =	simm.s32 $0x4;
	s5 =	sand.u32 $0x1, s1;
	s6 =	smul.u32 $0x4E80, s0  }
0x7: {  	s7 =	sshll.u32 s0, $0x1;
	s1 =	rddreg [dreg:$0x2];
	s8 =	smul.u32 $0x4E800, s5  }
0x8: {  	s20 =	simm.s32 $0x0;
	[smem:$0x7FF] =	sst s3;
	s7 =	sor.u32 s5, s7  }
0x9: {  	s5 =	ssub.s32 $0x2, s5;
	s7 =	smul.u32 $0xA00, s7;
	s8 =	sadd.s32 s6, s8  }
0xa: {  	_ =	strace $0x80000047;
	s31 =	sshrl.u32 s5, $0x1;
	s8 =	sshrl.u32 s8, $0x3  }
0xb: {  	s9 =	ssub.s32 s5, s31;
	s7 =	sadd.s32 s7, s4;
	s8 =	sadd.s32 s8, s4  }
0xc: {  	s4 =	sadd.s32 s6, s2;
	s5 =	sadd.s32 $0x16A00, s7;
	s7 =	smax.u32 s9, $0x1  }
0xd: {  	v0 =	vimm.f32 $1.000000000e+00;
	v1 =	vimm.f32 $0.0e+00;
	s9 =	simm.s32 $0x5;
	s6 =	sadd.s32 $0x2AA00, s8;
	s8 =	simm.s32 $0xA680  }
.LBB2_1:
0xe: {  	s21 =	simm.s32 $0x0  }
.LBB2_2:
0xf: {  	p0 =	sne.s32 s21, $0x1FC0  }
.Ltmp0:
0x10: {  	_ = 	snop;
	(pc) =	sbr.rel @p0 .LBB2_2-.Ltmp0, $3  }
0x11: {  	_ =	sdelay $0x1  }
0x12: {  	s22 =	sshra.s32 s21, $0x2  }
0x13: {  	s21 =	sadd.s32 $0x40, s21;
	[tilespmem:s22+$0x4E80] =	vst v0  }
0x14: {  	s21 =	simm.s32 $0x40;
	s22 =	simm.s32 $0x0  }
.LBB2_4:
0x15: {  	p0 =	sne.s32 s21, $0x139C0;
	[tilespmem:s22+$0xA680] =	vst v1;
	s22 =	smov.u32 s21;
	s21 =	sadd.s32 $0x40, s21  }
.Ltmp1:
0x16: {  	(pc) =	sbr.rel @p0 .LBB2_4-.Ltmp1, $2  }
0x17: {  	_ =	sdelay $0x2  }
0x18: {  	s22 =	sshra.s32 s22, $0x2  }
0x19: {  	[tilespmem:s22+$0xA680] =	vst v1  }
0x1a: {  	[spmem:s4] =	stream.linear.scatter [tilespmem:s8], [sflag:$0x5], $0x4E80, $0x38;
	[tilespmem:$0xF500] =	vst v63  }
0x1b: {  	_ =	swait.ge [sflag:s9], $0x4E80  }
0x1c: {  	[sflag:s9] =	ssyncset.done $0x0  }
0x1d: {  	[sflag:s9] =	ssyncadd.s32 $0xFFFFB180  }
0x1e: {  	[tilespmem:s10], [sflag:$0x5] =	stream.linear.gather [hbm4b:s5+s3], $0x5000, $0x38;
	[tilespmem:$0xF500] =	vst v63  }
0x1f: {  	_ =	swait.ge [sflag:s9], $0x5000  }
0x20: {  	[sflag:s9] =	ssyncset.done $0x0  }
0x21: {  	[sflag:s9] =	ssyncadd.s32 $0xFFFFB000  }
0x22: {  	[bflag:$0x0] =	sbarrier.arrive $0xFFFF  }
0x23: {  	[spmem:s2] =	stream.indirect.scatter.add.f32 [tilespmem:s12], [sflag:$0x1], $0x10, s10, s11, $0xb8;
	[tilespmem:$0xF500] =	vst v63  }
0x24: {  	_ = 	snop  }
0x25: {  	[spmem:s2] =	stream.indirect.scatter.add.f32 [tilespmem:s12], [sflag:$0x2], $0x10, s13, s11, $0xb8;
	[tilespmem:$0xF500] =	vst v63  }
0x26: {  	_ = 	snop  }
0x27: {  	[spmem:s2] =	stream.indirect.scatter.add.f32 [tilespmem:s12], [sflag:$0x3], $0x10, s14, s11, $0xb8;
	[tilespmem:$0xF500] =	vst v63  }
0x28: {  	_ = 	snop  }
0x29: {  	[spmem:s2] =	stream.indirect.scatter.add.f32 [tilespmem:s12], [sflag:$0x4], $0x10, s15, s11, $0xb8;
	[tilespmem:$0xF500] =	vst v63  }
0x2a: {  	_ =	swait.ge [sflag:s16], $0x800  }
0x2b: {  	[sflag:s16] =	ssyncset.done $0x0  }
0x2c: {  	s21 =	simm.s32 $0x5880;
	[sflag:s16] =	ssyncadd.s32 $0xFFFFF800  }
0x2d: {  	[spmem:s2] =	stream.indirect.scatter.add.f32 [tilespmem:s12], [sflag:$0x1], $0x10, s21, s11, $0xb8;
	[tilespmem:$0xF500] =	vst v63  }
0x2e: {  	_ =	swait.ge [sflag:s17], $0x800  }
0x2f: {  	[sflag:s17] =	ssyncset.done $0x0  }
0x30: {  	s30 =	simm.s32 $0x5900;
	[sflag:s17] =	ssyncadd.s32 $0xFFFFF800  }
0x31: {  	[spmem:s2] =	stream.indirect.scatter.add.f32 [tilespmem:s12], [sflag:$0x2], $0x10, s30, s11, $0xb8;
	[tilespmem:$0xF500] =	vst v63  }
0x32: {  	_ =	swait.ge [sflag:s18], $0x800  }
0x33: {  	[sflag:s18] =	ssyncset.done $0x0  }
0x34: {  	s31 =	simm.s32 $0x5980;
	[sflag:s18] =	ssyncadd.s32 $0xFFFFF800  }
0x35: {  	[spmem:s2] =	stream.indirect.scatter.add.f32 [tilespmem:s12], [sflag:$0x3], $0x10, s31, s11, $0xb8;
	[tilespmem:$0xF500] =	vst v63  }
0x36: {  	_ =	swait.ge [sflag:s19], $0x800  }
0x37: {  	[sflag:s19] =	ssyncset.done $0x0  }
0x38: {  	s22 =	simm.s32 $0x5A00;
	s21 =	simm.s32 $0xFFFED000;
	[sflag:s19] =	ssyncadd.s32 $0xFFFFF800  }
.LBB2_6:
0x39: {  	[spmem:s2] =	stream.indirect.scatter.add.f32 [tilespmem:s12], [sflag:$0x4], $0x10, s22, s11, $0xb8;
	[tilespmem:$0xF500] =	vst v63  }
0x3a: {  	s22 =	smov.u32 s21  }
0x3b: {  	p0 =	sne.s32 s21, $0xFFFFF800;
	s21 =	sadd.s32 $0x800, s21;
	_ =	swait.ge [sflag:s16], $0x800  }
0x3c: {  	s22 =	sshra.s32 s22, $0x2;
	[sflag:s16] =	ssyncset.done $0x0  }
0x3d: {  	s23 =	sadd.s32 $0xA680, s22;
	[sflag:s16] =	ssyncadd.s32 $0xFFFFF800  }
0x3e: {  	[spmem:s2] =	stream.indirect.scatter.add.f32 [tilespmem:s12], [sflag:$0x1], $0x10, s23, s11, $0xb8;
	[tilespmem:$0xF500] =	vst v63  }
0x3f: {  	_ =	swait.ge [sflag:s17], $0x800  }
0x40: {  	[sflag:s17] =	ssyncset.done $0x0  }
0x41: {  	s23 =	sadd.s32 $0xA700, s22;
	[sflag:s17] =	ssyncadd.s32 $0xFFFFF800  }
0x42: {  	[spmem:s2] =	stream.indirect.scatter.add.f32 [tilespmem:s12], [sflag:$0x2], $0x10, s23, s11, $0xb8;
	[tilespmem:$0xF500] =	vst v63  }
0x43: {  	_ =	swait.ge [sflag:s18], $0x800  }
0x44: {  	[sflag:s18] =	ssyncset.done $0x0  }
.Ltmp2:
0x45: {  	s23 =	sadd.s32 $0xA780, s22;
	[sflag:s18] =	ssyncadd.s32 $0xFFFFF800;
	(pc) =	sbr.rel @p0 .LBB2_6-.Ltmp2, $4  }
0x46: {  	[spmem:s2] =	stream.indirect.scatter.add.f32 [tilespmem:s12], [sflag:$0x3], $0x10, s23, s11, $0xb8;
	[tilespmem:$0xF500] =	vst v63  }
0x47: {  	_ =	swait.ge [sflag:s19], $0x800  }
0x48: {  	[sflag:s19] =	ssyncset.done $0x0  }
0x49: {  	s22 =	sadd.s32 $0xA800, s22;
	[sflag:s19] =	ssyncadd.s32 $0xFFFFF800  }
0x4a: {  	[spmem:s2] =	stream.indirect.scatter.add.f32 [tilespmem:s12], [sflag:$0x4], $0x10, s22, s11, $0xb8;
	[tilespmem:$0xF500] =	vst v63  }
0x4b: {  	_ =	swait.ge [sflag:s16], $0x800  }
0x4c: {  	[sflag:s16] =	ssyncset.done $0x0  }
0x4d: {  	[sflag:s16] =	ssyncadd.s32 $0xFFFFF800  }
0x4e: {  	_ =	swait.ge [sflag:s17], $0x800  }
0x4f: {  	[sflag:s17] =	ssyncset.done $0x0  }
0x50: {  	[sflag:s17] =	ssyncadd.s32 $0xFFFFF800  }
0x51: {  	_ =	swait.ge [sflag:s18], $0x800  }
0x52: {  	[sflag:s18] =	ssyncset.done $0x0  }
0x53: {  	[sflag:s18] =	ssyncadd.s32 $0xFFFFF800  }
0x54: {  	_ =	swait.ge [sflag:s19], $0x800  }
0x55: {  	s21 =	sshll.u32 s0, $0x6;
	s20 =	sadd.s32 $0x1, s20;
	[sflag:s19] =	ssyncset.done $0x0  }
0x56: {  	s31 =	sshrl.u32 s4, $0x3;
	p0 =	sne.s32 s20, s7;
	[sflag:s19] =	ssyncadd.s32 $0xFFFFF800  }
.Ltmp3:
0x57: {  	s21 =	sor.u32 $0x1C05, s21;
	[bflag:$0x0] =	sbarrier.arrive $0xFFFF;
	(pc) =	sbr.rel @p0 .LBB2_1-.Ltmp3, $4  }
0x58: {  	[hbm:s6], [sflag:s21] =	dma.local [spmem:s31], $0x9D0  }
0x59: {  	_ =	swait.ge [sflag:s9], $0x9D0  }
0x5a: {  	[sflag:s9] =	ssyncset.done $0x0  }
0x5b: {  	[sflag:s9] =	ssyncadd.s32 $0xFFFFF630  }
0x5c: {  	_ =	sfence.sel $0x180000  }
0x5d: {  	[bflag:$0x0] =	sbarrier.arrive $0xFFFF  }
0x5e: {  	p0 =	sne.s32 s0, $0x0;
	_ =	strace $0x90000047  }
0x5f: {  	s0 =	sadd.s32 @!p0 $0x100000, s1;
	[bflag:$0x2] =	sbarrier.arrive $0xFFFF  }
0x60: {  	[sflag:s0] =	ssyncadd.tile.s32 @!p0 $0x1;
	_ =	shalt  }
.Lfunc_end2:
_tile_overlayer_lowered:
.L_overlay_start_2:
0x61: {  	(tag) =	ssettag $0x2  }
0x62: {  	s0 =	rddreg [dreg:$0x0];
	s2 =	stileid.u32  }
0x63: {  	s1 =	rddreg [dreg:$0x1];
	p0 =	sne.s32 s2, $0x0  }
0x64: {  	s3 =	rddreg [dreg:$0x2];
	[bflag:$0x3] =	sbarrier.arrive $0xFFFF;
	s2 =	simm.s32 @!p0 $0x1C05  }
0x65: {  	[timem:s3], [sflag:s2] =	dma.local @!p0 [hbm:s0], s1  }
0x66: {  	s0 =	simm.s32 @!p0 $0x5  }
0x67: {  	_ =	swait.ge @!p0 [sflag:s0], s1  }
0x68: {  	s1 =	ssub.s32 @!p0 $0x0, s1;
	[sflag:s0] =	ssyncset.done @!p0 $0x0  }
0x69: {  	[sflag:s0] =	ssyncadd.s32 @!p0 s1  }
0x6a: {  	[bflag:$0x3] =	sbarrier.arrive $0xFFFF  }
0x6b: {  	_ =	shalt  }

// kernel: kernel.14.cloned.1.call-start
scs
__scs_entry_jumppad:
0x0: {  	(pc) =	sbr.rel $0x88, $3  }
0x1: {  	(tag) =	ssettag $0x0;
	lr =	simm.s32 $0x1  }
0x2: {  	[smem:$0x3F94] =	sst lr;
	_ =	strace $0xD0000000  }
0x3: {  	_ = 	snop  }
0x4: {  	_ = 	snop  }
0x5: {  	_ = 	snop  }
0x6: {  	_ = 	snop  }
0x7: {  	_ = 	snop  }
__scs_overlays_trampoline_lowered:
0x8: {  	[smem:$0x3FA3] =	sst s0  }
0x9: {  	[smem:$0x3FA4] =	sst s1  }
0xa: {  	[smem:$0x3FA5] =	sst s2  }
0xb: {  	[smem:$0x3FA6] =	sst s3  }
0xc: {  	[smem:$0x3FA7] =	sst s4  }
0xd: {  	[smem:$0x3FA8] =	sst s5  }
0xe: {  	[smem:$0x3FA9] =	sst s6  }
0xf: {  	[smem:$0x3FAA] =	sst s7  }
0x10: {  	[smem:$0x3FAB] =	sst s8  }
0x11: {  	[smem:$0x3FAC] =	sst s9;
	s0 =	simm.s32 @!p0 $0x0  }
0x12: {  	s1 =	sld [smem:$0x3F92];
	s0 =	simm.s32 @p0 $0x1  }
0x13: {  	[smem:$0x3FAD] =	sst s0;
	s0 =	simm.s32 @!p1 $0x0  }
0x14: {  	s2 =	sld [smem:$0x3F91];
	s0 =	simm.s32 @p1 $0x1  }
0x15: {  	[smem:$0x3FAE] =	sst s0;
	s0 =	simm.s32 @!p2 $0x0  }
0x16: {  	s3 =	sld [smem:$0x3FDB];
	s0 =	simm.s32 @p2 $0x1  }
0x17: {  	s4 =	simm.s32 $0x1BF5;
	[smem:$0x3FB0] =	sst s0  }
0x18: {  	s0 =	sld [smem:$0x3F93];
	_ =	swait.ge [sflag:s4], $0x0  }
0x19: {  	s7 =	sld [smem:$0x3F94]  }
0x1a: {  	s8 =	sadd.s32 $0xFFFFE003, lr  }
0x1b: {  	s9 =	sadd.s32 $0xFFFFFEF7, lr;
	s5 =	simm.s32 $0xFFFFFFFF;
	p2 =	slt.u32 s8, $0xFFFFF086  }
0x1c: {  	p1 =	slt.u32 s9, $0xF7A;
	s5 =	simm.s32 @!p2 $0x0  }
0x1d: {  	s5 =	simm.s32 @p1 $0x1;
	p0 =	seq.s32 s7, s2  }
0x1e: {  	s7 =	smul.u32 @!p0 $0xF7A, s2;
	p2 =	seq.s32 @!p0 s5, $0x0  }
0x1f: {  	s9 =	smul.u32 $0xF7A, s1;
	s8 =	simm.s32 @!p0 $0x1BF5;
	p2 =	por !p2, p0  }
0x20: {  	[sflag:s8] =	ssyncset.s32 @!p0 $0xFFFFF086;
	s6 =	sadd.s32 @!p0 s3, s7;
	s7 =	simm.s32 @!p0 $0x108  }
0x21: {  	s3 =	sadd.s32 s3, s9;
	s6 =	sadd.s32 @!p0 $0x88, s6;
	s7 =	simm.s32 @p2 $0x1082  }
0x22: {  	[simem:s7], [sflag:s8] =	dma.local @!p0 [hbm:s6], $0xF7A  }
0x23: {  	s9 =	sor.u32 $0xD0000000, s2;
	s6 =	simm.s32 $0x108;
	_ =	swait.ge @!p0 [sflag:s8], $0x0  }
0x24: {  	s3 =	sadd.s32 $0x88, s3;
	s6 =	simm.s32 @!p1 $0x1082;
	[sflag:s4] =	ssyncset.s32 $0xFFFFF086  }
0x25: {  	[simem:s6], [sflag:s4] =	dma.local [hbm:s3], $0xF7A  }
0x26: {  	[smem:$0x3F94] =	sst s1;
	(tag) =	ssettag s2;
	_ =	strace s9  }
0x27: {  	s1 =	sld [smem:$0x3FA4]  }
0x28: {  	s2 =	sld [smem:$0x3FA5]  }
0x29: {  	s4 =	sld [smem:$0x3FA7]  }
0x2a: {  	p0 =	seq.s32 s5, $0x0;
	s5 =	sld [smem:$0x3FA8]  }
0x2b: {  	s6 =	sld [smem:$0x3FA9]  }
0x2c: {  	s7 =	sld [smem:$0x3FAA]  }
0x2d: {  	s3 =	simm.s32 $0x108;
	s8 =	sld [smem:$0x3FAB]  }
0x2e: {  	s3 =	simm.s32 @!p0 $0x1082;
	s9 =	sld [smem:$0x3FAC]  }
0x2f: {  	lr =	sadd.s32 s0, s3;
	s0 =	sld [smem:$0x3FA3]  }
0x30: {  	s3 =	sld [smem:$0x3FA6]  }
0x31: {  	[smem:$0x3FAF] =	sst s10  }
0x32: {  	s10 =	sld [smem:$0x3FAD];
	_ =	sdelay $0x3  }
0x33: {  	p0 =	seq.s32 s10, $0x1;
	s10 =	sld [smem:$0x3FAF];
	_ =	sdelay $0x3  }
0x34: {  	[smem:$0x3FAF] =	sst s10  }
0x35: {  	s10 =	sld [smem:$0x3FAE];
	_ =	sdelay $0x3  }
0x36: {  	p1 =	seq.s32 s10, $0x1;
	s10 =	sld [smem:$0x3FAF];
	_ =	sdelay $0x3  }
0x37: {  	[smem:$0x3FAF] =	sst s10  }
0x38: {  	s10 =	sld [smem:$0x3FB0]  }
0x39: {  	_ = 	snop;
	(pc) =	sbr.ind lr, $3  }
0x3a: {  	_ = 	snop  }
0x3b: {  	_ = 	snop  }
0x3c: {  	p2 =	seq.s32 s10, $0x1;
	s10 =	sld [smem:$0x3FAF]  }
0x3d: {  	_ =	shalt  }
0x3e: {  	_ =	shalt  }
0x3f: {  	_ =	shalt  }
0x40: {  	_ =	shalt  }
0x41: {  	_ =	shalt  }
0x42: {  	_ =	shalt  }
0x43: {  	_ =	shalt  }
0x44: {  	_ =	shalt  }
0x45: {  	_ =	shalt  }
0x46: {  	_ =	shalt  }
0x47: {  	_ =	shalt  }
0x48: {  	_ =	shalt  }
0x49: {  	_ =	shalt  }
0x4a: {  	_ =	shalt  }
0x4b: {  	_ =	shalt  }
0x4c: {  	_ =	shalt  }
0x4d: {  	_ =	shalt  }
0x4e: {  	_ =	shalt  }
0x4f: {  	_ =	shalt  }
0x50: {  	_ =	shalt  }
0x51: {  	_ =	shalt  }
0x52: {  	_ =	shalt  }
0x53: {  	_ =	shalt  }
0x54: {  	_ =	shalt  }
0x55: {  	_ =	shalt  }
0x56: {  	_ =	shalt  }
0x57: {  	_ =	shalt  }
0x58: {  	_ =	shalt  }
0x59: {  	_ =	shalt  }
0x5a: {  	_ =	shalt  }
0x5b: {  	_ =	shalt  }
0x5c: {  	_ =	shalt  }
0x5d: {  	_ =	shalt  }
0x5e: {  	_ =	shalt  }
0x5f: {  	_ =	shalt  }
0x60: {  	_ =	shalt  }
0x61: {  	_ =	shalt  }
0x62: {  	_ =	shalt  }
0x63: {  	_ =	shalt  }
0x64: {  	_ =	shalt  }
0x65: {  	_ =	shalt  }
0x66: {  	_ =	shalt  }
0x67: {  	_ =	shalt  }
0x68: {  	_ =	shalt  }
0x69: {  	_ =	shalt  }
0x6a: {  	_ =	shalt  }
0x6b: {  	_ =	shalt  }
0x6c: {  	_ =	shalt  }
0x6d: {  	_ =	shalt  }
0x6e: {  	_ =	shalt  }
0x6f: {  	_ =	shalt  }
0x70: {  	_ =	shalt  }
0x71: {  	_ =	shalt  }
0x72: {  	_ =	shalt  }
0x73: {  	_ =	shalt  }
0x74: {  	_ =	shalt  }
0x75: {  	_ =	shalt  }
0x76: {  	_ =	shalt  }
0x77: {  	_ =	shalt  }
0x78: {  	_ =	shalt  }
0x79: {  	_ =	shalt  }
0x7a: {  	_ =	shalt  }
0x7b: {  	_ =	shalt  }
0x7c: {  	_ =	shalt  }
0x7d: {  	_ =	shalt  }
0x7e: {  	_ =	shalt  }
0x7f: {  	_ =	shalt  }
0x80: {  	_ =	shalt  }
0x81: {  	_ =	shalt  }
0x82: {  	_ =	shalt  }
0x83: {  	_ =	shalt  }
0x84: {  	_ =	shalt  }
0x85: {  	_ =	shalt  }
0x86: {  	_ =	shalt  }
0x87: {  	_ =	shalt  }
.Lfunc_end0:
.L_simem_size_0:
called_computation.1_lowered:
.L_overlay_start_0:
0x88: {  	s2 =	sld [smem:$0x3FD9]  }
0x89: {  	s3 =	sld [smem:$0x3FFE];
	_ =	sdelay $0x1  }
0x8a: {  	s1 =	srdreg.scid  }
0x8b: {  	s0 =	sand.u32 $0x1, s1  }
0x8c: {  	s16 =	sshll.u32 s0, $0xA;
	s2 =	sadd.s32 s3, s2  }
0x8d: {  	s2 =	sadd.s32 s2, s16  }
0x8e: {  	[smem:$0x3FBB] =	sst s2  }
0x8f: {  	_ = 	snop  }
0x90: {  	(tm) =	ssettm $0x1  }
0x91: {  	s17 =	sld [smem:$0x3FFB];
	_ =	sdelay $0x3  }
0x92: {  	_ =	strace s17  }
0x93: {  	s2 =	sld [smem:$0x3FFC];
	_ =	sdelay $0x3  }
0x94: {  	_ =	strace s2  }
0x95: {  	s2 =	sld [smem:$0x3FFD];
	_ =	sdelay $0x3  }
0x96: {  	_ =	strace s2  }
0x97: {  	_ =	strace $0x8FFFFFFF  }
0x98: {  	s18 =	sld [smem:$0x3FDB];
	_ =	sdelay $0x1  }
0x99: {  	s19 =	simm.s32 $_scs_section_size  }
0x9a: {  	s4 =	simm.s32 $_size__tile_overlayer_lowered;
	s5 =	simm.s32 $_tile_overlayer_lowered  }
0x9b: {  	s22 =	simm.s32 $0x1BFF;
	s21 =	sshll.u32 s5, $0x1;
	s2 =	sadd.s32 s19, s18  }
0x9c: {  	s6 =	simm.s32 $0x0;
	s20 =	sshll.u32 s4, $0x1;
	s4 =	sadd.s32 s21, s2  }
0x9d: {  	[timem:s6], [sflag:s22] =	dma.local [hbm:s4], s20  }
0x9e: {  	_ =	swait.ge [sflag:s22], s20  }
0x9f: {  	s3 =	ssub.s32 $0x0, s20;
	[sflag:s22] =	ssyncset.done $0x0  }
0xa0: {  	[sflag:s22] =	ssyncadd.s32 s3;
	_ =	sdelay $0x1  }
0xa1: {  	s23 =	simm.s32 $0x1B8B  }
0xa2: {  	_ =	swait.ge [sflag:s23], $0x1  }
0xa3: {  	[sflag:s23] =	ssyncset.done $0x0  }
0xa4: {  	s25 =	simm.s32 $0x1B8E;
	s24 =	sld [smem:$0x3FFE];
	[sflag:s23] =	ssyncadd.s32 $0xFFFFFFFF  }
0xa5: {  	s26 =	simm.s32 $execute0_lowered;
	[smem:$0x3FD2] =	sst s25  }
0xa6: {  	s4 =	sshll.u32 s26, $0x1;
	_ =	strace $0x80000049;
	[dreg:$0x1] =	wrdreg $0xFFFFFFFF  }
0xa7: {  	s28 =	simm.s32 $_size_execute0_lowered;
	s2 =	sadd.s32 s2, s4;
	[dreg:$0x0] =	wrdreg $0x0  }
0xa8: {  	s4 =	sshll.u32 s28, $0x1;
	[dreg:$0x2] =	wrdreg s2  }
0xa9: {  	[dreg:$0x3] =	wrdreg s4  }
0xaa: {  	[dreg:$0x4] =	wrdreg $0xC0  }
0xab: {  	_ =	task [dreg:s6], $0x5FFFF  }
0xac: {  	[dreg:$0x1] =	wrdreg $0xFFFFFFFF  }
0xad: {  	[dreg:$0x0] =	wrdreg $0x60  }
0xae: {  	[dreg:$0x2] =	wrdreg s24  }
0xaf: {  	[dreg:$0x3] =	wrdreg $0x0  }
0xb0: {  	[dreg:$0x4] =	wrdreg $0x9  }
0xb1: {  	_ =	task.clear_ibuf [dreg:s6], $0x5FFFF;
	_ =	strace $0x90000049  }
0xb2: {  	s29 =	simm.s32 $0x9;
	_ =	strace $0x8000004B  }
0xb3: {  	_ =	swait.ge [sflag:s29], $0x1  }
0xb4: {  	[sflag:s29] =	ssyncadd.s32 $0xFFFFFFFF  }
0xb5: {  	_ =	strace $0x9000004B  }
0xb6: {  	_ =	sfence  }
0xb7: {  	s30 =	sld [smem:$0x0];
	_ =	sdelay $0x2  }
0xb8: {  	s31 =	sshll.u32 s1, $0xD;
	s1 =	sshrl.u32 s1, $0x2  }
0xb9: {  	s3 =	sand.u32 $0x4000, s31;
	s1 =	sadd.s32 s1, s30  }
0xba: {  	s0 =	sor.u32 s3, s0;
	s1 =	sshll.u32 s1, $0x11  }
0xbb: {  	s0 =	sor.u32 s1, s0  }
0xbc: {  	s0 =	sadd.s32 $0x8F2B, s0  }
0xbd: {  	[sflag:s0] =	ssyncadd.remote.s32 $0x1  }
0xbe: {  	_ =	sfence.sel $0xFFFF  }
0xbf: {  	[dreg:$0x0] =	wrdreg $0xFFFFFFFF;
	(pc) =	sbr.abs _section_cstart, $3  }
0xc0: {  	[dreg:$0x1] =	wrdreg $0xFFFFFFFF  }
0xc1: {  	_ =	task.clear_ibuf [dreg:s6], $0x2FFFF;
	_ =	strace $0x9FFFFFFF  }
0xc2: {  	(tm) =	ssettm $0x7FFFFFFF  }
0xc3: {  	_ =	shalt  }
tec
execute0_lowered:
.L_overlay_start_1:
0x0: {  	(tag) =	ssettag $0x1  }
0x1: {  	s0 =	rddreg [dreg:$0x0];
	s1 =	srdreg.scid  }
0x2: {  	s2 =	rddreg [dreg:$0x1];
	s13 =	stileid.u32;
	s3 =	simm.s32 $0x0  }
0x3: {  	s28 =	simm.s32 $0x1BE80;
	s29 =	simm.s32 $0x5;
	s30 =	simm.s32 $0x80  }
0x4: {  	s31 =	simm.s32 $0x13C00;
	s1 =	sand.u32 $0x1, s1;
	s6 =	smul.u32 $0x13C00, s13  }
0x5: {  	[smem:$0x7FF] =	sst s3;
	s7 =	smul.u32 $0x4F000, s13;
	s8 =	sadd.s32 $0xCC00, s0  }
0x6: {  	s9 =	sadd.s32 $0x2E00, s0;
	s23 =	sshll.u32 s13, $0x1;
	s4 =	smul.u32 $0x13C000, s1  }
0x7: {  	_ =	strace $0x8000004A;
	s10 =	ssub.s32 $0x2, s1;
	s12 =	sor.u32 s1, s23  }
0x8: {  	s7 =	sshrl.u32 s7, $0x2;
	s11 =	sshrl.u32 s10, $0x1;
	s26 =	sshll.u32 s12, $0x4  }
0x9: {  	s5 =	sadd.s32 s6, s4;
	s24 =	ssub.s32 s10, s11;
	s14 =	sadd.s32 s8, s26  }
0xa: {  	s15 =	sadd.s32 s9, s26;
	s10 =	sor.u32 $0x200, s26;
	[dreg:$0x4] =	wrdreg s14  }
0xb: {  	s4 =	sadd.s32 $0x16A00, s0;
	[dreg:$0x5] =	wrdreg s15;
	s16 =	sadd.s32 s8, s10  }
0xc: {  	s5 =	sshrl.u32 s5, $0x3;
	s10 =	sadd.s32 s9, s10;
	[dreg:$0x6] =	wrdreg s16  }
0xd: {  	s18 =	smax.u32 s24, $0x1;
	s24 =	sor.u32 $0x60, s12;
	[dreg:$0x7] =	wrdreg s10  }
0xe: {  	s0 =	sadd.s32 s5, s0;
	s5 =	sadd.s32 s7, s2;
	[dreg:$0x9] =	wrdreg s18  }
0xf: {  	s1 =	sshll.u32 s1, $0x4;
	[dreg:$0xf] =	wrdreg s24;
	s25 =	sadd.s32 $0x13800, s5  }
0x10: {  	s17 =	sadd.s32 s6, s2;
	s0 =	sadd.s32 $0x3DC00, s0;
	[dreg:$0x3] =	wrdreg s25  }
0x11: {  	s11 =	simm.s32 $0x1BF00;
	s19 =	sadd.s32 $0x3400, s5;
	[dreg:$0x8] =	wrdreg s0  }
0x12: {  	s12 =	simm.s32 $0x3;
	s20 =	sadd.s32 $0x6800, s5;
	[dreg:$0xa] =	wrdreg s19  }
0x13: {  	s24 =	simm.s32 $0x1BE00;
	s21 =	sadd.s32 $0x9C00, s5;
	[dreg:$0xb] =	wrdreg s20  }
0x14: {  	s7 =	simm.s32 $0x2;
	s22 =	sadd.s32 $0xD000, s5;
	[dreg:$0xc] =	wrdreg s21  }
0x15: {  	s10 =	simm.s32 $0x1BD80;
	s23 =	sadd.s32 $0x10400, s5;
	[dreg:$0xd] =	wrdreg s22  }
0x16: {  	[dreg:$0xe] =	wrdreg s23;
	s25 =	sshll.u32 s13, $0x5;
	s21 =	simm.s32 $0x1C000  }
.Ltmp0:
0x17: {  	s22 =	simm.s32 $0x9;
	s23 =	simm.s32 $0x1BC00;
	(pc) =	sbr.rel .LBB2_1-.Ltmp0, $4  }
0x18: {  	s0 =	sshrl.u32 s17, $0x3;
	s26 =	sadd.s32 s25, s9;
	s6 =	sadd.s32 s25, s8  }
0x19: {  	[dreg:$0x10] =	wrdreg s0;
	s0 =	simm.s32 $0x6;
	s8 =	simm.s32 $0x4  }
0x1a: {  	s9 =	simm.s32 $0x8;
	s19 =	sadd.s32 s1, s26;
	s20 =	sadd.s32 s1, s6  }
0x1b: {  	v0 =	vimm.f32 $0.0e+00;
	s26 =	simm.s32 $0x1BC80;
	s1 =	simm.s32 $0x17C00;
	s6 =	simm.s32 $0x1  }
.LBB2_9:
0x1c: {  	_ =	swait.ge [sflag:s12], $0x4000  }
0x1d: {  	[sflag:s12] =	ssyncset.done $0x0  }
0x1e: {  	[sflag:s12] =	ssyncadd.s32 $0xFFFFC000  }
0x1f: {  	_ =	swait.ge [sflag:s8], $0x4000  }
0x20: {  	[sflag:s8] =	ssyncset.done $0x0  }
0x21: {  	[sflag:s8] =	ssyncadd.s32 $0xFFFFC000  }
0x22: {  	s13 =	stileid.u32;
	[bflag:$0x0] =	sbarrier.arrive $0xFFFF  }
0x23: {  	s13 =	sshll.u32 s13, $0x6;
	s14 =	rddreg [dreg:$0x8]  }
0x24: {  	s13 =	sor.u32 $0x1C09, s13;
	s15 =	rddreg [dreg:$0x10]  }
0x25: {  	[hbm:s14], [sflag:s13] =	dma.local [spmem:s15], $0x2780  }
0x26: {  	_ =	swait.ge [sflag:s22], $0x2780  }
0x27: {  	s3 =	sadd.s32 $0x1, s3;
	s25 =	rddreg [dreg:$0x9]  }
0x28: {  	p0 =	sne.s32 s3, s25  }
.Ltmp1:
0x29: {  	_ = 	snop;
	(pc) =	sbr.rel @!p0 .LBB2_10-.Ltmp1, $3  }
0x2a: {  	_ =	sdelay $0x1  }
0x2b: {  	[sflag:s22] =	ssyncset.done $0x0  }
0x2c: {  	[sflag:s22] =	ssyncadd.s32 $0xFFFFD880  }
.LBB2_1:
0x2d: {  	s13 =	simm.s32 $0x70;
	s18 =	simm.s32 $0x3C0  }
.LBB2_2:
0x2e: {  	p0 =	sne.s32 s18, $0xCFC0;
	[tilespmem:s13+$0x1C000] =	vst v0  }
0x2f: {  	[tilespmem:s13+$0x1BF90] =	vst v0  }
0x30: {  	[tilespmem:s13+$0x1BFA0] =	vst v0  }
.Ltmp2:
0x31: {  	[tilespmem:s13+$0x1BFB0] =	vst v0;
	(pc) =	sbr.rel @p0 .LBB2_2-.Ltmp2, $4  }
0x32: {  	[tilespmem:s13+$0x1BFC0] =	vst v0  }
0x33: {  	[tilespmem:s13+$0x1BFD0] =	vst v0  }
0x34: {  	[tilespmem:s13+$0x1BFE0] =	vst v0  }
0x35: {  	[tilespmem:s13+$0x1BFF0] =	vst v0;
	s13 =	sshra.s32 s18, $0x2;
	s18 =	sadd.s32 $0x200, s18  }
0x36: {  	[tilespmem:s13+$0x1C000] =	vst v0  }
0x37: {  	[tilespmem:s13+$0x1BF90] =	vst v0  }
0x38: {  	[tilespmem:s13+$0x1BFA0] =	vst v0  }
0x39: {  	[tilespmem:s13+$0x1BFB0] =	vst v0  }
0x3a: {  	[tilespmem:s13+$0x1BFC0] =	vst v0  }
0x3b: {  	[tilespmem:s13+$0x1BFD0] =	vst v0  }
0x3c: {  	[tilespmem:s13+$0x1BFE0] =	vst v0  }
0x3d: {  	[tilespmem:s13+$0x1BFF0] =	vst v0  }
0x3e: {  	[spmem:s5] =	stream.linear.scatter [tilespmem:s21], [sflag:$0x9], $0x3400, $0x38;
	[tilespmem:$0x1F400] =	vst v63  }
0x3f: {  	_ =	swait.ge [sflag:s22], $0x3400  }
0x40: {  	[sflag:s22] =	ssyncset.done $0x0  }
0x41: {  	s17 =	rddreg [dreg:$0xa];
	[sflag:s22] =	ssyncadd.s32 $0xFFFFCC00  }
0x42: {  	[spmem:s17] =	stream.linear.scatter [tilespmem:s21], [sflag:$0x9], $0x3400, $0x38;
	[tilespmem:$0x1F400] =	vst v63  }
0x43: {  	_ =	swait.ge [sflag:s22], $0x3400  }
0x44: {  	[sflag:s22] =	ssyncset.done $0x0  }
0x45: {  	s18 =	rddreg [dreg:$0xb];
	[sflag:s22] =	ssyncadd.s32 $0xFFFFCC00  }
0x46: {  	[spmem:s18] =	stream.linear.scatter [tilespmem:s21], [sflag:$0x9], $0x3400, $0x38;
	[tilespmem:$0x1F400] =	vst v63  }
0x47: {  	_ =	swait.ge [sflag:s22], $0x3400  }
0x48: {  	[sflag:s22] =	ssyncset.done $0x0  }
0x49: {  	s25 =	rddreg [dreg:$0xc];
	[sflag:s22] =	ssyncadd.s32 $0xFFFFCC00  }
0x4a: {  	[spmem:s25] =	stream.linear.scatter [tilespmem:s21], [sflag:$0x9], $0x3400, $0x38;
	[tilespmem:$0x1F400] =	vst v63  }
0x4b: {  	_ =	swait.ge [sflag:s22], $0x3400  }
0x4c: {  	[sflag:s22] =	ssyncset.done $0x0  }
0x4d: {  	s14 =	rddreg [dreg:$0xd];
	[sflag:s22] =	ssyncadd.s32 $0xFFFFCC00  }
0x4e: {  	[spmem:s14] =	stream.linear.scatter [tilespmem:s21], [sflag:$0x9], $0x3400, $0x38;
	[tilespmem:$0x1F400] =	vst v63  }
0x4f: {  	_ =	swait.ge [sflag:s22], $0x3400  }
0x50: {  	[sflag:s22] =	ssyncset.done $0x0  }
0x51: {  	s15 =	rddreg [dreg:$0xe];
	[sflag:s22] =	ssyncadd.s32 $0xFFFFCC00  }
0x52: {  	[spmem:s15] =	stream.linear.scatter [tilespmem:s21], [sflag:$0x9], $0x3400, $0x38;
	[tilespmem:$0x1F400] =	vst v63  }
0x53: {  	_ =	swait.ge [sflag:s22], $0x3400  }
0x54: {  	[sflag:s22] =	ssyncset.done $0x0  }
0x55: {  	s16 =	rddreg [dreg:$0x3];
	[sflag:s22] =	ssyncadd.s32 $0xFFFFCC00  }
0x56: {  	[spmem:s16] =	stream.linear.scatter [tilespmem:s21], [sflag:$0x9], $0x400, $0x38;
	[tilespmem:$0x1F400] =	vst v63  }
0x57: {  	_ =	swait.ge [sflag:s22], $0x400  }
0x58: {  	[sflag:s22] =	ssyncset.done $0x0  }
0x59: {  	s13 =	simm.s32 $0x0;
	s14 =	rddreg [dreg:$0x4];
	[sflag:s22] =	ssyncadd.s32 $0xFFFFFC00  }
0x5a: {  	[tilespmem:s23], [sflag:$0x5] =	stream.linear.gather [hbm4b:s14+s13], $0x80, $0x38;
	[tilespmem:$0x1F400] =	vst v63  }
0x5b: {  	s17 =	rddreg [dreg:$0x5]  }
0x5c: {  	[tilespmem:s24], [sflag:$0x5] =	stream.linear.gather [hbm4b:s17+s13], $0x80, $0x38;
	[tilespmem:$0x1F400] =	vst v63  }
0x5d: {  	s18 =	rddreg [dreg:$0x6]  }
0x5e: {  	[tilespmem:s26], [sflag:$0x6] =	stream.linear.gather [hbm4b:s18+s13], $0x80, $0x38;
	[tilespmem:$0x1F400] =	vst v63  }
.Ltmp3:
0x5f: {  	_ = 	snop;
	(pc) =	sbr.rel .LBB2_4-.Ltmp3, $4  }
0x60: {  	s25 =	rddreg [dreg:$0x7]  }
0x61: {  	[tilespmem:s28], [sflag:$0x6] =	stream.linear.gather [hbm4b:s25+s13], $0x80, $0x38;
	[tilespmem:$0x1F400] =	vst v63  }
0x62: {  	[bflag:$0x0] =	sbarrier.arrive $0xFFFF  }
0x63: {  	s18 =	rddreg [dreg:$0xf]  }
.LBB2_5:
0x64: {  	_ =	swait.ge [sflag:s8], $0x4000  }
0x65: {  	[sflag:s8] =	ssyncset.done $0x0  }
0x66: {  	[sflag:s8] =	ssyncadd.s32 $0xFFFFC000  }
0x67: {  	_ =	swait.ge [sflag:s9], $0x80  }
0x68: {  	[sflag:s9] =	ssyncset.done $0x0  }
0x69: {  	[sflag:s9] =	ssyncadd.s32 $0xFFFFFF80  }
0x6a: {  	_ =	swait.ge [sflag:s9], $0x80  }
0x6b: {  	p0 =	sgt.u32 s18, $0x983;
	[sflag:s9] =	ssyncset.done $0x0  }
0x6c: {  	s14 =	sadd.s32 @!p0 s13, s20;
	[sflag:s9] =	ssyncadd.s32 $0xFFFFFF80  }
0x6d: {  	[tilespmem:s1], [sflag:$0x2] =	stream.indirect.gather [hbm4b:s4+s30], $0x80, s10, s30, $0xb8;
	[tilespmem:$0x1F400] =	vst v63  }
0x6e: {  	s15 =	simm.s32 @!p0 $0x0;
	s16 =	simm.s32 @!p0 $0x1BC80;
	s14 =	sadd.s32 @!p0 $0xA00, s14  }
0x6f: {  	[tilespmem:s16], [sflag:$0x6] =	stream.linear.gather @!p0 [hbm4b:s14+s15], $0x80, $0x38;
	[tilespmem:$0x1F400] =	vst v63  }
0x70: {  	s14 =	sadd.s32 @!p0 s13, s19  }
0x71: {  	s16 =	simm.s32 @!p0 $0x1BE80;
	s14 =	sadd.s32 @!p0 $0xA00, s14  }
0x72: {  	[tilespmem:s16], [sflag:$0x6] =	stream.linear.gather @!p0 [hbm4b:s14+s15], $0x80, $0x38;
	[tilespmem:$0x1F400] =	vst v63  }
.LBB2_7:
0x73: {  	_ =	swait.ge [sflag:s6], $0x4000  }
0x74: {  	[sflag:s6] =	ssyncset.done $0x0  }
0x75: {  	[sflag:s6] =	ssyncadd.s32 $0xFFFFC000  }
0x76: {  	[spmem:s2] =	stream.indirect.scatter.add.f32 [tilespmem:s31], [sflag:$0x3], $0x80, s11, s30, $0xb8;
	[tilespmem:$0x1F400] =	vst v63  }
.LBB2_8:
0x77: {  	s13 =	sadd.s32 $0x800, s13  }
0x78: {  	p0 =	sne.s32 s13, $0xA000  }
.Ltmp4:
0x79: {  	_ = 	snop;
	(pc) =	sbr.rel @!p0 .LBB2_9-.Ltmp4, $2  }
0x7a: {  	_ =	sdelay $0x2  }
0x7b: {  	s18 =	sadd.s32 $0x80, s18  }
.LBB2_4:
0x7c: {  	p1 =	seq.s32 s13, $0x0  }
0x7d: {  	s15 =	simm.s32 @!p1 $0x3  }
0x7e: {  	_ =	swait.ge @!p1 [sflag:s15], $0x4000  }
0x7f: {  	[sflag:s15] =	ssyncset.done @!p1 $0x0  }
0x80: {  	[sflag:s15] =	ssyncadd.s32 @!p1 $0xFFFFC000  }
0x81: {  	_ =	swait.ge [sflag:s29], $0x80  }
0x82: {  	[sflag:s29] =	ssyncset.done $0x0  }
0x83: {  	[sflag:s29] =	ssyncadd.s32 $0xFFFFFF80  }
0x84: {  	s15 =	sadd.s32 $0xFFFFFFE0, s18;
	_ =	swait.ge [sflag:s29], $0x80  }
0x85: {  	p0 =	sgt.u32 s15, $0x9C3;
	[sflag:s29] =	ssyncset.done $0x0  }
0x86: {  	s16 =	sadd.s32 @!p0 s13, s20;
	[sflag:s29] =	ssyncadd.s32 $0xFFFFFF80  }
0x87: {  	[tilespmem:s31], [sflag:$0x1] =	stream.indirect.gather [hbm4b:s4+s30], $0x80, s23, s30, $0xb8;
	[tilespmem:$0x1F400] =	vst v63  }
0x88: {  	s17 =	simm.s32 @!p0 $0x0;
	s14 =	simm.s32 @!p0 $0x1BD00;
	s16 =	sadd.s32 @!p0 $0x400, s16  }
0x89: {  	[tilespmem:s14], [sflag:$0x7] =	stream.linear.gather @!p0 [hbm4b:s16+s17], $0x80, $0x38;
	[tilespmem:$0x1F400] =	vst v63  }
0x8a: {  	s16 =	sadd.s32 @!p0 s13, s19  }
0x8b: {  	s25 =	simm.s32 @!p0 $0x1BF00;
	s16 =	sadd.s32 @!p0 $0x400, s16  }
0x8c: {  	[tilespmem:s25], [sflag:$0x7] =	stream.linear.gather @!p0 [hbm4b:s16+s17], $0x80, $0x38;
	[tilespmem:$0x1F400] =	vst v63  }
0x8d: {  	s16 =	simm.s32 @!p1 $0x2  }
0x8e: {  	_ =	swait.ge @!p1 [sflag:s16], $0x4000  }
0x8f: {  	s17 =	simm.s32 @!p1 $0x1BF80;
	[sflag:s16] =	ssyncset.done @!p1 $0x0  }
0x90: {  	s25 =	simm.s32 @!p1 $0x17C00;
	[sflag:s16] =	ssyncadd.s32 @!p1 $0xFFFFC000;
	s16 =	simm.s32 @!p1 $0x80  }
0x91: {  	[spmem:s2] =	stream.indirect.scatter.add.f32 @!p1 [tilespmem:s25], [sflag:$0x4], $0x80, s17, s16, $0xb8;
	[tilespmem:$0x1F400] =	vst v63  }
0x92: {  	s16 =	simm.s32 @!p1 $0x4  }
0x93: {  	_ =	swait.ge @!p1 [sflag:s16], $0x4000  }
0x94: {  	[sflag:s16] =	ssyncset.done @!p1 $0x0  }
0x95: {  	[sflag:s16] =	ssyncadd.s32 @!p1 $0xFFFFC000  }
0x96: {  	_ =	swait.ge [sflag:s0], $0x80  }
0x97: {  	[sflag:s0] =	ssyncset.done $0x0  }
0x98: {  	[sflag:s0] =	ssyncadd.s32 $0xFFFFFF80  }
0x99: {  	_ =	swait.ge [sflag:s0], $0x80  }
0x9a: {  	p1 =	sgt.u32 s18, $0x9C3;
	[sflag:s0] =	ssyncset.done $0x0  }
0x9b: {  	s16 =	sadd.s32 @!p1 s13, s20;
	[sflag:s0] =	ssyncadd.s32 $0xFFFFFF80  }
0x9c: {  	[tilespmem:s1], [sflag:$0x2] =	stream.indirect.gather [hbm4b:s4+s30], $0x80, s26, s30, $0xb8;
	[tilespmem:$0x1F400] =	vst v63  }
0x9d: {  	s17 =	simm.s32 @!p1 $0x0;
	s25 =	simm.s32 @!p1 $0x1BD80;
	s16 =	sadd.s32 @!p1 $0x600, s16  }
0x9e: {  	[tilespmem:s25], [sflag:$0x8] =	stream.linear.gather @!p1 [hbm4b:s16+s17], $0x80, $0x38;
	[tilespmem:$0x1F400] =	vst v63  }
0x9f: {  	s16 =	sadd.s32 @!p1 s13, s19  }
0xa0: {  	s25 =	simm.s32 @!p1 $0x1BF80;
	s16 =	sadd.s32 @!p1 $0x600, s16  }
0xa1: {  	[tilespmem:s25], [sflag:$0x8] =	stream.linear.gather @!p1 [hbm4b:s16+s17], $0x80, $0x38;
	[tilespmem:$0x1F400] =	vst v63  }
0xa2: {  	_ =	swait.ge [sflag:s6], $0x4000  }
0xa3: {  	[sflag:s6] =	ssyncset.done $0x0  }
0xa4: {  	s16 =	simm.s32 @!p0 $0x3;
	[sflag:s6] =	ssyncadd.s32 $0xFFFFC000  }
0xa5: {  	[spmem:s2] =	stream.indirect.scatter.add.f32 [tilespmem:s31], [sflag:$0x3], $0x80, s24, s30, $0xb8;
	[tilespmem:$0x1F400] =	vst v63  }
0xa6: {  	_ =	swait.ge @!p0 [sflag:s16], $0x4000  }
0xa7: {  	[sflag:s16] =	ssyncset.done @!p0 $0x0  }
0xa8: {  	[sflag:s16] =	ssyncadd.s32 @!p0 $0xFFFFC000;
	s16 =	simm.s32 @!p0 $0x7  }
0xa9: {  	_ =	swait.ge @!p0 [sflag:s16], $0x80  }
0xaa: {  	[sflag:s16] =	ssyncset.done @!p0 $0x0  }
0xab: {  	[sflag:s16] =	ssyncadd.s32 @!p0 $0xFFFFFF80  }
0xac: {  	_ =	swait.ge @!p0 [sflag:s16], $0x80  }
0xad: {  	p2 =	sgt.u32 @!p0 s15, $0x983;
	[sflag:s16] =	ssyncset.done @!p0 $0x0  }
0xae: {  	s17 =	simm.s32 @!p0 $0x13C00;
	[sflag:s16] =	ssyncadd.s32 @!p0 $0xFFFFFF80;
	s16 =	simm.s32 @!p0 $0x80  }
0xaf: {  	[tilespmem:s17], [sflag:$0x1] =	stream.indirect.gather @!p0 [hbm4b:s4+s16], $0x80, s14, s16, $0xb8;
	[tilespmem:$0x1F400] =	vst v63  }
0xb0: {  	p0 =	por p2, p0  }
0xb1: {  	s14 =	sadd.s32 @!p0 s13, s20  }
0xb2: {  	s15 =	simm.s32 @!p0 $0x0;
	s16 =	simm.s32 @!p0 $0x1BC00;
	s14 =	sadd.s32 @!p0 $0x800, s14  }
0xb3: {  	[tilespmem:s16], [sflag:$0x5] =	stream.linear.gather @!p0 [hbm4b:s14+s15], $0x80, $0x38;
	[tilespmem:$0x1F400] =	vst v63  }
0xb4: {  	s14 =	sadd.s32 @!p0 s13, s19  }
0xb5: {  	s16 =	simm.s32 @!p0 $0x1BE00;
	s14 =	sadd.s32 @!p0 $0x800, s14  }
0xb6: {  	[tilespmem:s16], [sflag:$0x5] =	stream.linear.gather @!p0 [hbm4b:s14+s15], $0x80, $0x38;
	[tilespmem:$0x1F400] =	vst v63  }
.Ltmp5:
0xb7: {  	_ = 	snop;
	(pc) =	sbr.rel @!p1 .LBB2_5-.Ltmp5, $4  }
0xb8: {  	_ =	swait.ge [sflag:s7], $0x4000  }
0xb9: {  	[sflag:s7] =	ssyncset.done $0x0  }
0xba: {  	[sflag:s7] =	ssyncadd.s32 $0xFFFFC000  }
0xbb: {  	[spmem:s2] =	stream.indirect.scatter.add.f32 [tilespmem:s1], [sflag:$0x4], $0x80, s28, s30, $0xb8;
	[tilespmem:$0x1F400] =	vst v63  }
0xbc: {  	p0 =	sgt.u32 s18, $0x9E3  }
.Ltmp6:
0xbd: {  	_ = 	snop;
	(pc) =	sbr.rel @p0 .LBB2_8-.Ltmp6, $4  }
.Ltmp7:
0xbe: {  	_ = 	snop;
	(pc) =	sbr.rel @!p0 .LBB2_7-.Ltmp7, $4  }
0xbf: {  	_ = 	snop  }
0xc0: {  	_ = 	snop  }
0xc1: {  	_ = 	snop  }
0xc2: {  	_ = 	snop  }
.LBB2_10:
0xc3: {  	_ =	sfence.sel $0x180000  }
0xc4: {  	[bflag:$0x0] =	sbarrier.arrive $0xFFFF  }
0xc5: {  	_ =	strace $0x9000004A  }
0xc6: {  	s0 =	stileid.u32;
	[bflag:$0x2] =	sbarrier.arrive $0xFFFF  }
0xc7: {  	p0 =	sne.s32 s0, $0x0;
	s0 =	rddreg [dreg:$0x2]  }
0xc8: {  	s0 =	sadd.s32 @!p0 $0x100000, s0  }
0xc9: {  	[sflag:s0] =	ssyncadd.tile.s32 @!p0 $0x1;
	_ =	shalt  }
.Lfunc_end2:
_tile_overlayer_lowered:
.L_overlay_start_2:
0xca: {  	(tag) =	ssettag $0x2  }
0xcb: {  	s0 =	rddreg [dreg:$0x0];
	s2 =	stileid.u32  }
0xcc: {  	s1 =	rddreg [dreg:$0x1];
	p0 =	sne.s32 s2, $0x0  }
0xcd: {  	s3 =	rddreg [dreg:$0x2];
	[bflag:$0x3] =	sbarrier.arrive $0xFFFF;
	s2 =	simm.s32 @!p0 $0x1C09  }
0xce: {  	[timem:s3], [sflag:s2] =	dma.local @!p0 [hbm:s0], s1  }
0xcf: {  	s0 =	simm.s32 @!p0 $0x9  }
0xd0: {  	_ =	swait.ge @!p0 [sflag:s0], s1  }
0xd1: {  	s1 =	ssub.s32 @!p0 $0x0, s1;
	[sflag:s0] =	ssyncset.done @!p0 $0x0  }
0xd2: {  	[sflag:s0] =	ssyncadd.s32 @!p0 s1  }
0xd3: {  	[bflag:$0x3] =	sbarrier.arrive $0xFFFF  }
0xd4: {  	_ =	shalt  }

// kernel: kernel.17.cloned.1.call-start
scs
__scs_entry_jumppad:
0x0: {  	(pc) =	sbr.rel $0x88, $3  }
0x1: {  	(tag) =	ssettag $0x0;
	lr =	simm.s32 $0x1  }
0x2: {  	[smem:$0x3F94] =	sst lr;
	_ =	strace $0xD0000000  }
0x3: {  	_ = 	snop  }
0x4: {  	_ = 	snop  }
0x5: {  	_ = 	snop  }
0x6: {  	_ = 	snop  }
0x7: {  	_ = 	snop  }
__scs_overlays_trampoline_lowered:
0x8: {  	[smem:$0x3FA3] =	sst s0  }
0x9: {  	[smem:$0x3FA4] =	sst s1  }
0xa: {  	[smem:$0x3FA5] =	sst s2  }
0xb: {  	[smem:$0x3FA6] =	sst s3  }
0xc: {  	[smem:$0x3FA7] =	sst s4  }
0xd: {  	[smem:$0x3FA8] =	sst s5  }
0xe: {  	[smem:$0x3FA9] =	sst s6  }
0xf: {  	[smem:$0x3FAA] =	sst s7  }
0x10: {  	[smem:$0x3FAB] =	sst s8  }
0x11: {  	[smem:$0x3FAC] =	sst s9;
	s0 =	simm.s32 @!p0 $0x0  }
0x12: {  	s1 =	sld [smem:$0x3F92];
	s0 =	simm.s32 @p0 $0x1  }
0x13: {  	[smem:$0x3FAD] =	sst s0;
	s0 =	simm.s32 @!p1 $0x0  }
0x14: {  	s2 =	sld [smem:$0x3F91];
	s0 =	simm.s32 @p1 $0x1  }
0x15: {  	[smem:$0x3FAE] =	sst s0;
	s0 =	simm.s32 @!p2 $0x0  }
0x16: {  	s3 =	sld [smem:$0x3FDB];
	s0 =	simm.s32 @p2 $0x1  }
0x17: {  	s4 =	simm.s32 $0x1BF5;
	[smem:$0x3FB0] =	sst s0  }
0x18: {  	s0 =	sld [smem:$0x3F93];
	_ =	swait.ge [sflag:s4], $0x0  }
0x19: {  	s7 =	sld [smem:$0x3F94]  }
0x1a: {  	s8 =	sadd.s32 $0xFFFFE003, lr  }
0x1b: {  	s9 =	sadd.s32 $0xFFFFFEF7, lr;
	s5 =	simm.s32 $0xFFFFFFFF;
	p2 =	slt.u32 s8, $0xFFFFF086  }
0x1c: {  	p1 =	slt.u32 s9, $0xF7A;
	s5 =	simm.s32 @!p2 $0x0  }
0x1d: {  	s5 =	simm.s32 @p1 $0x1;
	p0 =	seq.s32 s7, s2  }
0x1e: {  	s7 =	smul.u32 @!p0 $0xF7A, s2;
	p2 =	seq.s32 @!p0 s5, $0x0  }
0x1f: {  	s9 =	smul.u32 $0xF7A, s1;
	s8 =	simm.s32 @!p0 $0x1BF5;
	p2 =	por !p2, p0  }
0x20: {  	[sflag:s8] =	ssyncset.s32 @!p0 $0xFFFFF086;
	s6 =	sadd.s32 @!p0 s3, s7;
	s7 =	simm.s32 @!p0 $0x108  }
0x21: {  	s3 =	sadd.s32 s3, s9;
	s6 =	sadd.s32 @!p0 $0x88, s6;
	s7 =	simm.s32 @p2 $0x1082  }
0x22: {  	[simem:s7], [sflag:s8] =	dma.local @!p0 [hbm:s6], $0xF7A  }
0x23: {  	s9 =	sor.u32 $0xD0000000, s2;
	s6 =	simm.s32 $0x108;
	_ =	swait.ge @!p0 [sflag:s8], $0x0  }
0x24: {  	s3 =	sadd.s32 $0x88, s3;
	s6 =	simm.s32 @!p1 $0x1082;
	[sflag:s4] =	ssyncset.s32 $0xFFFFF086  }
0x25: {  	[simem:s6], [sflag:s4] =	dma.local [hbm:s3], $0xF7A  }
0x26: {  	[smem:$0x3F94] =	sst s1;
	(tag) =	ssettag s2;
	_ =	strace s9  }
0x27: {  	s1 =	sld [smem:$0x3FA4]  }
0x28: {  	s2 =	sld [smem:$0x3FA5]  }
0x29: {  	s4 =	sld [smem:$0x3FA7]  }
0x2a: {  	p0 =	seq.s32 s5, $0x0;
	s5 =	sld [smem:$0x3FA8]  }
0x2b: {  	s6 =	sld [smem:$0x3FA9]  }
0x2c: {  	s7 =	sld [smem:$0x3FAA]  }
0x2d: {  	s3 =	simm.s32 $0x108;
	s8 =	sld [smem:$0x3FAB]  }
0x2e: {  	s3 =	simm.s32 @!p0 $0x1082;
	s9 =	sld [smem:$0x3FAC]  }
0x2f: {  	lr =	sadd.s32 s0, s3;
	s0 =	sld [smem:$0x3FA3]  }
0x30: {  	s3 =	sld [smem:$0x3FA6]  }
0x31: {  	[smem:$0x3FAF] =	sst s10  }
0x32: {  	s10 =	sld [smem:$0x3FAD];
	_ =	sdelay $0x3  }
0x33: {  	p0 =	seq.s32 s10, $0x1;
	s10 =	sld [smem:$0x3FAF];
	_ =	sdelay $0x3  }
0x34: {  	[smem:$0x3FAF] =	sst s10  }
0x35: {  	s10 =	sld [smem:$0x3FAE];
	_ =	sdelay $0x3  }
0x36: {  	p1 =	seq.s32 s10, $0x1;
	s10 =	sld [smem:$0x3FAF];
	_ =	sdelay $0x3  }
0x37: {  	[smem:$0x3FAF] =	sst s10  }
0x38: {  	s10 =	sld [smem:$0x3FB0]  }
0x39: {  	_ = 	snop;
	(pc) =	sbr.ind lr, $3  }
0x3a: {  	_ = 	snop  }
0x3b: {  	_ = 	snop  }
0x3c: {  	p2 =	seq.s32 s10, $0x1;
	s10 =	sld [smem:$0x3FAF]  }
0x3d: {  	_ =	shalt  }
0x3e: {  	_ =	shalt  }
0x3f: {  	_ =	shalt  }
0x40: {  	_ =	shalt  }
0x41: {  	_ =	shalt  }
0x42: {  	_ =	shalt  }
0x43: {  	_ =	shalt  }
0x44: {  	_ =	shalt  }
0x45: {  	_ =	shalt  }
0x46: {  	_ =	shalt  }
0x47: {  	_ =	shalt  }
0x48: {  	_ =	shalt  }
0x49: {  	_ =	shalt  }
0x4a: {  	_ =	shalt  }
0x4b: {  	_ =	shalt  }
0x4c: {  	_ =	shalt  }
0x4d: {  	_ =	shalt  }
0x4e: {  	_ =	shalt  }
0x4f: {  	_ =	shalt  }
0x50: {  	_ =	shalt  }
0x51: {  	_ =	shalt  }
0x52: {  	_ =	shalt  }
0x53: {  	_ =	shalt  }
0x54: {  	_ =	shalt  }
0x55: {  	_ =	shalt  }
0x56: {  	_ =	shalt  }
0x57: {  	_ =	shalt  }
0x58: {  	_ =	shalt  }
0x59: {  	_ =	shalt  }
0x5a: {  	_ =	shalt  }
0x5b: {  	_ =	shalt  }
0x5c: {  	_ =	shalt  }
0x5d: {  	_ =	shalt  }
0x5e: {  	_ =	shalt  }
0x5f: {  	_ =	shalt  }
0x60: {  	_ =	shalt  }
0x61: {  	_ =	shalt  }
0x62: {  	_ =	shalt  }
0x63: {  	_ =	shalt  }
0x64: {  	_ =	shalt  }
0x65: {  	_ =	shalt  }
0x66: {  	_ =	shalt  }
0x67: {  	_ =	shalt  }
0x68: {  	_ =	shalt  }
0x69: {  	_ =	shalt  }
0x6a: {  	_ =	shalt  }
0x6b: {  	_ =	shalt  }
0x6c: {  	_ =	shalt  }
0x6d: {  	_ =	shalt  }
0x6e: {  	_ =	shalt  }
0x6f: {  	_ =	shalt  }
0x70: {  	_ =	shalt  }
0x71: {  	_ =	shalt  }
0x72: {  	_ =	shalt  }
0x73: {  	_ =	shalt  }
0x74: {  	_ =	shalt  }
0x75: {  	_ =	shalt  }
0x76: {  	_ =	shalt  }
0x77: {  	_ =	shalt  }
0x78: {  	_ =	shalt  }
0x79: {  	_ =	shalt  }
0x7a: {  	_ =	shalt  }
0x7b: {  	_ =	shalt  }
0x7c: {  	_ =	shalt  }
0x7d: {  	_ =	shalt  }
0x7e: {  	_ =	shalt  }
0x7f: {  	_ =	shalt  }
0x80: {  	_ =	shalt  }
0x81: {  	_ =	shalt  }
0x82: {  	_ =	shalt  }
0x83: {  	_ =	shalt  }
0x84: {  	_ =	shalt  }
0x85: {  	_ =	shalt  }
0x86: {  	_ =	shalt  }
0x87: {  	_ =	shalt  }
.Lfunc_end0:
.L_simem_size_0:
called_computation.2_lowered:
.L_overlay_start_0:
0x88: {  	s2 =	sld [smem:$0x3FD9]  }
0x89: {  	s3 =	sld [smem:$0x3FFE];
	_ =	sdelay $0x1  }
0x8a: {  	s1 =	srdreg.scid  }
0x8b: {  	s0 =	sand.u32 $0x1, s1  }
0x8c: {  	s16 =	sshll.u32 s0, $0xA;
	s2 =	sadd.s32 s3, s2  }
0x8d: {  	s2 =	sadd.s32 s2, s16  }
0x8e: {  	[smem:$0x3FBB] =	sst s2  }
0x8f: {  	_ = 	snop  }
0x90: {  	(tm) =	ssettm $0x1  }
0x91: {  	s17 =	sld [smem:$0x3FFB];
	_ =	sdelay $0x3  }
0x92: {  	_ =	strace s17  }
0x93: {  	s2 =	sld [smem:$0x3FFC];
	_ =	sdelay $0x3  }
0x94: {  	_ =	strace s2  }
0x95: {  	s2 =	sld [smem:$0x3FFD];
	_ =	sdelay $0x3  }
0x96: {  	_ =	strace s2  }
0x97: {  	_ =	strace $0x8FFFFFFF  }
0x98: {  	s18 =	sld [smem:$0x3FDB];
	_ =	sdelay $0x1  }
0x99: {  	s19 =	simm.s32 $_scs_section_size  }
0x9a: {  	s4 =	simm.s32 $_size__tile_overlayer_lowered;
	s5 =	simm.s32 $_tile_overlayer_lowered  }
0x9b: {  	s22 =	simm.s32 $0x1BFF;
	s21 =	sshll.u32 s5, $0x1;
	s2 =	sadd.s32 s19, s18  }
0x9c: {  	s6 =	simm.s32 $0x0;
	s20 =	sshll.u32 s4, $0x1;
	s4 =	sadd.s32 s21, s2  }
0x9d: {  	[timem:s6], [sflag:s22] =	dma.local [hbm:s4], s20  }
0x9e: {  	_ =	swait.ge [sflag:s22], s20  }
0x9f: {  	s3 =	ssub.s32 $0x0, s20;
	[sflag:s22] =	ssyncset.done $0x0  }
0xa0: {  	[sflag:s22] =	ssyncadd.s32 s3;
	_ =	sdelay $0x1  }
0xa1: {  	s23 =	simm.s32 $0x1B8B  }
0xa2: {  	_ =	swait.ge [sflag:s23], $0x1  }
0xa3: {  	[sflag:s23] =	ssyncset.done $0x0  }
0xa4: {  	s25 =	simm.s32 $0x1B8E;
	s24 =	sld [smem:$0x3FFE];
	[sflag:s23] =	ssyncadd.s32 $0xFFFFFFFF  }
0xa5: {  	s26 =	simm.s32 $execute0_lowered;
	[smem:$0x3FD2] =	sst s25  }
0xa6: {  	s4 =	sshll.u32 s26, $0x1;
	_ =	strace $0x8000004C;
	[dreg:$0x1] =	wrdreg $0xFFFFFFFF  }
0xa7: {  	s28 =	simm.s32 $_size_execute0_lowered;
	s2 =	sadd.s32 s2, s4;
	[dreg:$0x0] =	wrdreg $0x0  }
0xa8: {  	s4 =	sshll.u32 s28, $0x1;
	[dreg:$0x2] =	wrdreg s2  }
0xa9: {  	[dreg:$0x3] =	wrdreg s4  }
0xaa: {  	[dreg:$0x4] =	wrdreg $0xC0  }
0xab: {  	_ =	task [dreg:s6], $0x5FFFF  }
0xac: {  	[dreg:$0x1] =	wrdreg $0xFFFFFFFF  }
0xad: {  	[dreg:$0x0] =	wrdreg $0x60  }
0xae: {  	[dreg:$0x2] =	wrdreg s24  }
0xaf: {  	[dreg:$0x3] =	wrdreg $0x0  }
0xb0: {  	[dreg:$0x4] =	wrdreg $0x9  }
0xb1: {  	_ =	task.clear_ibuf [dreg:s6], $0x5FFFF;
	_ =	strace $0x9000004C  }
0xb2: {  	s29 =	simm.s32 $0x9;
	_ =	strace $0x8000004E  }
0xb3: {  	_ =	swait.ge [sflag:s29], $0x1  }
0xb4: {  	[sflag:s29] =	ssyncadd.s32 $0xFFFFFFFF  }
0xb5: {  	_ =	strace $0x9000004E  }
0xb6: {  	_ =	sfence  }
0xb7: {  	s30 =	sld [smem:$0x0];
	_ =	sdelay $0x2  }
0xb8: {  	s31 =	sshll.u32 s1, $0xD;
	s1 =	sshrl.u32 s1, $0x2  }
0xb9: {  	s3 =	sand.u32 $0x4000, s31;
	s1 =	sadd.s32 s1, s30  }
0xba: {  	s0 =	sor.u32 s3, s0;
	s1 =	sshll.u32 s1, $0x11  }
0xbb: {  	s0 =	sor.u32 s1, s0  }
0xbc: {  	s0 =	sadd.s32 $0x8F2B, s0  }
0xbd: {  	[sflag:s0] =	ssyncadd.remote.s32 $0x1  }
0xbe: {  	_ =	sfence.sel $0xFFFF  }
0xbf: {  	[dreg:$0x0] =	wrdreg $0xFFFFFFFF;
	(pc) =	sbr.abs _section_cstart, $3  }
0xc0: {  	[dreg:$0x1] =	wrdreg $0xFFFFFFFF  }
0xc1: {  	_ =	task.clear_ibuf [dreg:s6], $0x2FFFF;
	_ =	strace $0x9FFFFFFF  }
0xc2: {  	(tm) =	ssettm $0x7FFFFFFF  }
0xc3: {  	_ =	shalt  }
tec
execute0_lowered:
.L_overlay_start_1:
0x0: {  	(tag) =	ssettag $0x1  }
0x1: {  	s0 =	rddreg [dreg:$0x0];
	s1 =	srdreg.scid  }
0x2: {  	s2 =	rddreg [dreg:$0x1];
	s13 =	stileid.u32;
	s3 =	simm.s32 $0x0  }
0x3: {  	s28 =	simm.s32 $0x1BE80;
	s29 =	simm.s32 $0x5;
	s30 =	simm.s32 $0x80  }
0x4: {  	s31 =	simm.s32 $0x13C00;
	s1 =	sand.u32 $0x1, s1;
	s6 =	smul.u32 $0x13C00, s13  }
0x5: {  	[smem:$0x7FF] =	sst s3;
	s7 =	smul.u32 $0x4F000, s13;
	s8 =	sadd.s32 $0xCC00, s0  }
0x6: {  	s9 =	sadd.s32 $0x2E00, s0;
	s23 =	sshll.u32 s13, $0x1;
	s4 =	smul.u32 $0x13C000, s1  }
0x7: {  	_ =	strace $0x8000004D;
	s10 =	ssub.s32 $0x2, s1;
	s12 =	sor.u32 s1, s23  }
0x8: {  	s7 =	sshrl.u32 s7, $0x2;
	s11 =	sshrl.u32 s10, $0x1;
	s26 =	sshll.u32 s12, $0x4  }
0x9: {  	s5 =	sadd.s32 s6, s4;
	s24 =	ssub.s32 s10, s11;
	s14 =	sadd.s32 s8, s26  }
0xa: {  	s15 =	sadd.s32 s9, s26;
	s10 =	sor.u32 $0x200, s26;
	[dreg:$0x4] =	wrdreg s14  }
0xb: {  	s4 =	sadd.s32 $0x16A00, s0;
	[dreg:$0x5] =	wrdreg s15;
	s16 =	sadd.s32 s8, s10  }
0xc: {  	s5 =	sshrl.u32 s5, $0x3;
	s10 =	sadd.s32 s9, s10;
	[dreg:$0x6] =	wrdreg s16  }
0xd: {  	s18 =	smax.u32 s24, $0x1;
	s24 =	sor.u32 $0x60, s12;
	[dreg:$0x7] =	wrdreg s10  }
0xe: {  	s0 =	sadd.s32 s5, s0;
	s5 =	sadd.s32 s7, s2;
	[dreg:$0x9] =	wrdreg s18  }
0xf: {  	s1 =	sshll.u32 s1, $0x4;
	[dreg:$0xf] =	wrdreg s24;
	s25 =	sadd.s32 $0x13800, s5  }
0x10: {  	s17 =	sadd.s32 s6, s2;
	s0 =	sadd.s32 $0x3DC00, s0;
	[dreg:$0x3] =	wrdreg s25  }
0x11: {  	s11 =	simm.s32 $0x1BF00;
	s19 =	sadd.s32 $0x3400, s5;
	[dreg:$0x8] =	wrdreg s0  }
0x12: {  	s12 =	simm.s32 $0x3;
	s20 =	sadd.s32 $0x6800, s5;
	[dreg:$0xa] =	wrdreg s19  }
0x13: {  	s24 =	simm.s32 $0x1BE00;
	s21 =	sadd.s32 $0x9C00, s5;
	[dreg:$0xb] =	wrdreg s20  }
0x14: {  	s7 =	simm.s32 $0x2;
	s22 =	sadd.s32 $0xD000, s5;
	[dreg:$0xc] =	wrdreg s21  }
0x15: {  	s10 =	simm.s32 $0x1BD80;
	s23 =	sadd.s32 $0x10400, s5;
	[dreg:$0xd] =	wrdreg s22  }
0x16: {  	[dreg:$0xe] =	wrdreg s23;
	s25 =	sshll.u32 s13, $0x5;
	s21 =	simm.s32 $0x1C000  }
.Ltmp0:
0x17: {  	s22 =	simm.s32 $0x9;
	s23 =	simm.s32 $0x1BC00;
	(pc) =	sbr.rel .LBB2_1-.Ltmp0, $4  }
0x18: {  	s0 =	sshrl.u32 s17, $0x3;
	s26 =	sadd.s32 s25, s9;
	s6 =	sadd.s32 s25, s8  }
0x19: {  	[dreg:$0x10] =	wrdreg s0;
	s0 =	simm.s32 $0x6;
	s8 =	simm.s32 $0x4  }
0x1a: {  	s9 =	simm.s32 $0x8;
	s19 =	sadd.s32 s1, s26;
	s20 =	sadd.s32 s1, s6  }
0x1b: {  	v0 =	vimm.f32 $0.0e+00;
	s26 =	simm.s32 $0x1BC80;
	s1 =	simm.s32 $0x17C00;
	s6 =	simm.s32 $0x1  }
.LBB2_9:
0x1c: {  	_ =	swait.ge [sflag:s12], $0x4000  }
0x1d: {  	[sflag:s12] =	ssyncset.done $0x0  }
0x1e: {  	[sflag:s12] =	ssyncadd.s32 $0xFFFFC000  }
0x1f: {  	_ =	swait.ge [sflag:s8], $0x4000  }
0x20: {  	[sflag:s8] =	ssyncset.done $0x0  }
0x21: {  	[sflag:s8] =	ssyncadd.s32 $0xFFFFC000  }
0x22: {  	s13 =	stileid.u32;
	[bflag:$0x0] =	sbarrier.arrive $0xFFFF  }
0x23: {  	s13 =	sshll.u32 s13, $0x6;
	s14 =	rddreg [dreg:$0x8]  }
0x24: {  	s13 =	sor.u32 $0x1C09, s13;
	s15 =	rddreg [dreg:$0x10]  }
0x25: {  	[hbm:s14], [sflag:s13] =	dma.local [spmem:s15], $0x2780  }
0x26: {  	_ =	swait.ge [sflag:s22], $0x2780  }
0x27: {  	s3 =	sadd.s32 $0x1, s3;
	s25 =	rddreg [dreg:$0x9]  }
0x28: {  	p0 =	sne.s32 s3, s25  }
.Ltmp1:
0x29: {  	_ = 	snop;
	(pc) =	sbr.rel @!p0 .LBB2_10-.Ltmp1, $3  }
0x2a: {  	_ =	sdelay $0x1  }
0x2b: {  	[sflag:s22] =	ssyncset.done $0x0  }
0x2c: {  	[sflag:s22] =	ssyncadd.s32 $0xFFFFD880  }
.LBB2_1:
0x2d: {  	s13 =	simm.s32 $0x70;
	s18 =	simm.s32 $0x3C0  }
.LBB2_2:
0x2e: {  	p0 =	sne.s32 s18, $0xCFC0;
	[tilespmem:s13+$0x1C000] =	vst v0  }
0x2f: {  	[tilespmem:s13+$0x1BF90] =	vst v0  }
0x30: {  	[tilespmem:s13+$0x1BFA0] =	vst v0  }
.Ltmp2:
0x31: {  	[tilespmem:s13+$0x1BFB0] =	vst v0;
	(pc) =	sbr.rel @p0 .LBB2_2-.Ltmp2, $4  }
0x32: {  	[tilespmem:s13+$0x1BFC0] =	vst v0  }
0x33: {  	[tilespmem:s13+$0x1BFD0] =	vst v0  }
0x34: {  	[tilespmem:s13+$0x1BFE0] =	vst v0  }
0x35: {  	[tilespmem:s13+$0x1BFF0] =	vst v0;
	s13 =	sshra.s32 s18, $0x2;
	s18 =	sadd.s32 $0x200, s18  }
0x36: {  	[tilespmem:s13+$0x1C000] =	vst v0  }
0x37: {  	[tilespmem:s13+$0x1BF90] =	vst v0  }
0x38: {  	[tilespmem:s13+$0x1BFA0] =	vst v0  }
0x39: {  	[tilespmem:s13+$0x1BFB0] =	vst v0  }
0x3a: {  	[tilespmem:s13+$0x1BFC0] =	vst v0  }
0x3b: {  	[tilespmem:s13+$0x1BFD0] =	vst v0  }
0x3c: {  	[tilespmem:s13+$0x1BFE0] =	vst v0  }
0x3d: {  	[tilespmem:s13+$0x1BFF0] =	vst v0  }
0x3e: {  	[spmem:s5] =	stream.linear.scatter [tilespmem:s21], [sflag:$0x9], $0x3400, $0x38;
	[tilespmem:$0x1F400] =	vst v63  }
0x3f: {  	_ =	swait.ge [sflag:s22], $0x3400  }
0x40: {  	[sflag:s22] =	ssyncset.done $0x0  }
0x41: {  	s17 =	rddreg [dreg:$0xa];
	[sflag:s22] =	ssyncadd.s32 $0xFFFFCC00  }
0x42: {  	[spmem:s17] =	stream.linear.scatter [tilespmem:s21], [sflag:$0x9], $0x3400, $0x38;
	[tilespmem:$0x1F400] =	vst v63  }
0x43: {  	_ =	swait.ge [sflag:s22], $0x3400  }
0x44: {  	[sflag:s22] =	ssyncset.done $0x0  }
0x45: {  	s18 =	rddreg [dreg:$0xb];
	[sflag:s22] =	ssyncadd.s32 $0xFFFFCC00  }
0x46: {  	[spmem:s18] =	stream.linear.scatter [tilespmem:s21], [sflag:$0x9], $0x3400, $0x38;
	[tilespmem:$0x1F400] =	vst v63  }
0x47: {  	_ =	swait.ge [sflag:s22], $0x3400  }
0x48: {  	[sflag:s22] =	ssyncset.done $0x0  }
0x49: {  	s25 =	rddreg [dreg:$0xc];
	[sflag:s22] =	ssyncadd.s32 $0xFFFFCC00  }
0x4a: {  	[spmem:s25] =	stream.linear.scatter [tilespmem:s21], [sflag:$0x9], $0x3400, $0x38;
	[tilespmem:$0x1F400] =	vst v63  }
0x4b: {  	_ =	swait.ge [sflag:s22], $0x3400  }
0x4c: {  	[sflag:s22] =	ssyncset.done $0x0  }
0x4d: {  	s14 =	rddreg [dreg:$0xd];
	[sflag:s22] =	ssyncadd.s32 $0xFFFFCC00  }
0x4e: {  	[spmem:s14] =	stream.linear.scatter [tilespmem:s21], [sflag:$0x9], $0x3400, $0x38;
	[tilespmem:$0x1F400] =	vst v63  }
0x4f: {  	_ =	swait.ge [sflag:s22], $0x3400  }
0x50: {  	[sflag:s22] =	ssyncset.done $0x0  }
0x51: {  	s15 =	rddreg [dreg:$0xe];
	[sflag:s22] =	ssyncadd.s32 $0xFFFFCC00  }
0x52: {  	[spmem:s15] =	stream.linear.scatter [tilespmem:s21], [sflag:$0x9], $0x3400, $0x38;
	[tilespmem:$0x1F400] =	vst v63  }
0x53: {  	_ =	swait.ge [sflag:s22], $0x3400  }
0x54: {  	[sflag:s22] =	ssyncset.done $0x0  }
0x55: {  	s16 =	rddreg [dreg:$0x3];
	[sflag:s22] =	ssyncadd.s32 $0xFFFFCC00  }
0x56: {  	[spmem:s16] =	stream.linear.scatter [tilespmem:s21], [sflag:$0x9], $0x400, $0x38;
	[tilespmem:$0x1F400] =	vst v63  }
0x57: {  	_ =	swait.ge [sflag:s22], $0x400  }
0x58: {  	[sflag:s22] =	ssyncset.done $0x0  }
0x59: {  	s13 =	simm.s32 $0x0;
	s14 =	rddreg [dreg:$0x4];
	[sflag:s22] =	ssyncadd.s32 $0xFFFFFC00  }
0x5a: {  	[tilespmem:s23], [sflag:$0x5] =	stream.linear.gather [hbm4b:s14+s13], $0x80, $0x38;
	[tilespmem:$0x1F400] =	vst v63  }
0x5b: {  	s17 =	rddreg [dreg:$0x5]  }
0x5c: {  	[tilespmem:s24], [sflag:$0x5] =	stream.linear.gather [hbm4b:s17+s13], $0x80, $0x38;
	[tilespmem:$0x1F400] =	vst v63  }
0x5d: {  	s18 =	rddreg [dreg:$0x6]  }
0x5e: {  	[tilespmem:s26], [sflag:$0x6] =	stream.linear.gather [hbm4b:s18+s13], $0x80, $0x38;
	[tilespmem:$0x1F400] =	vst v63  }
.Ltmp3:
0x5f: {  	_ = 	snop;
	(pc) =	sbr.rel .LBB2_4-.Ltmp3, $4  }
0x60: {  	s25 =	rddreg [dreg:$0x7]  }
0x61: {  	[tilespmem:s28], [sflag:$0x6] =	stream.linear.gather [hbm4b:s25+s13], $0x80, $0x38;
	[tilespmem:$0x1F400] =	vst v63  }
0x62: {  	[bflag:$0x0] =	sbarrier.arrive $0xFFFF  }
0x63: {  	s18 =	rddreg [dreg:$0xf]  }
.LBB2_5:
0x64: {  	_ =	swait.ge [sflag:s8], $0x4000  }
0x65: {  	[sflag:s8] =	ssyncset.done $0x0  }
0x66: {  	[sflag:s8] =	ssyncadd.s32 $0xFFFFC000  }
0x67: {  	_ =	swait.ge [sflag:s9], $0x80  }
0x68: {  	[sflag:s9] =	ssyncset.done $0x0  }
0x69: {  	[sflag:s9] =	ssyncadd.s32 $0xFFFFFF80  }
0x6a: {  	_ =	swait.ge [sflag:s9], $0x80  }
0x6b: {  	p0 =	sgt.u32 s18, $0x983;
	[sflag:s9] =	ssyncset.done $0x0  }
0x6c: {  	s14 =	sadd.s32 @!p0 s13, s20;
	[sflag:s9] =	ssyncadd.s32 $0xFFFFFF80  }
0x6d: {  	[tilespmem:s1], [sflag:$0x2] =	stream.indirect.gather [hbm4b:s4+s30], $0x80, s10, s30, $0xb8;
	[tilespmem:$0x1F400] =	vst v63  }
0x6e: {  	s15 =	simm.s32 @!p0 $0x0;
	s16 =	simm.s32 @!p0 $0x1BC80;
	s14 =	sadd.s32 @!p0 $0xA00, s14  }
0x6f: {  	[tilespmem:s16], [sflag:$0x6] =	stream.linear.gather @!p0 [hbm4b:s14+s15], $0x80, $0x38;
	[tilespmem:$0x1F400] =	vst v63  }
0x70: {  	s14 =	sadd.s32 @!p0 s13, s19  }
0x71: {  	s16 =	simm.s32 @!p0 $0x1BE80;
	s14 =	sadd.s32 @!p0 $0xA00, s14  }
0x72: {  	[tilespmem:s16], [sflag:$0x6] =	stream.linear.gather @!p0 [hbm4b:s14+s15], $0x80, $0x38;
	[tilespmem:$0x1F400] =	vst v63  }
.LBB2_7:
0x73: {  	_ =	swait.ge [sflag:s6], $0x4000  }
0x74: {  	[sflag:s6] =	ssyncset.done $0x0  }
0x75: {  	[sflag:s6] =	ssyncadd.s32 $0xFFFFC000  }
0x76: {  	[spmem:s2] =	stream.indirect.scatter.add.f32 [tilespmem:s31], [sflag:$0x3], $0x80, s11, s30, $0xb8;
	[tilespmem:$0x1F400] =	vst v63  }
.LBB2_8:
0x77: {  	s13 =	sadd.s32 $0x800, s13  }
0x78: {  	p0 =	sne.s32 s13, $0xA000  }
.Ltmp4:
0x79: {  	_ = 	snop;
	(pc) =	sbr.rel @!p0 .LBB2_9-.Ltmp4, $2  }
0x7a: {  	_ =	sdelay $0x2  }
0x7b: {  	s18 =	sadd.s32 $0x80, s18  }
.LBB2_4:
0x7c: {  	p1 =	seq.s32 s13, $0x0  }
0x7d: {  	s15 =	simm.s32 @!p1 $0x3  }
0x7e: {  	_ =	swait.ge @!p1 [sflag:s15], $0x4000  }
0x7f: {  	[sflag:s15] =	ssyncset.done @!p1 $0x0  }
0x80: {  	[sflag:s15] =	ssyncadd.s32 @!p1 $0xFFFFC000  }
0x81: {  	_ =	swait.ge [sflag:s29], $0x80  }
0x82: {  	[sflag:s29] =	ssyncset.done $0x0  }
0x83: {  	[sflag:s29] =	ssyncadd.s32 $0xFFFFFF80  }
0x84: {  	s15 =	sadd.s32 $0xFFFFFFE0, s18;
	_ =	swait.ge [sflag:s29], $0x80  }
0x85: {  	p0 =	sgt.u32 s15, $0x9C3;
	[sflag:s29] =	ssyncset.done $0x0  }
0x86: {  	s16 =	sadd.s32 @!p0 s13, s20;
	[sflag:s29] =	ssyncadd.s32 $0xFFFFFF80  }
0x87: {  	[tilespmem:s31], [sflag:$0x1] =	stream.indirect.gather [hbm4b:s4+s30], $0x80, s23, s30, $0xb8;
	[tilespmem:$0x1F400] =	vst v63  }
0x88: {  	s17 =	simm.s32 @!p0 $0x0;
	s14 =	simm.s32 @!p0 $0x1BD00;
	s16 =	sadd.s32 @!p0 $0x400, s16  }
0x89: {  	[tilespmem:s14], [sflag:$0x7] =	stream.linear.gather @!p0 [hbm4b:s16+s17], $0x80, $0x38;
	[tilespmem:$0x1F400] =	vst v63  }
0x8a: {  	s16 =	sadd.s32 @!p0 s13, s19  }
0x8b: {  	s25 =	simm.s32 @!p0 $0x1BF00;
	s16 =	sadd.s32 @!p0 $0x400, s16  }
0x8c: {  	[tilespmem:s25], [sflag:$0x7] =	stream.linear.gather @!p0 [hbm4b:s16+s17], $0x80, $0x38;
	[tilespmem:$0x1F400] =	vst v63  }
0x8d: {  	s16 =	simm.s32 @!p1 $0x2  }
0x8e: {  	_ =	swait.ge @!p1 [sflag:s16], $0x4000  }
0x8f: {  	s17 =	simm.s32 @!p1 $0x1BF80;
	[sflag:s16] =	ssyncset.done @!p1 $0x0  }
0x90: {  	s25 =	simm.s32 @!p1 $0x17C00;
	[sflag:s16] =	ssyncadd.s32 @!p1 $0xFFFFC000;
	s16 =	simm.s32 @!p1 $0x80  }
0x91: {  	[spmem:s2] =	stream.indirect.scatter.add.f32 @!p1 [tilespmem:s25], [sflag:$0x4], $0x80, s17, s16, $0xb8;
	[tilespmem:$0x1F400] =	vst v63  }
0x92: {  	s16 =	simm.s32 @!p1 $0x4  }
0x93: {  	_ =	swait.ge @!p1 [sflag:s16], $0x4000  }
0x94: {  	[sflag:s16] =	ssyncset.done @!p1 $0x0  }
0x95: {  	[sflag:s16] =	ssyncadd.s32 @!p1 $0xFFFFC000  }
0x96: {  	_ =	swait.ge [sflag:s0], $0x80  }
0x97: {  	[sflag:s0] =	ssyncset.done $0x0  }
0x98: {  	[sflag:s0] =	ssyncadd.s32 $0xFFFFFF80  }
0x99: {  	_ =	swait.ge [sflag:s0], $0x80  }
0x9a: {  	p1 =	sgt.u32 s18, $0x9C3;
	[sflag:s0] =	ssyncset.done $0x0  }
0x9b: {  	s16 =	sadd.s32 @!p1 s13, s20;
	[sflag:s0] =	ssyncadd.s32 $0xFFFFFF80  }
0x9c: {  	[tilespmem:s1], [sflag:$0x2] =	stream.indirect.gather [hbm4b:s4+s30], $0x80, s26, s30, $0xb8;
	[tilespmem:$0x1F400] =	vst v63  }
0x9d: {  	s17 =	simm.s32 @!p1 $0x0;
	s25 =	simm.s32 @!p1 $0x1BD80;
	s16 =	sadd.s32 @!p1 $0x600, s16  }
0x9e: {  	[tilespmem:s25], [sflag:$0x8] =	stream.linear.gather @!p1 [hbm4b:s16+s17], $0x80, $0x38;
	[tilespmem:$0x1F400] =	vst v63  }
0x9f: {  	s16 =	sadd.s32 @!p1 s13, s19  }
0xa0: {  	s25 =	simm.s32 @!p1 $0x1BF80;
	s16 =	sadd.s32 @!p1 $0x600, s16  }
0xa1: {  	[tilespmem:s25], [sflag:$0x8] =	stream.linear.gather @!p1 [hbm4b:s16+s17], $0x80, $0x38;
	[tilespmem:$0x1F400] =	vst v63  }
0xa2: {  	_ =	swait.ge [sflag:s6], $0x4000  }
0xa3: {  	[sflag:s6] =	ssyncset.done $0x0  }
0xa4: {  	s16 =	simm.s32 @!p0 $0x3;
	[sflag:s6] =	ssyncadd.s32 $0xFFFFC000  }
0xa5: {  	[spmem:s2] =	stream.indirect.scatter.add.f32 [tilespmem:s31], [sflag:$0x3], $0x80, s24, s30, $0xb8;
	[tilespmem:$0x1F400] =	vst v63  }
0xa6: {  	_ =	swait.ge @!p0 [sflag:s16], $0x4000  }
0xa7: {  	[sflag:s16] =	ssyncset.done @!p0 $0x0  }
0xa8: {  	[sflag:s16] =	ssyncadd.s32 @!p0 $0xFFFFC000;
	s16 =	simm.s32 @!p0 $0x7  }
0xa9: {  	_ =	swait.ge @!p0 [sflag:s16], $0x80  }
0xaa: {  	[sflag:s16] =	ssyncset.done @!p0 $0x0  }
0xab: {  	[sflag:s16] =	ssyncadd.s32 @!p0 $0xFFFFFF80  }
0xac: {  	_ =	swait.ge @!p0 [sflag:s16], $0x80  }
0xad: {  	p2 =	sgt.u32 @!p0 s15, $0x983;
	[sflag:s16] =	ssyncset.done @!p0 $0x0  }
0xae: {  	s17 =	simm.s32 @!p0 $0x13C00;
	[sflag:s16] =	ssyncadd.s32 @!p0 $0xFFFFFF80;
	s16 =	simm.s32 @!p0 $0x80  }
0xaf: {  	[tilespmem:s17], [sflag:$0x1] =	stream.indirect.gather @!p0 [hbm4b:s4+s16], $0x80, s14, s16, $0xb8;
	[tilespmem:$0x1F400] =	vst v63  }
0xb0: {  	p0 =	por p2, p0  }
0xb1: {  	s14 =	sadd.s32 @!p0 s13, s20  }
0xb2: {  	s15 =	simm.s32 @!p0 $0x0;
	s16 =	simm.s32 @!p0 $0x1BC00;
	s14 =	sadd.s32 @!p0 $0x800, s14  }
0xb3: {  	[tilespmem:s16], [sflag:$0x5] =	stream.linear.gather @!p0 [hbm4b:s14+s15], $0x80, $0x38;
	[tilespmem:$0x1F400] =	vst v63  }
0xb4: {  	s14 =	sadd.s32 @!p0 s13, s19  }
0xb5: {  	s16 =	simm.s32 @!p0 $0x1BE00;
	s14 =	sadd.s32 @!p0 $0x800, s14  }
0xb6: {  	[tilespmem:s16], [sflag:$0x5] =	stream.linear.gather @!p0 [hbm4b:s14+s15], $0x80, $0x38;
	[tilespmem:$0x1F400] =	vst v63  }
.Ltmp5:
0xb7: {  	_ = 	snop;
	(pc) =	sbr.rel @!p1 .LBB2_5-.Ltmp5, $4  }
0xb8: {  	_ =	swait.ge [sflag:s7], $0x4000  }
0xb9: {  	[sflag:s7] =	ssyncset.done $0x0  }
0xba: {  	[sflag:s7] =	ssyncadd.s32 $0xFFFFC000  }
0xbb: {  	[spmem:s2] =	stream.indirect.scatter.add.f32 [tilespmem:s1], [sflag:$0x4], $0x80, s28, s30, $0xb8;
	[tilespmem:$0x1F400] =	vst v63  }
0xbc: {  	p0 =	sgt.u32 s18, $0x9E3  }
.Ltmp6:
0xbd: {  	_ = 	snop;
	(pc) =	sbr.rel @p0 .LBB2_8-.Ltmp6, $4  }
.Ltmp7:
0xbe: {  	_ = 	snop;
	(pc) =	sbr.rel @!p0 .LBB2_7-.Ltmp7, $4  }
0xbf: {  	_ = 	snop  }
0xc0: {  	_ = 	snop  }
0xc1: {  	_ = 	snop  }
0xc2: {  	_ = 	snop  }
.LBB2_10:
0xc3: {  	_ =	sfence.sel $0x180000  }
0xc4: {  	[bflag:$0x0] =	sbarrier.arrive $0xFFFF  }
0xc5: {  	_ =	strace $0x9000004D  }
0xc6: {  	s0 =	stileid.u32;
	[bflag:$0x2] =	sbarrier.arrive $0xFFFF  }
0xc7: {  	p0 =	sne.s32 s0, $0x0;
	s0 =	rddreg [dreg:$0x2]  }
0xc8: {  	s0 =	sadd.s32 @!p0 $0x100000, s0  }
0xc9: {  	[sflag:s0] =	ssyncadd.tile.s32 @!p0 $0x1;
	_ =	shalt  }
.Lfunc_end2:
_tile_overlayer_lowered:
.L_overlay_start_2:
0xca: {  	(tag) =	ssettag $0x2  }
0xcb: {  	s0 =	rddreg [dreg:$0x0];
	s2 =	stileid.u32  }
0xcc: {  	s1 =	rddreg [dreg:$0x1];
	p0 =	sne.s32 s2, $0x0  }
0xcd: {  	s3 =	rddreg [dreg:$0x2];
	[bflag:$0x3] =	sbarrier.arrive $0xFFFF;
	s2 =	simm.s32 @!p0 $0x1C09  }
0xce: {  	[timem:s3], [sflag:s2] =	dma.local @!p0 [hbm:s0], s1  }
0xcf: {  	s0 =	simm.s32 @!p0 $0x9  }
0xd0: {  	_ =	swait.ge @!p0 [sflag:s0], s1  }
0xd1: {  	s1 =	ssub.s32 @!p0 $0x0, s1;
	[sflag:s0] =	ssyncset.done @!p0 $0x0  }
0xd2: {  	[sflag:s0] =	ssyncadd.s32 @!p0 s1  }
0xd3: {  	[bflag:$0x3] =	sbarrier.arrive $0xFFFF  }
0xd4: {  	_ =	shalt  }

// kernel: kernel.20.cloned.1.call-start
scs
__scs_entry_jumppad:
0x0: {  	(pc) =	sbr.rel $0x88, $3  }
0x1: {  	(tag) =	ssettag $0x0;
	lr =	simm.s32 $0x1  }
0x2: {  	[smem:$0x3F94] =	sst lr;
	_ =	strace $0xD0000000  }
0x3: {  	_ = 	snop  }
0x4: {  	_ = 	snop  }
0x5: {  	_ = 	snop  }
0x6: {  	_ = 	snop  }
0x7: {  	_ = 	snop  }
__scs_overlays_trampoline_lowered:
0x8: {  	[smem:$0x3FA3] =	sst s0  }
0x9: {  	[smem:$0x3FA4] =	sst s1  }
0xa: {  	[smem:$0x3FA5] =	sst s2  }
0xb: {  	[smem:$0x3FA6] =	sst s3  }
0xc: {  	[smem:$0x3FA7] =	sst s4  }
0xd: {  	[smem:$0x3FA8] =	sst s5  }
0xe: {  	[smem:$0x3FA9] =	sst s6  }
0xf: {  	[smem:$0x3FAA] =	sst s7  }
0x10: {  	[smem:$0x3FAB] =	sst s8  }
0x11: {  	[smem:$0x3FAC] =	sst s9;
	s0 =	simm.s32 @!p0 $0x0  }
0x12: {  	s1 =	sld [smem:$0x3F92];
	s0 =	simm.s32 @p0 $0x1  }
0x13: {  	[smem:$0x3FAD] =	sst s0;
	s0 =	simm.s32 @!p1 $0x0  }
0x14: {  	s2 =	sld [smem:$0x3F91];
	s0 =	simm.s32 @p1 $0x1  }
0x15: {  	[smem:$0x3FAE] =	sst s0;
	s0 =	simm.s32 @!p2 $0x0  }
0x16: {  	s3 =	sld [smem:$0x3FDB];
	s0 =	simm.s32 @p2 $0x1  }
0x17: {  	s4 =	simm.s32 $0x1BF5;
	[smem:$0x3FB0] =	sst s0  }
0x18: {  	s0 =	sld [smem:$0x3F93];
	_ =	swait.ge [sflag:s4], $0x0  }
0x19: {  	s7 =	sld [smem:$0x3F94]  }
0x1a: {  	s8 =	sadd.s32 $0xFFFFE003, lr  }
0x1b: {  	s9 =	sadd.s32 $0xFFFFFEF7, lr;
	s5 =	simm.s32 $0xFFFFFFFF;
	p2 =	slt.u32 s8, $0xFFFFF086  }
0x1c: {  	p1 =	slt.u32 s9, $0xF7A;
	s5 =	simm.s32 @!p2 $0x0  }
0x1d: {  	s5 =	simm.s32 @p1 $0x1;
	p0 =	seq.s32 s7, s2  }
0x1e: {  	s7 =	smul.u32 @!p0 $0xF7A, s2;
	p2 =	seq.s32 @!p0 s5, $0x0  }
0x1f: {  	s9 =	smul.u32 $0xF7A, s1;
	s8 =	simm.s32 @!p0 $0x1BF5;
	p2 =	por !p2, p0  }
0x20: {  	[sflag:s8] =	ssyncset.s32 @!p0 $0xFFFFF086;
	s6 =	sadd.s32 @!p0 s3, s7;
	s7 =	simm.s32 @!p0 $0x108  }
0x21: {  	s3 =	sadd.s32 s3, s9;
	s6 =	sadd.s32 @!p0 $0x88, s6;
	s7 =	simm.s32 @p2 $0x1082  }
0x22: {  	[simem:s7], [sflag:s8] =	dma.local @!p0 [hbm:s6], $0xF7A  }
0x23: {  	s9 =	sor.u32 $0xD0000000, s2;
	s6 =	simm.s32 $0x108;
	_ =	swait.ge @!p0 [sflag:s8], $0x0  }
0x24: {  	s3 =	sadd.s32 $0x88, s3;
	s6 =	simm.s32 @!p1 $0x1082;
	[sflag:s4] =	ssyncset.s32 $0xFFFFF086  }
0x25: {  	[simem:s6], [sflag:s4] =	dma.local [hbm:s3], $0xF7A  }
0x26: {  	[smem:$0x3F94] =	sst s1;
	(tag) =	ssettag s2;
	_ =	strace s9  }
0x27: {  	s1 =	sld [smem:$0x3FA4]  }
0x28: {  	s2 =	sld [smem:$0x3FA5]  }
0x29: {  	s4 =	sld [smem:$0x3FA7]  }
0x2a: {  	p0 =	seq.s32 s5, $0x0;
	s5 =	sld [smem:$0x3FA8]  }
0x2b: {  	s6 =	sld [smem:$0x3FA9]  }
0x2c: {  	s7 =	sld [smem:$0x3FAA]  }
0x2d: {  	s3 =	simm.s32 $0x108;
	s8 =	sld [smem:$0x3FAB]  }
0x2e: {  	s3 =	simm.s32 @!p0 $0x1082;
	s9 =	sld [smem:$0x3FAC]  }
0x2f: {  	lr =	sadd.s32 s0, s3;
	s0 =	sld [smem:$0x3FA3]  }
0x30: {  	s3 =	sld [smem:$0x3FA6]  }
0x31: {  	[smem:$0x3FAF] =	sst s10  }
0x32: {  	s10 =	sld [smem:$0x3FAD];
	_ =	sdelay $0x3  }
0x33: {  	p0 =	seq.s32 s10, $0x1;
	s10 =	sld [smem:$0x3FAF];
	_ =	sdelay $0x3  }
0x34: {  	[smem:$0x3FAF] =	sst s10  }
0x35: {  	s10 =	sld [smem:$0x3FAE];
	_ =	sdelay $0x3  }
0x36: {  	p1 =	seq.s32 s10, $0x1;
	s10 =	sld [smem:$0x3FAF];
	_ =	sdelay $0x3  }
0x37: {  	[smem:$0x3FAF] =	sst s10  }
0x38: {  	s10 =	sld [smem:$0x3FB0]  }
0x39: {  	_ = 	snop;
	(pc) =	sbr.ind lr, $3  }
0x3a: {  	_ = 	snop  }
0x3b: {  	_ = 	snop  }
0x3c: {  	p2 =	seq.s32 s10, $0x1;
	s10 =	sld [smem:$0x3FAF]  }
0x3d: {  	_ =	shalt  }
0x3e: {  	_ =	shalt  }
0x3f: {  	_ =	shalt  }
0x40: {  	_ =	shalt  }
0x41: {  	_ =	shalt  }
0x42: {  	_ =	shalt  }
0x43: {  	_ =	shalt  }
0x44: {  	_ =	shalt  }
0x45: {  	_ =	shalt  }
0x46: {  	_ =	shalt  }
0x47: {  	_ =	shalt  }
0x48: {  	_ =	shalt  }
0x49: {  	_ =	shalt  }
0x4a: {  	_ =	shalt  }
0x4b: {  	_ =	shalt  }
0x4c: {  	_ =	shalt  }
0x4d: {  	_ =	shalt  }
0x4e: {  	_ =	shalt  }
0x4f: {  	_ =	shalt  }
0x50: {  	_ =	shalt  }
0x51: {  	_ =	shalt  }
0x52: {  	_ =	shalt  }
0x53: {  	_ =	shalt  }
0x54: {  	_ =	shalt  }
0x55: {  	_ =	shalt  }
0x56: {  	_ =	shalt  }
0x57: {  	_ =	shalt  }
0x58: {  	_ =	shalt  }
0x59: {  	_ =	shalt  }
0x5a: {  	_ =	shalt  }
0x5b: {  	_ =	shalt  }
0x5c: {  	_ =	shalt  }
0x5d: {  	_ =	shalt  }
0x5e: {  	_ =	shalt  }
0x5f: {  	_ =	shalt  }
0x60: {  	_ =	shalt  }
0x61: {  	_ =	shalt  }
0x62: {  	_ =	shalt  }
0x63: {  	_ =	shalt  }
0x64: {  	_ =	shalt  }
0x65: {  	_ =	shalt  }
0x66: {  	_ =	shalt  }
0x67: {  	_ =	shalt  }
0x68: {  	_ =	shalt  }
0x69: {  	_ =	shalt  }
0x6a: {  	_ =	shalt  }
0x6b: {  	_ =	shalt  }
0x6c: {  	_ =	shalt  }
0x6d: {  	_ =	shalt  }
0x6e: {  	_ =	shalt  }
0x6f: {  	_ =	shalt  }
0x70: {  	_ =	shalt  }
0x71: {  	_ =	shalt  }
0x72: {  	_ =	shalt  }
0x73: {  	_ =	shalt  }
0x74: {  	_ =	shalt  }
0x75: {  	_ =	shalt  }
0x76: {  	_ =	shalt  }
0x77: {  	_ =	shalt  }
0x78: {  	_ =	shalt  }
0x79: {  	_ =	shalt  }
0x7a: {  	_ =	shalt  }
0x7b: {  	_ =	shalt  }
0x7c: {  	_ =	shalt  }
0x7d: {  	_ =	shalt  }
0x7e: {  	_ =	shalt  }
0x7f: {  	_ =	shalt  }
0x80: {  	_ =	shalt  }
0x81: {  	_ =	shalt  }
0x82: {  	_ =	shalt  }
0x83: {  	_ =	shalt  }
0x84: {  	_ =	shalt  }
0x85: {  	_ =	shalt  }
0x86: {  	_ =	shalt  }
0x87: {  	_ =	shalt  }
.Lfunc_end0:
.L_simem_size_0:
called_computation.3_lowered:
.L_overlay_start_0:
0x88: {  	s2 =	sld [smem:$0x3FD9]  }
0x89: {  	s3 =	sld [smem:$0x3FFE];
	_ =	sdelay $0x1  }
0x8a: {  	s1 =	srdreg.scid  }
0x8b: {  	s0 =	sand.u32 $0x1, s1  }
0x8c: {  	s17 =	sshll.u32 s0, $0xA;
	s2 =	sadd.s32 s3, s2  }
0x8d: {  	s2 =	sadd.s32 s2, s17  }
0x8e: {  	[smem:$0x3FBB] =	sst s2  }
0x8f: {  	_ = 	snop  }
0x90: {  	s2 =	sld [smem:$0x3FD0];
	(tm) =	ssettm $0x1  }
0x91: {  	s18 =	sld [smem:$0x3FFB];
	_ =	sdelay $0x3  }
0x92: {  	_ =	strace s18  }
0x93: {  	s3 =	sld [smem:$0x3FFC];
	_ =	sdelay $0x3  }
0x94: {  	_ =	strace s3  }
0x95: {  	s3 =	sld [smem:$0x3FFD];
	_ =	sdelay $0x3  }
0x96: {  	_ =	strace s3  }
0x97: {  	_ =	strace $0x8FFFFFFF  }
0x98: {  	s19 =	sld [smem:$0x3FDB];
	_ =	sdelay $0x1  }
0x99: {  	s4 =	simm.s32 $_scs_section_size  }
0x9a: {  	s5 =	simm.s32 $_size__tile_overlayer_lowered;
	s6 =	simm.s32 $_tile_overlayer_lowered  }
0x9b: {  	s22 =	simm.s32 $0x1BFF;
	s21 =	sshll.u32 s6, $0x1;
	s3 =	sadd.s32 s4, s19  }
0x9c: {  	s7 =	simm.s32 $0x0;
	s20 =	sshll.u32 s5, $0x1;
	s5 =	sadd.s32 s21, s3  }
0x9d: {  	[timem:s7], [sflag:s22] =	dma.local [hbm:s5], s20  }
0x9e: {  	_ =	swait.ge [sflag:s22], s20  }
0x9f: {  	s4 =	ssub.s32 $0x0, s20;
	[sflag:s22] =	ssyncset.done $0x0  }
0xa0: {  	[sflag:s22] =	ssyncadd.s32 s4;
	_ =	sdelay $0x1  }
0xa1: {  	s23 =	simm.s32 $0x1B8B  }
0xa2: {  	_ =	swait.ge [sflag:s23], $0x1  }
0xa3: {  	[sflag:s23] =	ssyncset.done $0x0  }
0xa4: {  	s25 =	simm.s32 $0x1B8E;
	s24 =	sld [smem:$0x3FFE];
	[sflag:s23] =	ssyncadd.s32 $0xFFFFFFFF  }
0xa5: {  	s26 =	simm.s32 $execute0_lowered;
	[smem:$0x3FD2] =	sst s25  }
0xa6: {  	s5 =	sshll.u32 s26, $0x1;
	_ =	strace $0x8000004F;
	[dreg:$0x1] =	wrdreg $0xFFFFFFFF  }
0xa7: {  	s28 =	simm.s32 $_size_execute0_lowered;
	s3 =	sadd.s32 s3, s5;
	[dreg:$0x0] =	wrdreg $0x0  }
0xa8: {  	s5 =	sshll.u32 s28, $0x1;
	[dreg:$0x2] =	wrdreg s3  }
0xa9: {  	[dreg:$0x3] =	wrdreg s5  }
0xaa: {  	[dreg:$0x4] =	wrdreg $0xC0  }
0xab: {  	_ =	task [dreg:s7], $0x5FFFF  }
0xac: {  	[dreg:$0x1] =	wrdreg $0xFFFFFFFF  }
0xad: {  	[dreg:$0x0] =	wrdreg $0x60  }
0xae: {  	[dreg:$0x2] =	wrdreg s2  }
0xaf: {  	[dreg:$0x3] =	wrdreg s24  }
0xb0: {  	[dreg:$0x4] =	wrdreg $0x9  }
0xb1: {  	_ =	task.clear_ibuf [dreg:s7], $0x5FFFF;
	_ =	strace $0x9000004F  }
0xb2: {  	s29 =	simm.s32 $0x9;
	_ =	strace $0x80000051  }
0xb3: {  	_ =	swait.ge [sflag:s29], $0x1  }
0xb4: {  	[sflag:s29] =	ssyncadd.s32 $0xFFFFFFFF  }
0xb5: {  	_ =	strace $0x90000051  }
0xb6: {  	_ =	sfence  }
0xb7: {  	s30 =	sld [smem:$0x0];
	_ =	sdelay $0x2  }
0xb8: {  	s31 =	sshll.u32 s1, $0xD;
	s1 =	sshrl.u32 s1, $0x2  }
0xb9: {  	s3 =	sand.u32 $0x4000, s31;
	s1 =	sadd.s32 s1, s30  }
0xba: {  	s0 =	sor.u32 s3, s0;
	s1 =	sshll.u32 s1, $0x11  }
0xbb: {  	s0 =	sor.u32 s1, s0  }
0xbc: {  	s0 =	sadd.s32 $0x8F2B, s0  }
0xbd: {  	[sflag:s0] =	ssyncadd.remote.s32 $0x1  }
0xbe: {  	_ =	sfence.sel $0xFFFF  }
0xbf: {  	[dreg:$0x0] =	wrdreg $0xFFFFFFFF;
	(pc) =	sbr.abs _section_cstart, $3  }
0xc0: {  	[dreg:$0x1] =	wrdreg $0xFFFFFFFF  }
0xc1: {  	_ =	task.clear_ibuf [dreg:s7], $0x2FFFF;
	_ =	strace $0x9FFFFFFF  }
0xc2: {  	(tm) =	ssettm $0x7FFFFFFF  }
0xc3: {  	_ =	shalt  }
tec
execute0_lowered:
.L_overlay_start_1:
0x0: {  	(tag) =	ssettag $0x1  }
0x1: {  	s2 =	rddreg [dreg:$0x0];
	s1 =	srdreg.scid  }
0x2: {  	s0 =	stileid.u32;
	s5 =	rddreg [dreg:$0x1];
	s3 =	simm.s32 $0x0  }
0x3: {  	s11 =	simm.s32 $0x2710;
	s12 =	simm.s32 $0x4E20;
	s13 =	simm.s32 $0x7530  }
0x4: {  	s14 =	simm.s32 $0x9C40;
	s4 =	sand.u32 $0x1, s1;
	s6 =	sshll.u32 s0, $0x1  }
0x5: {  	s15 =	simm.s32 $0xC350;
	s16 =	simm.s32 $0x0;
	s6 =	sor.u32 s4, s6  }
0x6: {  	[smem:$0x7FF] =	sst s3;
	s7 =	ssub.s32 $0x2, s4;
	s6 =	smul.u32 $0x4E2, s6  }
0x7: {  	s1 =	rddreg [dreg:$0x2];
	_ =	strace $0x80000050;
	s8 =	sshrl.u32 s7, $0x1  }
0x8: {  	s4 =	sadd.s32 $0x16A00, s5;
	s10 =	ssub.s32 s7, s8;
	s9 =	sadd.s32 s6, s5  }
0x9: {  	s5 =	sadd.s32 $0xCC00, s9;
	s6 =	sadd.s32 $0x2E00, s9;
	s7 =	sadd.s32 $0x8CC00, s9  }
0xa: {  	s8 =	sadd.s32 $0x17000, s9;
	s9 =	smax.u32 s10, $0x1;
	s10 =	simm.s32 $0x1  }
.LBB2_1:
0xb: {  	[tilespmem:s3], [sflag:$0x1] =	stream.linear.gather [hbm4b:s2+s3], $0x2710, $0x38;
	[tilespmem:$0xEA60] =	vst v63  }
0xc: {  	_ =	swait.ge [sflag:s10], $0x2710  }
0xd: {  	[sflag:s10] =	ssyncset.done $0x0  }
0xe: {  	[sflag:s10] =	ssyncadd.s32 $0xFFFFD8F0  }
0xf: {  	[tilespmem:s11], [sflag:$0x1] =	stream.linear.gather [hbm4b:s4+s3], $0x2710, $0x38;
	[tilespmem:$0xEA60] =	vst v63  }
0x10: {  	_ =	swait.ge [sflag:s10], $0x2710  }
0x11: {  	[sflag:s10] =	ssyncset.done $0x0  }
0x12: {  	[sflag:s10] =	ssyncadd.s32 $0xFFFFD8F0  }
0x13: {  	[tilespmem:s12], [sflag:$0x1] =	stream.linear.gather [hbm4b:s5+s3], $0x2710, $0x38;
	[tilespmem:$0xEA60] =	vst v63  }
0x14: {  	_ =	swait.ge [sflag:s10], $0x2710  }
0x15: {  	[sflag:s10] =	ssyncset.done $0x0  }
0x16: {  	[sflag:s10] =	ssyncadd.s32 $0xFFFFD8F0  }
0x17: {  	[tilespmem:s13], [sflag:$0x1] =	stream.linear.gather [hbm4b:s6+s3], $0x2710, $0x38;
	[tilespmem:$0xEA60] =	vst v63  }
0x18: {  	_ =	swait.ge [sflag:s10], $0x2710  }
0x19: {  	[sflag:s10] =	ssyncset.done $0x0  }
0x1a: {  	[sflag:s10] =	ssyncadd.s32 $0xFFFFD8F0  }
0x1b: {  	[tilespmem:s14], [sflag:$0x1] =	stream.linear.gather [hbm4b:s7+s3], $0x2710, $0x38;
	[tilespmem:$0xEA60] =	vst v63  }
0x1c: {  	_ =	swait.ge [sflag:s10], $0x2710  }
0x1d: {  	[sflag:s10] =	ssyncset.done $0x0  }
0x1e: {  	s17 =	simm.s32 $0x0;
	[sflag:s10] =	ssyncadd.s32 $0xFFFFD8F0  }
0x1f: {  	v0 =	vld [tilespmem:s17+$0x7530]  }
0x20: {  	v1 =	vld [tilespmem:s17+$0x4E20];
	_ =	sdelay $0x6  }
0x21: {  	v0 =	vld.idx.msk [tilespmem:v0+s11+$0x0], $0xffff  }
0x22: {  	v2 =	vld.idx.msk [tilespmem:v1+s3+$0x0], $0xffff  }
0x23: {  	s18 =	simm.s32 $0x10;
	v3 =	vld [tilespmem:s17+$0x9C40]  }
0x24: {  	s19 =	simm.s32 $0x80;
	v1 =	vld [tilespmem:s18+$0x7530]  }
.LBB2_2:
0x25: {  	p0 =	sne.s32 s19, $0x9C00;
	v4 =	vld [tilespmem:s18+$0x4E20];
	_ =	sdelay $0x1  }
0x26: {  	v0 =	vadd.f32 v0, v2;
	_ =	sdelay $0x1  }
0x27: {  	v0 =	vadd.f32 v3, v0;
	_ =	sdelay $0x1  }
0x28: {  	[tilespmem:s17+$0xC350] =	vst v0;
	s17 =	smov.u32 s18  }
.Ltmp0:
0x29: {  	v0 =	vld.idx.msk [tilespmem:v1+s11+$0x0], $0xffff;
	(pc) =	sbr.rel @p0 .LBB2_2-.Ltmp0, $3  }
0x2a: {  	v2 =	vld.idx.msk [tilespmem:v4+s3+$0x0], $0xffff;
	_ =	sdelay $0x1  }
0x2b: {  	s18 =	sshra.s32 s19, $0x2;
	v3 =	vld [tilespmem:s17+$0x9C40]  }
0x2c: {  	s19 =	sadd.s32 $0x40, s19;
	v1 =	vld [tilespmem:s18+$0x7530]  }
0x2d: {  	_ = 	snop  }
0x2e: {  	v4 =	vld [tilespmem:s18+$0x4E20];
	_ =	sdelay $0x1  }
0x2f: {  	v0 =	vadd.f32 v0, v2;
	_ =	sdelay $0x1  }
0x30: {  	v0 =	vadd.f32 v3, v0;
	_ =	sdelay $0x1  }
0x31: {  	[tilespmem:s17+$0xC350] =	vst v0  }
0x32: {  	v0 =	vld.idx.msk [tilespmem:v1+s11+$0x0], $0xffff  }
0x33: {  	v62 =	vld.idx.msk [tilespmem:v4+s3+$0x0], $0xffff;
	_ =	sdelay $0x1  }
0x34: {  	v63 =	vld [tilespmem:s18+$0x9C40];
	_ =	sdelay $0x2  }
0x35: {  	v0 =	vadd.f32 v0, v62;
	_ =	sdelay $0x1  }
0x36: {  	s16 =	sadd.s32 $0x1, s16;
	v0 =	vadd.f32 v63, v0  }
0x37: {  	p0 =	sne.s32 s16, s9  }
.Ltmp1:
0x38: {  	[tilespmem:s18+$0xC350] =	vst v0;
	(pc) =	sbr.rel @p0 .LBB2_1-.Ltmp1, $4  }
0x39: {  	[hbm4b:s8+s3] =	stream.linear.scatter [tilespmem:s15], [sflag:$0x1], $0x2710, $0x38;
	[tilespmem:$0xEA60] =	vst v63  }
0x3a: {  	_ =	swait.ge [sflag:s10], $0x2710  }
0x3b: {  	[sflag:s10] =	ssyncset.done $0x0  }
0x3c: {  	[sflag:s10] =	ssyncadd.s32 $0xFFFFD8F0  }
0x3d: {  	_ =	sfence.sel $0x180000  }
0x3e: {  	[bflag:$0x0] =	sbarrier.arrive $0xFFFF  }
0x3f: {  	p0 =	sne.s32 s0, $0x0;
	_ =	strace $0x90000050  }
0x40: {  	s0 =	sadd.s32 @!p0 $0x100000, s1;
	[bflag:$0x2] =	sbarrier.arrive $0xFFFF  }
0x41: {  	[sflag:s0] =	ssyncadd.tile.s32 @!p0 $0x1;
	_ =	shalt  }
.Lfunc_end2:
_tile_overlayer_lowered:
.L_overlay_start_2:
0x42: {  	(tag) =	ssettag $0x2  }
0x43: {  	s0 =	rddreg [dreg:$0x0];
	s2 =	stileid.u32  }
0x44: {  	s1 =	rddreg [dreg:$0x1];
	p0 =	sne.s32 s2, $0x0  }
0x45: {  	s3 =	rddreg [dreg:$0x2];
	[bflag:$0x3] =	sbarrier.arrive $0xFFFF;
	s2 =	simm.s32 @!p0 $0x1C01  }
0x46: {  	[timem:s3], [sflag:s2] =	dma.local @!p0 [hbm:s0], s1  }
0x47: {  	s0 =	simm.s32 @!p0 $0x1  }
0x48: {  	_ =	swait.ge @!p0 [sflag:s0], s1  }
0x49: {  	s1 =	ssub.s32 @!p0 $0x0, s1;
	[sflag:s0] =	ssyncset.done @!p0 $0x0  }
0x4a: {  	[sflag:s0] =	ssyncadd.s32 @!p0 s1  }
0x4b: {  	[bflag:$0x3] =	sbarrier.arrive $0xFFFF  }
0x4c: {  	_ =	shalt  }

</sc_bundles>
